<compile_context>
chip_gen: v7x
topology: tpu7x:2x2x1
jax: 0.10.2.dev20260603
libtpu: 0.0.44.dev20260713+nightly
codegen_flags: <defaults>
</compile_context>

<pallas_src>
import functools

import numpy as np
import jax
import jax.numpy as jnp
from jax import lax
from jax.experimental import pallas as pl
from jax.experimental.pallas import tpu as pltpu
from jax.experimental.pallas import tpu_sc as plsc

_N, _H, _W = 64, 512, 512
_S = 112 * 112 * 3
_P = 112 * 112
_K = int(0.75 * _P)
_R = _P - _K
_NB = 16
_BW = _H // _NB
_BAND_ROWS = 40
_ROW0 = np.array([min(b * _BW, _H - _BAND_ROWS) for b in range(_NB)], dtype=np.int32)


def _threefry2x32(k1, k2, x0, x1):
    k1 = np.uint32(k1)
    k2 = np.uint32(k2)
    x0 = x0.astype(np.uint32).copy()
    x1 = x1.astype(np.uint32).copy()
    ks = [k1, k2, np.uint32(k1 ^ k2 ^ np.uint32(0x1BD11BDA))]
    rot = [(13, 15, 26, 6), (17, 29, 16, 24)]
    x0 = x0 + ks[0]
    x1 = x1 + ks[1]
    for g in range(5):
        for r in rot[g % 2]:
            x0 = x0 + x1
            x1 = (x1 << np.uint32(r)) | (x1 >> np.uint32(32 - r))
            x1 = x0 ^ x1
        x0 = x0 + ks[(g + 1) % 3]
        x1 = x1 + ks[(g + 2) % 3] + np.uint32(g + 1)
    return x0, x1


def _np_uniform(rawkey, shape):
    size = int(np.prod(shape))
    b1, b2 = _threefry2x32(rawkey[0], rawkey[1],
                           np.zeros(size, np.uint32),
                           np.arange(size, dtype=np.uint32))
    bits = b1 ^ b2
    fb = (bits >> np.uint32(9)) | np.uint32(0x3F800000)
    return (fb.view(np.float32) - np.float32(1.0)).reshape(shape)


def _build_tables():
    b1, b2 = _threefry2x32(np.uint32(0), np.uint32(42),
                           np.zeros(2, np.uint32), np.arange(2, dtype=np.uint32))
    pc = _np_uniform((b1[0], b2[0]), (_N, _S, 2))
    rc = _np_uniform((b1[1], b2[1]), (_N, _R, 2))
    coords = np.concatenate([pc, rc], axis=1)

    x = coords[..., 0] * np.float32(_W) - np.float32(0.5)
    y = coords[..., 1] * np.float32(_H) - np.float32(0.5)
    x0 = np.floor(x)
    y0 = np.floor(y)
    fx1 = x - x0
    fx0 = np.float32(1.0) - fx1
    fy1 = y - y0
    fy0 = np.float32(1.0) - fy1

    def slot_weights(c0, f0, f1, lim):
        base = np.clip(c0, 0.0, lim - 2.0).astype(np.int32)
        g = np.zeros(c0.shape + (2,), dtype=np.float32)
        for d, f in ((0, f0), (1, f1)):
            ic = c0 + d
            valid = (ic >= 0) & (ic <= lim - 1)
            slot = np.clip(ic.astype(np.int64) - base, 0, 1).astype(np.int32)
            for s_ in (0, 1):
                g[..., s_] += np.where(valid & (slot == s_), f, np.float32(0.0))
        return base, g

    basex, gx = slot_weights(x0, fx0, fx1, _W)
    basey, gy = slot_weights(y0, fy0, fy1, _H)

    band = np.minimum(basey // _BW, _NB - 1).astype(np.int32)
    base_local = (basey - _ROW0[band]) * _W + basex
    ws = (gx[..., 0] * gy[..., 0], gx[..., 1] * gy[..., 0],
          gx[..., 0] * gy[..., 1], gx[..., 1] * gy[..., 1])

    counts = np.zeros((_N, _NB), np.int32)
    for n in range(_N):
        counts[n] = np.bincount(band[n], minlength=_NB)
    cap = int(counts.max())
    cap = (cap + 127) // 128 * 128

    tbl_base = np.zeros((_N, _NB, cap), np.int32)
    tbl_w = np.zeros((4, _N, _NB, cap), np.float32)
    code = np.zeros((_N, _NB, cap), np.float32)
    for n in range(_N):
        for b in range(_NB):
            i1 = np.nonzero(band[n, :_S] == b)[0]
            i2 = np.nonzero(band[n, _S:] == b)[0] + _S
            idx = np.concatenate([i1, i2])
            c = len(idx)
            tbl_base[n, b, :c] = base_local[n, idx]
            for k_ in range(4):
                tbl_w[k_, n, b, :c] = ws[k_][n, idx]
            code[n, b, :len(i1)] = 1.0
            code[n, b, len(i1):c] = 2.0
    return tbl_base, tbl_w, code, cap


_TBL_BASE, _TBL_W, _CODE, _C = _build_tables()
_M = _NB * _C
_CODEF = _CODE.reshape(_N, _M // 128, 128)

_NSPLIT = 2
_NGRP = _N // _NSPLIT
_TASKS_PER_TILE = (_NGRP * _NB) // 32
_BAND_WORDS = _BAND_ROWS * _W


def _sc_sample_body(img_lo, pred_hbm, target_hbm, base_hbm, w00_hbm, w01_hbm,
                    w10_hbm, w11_hbm, out_l_hbm, out_t_hbm, *scr):
    s0, s1 = scr[0:9], scr[9:18]
    isem0, isem1, osem0, osem1 = scr[18:22]
    wid = lax.axis_index("s") * 2 + lax.axis_index("c")
    T = _TASKS_PER_TILE

    def build_in(t, S, sem):
        band_p, band_t, base_v, w00_v, w01_v, w10_v, w11_v = S[:7]
        lid = wid * T + t
        gid = img_lo * _NB + lid
        n = gid // _NB
        b = gid % _NB
        row0 = jnp.minimum(b * _BW, _H - _BAND_ROWS)
        tbl_off = gid * _C
        mk = pltpu.make_async_copy
        return [
            mk(pred_hbm.at[n, pl.ds(row0, _BAND_ROWS), :], band_p, sem),
            mk(target_hbm.at[n, pl.ds(row0, _BAND_ROWS), :], band_t, sem),
            mk(base_hbm.at[pl.ds(tbl_off, _C)], base_v, sem),
            mk(w00_hbm.at[pl.ds(tbl_off, _C)], w00_v, sem),
            mk(w01_hbm.at[pl.ds(tbl_off, _C)], w01_v, sem),
            mk(w10_hbm.at[pl.ds(tbl_off, _C)], w10_v, sem),
            mk(w11_hbm.at[pl.ds(tbl_off, _C)], w11_v, sem),
        ]

    def build_out(t, S, sem):
        out_lv, out_tv = S[7], S[8]
        out_off = (wid * T + t) * _C
        mk = pltpu.make_async_copy
        return [
            mk(out_lv, out_l_hbm.at[pl.ds(out_off, _C)], sem),
            mk(out_tv, out_t_hbm.at[pl.ds(out_off, _C)], sem),
        ]

    def compute(S):
        band_p, band_t, base_v, w00_v, w01_v, w10_v, w11_v, out_lv, out_tv = S

        @plsc.parallel_loop(0, _C // 16, unroll=4)
        def group(j):
            sl = pl.ds(j * 16, 16)
            i00 = base_v[sl]
            by = lax.shift_right_logical(i00, 9)
            bx = lax.bitwise_and(i00, 511)
            by1 = by + 1
            bx1 = bx + 1
            a00 = w00_v[sl]
            a01 = w01_v[sl]
            a10 = w10_v[sl]
            a11 = w11_v[sl]
            out_lv[sl] = (plsc.load_gather(band_p, [by, bx]) * a00
                          + plsc.load_gather(band_p, [by, bx1]) * a01
                          + plsc.load_gather(band_p, [by1, bx]) * a10
                          + plsc.load_gather(band_p, [by1, bx1]) * a11)
            out_tv[sl] = (plsc.load_gather(band_t, [by, bx]) * a00
                          + plsc.load_gather(band_t, [by, bx1]) * a01
                          + plsc.load_gather(band_t, [by1, bx]) * a10
                          + plsc.load_gather(band_t, [by1, bx1]) * a11)

    for cp in build_in(0, s0, isem0):
        cp.start()

    def pair(i2, carry):
        t0 = i2 * 2
        for cp in build_in(t0, s0, isem0):
            cp.wait()
        for cp in build_in(t0 + 1, s1, isem1):
            cp.start()

        @pl.when(i2 > 0)
        def _():
            for cp in build_out(t0, s0, osem0):
                cp.wait()

        compute(s0)
        for cp in build_out(t0, s0, osem0):
            cp.start()

        for cp in build_in(t0 + 1, s1, isem1):
            cp.wait()

        @pl.when(t0 + 2 < T)
        def _():
            for cp in build_in(t0 + 2, s0, isem0):
                cp.start()

        @pl.when(i2 > 0)
        def _():
            for cp in build_out(t0 + 1, s1, osem1):
                cp.wait()

        compute(s1)
        for cp in build_out(t0 + 1, s1, osem1):
            cp.start()
        return carry

    lax.fori_loop(0, T // 2, pair, 0)
    for cp in build_out(T - 2, s0, osem0):
        cp.wait()
    for cp in build_out(T - 1, s1, osem1):
        cp.wait()


@functools.cache
def _sc_sample(img_lo):
    mesh = plsc.VectorSubcoreMesh(core_axis_name="c", subcore_axis_name="s",
                                  num_cores=2, num_subcores=16)
    bufset = [
        pltpu.VMEM((_BAND_ROWS, _W), jnp.float32),
        pltpu.VMEM((_BAND_ROWS, _W), jnp.float32),
        pltpu.VMEM((_C,), jnp.int32),
        pltpu.VMEM((_C,), jnp.float32),
        pltpu.VMEM((_C,), jnp.float32),
        pltpu.VMEM((_C,), jnp.float32),
        pltpu.VMEM((_C,), jnp.float32),
        pltpu.VMEM((_C,), jnp.float32),
        pltpu.VMEM((_C,), jnp.float32),
    ]
    return pl.kernel(
        functools.partial(_sc_sample_body, img_lo),
        out_type=(jax.ShapeDtypeStruct((_NGRP * _NB * _C,), jnp.float32),
                  jax.ShapeDtypeStruct((_NGRP * _NB * _C,), jnp.float32)),
        mesh=mesh,
        compiler_params=pltpu.CompilerParams(needs_layout_passes=False),
        scratch_types=bufset + bufset + [pltpu.SemaphoreType.DMA] * 4,
    )


_IB = 32


def _tc_reduce(logits_ref, labels_ref, code_ref, bce_ref, dice_ref):
    i = pl.program_id(0)
    l = logits_ref[...]
    t = labels_ref[...]
    codev = code_ref[...]
    cand = codev == 1.0
    alw = codev == 2.0
    absl = jnp.abs(l)
    bits = lax.bitcast_convert_type(absl, jnp.int32)
    bits = jnp.where(cand, bits, jnp.int32(2**31 - 1))

    def body(_, carry):
        lo, hi = carry
        mid = lo + lax.shift_right_logical(hi - lo, 1)
        cnt = jnp.sum((bits <= mid).astype(jnp.int32), axis=(1, 2), keepdims=True)
        ge = cnt >= _K
        return jnp.where(ge, lo, mid + 1), jnp.where(ge, mid, hi)

    lo0 = jnp.zeros((_IB, 1, 1), jnp.int32)
    hi0 = jnp.full((_IB, 1, 1), 2**31 - 1, jnp.int32)
    _, thr = lax.fori_loop(0, 31, body, (lo0, hi0))

    full = jnp.where((cand & (bits <= thr)) | alw, jnp.float32(1.0), jnp.float32(0.0))
    bce = (jnp.maximum(l, 0.0) - l * t + jnp.log1p(jnp.exp(-absl))) * full
    sig = jnp.float32(1.0) / (jnp.float32(1.0) + jnp.exp(-l))
    s1 = jnp.sum(sig * t * full, axis=(1, 2))
    s2 = jnp.sum(sig * full, axis=(1, 2))
    s3 = jnp.sum(t * full, axis=(1, 2))
    dice = jnp.float32(1.0) - (2.0 * s1 + 1.0) / (s2 + s3 + 1.0)

    @pl.when(i == 0)
    def _():
        bce_ref[...] = jnp.zeros_like(bce_ref)
        dice_ref[...] = jnp.zeros_like(dice_ref)

    bce_ref[...] = bce_ref[...] + jnp.sum(bce)
    dice_ref[...] = dice_ref[...] + jnp.sum(dice)


def kernel(pred, target):
    p = pred.reshape(_N, _H, _W)
    t = target.reshape(_N, _H, _W)
    rpi = _M // 128
    tbl = (_TBL_BASE.reshape(-1), _TBL_W[0].reshape(-1), _TBL_W[1].reshape(-1),
           _TBL_W[2].reshape(-1), _TBL_W[3].reshape(-1))
    bce_sum = jnp.float32(0.0)
    dice_sum = jnp.float32(0.0)
    for g in range(_NSPLIT):
        img_lo = g * _NGRP
        out_l, out_t = _sc_sample(img_lo)(p, t, *tbl)
        bs, ds_ = pl.pallas_call(
            _tc_reduce,
            grid=(_NGRP // _IB,),
            in_specs=[
                pl.BlockSpec((_IB, rpi, 128), lambda i: (i, 0, 0)),
                pl.BlockSpec((_IB, rpi, 128), lambda i: (i, 0, 0)),
                pl.BlockSpec((_IB, rpi, 128), lambda i: (i, 0, 0)),
            ],
            out_specs=[
                pl.BlockSpec((1, 1), lambda i: (0, 0)),
                pl.BlockSpec((1, 1), lambda i: (0, 0)),
            ],
            out_shape=[
                jax.ShapeDtypeStruct((1, 1), jnp.float32),
                jax.ShapeDtypeStruct((1, 1), jnp.float32),
            ],
        )(out_l.reshape(_NGRP, rpi, 128), out_t.reshape(_NGRP, rpi, 128),
          _CODEF[img_lo:img_lo + _NGRP])
        bce_sum = bce_sum + bs[0, 0]
        dice_sum = dice_sum + ds_[0, 0]
    loss_bce = bce_sum / jnp.float32(_N * _P)
    loss_dice = dice_sum / jnp.float32(_N)
    loss = loss_bce + loss_dice
    return loss, loss_bce, loss_dice

# --- scband reference (transcript-rebuilt; emitter-appended) ---
"""Pipeline reference for scband-pointwise-bcedice-loss-3204045603366 (READ-ONLY COPY).

The authoritative reference and input builder live on the scoring server;
editing this copy changes nothing except your own understanding.
"""

import jax, jax.numpy as jnp
import numpy as np

OVERSAMPLE_RATIO = 3.0
IMPORTANCE_SAMPLE_RATIO = 0.75
NUM_POINTS = 112 * 112


def setup_inputs(seed: int = 0) -> dict:
    key = jax.random.key(seed)
    k1, k2 = jax.random.split(key)
    pred = jax.random.normal(k1, (64, 1, 512, 512), dtype=jnp.float32)
    target = jax.random.uniform(k2, (64, 1, 512, 512), dtype=jnp.float32)
    return {"pred": pred, "target": target}


def point_sample(inp, coords):
    # inp: (N, C, H, W); coords: (N, P, 2) in [0,1]x[0,1]
    # Equivalent to F.grid_sample(inp, 2*coords-1, align_corners=False, padding_mode='zeros')
    N, C, H, W = inp.shape
    x = coords[..., 0] * W - 0.5
    y = coords[..., 1] * H - 0.5
    x0 = jnp.floor(x)
    y0 = jnp.floor(y)

    def gather(ix, iy):
        valid = ((ix >= 0) & (ix <= W - 1) & (iy >= 0) & (iy <= H - 1)).astype(inp.dtype)
        ixc = jnp.clip(ix, 0, W - 1).astype(jnp.int32)
        iyc = jnp.clip(iy, 0, H - 1).astype(jnp.int32)
        b = jnp.arange(N)[:, None]
        vals = inp[b, :, iyc, ixc]  # (N, P, C) via numpy advanced-indexing rules
        return vals * valid[..., None]

    wx1 = (x - x0)[..., None]
    wx0 = 1.0 - wx1
    wy1 = (y - y0)[..., None]
    wy0 = 1.0 - wy1
    out = (gather(x0, y0) * wx0 * wy0
           + gather(x0 + 1.0, y0) * wx1 * wy0
           + gather(x0, y0 + 1.0) * wx0 * wy1
           + gather(x0 + 1.0, y0 + 1.0) * wx1 * wy1)
    return jnp.transpose(out, (0, 2, 1))  # (N, C, P)


def get_uncertain_point_coords_with_randomness(logits, key):
    N = logits.shape[0]
    num_sampled = int(NUM_POINTS * OVERSAMPLE_RATIO)
    k1, k2 = jax.random.split(key)
    point_coords = jax.random.uniform(k1, (N, num_sampled, 2), dtype=jnp.float32)
    point_logits = point_sample(logits, point_coords)  # (N, 1, S)
    point_uncertainties = -jnp.abs(point_logits[:, 0])  # (N, S)
    num_uncertain = int(IMPORTANCE_SAMPLE_RATIO * NUM_POINTS)
    num_random = NUM_POINTS - num_uncertain
    _, idx = jax.lax.top_k(point_uncertainties, num_uncertain)  # (N, K)
    sel = jnp.take_along_axis(point_coords, idx[..., None], axis=1)  # (N, K, 2)
    if num_random > 0:
        rnd = jax.random.uniform(k2, (N, num_random, 2), dtype=jnp.float32)
        sel = jnp.concatenate([sel, rnd], axis=1)
    return sel


def reference(pred, target):
    key = jax.random.key(42)
    point_coords = get_uncertain_point_coords_with_randomness(jax.lax.stop_gradient(pred), key)
    point_labels = jax.lax.stop_gradient(point_sample(target, point_coords)[:, 0])  # (N, P)
    point_logits = point_sample(pred, point_coords)[:, 0]  # (N, P)
    # BCE with logits (stable formulation), reduction='none' then mean
    loss_bce = jnp.mean(jnp.maximum(point_logits, 0.0) - point_logits * point_labels
                        + jnp.log1p(jnp.exp(-jnp.abs(point_logits))))
    # Dice loss
    preds = jax.nn.sigmoid(point_logits)
    numerator = 2.0 * jnp.sum(preds * point_labels, axis=-1)
    denominator = jnp.sum(preds, axis=-1) + jnp.sum(point_labels, axis=-1)
    loss_dice = jnp.mean(1.0 - (numerator + 1.0) / (denominator + 1.0))
    loss = loss_bce + loss_dice
    return (loss, loss_bce, loss_dice)

if __name__ == "__main__":
    import jax
    _d = setup_inputs()
    print(jax.jit(kernel)(*tuple(_d.values())))

</pallas_src>

<mosaic_0001>
#map = affine_map<(d0, d1) -> (0, 0, 0)>
#map1 = affine_map<(d0, d1) -> (0)>
module attributes {stable_mosaic.version = 14 : i64} {
  func.func @_sc_sample_body(%arg0: i32, %arg1: i32, %arg2: memref<64x512x512xf32, #tpu.memory_space<hbm>>, %arg3: memref<64x512x512xf32, #tpu.memory_space<hbm>>, %arg4: memref<2883584xi32, #tpu.memory_space<hbm>>, %arg5: memref<2883584xf32, #tpu.memory_space<hbm>>, %arg6: memref<2883584xf32, #tpu.memory_space<hbm>>, %arg7: memref<2883584xf32, #tpu.memory_space<hbm>>, %arg8: memref<2883584xf32, #tpu.memory_space<hbm>>, %arg9: memref<1441792xf32, #tpu.memory_space<hbm>>, %arg10: memref<1441792xf32, #tpu.memory_space<hbm>>, %arg11: memref<40x512xf32, #tpu.memory_space<vmem>>, %arg12: memref<40x512xf32, #tpu.memory_space<vmem>>, %arg13: memref<2816xi32, #tpu.memory_space<vmem>>, %arg14: memref<2816xf32, #tpu.memory_space<vmem>>, %arg15: memref<2816xf32, #tpu.memory_space<vmem>>, %arg16: memref<2816xf32, #tpu.memory_space<vmem>>, %arg17: memref<2816xf32, #tpu.memory_space<vmem>>, %arg18: memref<2816xf32, #tpu.memory_space<vmem>>, %arg19: memref<2816xf32, #tpu.memory_space<vmem>>, %arg20: memref<40x512xf32, #tpu.memory_space<vmem>>, %arg21: memref<40x512xf32, #tpu.memory_space<vmem>>, %arg22: memref<2816xi32, #tpu.memory_space<vmem>>, %arg23: memref<2816xf32, #tpu.memory_space<vmem>>, %arg24: memref<2816xf32, #tpu.memory_space<vmem>>, %arg25: memref<2816xf32, #tpu.memory_space<vmem>>, %arg26: memref<2816xf32, #tpu.memory_space<vmem>>, %arg27: memref<2816xf32, #tpu.memory_space<vmem>>, %arg28: memref<2816xf32, #tpu.memory_space<vmem>>, %arg29: memref<!tpu.dma_semaphore, #tpu.memory_space<semaphore_mem>>, %arg30: memref<!tpu.dma_semaphore, #tpu.memory_space<semaphore_mem>>, %arg31: memref<!tpu.dma_semaphore, #tpu.memory_space<semaphore_mem>>, %arg32: memref<!tpu.dma_semaphore, #tpu.memory_space<semaphore_mem>>) attributes {dimension_semantics = [#tpu.dimension_semantics<core_parallel>, #tpu.dimension_semantics<subcore_parallel>], iteration_bounds = array<i64: 2, 16>, scalar_prefetch = 0 : i64, scratch_operands = 22 : i64, tpu.core_type = #tpu.core_type<sc_vector_subcore>, window_params = [{transform_indices = #map}, {transform_indices = #map}, {transform_indices = #map1}, {transform_indices = #map1}, {transform_indices = #map1}, {transform_indices = #map1}, {transform_indices = #map1}, {transform_indices = #map1}, {transform_indices = #map1}]} {
    %mul3A = arith.constant 2 : i32
    %mul3A_0 = arith.muli %arg1, %mul3A : i32
    %add3A = arith.addi %mul3A_0, %arg0 : i32
    %mul3A_1 = arith.constant 16 : i32
    %mul3A_2 = arith.muli %add3A, %mul3A_1 : i32
    %add3A_3 = arith.constant 0 : i32
    %add3A_4 = arith.addi %mul3A_2, %add3A_3 : i32
    %add3A_5 = arith.constant 0 : i32
    %add3A_6 = arith.addi %add3A_5, %add3A_4 : i32
    %jit3A = arith.constant 16 : i32
    %div3A = arith.divsi %add3A_6, %jit3A : i32
    %sign3A = arith.constant 0 : i32
    %sign3A_7 = arith.cmpi sgt, %add3A_6, %sign3A : i32
    %sign3A_8 = arith.extui %sign3A_7 : i1 to i32
    %sign3A_9 = arith.constant 0 : i32
    %sign3A_10 = arith.cmpi slt, %add3A_6, %sign3A_9 : i32
    %sign3A_11 = arith.extui %sign3A_10 : i1 to i32
    %sign3A_12 = arith.subi %sign3A_8, %sign3A_11 : i32
    %sign3A_13 = arith.constant 0 : i32
    %sign3A_14 = arith.cmpi sgt, %jit3A, %sign3A_13 : i32
    %sign3A_15 = arith.extui %sign3A_14 : i1 to i32
    %sign3A_16 = arith.constant 0 : i32
    %sign3A_17 = arith.cmpi slt, %jit3A, %sign3A_16 : i32
    %sign3A_18 = arith.extui %sign3A_17 : i1 to i32
    %sign3A_19 = arith.subi %sign3A_15, %sign3A_18 : i32
    %ne3A = arith.cmpi ne, %sign3A_12, %sign3A_19 : i32
    %rem3A = arith.remsi %add3A_6, %jit3A : i32
    %ne3A_20 = arith.constant 0 : i32
    %ne3A_21 = arith.cmpi ne, %rem3A, %ne3A_20 : i32
    %and3A = arith.andi %ne3A, %ne3A_21 : i1
    %sub3A = arith.constant 1 : i32
    %sub3A_22 = arith.subi %div3A, %sub3A : i32
    %select_n3A = arith.select %and3A, %sub3A_22, %div3A : i32
    %jit3A_23 = arith.constant 16 : i32
    %eq3A = arith.constant 0 : i32
    %eq3A_24 = arith.cmpi eq, %jit3A_23, %eq3A : i32
    %jit3A_25 = arith.constant 1 : i32
    %select_n3A_26 = arith.select %eq3A_24, %jit3A_25, %jit3A_23 : i32
    %rem3A_27 = arith.remsi %add3A_6, %select_n3A_26 : i32
    %ne3A_28 = arith.constant 0 : i32
    %ne3A_29 = arith.cmpi ne, %rem3A_27, %ne3A_28 : i32
    %lt3A = arith.constant 0 : i32
    %lt3A_30 = arith.cmpi slt, %rem3A_27, %lt3A : i32
    %lt3A_31 = arith.constant 0 : i32
    %lt3A_32 = arith.cmpi slt, %select_n3A_26, %lt3A_31 : i32
    %ne3A_33 = arith.xori %lt3A_30, %lt3A_32 : i1
    %and3A_34 = arith.andi %ne3A_33, %ne3A_29 : i1
    %add3A_35 = arith.addi %rem3A_27, %select_n3A_26 : i32
    %select_n3A_36 = arith.select %and3A_34, %add3A_35, %rem3A_27 : i32
    %mul3A_37 = arith.constant 32 : i32
    %mul3A_38 = arith.muli %select_n3A_36, %mul3A_37 : i32
    %min3A = arith.constant 472 : i32
    %min3A_39 = arith.minsi %mul3A_38, %min3A : i32
    %mul3A_40 = arith.constant 2816 : i32
    %mul3A_41 = arith.muli %add3A_6, %mul3A_40 : i32
    %dma_start3A = arith.constant 0 : i32
    %dma_start3A_42 = tpu.memref_slice %arg2[%select_n3A, %min3A_39, %dma_start3A] : memref<64x512x512xf32, #tpu.memory_space<hbm>> -> memref<1x40x512xf32, #tpu.memory_space<hbm>>
    %dma_start3A_43 = tpu.memref_squeeze %dma_start3A_42 : memref<1x40x512xf32, #tpu.memory_space<hbm>> -> memref<40x512xf32, #tpu.memory_space<hbm>>
    %dma_start3A_44 = arith.constant 0 : i32
    %dma_start3A_45 = tpu.memref_slice %arg2[%select_n3A, %min3A_39, %dma_start3A_44] : memref<64x512x512xf32, #tpu.memory_space<hbm>> -> memref<1x40x512xf32, #tpu.memory_space<hbm>>
    %dma_start3A_46 = tpu.memref_squeeze %dma_start3A_45 : memref<1x40x512xf32, #tpu.memory_space<hbm>> -> memref<40x512xf32, #tpu.memory_space<hbm>>
    tpu.enqueue_dma source(%dma_start3A_46 : memref<40x512xf32, #tpu.memory_space<hbm>>) target(%arg11 : memref<40x512xf32, #tpu.memory_space<vmem>>) target_semaphore(%arg29 : memref<!tpu.dma_semaphore, #tpu.memory_space<semaphore_mem>>)
    %dma_start3A_47 = arith.constant 0 : i32
    %dma_start3A_48 = tpu.memref_slice %arg3[%select_n3A, %min3A_39, %dma_start3A_47] : memref<64x512x512xf32, #tpu.memory_space<hbm>> -> memref<1x40x512xf32, #tpu.memory_space<hbm>>
    %dma_start3A_49 = tpu.memref_squeeze %dma_start3A_48 : memref<1x40x512xf32, #tpu.memory_space<hbm>> -> memref<40x512xf32, #tpu.memory_space<hbm>>
    %dma_start3A_50 = arith.constant 0 : i32
    %dma_start3A_51 = tpu.memref_slice %arg3[%select_n3A, %min3A_39, %dma_start3A_50] : memref<64x512x512xf32, #tpu.memory_space<hbm>> -> memref<1x40x512xf32, #tpu.memory_space<hbm>>
    %dma_start3A_52 = tpu.memref_squeeze %dma_start3A_51 : memref<1x40x512xf32, #tpu.memory_space<hbm>> -> memref<40x512xf32, #tpu.memory_space<hbm>>
    tpu.enqueue_dma source(%dma_start3A_52 : memref<40x512xf32, #tpu.memory_space<hbm>>) target(%arg12 : memref<40x512xf32, #tpu.memory_space<vmem>>) target_semaphore(%arg29 : memref<!tpu.dma_semaphore, #tpu.memory_space<semaphore_mem>>)
    %dma_start3A_53 = tpu.memref_slice %arg4[%mul3A_41] : memref<2883584xi32, #tpu.memory_space<hbm>> -> memref<2816xi32, #tpu.memory_space<hbm>>
    %dma_start3A_54 = tpu.memref_slice %arg4[%mul3A_41] : memref<2883584xi32, #tpu.memory_space<hbm>> -> memref<2816xi32, #tpu.memory_space<hbm>>
    tpu.enqueue_dma source(%dma_start3A_54 : memref<2816xi32, #tpu.memory_space<hbm>>) target(%arg13 : memref<2816xi32, #tpu.memory_space<vmem>>) target_semaphore(%arg29 : memref<!tpu.dma_semaphore, #tpu.memory_space<semaphore_mem>>)
    %dma_start3A_55 = tpu.memref_slice %arg5[%mul3A_41] : memref<2883584xf32, #tpu.memory_space<hbm>> -> memref<2816xf32, #tpu.memory_space<hbm>>
    %dma_start3A_56 = tpu.memref_slice %arg5[%mul3A_41] : memref<2883584xf32, #tpu.memory_space<hbm>> -> memref<2816xf32, #tpu.memory_space<hbm>>
    tpu.enqueue_dma source(%dma_start3A_56 : memref<2816xf32, #tpu.memory_space<hbm>>) target(%arg14 : memref<2816xf32, #tpu.memory_space<vmem>>) target_semaphore(%arg29 : memref<!tpu.dma_semaphore, #tpu.memory_space<semaphore_mem>>)
    %dma_start3A_57 = tpu.memref_slice %arg6[%mul3A_41] : memref<2883584xf32, #tpu.memory_space<hbm>> -> memref<2816xf32, #tpu.memory_space<hbm>>
    %dma_start3A_58 = tpu.memref_slice %arg6[%mul3A_41] : memref<2883584xf32, #tpu.memory_space<hbm>> -> memref<2816xf32, #tpu.memory_space<hbm>>
    tpu.enqueue_dma source(%dma_start3A_58 : memref<2816xf32, #tpu.memory_space<hbm>>) target(%arg15 : memref<2816xf32, #tpu.memory_space<vmem>>) target_semaphore(%arg29 : memref<!tpu.dma_semaphore, #tpu.memory_space<semaphore_mem>>)
    %dma_start3A_59 = tpu.memref_slice %arg7[%mul3A_41] : memref<2883584xf32, #tpu.memory_space<hbm>> -> memref<2816xf32, #tpu.memory_space<hbm>>
    %dma_start3A_60 = tpu.memref_slice %arg7[%mul3A_41] : memref<2883584xf32, #tpu.memory_space<hbm>> -> memref<2816xf32, #tpu.memory_space<hbm>>
    tpu.enqueue_dma source(%dma_start3A_60 : memref<2816xf32, #tpu.memory_space<hbm>>) target(%arg16 : memref<2816xf32, #tpu.memory_space<vmem>>) target_semaphore(%arg29 : memref<!tpu.dma_semaphore, #tpu.memory_space<semaphore_mem>>)
    %dma_start3A_61 = tpu.memref_slice %arg8[%mul3A_41] : memref<2883584xf32, #tpu.memory_space<hbm>> -> memref<2816xf32, #tpu.memory_space<hbm>>
    %dma_start3A_62 = tpu.memref_slice %arg8[%mul3A_41] : memref<2883584xf32, #tpu.memory_space<hbm>> -> memref<2816xf32, #tpu.memory_space<hbm>>
    tpu.enqueue_dma source(%dma_start3A_62 : memref<2816xf32, #tpu.memory_space<hbm>>) target(%arg17 : memref<2816xf32, #tpu.memory_space<vmem>>) target_semaphore(%arg29 : memref<!tpu.dma_semaphore, #tpu.memory_space<semaphore_mem>>)
    %scan3A = arith.constant 0 : i32
    %scan3A_63 = arith.constant 0 : i32
    %scan3A_64 = arith.constant 8 : i32
    %scan3A_65 = arith.addi %scan3A_63, %scan3A_64 : i32
    %scan3A_66 = arith.constant 1 : i32
    scf.for %scan3A_87 = %scan3A_63 to %scan3A_65 step %scan3A_66  : i32 {
      %mul3A_88 = arith.constant 2 : i32
      %mul3A_89 = arith.muli %scan3A_87, %mul3A_88 : i32
      %mul3A_90 = arith.constant 16 : i32
      %mul3A_91 = arith.muli %add3A, %mul3A_90 : i32
      %add3A_92 = arith.addi %mul3A_91, %mul3A_89 : i32
      %add3A_93 = arith.constant 0 : i32
      %add3A_94 = arith.addi %add3A_93, %add3A_92 : i32
      %jit3A_95 = arith.constant 16 : i32
      %div3A_96 = arith.divsi %add3A_94, %jit3A_95 : i32
      %sign3A_97 = arith.constant 0 : i32
      %sign3A_98 = arith.cmpi sgt, %add3A_94, %sign3A_97 : i32
      %sign3A_99 = arith.extui %sign3A_98 : i1 to i32
      %sign3A_100 = arith.constant 0 : i32
      %sign3A_101 = arith.cmpi slt, %add3A_94, %sign3A_100 : i32
      %sign3A_102 = arith.extui %sign3A_101 : i1 to i32
      %sign3A_103 = arith.subi %sign3A_99, %sign3A_102 : i32
      %sign3A_104 = arith.constant 0 : i32
      %sign3A_105 = arith.cmpi sgt, %jit3A_95, %sign3A_104 : i32
      %sign3A_106 = arith.extui %sign3A_105 : i1 to i32
      %sign3A_107 = arith.constant 0 : i32
      %sign3A_108 = arith.cmpi slt, %jit3A_95, %sign3A_107 : i32
      %sign3A_109 = arith.extui %sign3A_108 : i1 to i32
      %sign3A_110 = arith.subi %sign3A_106, %sign3A_109 : i32
      %ne3A_111 = arith.cmpi ne, %sign3A_103, %sign3A_110 : i32
      %rem3A_112 = arith.remsi %add3A_94, %jit3A_95 : i32
      %ne3A_113 = arith.constant 0 : i32
      %ne3A_114 = arith.cmpi ne, %rem3A_112, %ne3A_113 : i32
      %and3A_115 = arith.andi %ne3A_111, %ne3A_114 : i1
      %sub3A_116 = arith.constant 1 : i32
      %sub3A_117 = arith.subi %div3A_96, %sub3A_116 : i32
      %select_n3A_118 = arith.select %and3A_115, %sub3A_117, %div3A_96 : i32
      %jit3A_119 = arith.constant 16 : i32
      %eq3A_120 = arith.constant 0 : i32
      %eq3A_121 = arith.cmpi eq, %jit3A_119, %eq3A_120 : i32
      %jit3A_122 = arith.constant 1 : i32
      %select_n3A_123 = arith.select %eq3A_121, %jit3A_122, %jit3A_119 : i32
      %rem3A_124 = arith.remsi %add3A_94, %select_n3A_123 : i32
      %ne3A_125 = arith.constant 0 : i32
      %ne3A_126 = arith.cmpi ne, %rem3A_124, %ne3A_125 : i32
      %lt3A_127 = arith.constant 0 : i32
      %lt3A_128 = arith.cmpi slt, %rem3A_124, %lt3A_127 : i32
      %lt3A_129 = arith.constant 0 : i32
      %lt3A_130 = arith.cmpi slt, %select_n3A_123, %lt3A_129 : i32
      %ne3A_131 = arith.xori %lt3A_128, %lt3A_130 : i1
      %and3A_132 = arith.andi %ne3A_131, %ne3A_126 : i1
      %add3A_133 = arith.addi %rem3A_124, %select_n3A_123 : i32
      %select_n3A_134 = arith.select %and3A_132, %add3A_133, %rem3A_124 : i32
      %mul3A_135 = arith.constant 32 : i32
      %mul3A_136 = arith.muli %select_n3A_134, %mul3A_135 : i32
      %min3A_137 = arith.constant 472 : i32
      %min3A_138 = arith.minsi %mul3A_136, %min3A_137 : i32
      %mul3A_139 = arith.constant 2816 : i32
      %mul3A_140 = arith.muli %add3A_94, %mul3A_139 : i32
      %dma_wait3A_141 = arith.constant 0 : i32
      %dma_wait3A_142 = tpu.memref_slice %arg2[%select_n3A_118, %min3A_138, %dma_wait3A_141] : memref<64x512x512xf32, #tpu.memory_space<hbm>> -> memref<1x40x512xf32, #tpu.memory_space<hbm>>
      %dma_wait3A_143 = tpu.memref_squeeze %dma_wait3A_142 : memref<1x40x512xf32, #tpu.memory_space<hbm>> -> memref<40x512xf32, #tpu.memory_space<hbm>>
      %dma_wait3A_144 = arith.constant 0 : i32
      %dma_wait3A_145 = tpu.memref_slice %arg2[%select_n3A_118, %min3A_138, %dma_wait3A_144] : memref<64x512x512xf32, #tpu.memory_space<hbm>> -> memref<1x40x512xf32, #tpu.memory_space<hbm>>
      %dma_wait3A_146 = tpu.memref_squeeze %dma_wait3A_145 : memref<1x40x512xf32, #tpu.memory_space<hbm>> -> memref<40x512xf32, #tpu.memory_space<hbm>>
      tpu.wait_dma2 semaphore(%arg29 : memref<!tpu.dma_semaphore, #tpu.memory_space<semaphore_mem>>) src(%dma_wait3A_146 : memref<40x512xf32, #tpu.memory_space<hbm>>) dst(%arg11 : memref<40x512xf32, #tpu.memory_space<vmem>>)
      %dma_wait3A_147 = arith.constant 0 : i32
      %dma_wait3A_148 = tpu.memref_slice %arg3[%select_n3A_118, %min3A_138, %dma_wait3A_147] : memref<64x512x512xf32, #tpu.memory_space<hbm>> -> memref<1x40x512xf32, #tpu.memory_space<hbm>>
      %dma_wait3A_149 = tpu.memref_squeeze %dma_wait3A_148 : memref<1x40x512xf32, #tpu.memory_space<hbm>> -> memref<40x512xf32, #tpu.memory_space<hbm>>
      %dma_wait3A_150 = arith.constant 0 : i32
      %dma_wait3A_151 = tpu.memref_slice %arg3[%select_n3A_118, %min3A_138, %dma_wait3A_150] : memref<64x512x512xf32, #tpu.memory_space<hbm>> -> memref<1x40x512xf32, #tpu.memory_space<hbm>>
      %dma_wait3A_152 = tpu.memref_squeeze %dma_wait3A_151 : memref<1x40x512xf32, #tpu.memory_space<hbm>> -> memref<40x512xf32, #tpu.memory_space<hbm>>
      tpu.wait_dma2 semaphore(%arg29 : memref<!tpu.dma_semaphore, #tpu.memory_space<semaphore_mem>>) src(%dma_wait3A_152 : memref<40x512xf32, #tpu.memory_space<hbm>>) dst(%arg12 : memref<40x512xf32, #tpu.memory_space<vmem>>)
      %dma_wait3A_153 = tpu.memref_slice %arg4[%mul3A_140] : memref<2883584xi32, #tpu.memory_space<hbm>> -> memref<2816xi32, #tpu.memory_space<hbm>>
      %dma_wait3A_154 = tpu.memref_slice %arg4[%mul3A_140] : memref<2883584xi32, #tpu.memory_space<hbm>> -> memref<2816xi32, #tpu.memory_space<hbm>>
      tpu.wait_dma2 semaphore(%arg29 : memref<!tpu.dma_semaphore, #tpu.memory_space<semaphore_mem>>) src(%dma_wait3A_154 : memref<2816xi32, #tpu.memory_space<hbm>>) dst(%arg13 : memref<2816xi32, #tpu.memory_space<vmem>>)
      %dma_wait3A_155 = tpu.memref_slice %arg5[%mul3A_140] : memref<2883584xf32, #tpu.memory_space<hbm>> -> memref<2816xf32, #tpu.memory_space<hbm>>
      %dma_wait3A_156 = tpu.memref_slice %arg5[%mul3A_140] : memref<2883584xf32, #tpu.memory_space<hbm>> -> memref<2816xf32, #tpu.memory_space<hbm>>
      tpu.wait_dma2 semaphore(%arg29 : memref<!tpu.dma_semaphore, #tpu.memory_space<semaphore_mem>>) src(%dma_wait3A_156 : memref<2816xf32, #tpu.memory_space<hbm>>) dst(%arg14 : memref<2816xf32, #tpu.memory_space<vmem>>)
      %dma_wait3A_157 = tpu.memref_slice %arg6[%mul3A_140] : memref<2883584xf32, #tpu.memory_space<hbm>> -> memref<2816xf32, #tpu.memory_space<hbm>>
      %dma_wait3A_158 = tpu.memref_slice %arg6[%mul3A_140] : memref<2883584xf32, #tpu.memory_space<hbm>> -> memref<2816xf32, #tpu.memory_space<hbm>>
      tpu.wait_dma2 semaphore(%arg29 : memref<!tpu.dma_semaphore, #tpu.memory_space<semaphore_mem>>) src(%dma_wait3A_158 : memref<2816xf32, #tpu.memory_space<hbm>>) dst(%arg15 : memref<2816xf32, #tpu.memory_space<vmem>>)
      %dma_wait3A_159 = tpu.memref_slice %arg7[%mul3A_140] : memref<2883584xf32, #tpu.memory_space<hbm>> -> memref<2816xf32, #tpu.memory_space<hbm>>
      %dma_wait3A_160 = tpu.memref_slice %arg7[%mul3A_140] : memref<2883584xf32, #tpu.memory_space<hbm>> -> memref<2816xf32, #tpu.memory_space<hbm>>
      tpu.wait_dma2 semaphore(%arg29 : memref<!tpu.dma_semaphore, #tpu.memory_space<semaphore_mem>>) src(%dma_wait3A_160 : memref<2816xf32, #tpu.memory_space<hbm>>) dst(%arg16 : memref<2816xf32, #tpu.memory_space<vmem>>)
      %dma_wait3A_161 = tpu.memref_slice %arg8[%mul3A_140] : memref<2883584xf32, #tpu.memory_space<hbm>> -> memref<2816xf32, #tpu.memory_space<hbm>>
      %dma_wait3A_162 = tpu.memref_slice %arg8[%mul3A_140] : memref<2883584xf32, #tpu.memory_space<hbm>> -> memref<2816xf32, #tpu.memory_space<hbm>>
      tpu.wait_dma2 semaphore(%arg29 : memref<!tpu.dma_semaphore, #tpu.memory_space<semaphore_mem>>) src(%dma_wait3A_162 : memref<2816xf32, #tpu.memory_space<hbm>>) dst(%arg17 : memref<2816xf32, #tpu.memory_space<vmem>>)
      %add3A_163 = arith.constant 1 : i32
      %add3A_164 = arith.addi %mul3A_89, %add3A_163 : i32
      %mul3A_165 = arith.constant 16 : i32
      %mul3A_166 = arith.muli %add3A, %mul3A_165 : i32
      %add3A_167 = arith.addi %mul3A_166, %add3A_164 : i32
      %add3A_168 = arith.constant 0 : i32
      %add3A_169 = arith.addi %add3A_168, %add3A_167 : i32
      %jit3A_170 = arith.constant 16 : i32
      %div3A_171 = arith.divsi %add3A_169, %jit3A_170 : i32
      %sign3A_172 = arith.constant 0 : i32
      %sign3A_173 = arith.cmpi sgt, %add3A_169, %sign3A_172 : i32
      %sign3A_174 = arith.extui %sign3A_173 : i1 to i32
      %sign3A_175 = arith.constant 0 : i32
      %sign3A_176 = arith.cmpi slt, %add3A_169, %sign3A_175 : i32
      %sign3A_177 = arith.extui %sign3A_176 : i1 to i32
      %sign3A_178 = arith.subi %sign3A_174, %sign3A_177 : i32
      %sign3A_179 = arith.constant 0 : i32
      %sign3A_180 = arith.cmpi sgt, %jit3A_170, %sign3A_179 : i32
      %sign3A_181 = arith.extui %sign3A_180 : i1 to i32
      %sign3A_182 = arith.constant 0 : i32
      %sign3A_183 = arith.cmpi slt, %jit3A_170, %sign3A_182 : i32
      %sign3A_184 = arith.extui %sign3A_183 : i1 to i32
      %sign3A_185 = arith.subi %sign3A_181, %sign3A_184 : i32
      %ne3A_186 = arith.cmpi ne, %sign3A_178, %sign3A_185 : i32
      %rem3A_187 = arith.remsi %add3A_169, %jit3A_170 : i32
      %ne3A_188 = arith.constant 0 : i32
      %ne3A_189 = arith.cmpi ne, %rem3A_187, %ne3A_188 : i32
      %and3A_190 = arith.andi %ne3A_186, %ne3A_189 : i1
      %sub3A_191 = arith.constant 1 : i32
      %sub3A_192 = arith.subi %div3A_171, %sub3A_191 : i32
      %select_n3A_193 = arith.select %and3A_190, %sub3A_192, %div3A_171 : i32
      %jit3A_194 = arith.constant 16 : i32
      %eq3A_195 = arith.constant 0 : i32
      %eq3A_196 = arith.cmpi eq, %jit3A_194, %eq3A_195 : i32
      %jit3A_197 = arith.constant 1 : i32
      %select_n3A_198 = arith.select %eq3A_196, %jit3A_197, %jit3A_194 : i32
      %rem3A_199 = arith.remsi %add3A_169, %select_n3A_198 : i32
      %ne3A_200 = arith.constant 0 : i32
      %ne3A_201 = arith.cmpi ne, %rem3A_199, %ne3A_200 : i32
      %lt3A_202 = arith.constant 0 : i32
      %lt3A_203 = arith.cmpi slt, %rem3A_199, %lt3A_202 : i32
      %lt3A_204 = arith.constant 0 : i32
      %lt3A_205 = arith.cmpi slt, %select_n3A_198, %lt3A_204 : i32
      %ne3A_206 = arith.xori %lt3A_203, %lt3A_205 : i1
      %and3A_207 = arith.andi %ne3A_206, %ne3A_201 : i1
      %add3A_208 = arith.addi %rem3A_199, %select_n3A_198 : i32
      %select_n3A_209 = arith.select %and3A_207, %add3A_208, %rem3A_199 : i32
      %mul3A_210 = arith.constant 32 : i32
      %mul3A_211 = arith.muli %select_n3A_209, %mul3A_210 : i32
      %min3A_212 = arith.constant 472 : i32
      %min3A_213 = arith.minsi %mul3A_211, %min3A_212 : i32
      %mul3A_214 = arith.constant 2816 : i32
      %mul3A_215 = arith.muli %add3A_169, %mul3A_214 : i32
      %dma_start3A_216 = arith.constant 0 : i32
      %dma_start3A_217 = tpu.memref_slice %arg2[%select_n3A_193, %min3A_213, %dma_start3A_216] : memref<64x512x512xf32, #tpu.memory_space<hbm>> -> memref<1x40x512xf32, #tpu.memory_space<hbm>>
      %dma_start3A_218 = tpu.memref_squeeze %dma_start3A_217 : memref<1x40x512xf32, #tpu.memory_space<hbm>> -> memref<40x512xf32, #tpu.memory_space<hbm>>
      %dma_start3A_219 = arith.constant 0 : i32
      %dma_start3A_220 = tpu.memref_slice %arg2[%select_n3A_193, %min3A_213, %dma_start3A_219] : memref<64x512x512xf32, #tpu.memory_space<hbm>> -> memref<1x40x512xf32, #tpu.memory_space<hbm>>
      %dma_start3A_221 = tpu.memref_squeeze %dma_start3A_220 : memref<1x40x512xf32, #tpu.memory_space<hbm>> -> memref<40x512xf32, #tpu.memory_space<hbm>>
      tpu.enqueue_dma source(%dma_start3A_221 : memref<40x512xf32, #tpu.memory_space<hbm>>) target(%arg20 : memref<40x512xf32, #tpu.memory_space<vmem>>) target_semaphore(%arg30 : memref<!tpu.dma_semaphore, #tpu.memory_space<semaphore_mem>>)
      %dma_start3A_222 = arith.constant 0 : i32
      %dma_start3A_223 = tpu.memref_slice %arg3[%select_n3A_193, %min3A_213, %dma_start3A_222] : memref<64x512x512xf32, #tpu.memory_space<hbm>> -> memref<1x40x512xf32, #tpu.memory_space<hbm>>
      %dma_start3A_224 = tpu.memref_squeeze %dma_start3A_223 : memref<1x40x512xf32, #tpu.memory_space<hbm>> -> memref<40x512xf32, #tpu.memory_space<hbm>>
      %dma_start3A_225 = arith.constant 0 : i32
      %dma_start3A_226 = tpu.memref_slice %arg3[%select_n3A_193, %min3A_213, %dma_start3A_225] : memref<64x512x512xf32, #tpu.memory_space<hbm>> -> memref<1x40x512xf32, #tpu.memory_space<hbm>>
      %dma_start3A_227 = tpu.memref_squeeze %dma_start3A_226 : memref<1x40x512xf32, #tpu.memory_space<hbm>> -> memref<40x512xf32, #tpu.memory_space<hbm>>
      tpu.enqueue_dma source(%dma_start3A_227 : memref<40x512xf32, #tpu.memory_space<hbm>>) target(%arg21 : memref<40x512xf32, #tpu.memory_space<vmem>>) target_semaphore(%arg30 : memref<!tpu.dma_semaphore, #tpu.memory_space<semaphore_mem>>)
      %dma_start3A_228 = tpu.memref_slice %arg4[%mul3A_215] : memref<2883584xi32, #tpu.memory_space<hbm>> -> memref<2816xi32, #tpu.memory_space<hbm>>
      %dma_start3A_229 = tpu.memref_slice %arg4[%mul3A_215] : memref<2883584xi32, #tpu.memory_space<hbm>> -> memref<2816xi32, #tpu.memory_space<hbm>>
      tpu.enqueue_dma source(%dma_start3A_229 : memref<2816xi32, #tpu.memory_space<hbm>>) target(%arg22 : memref<2816xi32, #tpu.memory_space<vmem>>) target_semaphore(%arg30 : memref<!tpu.dma_semaphore, #tpu.memory_space<semaphore_mem>>)
      %dma_start3A_230 = tpu.memref_slice %arg5[%mul3A_215] : memref<2883584xf32, #tpu.memory_space<hbm>> -> memref<2816xf32, #tpu.memory_space<hbm>>
      %dma_start3A_231 = tpu.memref_slice %arg5[%mul3A_215] : memref<2883584xf32, #tpu.memory_space<hbm>> -> memref<2816xf32, #tpu.memory_space<hbm>>
      tpu.enqueue_dma source(%dma_start3A_231 : memref<2816xf32, #tpu.memory_space<hbm>>) target(%arg23 : memref<2816xf32, #tpu.memory_space<vmem>>) target_semaphore(%arg30 : memref<!tpu.dma_semaphore, #tpu.memory_space<semaphore_mem>>)
      %dma_start3A_232 = tpu.memref_slice %arg6[%mul3A_215] : memref<2883584xf32, #tpu.memory_space<hbm>> -> memref<2816xf32, #tpu.memory_space<hbm>>
      %dma_start3A_233 = tpu.memref_slice %arg6[%mul3A_215] : memref<2883584xf32, #tpu.memory_space<hbm>> -> memref<2816xf32, #tpu.memory_space<hbm>>
      tpu.enqueue_dma source(%dma_start3A_233 : memref<2816xf32, #tpu.memory_space<hbm>>) target(%arg24 : memref<2816xf32, #tpu.memory_space<vmem>>) target_semaphore(%arg30 : memref<!tpu.dma_semaphore, #tpu.memory_space<semaphore_mem>>)
      %dma_start3A_234 = tpu.memref_slice %arg7[%mul3A_215] : memref<2883584xf32, #tpu.memory_space<hbm>> -> memref<2816xf32, #tpu.memory_space<hbm>>
      %dma_start3A_235 = tpu.memref_slice %arg7[%mul3A_215] : memref<2883584xf32, #tpu.memory_space<hbm>> -> memref<2816xf32, #tpu.memory_space<hbm>>
      tpu.enqueue_dma source(%dma_start3A_235 : memref<2816xf32, #tpu.memory_space<hbm>>) target(%arg25 : memref<2816xf32, #tpu.memory_space<vmem>>) target_semaphore(%arg30 : memref<!tpu.dma_semaphore, #tpu.memory_space<semaphore_mem>>)
      %dma_start3A_236 = tpu.memref_slice %arg8[%mul3A_215] : memref<2883584xf32, #tpu.memory_space<hbm>> -> memref<2816xf32, #tpu.memory_space<hbm>>
      %dma_start3A_237 = tpu.memref_slice %arg8[%mul3A_215] : memref<2883584xf32, #tpu.memory_space<hbm>> -> memref<2816xf32, #tpu.memory_space<hbm>>
      tpu.enqueue_dma source(%dma_start3A_237 : memref<2816xf32, #tpu.memory_space<hbm>>) target(%arg26 : memref<2816xf32, #tpu.memory_space<vmem>>) target_semaphore(%arg30 : memref<!tpu.dma_semaphore, #tpu.memory_space<semaphore_mem>>)
      %gt3A = arith.constant 0 : i32
      %gt3A_238 = arith.cmpi sgt, %scan3A_87, %gt3A : i32
      %convert_element_type3A = arith.extui %gt3A_238 : i1 to i32
      %cond3A = arith.constant 0 : i32
      %cond3A_239 = arith.cmpi ne, %convert_element_type3A, %cond3A : i32
      scf.if %cond3A_239 {
        %mul3A_352 = arith.constant 16 : i32
        %mul3A_353 = arith.muli %add3A, %mul3A_352 : i32
        %add3A_354 = arith.addi %mul3A_353, %mul3A_89 : i32
        %mul3A_355 = arith.constant 2816 : i32
        %mul3A_356 = arith.muli %add3A_354, %mul3A_355 : i32
        %dma_wait3A_357 = tpu.memref_slice %arg9[%mul3A_356] : memref<1441792xf32, #tpu.memory_space<hbm>> -> memref<2816xf32, #tpu.memory_space<hbm>>
        %dma_wait3A_358 = tpu.memref_slice %arg9[%mul3A_356] : memref<1441792xf32, #tpu.memory_space<hbm>> -> memref<2816xf32, #tpu.memory_space<hbm>>
        tpu.wait_dma2 semaphore(%arg31 : memref<!tpu.dma_semaphore, #tpu.memory_space<semaphore_mem>>) src(%arg18 : memref<2816xf32, #tpu.memory_space<vmem>>) dst(%dma_wait3A_358 : memref<2816xf32, #tpu.memory_space<hbm>>)
        %dma_wait3A_359 = tpu.memref_slice %arg10[%mul3A_356] : memref<1441792xf32, #tpu.memory_space<hbm>> -> memref<2816xf32, #tpu.memory_space<hbm>>
        %dma_wait3A_360 = tpu.memref_slice %arg10[%mul3A_356] : memref<1441792xf32, #tpu.memory_space<hbm>> -> memref<2816xf32, #tpu.memory_space<hbm>>
        tpu.wait_dma2 semaphore(%arg31 : memref<!tpu.dma_semaphore, #tpu.memory_space<semaphore_mem>>) src(%arg19 : memref<2816xf32, #tpu.memory_space<vmem>>) dst(%dma_wait3A_360 : memref<2816xf32, #tpu.memory_space<hbm>>)
      } else {
      }
      %parallel_loop3A = arith.constant 0 : i32
      %parallel_loop3A_240 = arith.constant 176 : i32
      %parallel_loop3A_241 = arith.constant 1 : i32
      scf.for %parallel_loop3A_352 = %parallel_loop3A to %parallel_loop3A_240 step %parallel_loop3A_241  : i32 {
        %parallel_loop3A_353 = arith.constant 16 : i32
        %parallel_loop3A_354 = arith.muli %parallel_loop3A_352, %parallel_loop3A_353 : i32
        %parallel_loop3A_355 = arith.index_cast %parallel_loop3A_354 : i32 to index
        %parallel_loop3A_356 = tpu.vector_load %arg13[%parallel_loop3A_355] {strides = array<i32>} : memref<2816xi32, #tpu.memory_space<vmem>>, vector<16xi32>,
        %parallel_loop3A_357 = arith.constant 9 : i32
        %parallel_loop3A_358 = vector.broadcast %parallel_loop3A_357 : i32 to vector<16xi32>
        %parallel_loop3A_359 = arith.shrui %parallel_loop3A_356, %parallel_loop3A_358 : vector<16xi32>
        %parallel_loop3A_360 = arith.constant 511 : i32
        %parallel_loop3A_361 = vector.broadcast %parallel_loop3A_360 : i32 to vector<16xi32>
        %parallel_loop3A_362 = arith.andi %parallel_loop3A_356, %parallel_loop3A_361 : vector<16xi32>
        %parallel_loop3A_363 = arith.constant 1 : i32
        %parallel_loop3A_364 = vector.broadcast %parallel_loop3A_363 : i32 to vector<16xi32>
        %parallel_loop3A_365 = arith.addi %parallel_loop3A_359, %parallel_loop3A_364 : vector<16xi32>
        %parallel_loop3A_366 = arith.constant 1 : i32
        %parallel_loop3A_367 = vector.broadcast %parallel_loop3A_366 : i32 to vector<16xi32>
        %parallel_loop3A_368 = arith.addi %parallel_loop3A_362, %parallel_loop3A_367 : vector<16xi32>
        %parallel_loop3A_369 = arith.index_cast %parallel_loop3A_354 : i32 to index
        %parallel_loop3A_370 = tpu.vector_load %arg14[%parallel_loop3A_369] {strides = array<i32>} : memref<2816xf32, #tpu.memory_space<vmem>>, vector<16xf32>,
        %parallel_loop3A_371 = arith.index_cast %parallel_loop3A_354 : i32 to index
        %parallel_loop3A_372 = tpu.vector_load %arg15[%parallel_loop3A_371] {strides = array<i32>} : memref<2816xf32, #tpu.memory_space<vmem>>, vector<16xf32>,
        %parallel_loop3A_373 = arith.index_cast %parallel_loop3A_354 : i32 to index
        %parallel_loop3A_374 = tpu.vector_load %arg16[%parallel_loop3A_373] {strides = array<i32>} : memref<2816xf32, #tpu.memory_space<vmem>>, vector<16xf32>,
        %parallel_loop3A_375 = arith.index_cast %parallel_loop3A_354 : i32 to index
        %parallel_loop3A_376 = tpu.vector_load %arg17[%parallel_loop3A_375] {strides = array<i32>} : memref<2816xf32, #tpu.memory_space<vmem>>, vector<16xf32>,
        %parallel_loop3A_377 = tpu.vector_load_idx %arg11[%parallel_loop3A_359, %parallel_loop3A_362] : memref<40x512xf32, #tpu.memory_space<vmem>>[vector<16xi32>, vector<16xi32>], vector<16xf32>,
        %parallel_loop3A_378 = arith.mulf %parallel_loop3A_377, %parallel_loop3A_370 : vector<16xf32>
        %parallel_loop3A_379 = tpu.vector_load_idx %arg11[%parallel_loop3A_359, %parallel_loop3A_368] : memref<40x512xf32, #tpu.memory_space<vmem>>[vector<16xi32>, vector<16xi32>], vector<16xf32>,
        %parallel_loop3A_380 = arith.mulf %parallel_loop3A_379, %parallel_loop3A_372 : vector<16xf32>
        %parallel_loop3A_381 = arith.addf %parallel_loop3A_378, %parallel_loop3A_380 : vector<16xf32>
        %parallel_loop3A_382 = tpu.vector_load_idx %arg11[%parallel_loop3A_365, %parallel_loop3A_362] : memref<40x512xf32, #tpu.memory_space<vmem>>[vector<16xi32>, vector<16xi32>], vector<16xf32>,
        %parallel_loop3A_383 = arith.mulf %parallel_loop3A_382, %parallel_loop3A_374 : vector<16xf32>
        %parallel_loop3A_384 = arith.addf %parallel_loop3A_381, %parallel_loop3A_383 : vector<16xf32>
        %parallel_loop3A_385 = tpu.vector_load_idx %arg11[%parallel_loop3A_365, %parallel_loop3A_368] : memref<40x512xf32, #tpu.memory_space<vmem>>[vector<16xi32>, vector<16xi32>], vector<16xf32>,
        %parallel_loop3A_386 = arith.mulf %parallel_loop3A_385, %parallel_loop3A_376 : vector<16xf32>
        %parallel_loop3A_387 = arith.addf %parallel_loop3A_384, %parallel_loop3A_386 : vector<16xf32>
        %parallel_loop3A_388 = arith.index_cast %parallel_loop3A_354 : i32 to index
        %parallel_loop3A_389 = tpu.vector_load %arg18[%parallel_loop3A_388] {strides = array<i32>} : memref<2816xf32, #tpu.memory_space<vmem>>, vector<16xf32>,
        tpu.vector_store %arg18[%parallel_loop3A_388], %parallel_loop3A_387 {strides = array<i32>} : memref<2816xf32, #tpu.memory_space<vmem>>, vector<16xf32>,
        %parallel_loop3A_390 = tpu.vector_load_idx %arg12[%parallel_loop3A_359, %parallel_loop3A_362] : memref<40x512xf32, #tpu.memory_space<vmem>>[vector<16xi32>, vector<16xi32>], vector<16xf32>,
        %parallel_loop3A_391 = arith.mulf %parallel_loop3A_390, %parallel_loop3A_370 : vector<16xf32>
        %parallel_loop3A_392 = tpu.vector_load_idx %arg12[%parallel_loop3A_359, %parallel_loop3A_368] : memref<40x512xf32, #tpu.memory_space<vmem>>[vector<16xi32>, vector<16xi32>], vector<16xf32>,
        %parallel_loop3A_393 = arith.mulf %parallel_loop3A_392, %parallel_loop3A_372 : vector<16xf32>
        %parallel_loop3A_394 = arith.addf %parallel_loop3A_391, %parallel_loop3A_393 : vector<16xf32>
        %parallel_loop3A_395 = tpu.vector_load_idx %arg12[%parallel_loop3A_365, %parallel_loop3A_362] : memref<40x512xf32, #tpu.memory_space<vmem>>[vector<16xi32>, vector<16xi32>], vector<16xf32>,
        %parallel_loop3A_396 = arith.mulf %parallel_loop3A_395, %parallel_loop3A_374 : vector<16xf32>
        %parallel_loop3A_397 = arith.addf %parallel_loop3A_394, %parallel_loop3A_396 : vector<16xf32>
        %parallel_loop3A_398 = tpu.vector_load_idx %arg12[%parallel_loop3A_365, %parallel_loop3A_368] : memref<40x512xf32, #tpu.memory_space<vmem>>[vector<16xi32>, vector<16xi32>], vector<16xf32>,
        %parallel_loop3A_399 = arith.mulf %parallel_loop3A_398, %parallel_loop3A_376 : vector<16xf32>
        %parallel_loop3A_400 = arith.addf %parallel_loop3A_397, %parallel_loop3A_399 : vector<16xf32>
        %parallel_loop3A_401 = arith.index_cast %parallel_loop3A_354 : i32 to index
        %parallel_loop3A_402 = tpu.vector_load %arg19[%parallel_loop3A_401] {strides = array<i32>} : memref<2816xf32, #tpu.memory_space<vmem>>, vector<16xf32>,
        tpu.vector_store %arg19[%parallel_loop3A_401], %parallel_loop3A_400 {strides = array<i32>} : memref<2816xf32, #tpu.memory_space<vmem>>, vector<16xf32>,
      } {sc.loop_unroll_factor = 4 : i64, sc.parallel_access}
      %mul3A_242 = arith.constant 16 : i32
      %mul3A_243 = arith.muli %add3A, %mul3A_242 : i32
      %add3A_244 = arith.addi %mul3A_243, %mul3A_89 : i32
      %mul3A_245 = arith.constant 2816 : i32
      %mul3A_246 = arith.muli %add3A_244, %mul3A_245 : i32
      %dma_start3A_247 = tpu.memref_slice %arg9[%mul3A_246] : memref<1441792xf32, #tpu.memory_space<hbm>> -> memref<2816xf32, #tpu.memory_space<hbm>>
      %dma_start3A_248 = tpu.memref_slice %arg9[%mul3A_246] : memref<1441792xf32, #tpu.memory_space<hbm>> -> memref<2816xf32, #tpu.memory_space<hbm>>
      tpu.enqueue_dma source(%arg18 : memref<2816xf32, #tpu.memory_space<vmem>>) target(%dma_start3A_248 : memref<2816xf32, #tpu.memory_space<hbm>>) target_semaphore(%arg31 : memref<!tpu.dma_semaphore, #tpu.memory_space<semaphore_mem>>)
      %dma_start3A_249 = tpu.memref_slice %arg10[%mul3A_246] : memref<1441792xf32, #tpu.memory_space<hbm>> -> memref<2816xf32, #tpu.memory_space<hbm>>
      %dma_start3A_250 = tpu.memref_slice %arg10[%mul3A_246] : memref<1441792xf32, #tpu.memory_space<hbm>> -> memref<2816xf32, #tpu.memory_space<hbm>>
      tpu.enqueue_dma source(%arg19 : memref<2816xf32, #tpu.memory_space<vmem>>) target(%dma_start3A_250 : memref<2816xf32, #tpu.memory_space<hbm>>) target_semaphore(%arg31 : memref<!tpu.dma_semaphore, #tpu.memory_space<semaphore_mem>>)
      %add3A_251 = arith.constant 1 : i32
      %add3A_252 = arith.addi %mul3A_89, %add3A_251 : i32
      %mul3A_253 = arith.constant 16 : i32
      %mul3A_254 = arith.muli %add3A, %mul3A_253 : i32
      %add3A_255 = arith.addi %mul3A_254, %add3A_252 : i32
      %add3A_256 = arith.constant 0 : i32
      %add3A_257 = arith.addi %add3A_256, %add3A_255 : i32
      %jit3A_258 = arith.constant 16 : i32
      %div3A_259 = arith.divsi %add3A_257, %jit3A_258 : i32
      %sign3A_260 = arith.constant 0 : i32
      %sign3A_261 = arith.cmpi sgt, %add3A_257, %sign3A_260 : i32
      %sign3A_262 = arith.extui %sign3A_261 : i1 to i32
      %sign3A_263 = arith.constant 0 : i32
      %sign3A_264 = arith.cmpi slt, %add3A_257, %sign3A_263 : i32
      %sign3A_265 = arith.extui %sign3A_264 : i1 to i32
      %sign3A_266 = arith.subi %sign3A_262, %sign3A_265 : i32
      %sign3A_267 = arith.constant 0 : i32
      %sign3A_268 = arith.cmpi sgt, %jit3A_258, %sign3A_267 : i32
      %sign3A_269 = arith.extui %sign3A_268 : i1 to i32
      %sign3A_270 = arith.constant 0 : i32
      %sign3A_271 = arith.cmpi slt, %jit3A_258, %sign3A_270 : i32
      %sign3A_272 = arith.extui %sign3A_271 : i1 to i32
      %sign3A_273 = arith.subi %sign3A_269, %sign3A_272 : i32
      %ne3A_274 = arith.cmpi ne, %sign3A_266, %sign3A_273 : i32
      %rem3A_275 = arith.remsi %add3A_257, %jit3A_258 : i32
      %ne3A_276 = arith.constant 0 : i32
      %ne3A_277 = arith.cmpi ne, %rem3A_275, %ne3A_276 : i32
      %and3A_278 = arith.andi %ne3A_274, %ne3A_277 : i1
      %sub3A_279 = arith.constant 1 : i32
      %sub3A_280 = arith.subi %div3A_259, %sub3A_279 : i32
      %select_n3A_281 = arith.select %and3A_278, %sub3A_280, %div3A_259 : i32
      %jit3A_282 = arith.constant 16 : i32
      %eq3A_283 = arith.constant 0 : i32
      %eq3A_284 = arith.cmpi eq, %jit3A_282, %eq3A_283 : i32
      %jit3A_285 = arith.constant 1 : i32
      %select_n3A_286 = arith.select %eq3A_284, %jit3A_285, %jit3A_282 : i32
      %rem3A_287 = arith.remsi %add3A_257, %select_n3A_286 : i32
      %ne3A_288 = arith.constant 0 : i32
      %ne3A_289 = arith.cmpi ne, %rem3A_287, %ne3A_288 : i32
      %lt3A_290 = arith.constant 0 : i32
      %lt3A_291 = arith.cmpi slt, %rem3A_287, %lt3A_290 : i32
      %lt3A_292 = arith.constant 0 : i32
      %lt3A_293 = arith.cmpi slt, %select_n3A_286, %lt3A_292 : i32
      %ne3A_294 = arith.xori %lt3A_291, %lt3A_293 : i1
      %and3A_295 = arith.andi %ne3A_294, %ne3A_289 : i1
      %add3A_296 = arith.addi %rem3A_287, %select_n3A_286 : i32
      %select_n3A_297 = arith.select %and3A_295, %add3A_296, %rem3A_287 : i32
      %mul3A_298 = arith.constant 32 : i32
      %mul3A_299 = arith.muli %select_n3A_297, %mul3A_298 : i32
      %min3A_300 = arith.constant 472 : i32
      %min3A_301 = arith.minsi %mul3A_299, %min3A_300 : i32
      %mul3A_302 = arith.constant 2816 : i32
      %mul3A_303 = arith.muli %add3A_257, %mul3A_302 : i32
      %dma_wait3A_304 = arith.constant 0 : i32
      %dma_wait3A_305 = tpu.memref_slice %arg2[%select_n3A_281, %min3A_301, %dma_wait3A_304] : memref<64x512x512xf32, #tpu.memory_space<hbm>> -> memref<1x40x512xf32, #tpu.memory_space<hbm>>
      %dma_wait3A_306 = tpu.memref_squeeze %dma_wait3A_305 : memref<1x40x512xf32, #tpu.memory_space<hbm>> -> memref<40x512xf32, #tpu.memory_space<hbm>>
      %dma_wait3A_307 = arith.constant 0 : i32
      %dma_wait3A_308 = tpu.memref_slice %arg2[%select_n3A_281, %min3A_301, %dma_wait3A_307] : memref<64x512x512xf32, #tpu.memory_space<hbm>> -> memref<1x40x512xf32, #tpu.memory_space<hbm>>
      %dma_wait3A_309 = tpu.memref_squeeze %dma_wait3A_308 : memref<1x40x512xf32, #tpu.memory_space<hbm>> -> memref<40x512xf32, #tpu.memory_space<hbm>>
      tpu.wait_dma2 semaphore(%arg30 : memref<!tpu.dma_semaphore, #tpu.memory_space<semaphore_mem>>) src(%dma_wait3A_309 : memref<40x512xf32, #tpu.memory_space<hbm>>) dst(%arg20 : memref<40x512xf32, #tpu.memory_space<vmem>>)
      %dma_wait3A_310 = arith.constant 0 : i32
      %dma_wait3A_311 = tpu.memref_slice %arg3[%select_n3A_281, %min3A_301, %dma_wait3A_310] : memref<64x512x512xf32, #tpu.memory_space<hbm>> -> memref<1x40x512xf32, #tpu.memory_space<hbm>>
      %dma_wait3A_312 = tpu.memref_squeeze %dma_wait3A_311 : memref<1x40x512xf32, #tpu.memory_space<hbm>> -> memref<40x512xf32, #tpu.memory_space<hbm>>
      %dma_wait3A_313 = arith.constant 0 : i32
      %dma_wait3A_314 = tpu.memref_slice %arg3[%select_n3A_281, %min3A_301, %dma_wait3A_313] : memref<64x512x512xf32, #tpu.memory_space<hbm>> -> memref<1x40x512xf32, #tpu.memory_space<hbm>>
      %dma_wait3A_315 = tpu.memref_squeeze %dma_wait3A_314 : memref<1x40x512xf32, #tpu.memory_space<hbm>> -> memref<40x512xf32, #tpu.memory_space<hbm>>
      tpu.wait_dma2 semaphore(%arg30 : memref<!tpu.dma_semaphore, #tpu.memory_space<semaphore_mem>>) src(%dma_wait3A_315 : memref<40x512xf32, #tpu.memory_space<hbm>>) dst(%arg21 : memref<40x512xf32, #tpu.memory_space<vmem>>)
      %dma_wait3A_316 = tpu.memref_slice %arg4[%mul3A_303] : memref<2883584xi32, #tpu.memory_space<hbm>> -> memref<2816xi32, #tpu.memory_space<hbm>>
      %dma_wait3A_317 = tpu.memref_slice %arg4[%mul3A_303] : memref<2883584xi32, #tpu.memory_space<hbm>> -> memref<2816xi32, #tpu.memory_space<hbm>>
      tpu.wait_dma2 semaphore(%arg30 : memref<!tpu.dma_semaphore, #tpu.memory_space<semaphore_mem>>) src(%dma_wait3A_317 : memref<2816xi32, #tpu.memory_space<hbm>>) dst(%arg22 : memref<2816xi32, #tpu.memory_space<vmem>>)
      %dma_wait3A_318 = tpu.memref_slice %arg5[%mul3A_303] : memref<2883584xf32, #tpu.memory_space<hbm>> -> memref<2816xf32, #tpu.memory_space<hbm>>
      %dma_wait3A_319 = tpu.memref_slice %arg5[%mul3A_303] : memref<2883584xf32, #tpu.memory_space<hbm>> -> memref<2816xf32, #tpu.memory_space<hbm>>
      tpu.wait_dma2 semaphore(%arg30 : memref<!tpu.dma_semaphore, #tpu.memory_space<semaphore_mem>>) src(%dma_wait3A_319 : memref<2816xf32, #tpu.memory_space<hbm>>) dst(%arg23 : memref<2816xf32, #tpu.memory_space<vmem>>)
      %dma_wait3A_320 = tpu.memref_slice %arg6[%mul3A_303] : memref<2883584xf32, #tpu.memory_space<hbm>> -> memref<2816xf32, #tpu.memory_space<hbm>>
      %dma_wait3A_321 = tpu.memref_slice %arg6[%mul3A_303] : memref<2883584xf32, #tpu.memory_space<hbm>> -> memref<2816xf32, #tpu.memory_space<hbm>>
      tpu.wait_dma2 semaphore(%arg30 : memref<!tpu.dma_semaphore, #tpu.memory_space<semaphore_mem>>) src(%dma_wait3A_321 : memref<2816xf32, #tpu.memory_space<hbm>>) dst(%arg24 : memref<2816xf32, #tpu.memory_space<vmem>>)
      %dma_wait3A_322 = tpu.memref_slice %arg7[%mul3A_303] : memref<2883584xf32, #tpu.memory_space<hbm>> -> memref<2816xf32, #tpu.memory_space<hbm>>
      %dma_wait3A_323 = tpu.memref_slice %arg7[%mul3A_303] : memref<2883584xf32, #tpu.memory_space<hbm>> -> memref<2816xf32, #tpu.memory_space<hbm>>
      tpu.wait_dma2 semaphore(%arg30 : memref<!tpu.dma_semaphore, #tpu.memory_space<semaphore_mem>>) src(%dma_wait3A_323 : memref<2816xf32, #tpu.memory_space<hbm>>) dst(%arg25 : memref<2816xf32, #tpu.memory_space<vmem>>)
      %dma_wait3A_324 = tpu.memref_slice %arg8[%mul3A_303] : memref<2883584xf32, #tpu.memory_space<hbm>> -> memref<2816xf32, #tpu.memory_space<hbm>>
      %dma_wait3A_325 = tpu.memref_slice %arg8[%mul3A_303] : memref<2883584xf32, #tpu.memory_space<hbm>> -> memref<2816xf32, #tpu.memory_space<hbm>>
      tpu.wait_dma2 semaphore(%arg30 : memref<!tpu.dma_semaphore, #tpu.memory_space<semaphore_mem>>) src(%dma_wait3A_325 : memref<2816xf32, #tpu.memory_space<hbm>>) dst(%arg26 : memref<2816xf32, #tpu.memory_space<vmem>>)
      %add3A_326 = arith.constant 2 : i32
      %add3A_327 = arith.addi %mul3A_89, %add3A_326 : i32
      %lt3A_328 = arith.constant 16 : i32
      %lt3A_329 = arith.cmpi slt, %add3A_327, %lt3A_328 : i32
      %convert_element_type3A_330 = arith.extui %lt3A_329 : i1 to i32
      %cond3A_331 = arith.constant 0 : i32
      %cond3A_332 = arith.cmpi ne, %convert_element_type3A_330, %cond3A_331 : i32
      scf.if %cond3A_332 {
        %add3A_352 = arith.constant 2 : i32
        %add3A_353 = arith.addi %mul3A_89, %add3A_352 : i32
        %mul3A_354 = arith.constant 16 : i32
        %mul3A_355 = arith.muli %add3A, %mul3A_354 : i32
        %add3A_356 = arith.addi %mul3A_355, %add3A_353 : i32
        %add3A_357 = arith.constant 0 : i32
        %add3A_358 = arith.addi %add3A_357, %add3A_356 : i32
        %jit3A_359 = arith.constant 16 : i32
        %div3A_360 = arith.divsi %add3A_358, %jit3A_359 : i32
        %sign3A_361 = arith.constant 0 : i32
        %sign3A_362 = arith.cmpi sgt, %add3A_358, %sign3A_361 : i32
        %sign3A_363 = arith.extui %sign3A_362 : i1 to i32
        %sign3A_364 = arith.constant 0 : i32
        %sign3A_365 = arith.cmpi slt, %add3A_358, %sign3A_364 : i32
        %sign3A_366 = arith.extui %sign3A_365 : i1 to i32
        %sign3A_367 = arith.subi %sign3A_363, %sign3A_366 : i32
        %sign3A_368 = arith.constant 0 : i32
        %sign3A_369 = arith.cmpi sgt, %jit3A_359, %sign3A_368 : i32
        %sign3A_370 = arith.extui %sign3A_369 : i1 to i32
        %sign3A_371 = arith.constant 0 : i32
        %sign3A_372 = arith.cmpi slt, %jit3A_359, %sign3A_371 : i32
        %sign3A_373 = arith.extui %sign3A_372 : i1 to i32
        %sign3A_374 = arith.subi %sign3A_370, %sign3A_373 : i32
        %ne3A_375 = arith.cmpi ne, %sign3A_367, %sign3A_374 : i32
        %rem3A_376 = arith.remsi %add3A_358, %jit3A_359 : i32
        %ne3A_377 = arith.constant 0 : i32
        %ne3A_378 = arith.cmpi ne, %rem3A_376, %ne3A_377 : i32
        %and3A_379 = arith.andi %ne3A_375, %ne3A_378 : i1
        %sub3A_380 = arith.constant 1 : i32
        %sub3A_381 = arith.subi %div3A_360, %sub3A_380 : i32
        %select_n3A_382 = arith.select %and3A_379, %sub3A_381, %div3A_360 : i32
        %jit3A_383 = arith.constant 16 : i32
        %eq3A_384 = arith.constant 0 : i32
        %eq3A_385 = arith.cmpi eq, %jit3A_383, %eq3A_384 : i32
        %jit3A_386 = arith.constant 1 : i32
        %select_n3A_387 = arith.select %eq3A_385, %jit3A_386, %jit3A_383 : i32
        %rem3A_388 = arith.remsi %add3A_358, %select_n3A_387 : i32
        %ne3A_389 = arith.constant 0 : i32
        %ne3A_390 = arith.cmpi ne, %rem3A_388, %ne3A_389 : i32
        %lt3A_391 = arith.constant 0 : i32
        %lt3A_392 = arith.cmpi slt, %rem3A_388, %lt3A_391 : i32
        %lt3A_393 = arith.constant 0 : i32
        %lt3A_394 = arith.cmpi slt, %select_n3A_387, %lt3A_393 : i32
        %ne3A_395 = arith.xori %lt3A_392, %lt3A_394 : i1
        %and3A_396 = arith.andi %ne3A_395, %ne3A_390 : i1
        %add3A_397 = arith.addi %rem3A_388, %select_n3A_387 : i32
        %select_n3A_398 = arith.select %and3A_396, %add3A_397, %rem3A_388 : i32
        %mul3A_399 = arith.constant 32 : i32
        %mul3A_400 = arith.muli %select_n3A_398, %mul3A_399 : i32
        %min3A_401 = arith.constant 472 : i32
        %min3A_402 = arith.minsi %mul3A_400, %min3A_401 : i32
        %mul3A_403 = arith.constant 2816 : i32
        %mul3A_404 = arith.muli %add3A_358, %mul3A_403 : i32
        %dma_start3A_405 = arith.constant 0 : i32
        %dma_start3A_406 = tpu.memref_slice %arg2[%select_n3A_382, %min3A_402, %dma_start3A_405] : memref<64x512x512xf32, #tpu.memory_space<hbm>> -> memref<1x40x512xf32, #tpu.memory_space<hbm>>
        %dma_start3A_407 = tpu.memref_squeeze %dma_start3A_406 : memref<1x40x512xf32, #tpu.memory_space<hbm>> -> memref<40x512xf32, #tpu.memory_space<hbm>>
        %dma_start3A_408 = arith.constant 0 : i32
        %dma_start3A_409 = tpu.memref_slice %arg2[%select_n3A_382, %min3A_402, %dma_start3A_408] : memref<64x512x512xf32, #tpu.memory_space<hbm>> -> memref<1x40x512xf32, #tpu.memory_space<hbm>>
        %dma_start3A_410 = tpu.memref_squeeze %dma_start3A_409 : memref<1x40x512xf32, #tpu.memory_space<hbm>> -> memref<40x512xf32, #tpu.memory_space<hbm>>
        tpu.enqueue_dma source(%dma_start3A_410 : memref<40x512xf32, #tpu.memory_space<hbm>>) target(%arg11 : memref<40x512xf32, #tpu.memory_space<vmem>>) target_semaphore(%arg29 : memref<!tpu.dma_semaphore, #tpu.memory_space<semaphore_mem>>)
        %dma_start3A_411 = arith.constant 0 : i32
        %dma_start3A_412 = tpu.memref_slice %arg3[%select_n3A_382, %min3A_402, %dma_start3A_411] : memref<64x512x512xf32, #tpu.memory_space<hbm>> -> memref<1x40x512xf32, #tpu.memory_space<hbm>>
        %dma_start3A_413 = tpu.memref_squeeze %dma_start3A_412 : memref<1x40x512xf32, #tpu.memory_space<hbm>> -> memref<40x512xf32, #tpu.memory_space<hbm>>
        %dma_start3A_414 = arith.constant 0 : i32
        %dma_start3A_415 = tpu.memref_slice %arg3[%select_n3A_382, %min3A_402, %dma_start3A_414] : memref<64x512x512xf32, #tpu.memory_space<hbm>> -> memref<1x40x512xf32, #tpu.memory_space<hbm>>
        %dma_start3A_416 = tpu.memref_squeeze %dma_start3A_415 : memref<1x40x512xf32, #tpu.memory_space<hbm>> -> memref<40x512xf32, #tpu.memory_space<hbm>>
        tpu.enqueue_dma source(%dma_start3A_416 : memref<40x512xf32, #tpu.memory_space<hbm>>) target(%arg12 : memref<40x512xf32, #tpu.memory_space<vmem>>) target_semaphore(%arg29 : memref<!tpu.dma_semaphore, #tpu.memory_space<semaphore_mem>>)
        %dma_start3A_417 = tpu.memref_slice %arg4[%mul3A_404] : memref<2883584xi32, #tpu.memory_space<hbm>> -> memref<2816xi32, #tpu.memory_space<hbm>>
        %dma_start3A_418 = tpu.memref_slice %arg4[%mul3A_404] : memref<2883584xi32, #tpu.memory_space<hbm>> -> memref<2816xi32, #tpu.memory_space<hbm>>
        tpu.enqueue_dma source(%dma_start3A_418 : memref<2816xi32, #tpu.memory_space<hbm>>) target(%arg13 : memref<2816xi32, #tpu.memory_space<vmem>>) target_semaphore(%arg29 : memref<!tpu.dma_semaphore, #tpu.memory_space<semaphore_mem>>)
        %dma_start3A_419 = tpu.memref_slice %arg5[%mul3A_404] : memref<2883584xf32, #tpu.memory_space<hbm>> -> memref<2816xf32, #tpu.memory_space<hbm>>
        %dma_start3A_420 = tpu.memref_slice %arg5[%mul3A_404] : memref<2883584xf32, #tpu.memory_space<hbm>> -> memref<2816xf32, #tpu.memory_space<hbm>>
        tpu.enqueue_dma source(%dma_start3A_420 : memref<2816xf32, #tpu.memory_space<hbm>>) target(%arg14 : memref<2816xf32, #tpu.memory_space<vmem>>) target_semaphore(%arg29 : memref<!tpu.dma_semaphore, #tpu.memory_space<semaphore_mem>>)
        %dma_start3A_421 = tpu.memref_slice %arg6[%mul3A_404] : memref<2883584xf32, #tpu.memory_space<hbm>> -> memref<2816xf32, #tpu.memory_space<hbm>>
        %dma_start3A_422 = tpu.memref_slice %arg6[%mul3A_404] : memref<2883584xf32, #tpu.memory_space<hbm>> -> memref<2816xf32, #tpu.memory_space<hbm>>
        tpu.enqueue_dma source(%dma_start3A_422 : memref<2816xf32, #tpu.memory_space<hbm>>) target(%arg15 : memref<2816xf32, #tpu.memory_space<vmem>>) target_semaphore(%arg29 : memref<!tpu.dma_semaphore, #tpu.memory_space<semaphore_mem>>)
        %dma_start3A_423 = tpu.memref_slice %arg7[%mul3A_404] : memref<2883584xf32, #tpu.memory_space<hbm>> -> memref<2816xf32, #tpu.memory_space<hbm>>
        %dma_start3A_424 = tpu.memref_slice %arg7[%mul3A_404] : memref<2883584xf32, #tpu.memory_space<hbm>> -> memref<2816xf32, #tpu.memory_space<hbm>>
        tpu.enqueue_dma source(%dma_start3A_424 : memref<2816xf32, #tpu.memory_space<hbm>>) target(%arg16 : memref<2816xf32, #tpu.memory_space<vmem>>) target_semaphore(%arg29 : memref<!tpu.dma_semaphore, #tpu.memory_space<semaphore_mem>>)
        %dma_start3A_425 = tpu.memref_slice %arg8[%mul3A_404] : memref<2883584xf32, #tpu.memory_space<hbm>> -> memref<2816xf32, #tpu.memory_space<hbm>>
        %dma_start3A_426 = tpu.memref_slice %arg8[%mul3A_404] : memref<2883584xf32, #tpu.memory_space<hbm>> -> memref<2816xf32, #tpu.memory_space<hbm>>
        tpu.enqueue_dma source(%dma_start3A_426 : memref<2816xf32, #tpu.memory_space<hbm>>) target(%arg17 : memref<2816xf32, #tpu.memory_space<vmem>>) target_semaphore(%arg29 : memref<!tpu.dma_semaphore, #tpu.memory_space<semaphore_mem>>)
      } else {
      }
      %gt3A_333 = arith.constant 0 : i32
      %gt3A_334 = arith.cmpi sgt, %scan3A_87, %gt3A_333 : i32
      %convert_element_type3A_335 = arith.extui %gt3A_334 : i1 to i32
      %cond3A_336 = arith.constant 0 : i32
      %cond3A_337 = arith.cmpi ne, %convert_element_type3A_335, %cond3A_336 : i32
      scf.if %cond3A_337 {
        %add3A_352 = arith.constant 1 : i32
        %add3A_353 = arith.addi %mul3A_89, %add3A_352 : i32
        %mul3A_354 = arith.constant 16 : i32
        %mul3A_355 = arith.muli %add3A, %mul3A_354 : i32
        %add3A_356 = arith.addi %mul3A_355, %add3A_353 : i32
        %mul3A_357 = arith.constant 2816 : i32
        %mul3A_358 = arith.muli %add3A_356, %mul3A_357 : i32
        %dma_wait3A_359 = tpu.memref_slice %arg9[%mul3A_358] : memref<1441792xf32, #tpu.memory_space<hbm>> -> memref<2816xf32, #tpu.memory_space<hbm>>
        %dma_wait3A_360 = tpu.memref_slice %arg9[%mul3A_358] : memref<1441792xf32, #tpu.memory_space<hbm>> -> memref<2816xf32, #tpu.memory_space<hbm>>
        tpu.wait_dma2 semaphore(%arg32 : memref<!tpu.dma_semaphore, #tpu.memory_space<semaphore_mem>>) src(%arg27 : memref<2816xf32, #tpu.memory_space<vmem>>) dst(%dma_wait3A_360 : memref<2816xf32, #tpu.memory_space<hbm>>)
        %dma_wait3A_361 = tpu.memref_slice %arg10[%mul3A_358] : memref<1441792xf32, #tpu.memory_space<hbm>> -> memref<2816xf32, #tpu.memory_space<hbm>>
        %dma_wait3A_362 = tpu.memref_slice %arg10[%mul3A_358] : memref<1441792xf32, #tpu.memory_space<hbm>> -> memref<2816xf32, #tpu.memory_space<hbm>>
        tpu.wait_dma2 semaphore(%arg32 : memref<!tpu.dma_semaphore, #tpu.memory_space<semaphore_mem>>) src(%arg28 : memref<2816xf32, #tpu.memory_space<vmem>>) dst(%dma_wait3A_362 : memref<2816xf32, #tpu.memory_space<hbm>>)
      } else {
      }
      %parallel_loop3A_338 = arith.constant 0 : i32
      %parallel_loop3A_339 = arith.constant 176 : i32
      %parallel_loop3A_340 = arith.constant 1 : i32
      scf.for %parallel_loop3A_352 = %parallel_loop3A_338 to %parallel_loop3A_339 step %parallel_loop3A_340  : i32 {
        %parallel_loop3A_353 = arith.constant 16 : i32
        %parallel_loop3A_354 = arith.muli %parallel_loop3A_352, %parallel_loop3A_353 : i32
        %parallel_loop3A_355 = arith.index_cast %parallel_loop3A_354 : i32 to index
        %parallel_loop3A_356 = tpu.vector_load %arg22[%parallel_loop3A_355] {strides = array<i32>} : memref<2816xi32, #tpu.memory_space<vmem>>, vector<16xi32>,
        %parallel_loop3A_357 = arith.constant 9 : i32
        %parallel_loop3A_358 = vector.broadcast %parallel_loop3A_357 : i32 to vector<16xi32>
        %parallel_loop3A_359 = arith.shrui %parallel_loop3A_356, %parallel_loop3A_358 : vector<16xi32>
        %parallel_loop3A_360 = arith.constant 511 : i32
        %parallel_loop3A_361 = vector.broadcast %parallel_loop3A_360 : i32 to vector<16xi32>
        %parallel_loop3A_362 = arith.andi %parallel_loop3A_356, %parallel_loop3A_361 : vector<16xi32>
        %parallel_loop3A_363 = arith.constant 1 : i32
        %parallel_loop3A_364 = vector.broadcast %parallel_loop3A_363 : i32 to vector<16xi32>
        %parallel_loop3A_365 = arith.addi %parallel_loop3A_359, %parallel_loop3A_364 : vector<16xi32>
        %parallel_loop3A_366 = arith.constant 1 : i32
        %parallel_loop3A_367 = vector.broadcast %parallel_loop3A_366 : i32 to vector<16xi32>
        %parallel_loop3A_368 = arith.addi %parallel_loop3A_362, %parallel_loop3A_367 : vector<16xi32>
        %parallel_loop3A_369 = arith.index_cast %parallel_loop3A_354 : i32 to index
        %parallel_loop3A_370 = tpu.vector_load %arg23[%parallel_loop3A_369] {strides = array<i32>} : memref<2816xf32, #tpu.memory_space<vmem>>, vector<16xf32>,
        %parallel_loop3A_371 = arith.index_cast %parallel_loop3A_354 : i32 to index
        %parallel_loop3A_372 = tpu.vector_load %arg24[%parallel_loop3A_371] {strides = array<i32>} : memref<2816xf32, #tpu.memory_space<vmem>>, vector<16xf32>,
        %parallel_loop3A_373 = arith.index_cast %parallel_loop3A_354 : i32 to index
        %parallel_loop3A_374 = tpu.vector_load %arg25[%parallel_loop3A_373] {strides = array<i32>} : memref<2816xf32, #tpu.memory_space<vmem>>, vector<16xf32>,
        %parallel_loop3A_375 = arith.index_cast %parallel_loop3A_354 : i32 to index
        %parallel_loop3A_376 = tpu.vector_load %arg26[%parallel_loop3A_375] {strides = array<i32>} : memref<2816xf32, #tpu.memory_space<vmem>>, vector<16xf32>,
        %parallel_loop3A_377 = tpu.vector_load_idx %arg20[%parallel_loop3A_359, %parallel_loop3A_362] : memref<40x512xf32, #tpu.memory_space<vmem>>[vector<16xi32>, vector<16xi32>], vector<16xf32>,
        %parallel_loop3A_378 = arith.mulf %parallel_loop3A_377, %parallel_loop3A_370 : vector<16xf32>
        %parallel_loop3A_379 = tpu.vector_load_idx %arg20[%parallel_loop3A_359, %parallel_loop3A_368] : memref<40x512xf32, #tpu.memory_space<vmem>>[vector<16xi32>, vector<16xi32>], vector<16xf32>,
        %parallel_loop3A_380 = arith.mulf %parallel_loop3A_379, %parallel_loop3A_372 : vector<16xf32>
        %parallel_loop3A_381 = arith.addf %parallel_loop3A_378, %parallel_loop3A_380 : vector<16xf32>
        %parallel_loop3A_382 = tpu.vector_load_idx %arg20[%parallel_loop3A_365, %parallel_loop3A_362] : memref<40x512xf32, #tpu.memory_space<vmem>>[vector<16xi32>, vector<16xi32>], vector<16xf32>,
        %parallel_loop3A_383 = arith.mulf %parallel_loop3A_382, %parallel_loop3A_374 : vector<16xf32>
        %parallel_loop3A_384 = arith.addf %parallel_loop3A_381, %parallel_loop3A_383 : vector<16xf32>
        %parallel_loop3A_385 = tpu.vector_load_idx %arg20[%parallel_loop3A_365, %parallel_loop3A_368] : memref<40x512xf32, #tpu.memory_space<vmem>>[vector<16xi32>, vector<16xi32>], vector<16xf32>,
        %parallel_loop3A_386 = arith.mulf %parallel_loop3A_385, %parallel_loop3A_376 : vector<16xf32>
        %parallel_loop3A_387 = arith.addf %parallel_loop3A_384, %parallel_loop3A_386 : vector<16xf32>
        %parallel_loop3A_388 = arith.index_cast %parallel_loop3A_354 : i32 to index
        %parallel_loop3A_389 = tpu.vector_load %arg27[%parallel_loop3A_388] {strides = array<i32>} : memref<2816xf32, #tpu.memory_space<vmem>>, vector<16xf32>,
        tpu.vector_store %arg27[%parallel_loop3A_388], %parallel_loop3A_387 {strides = array<i32>} : memref<2816xf32, #tpu.memory_space<vmem>>, vector<16xf32>,
        %parallel_loop3A_390 = tpu.vector_load_idx %arg21[%parallel_loop3A_359, %parallel_loop3A_362] : memref<40x512xf32, #tpu.memory_space<vmem>>[vector<16xi32>, vector<16xi32>], vector<16xf32>,
        %parallel_loop3A_391 = arith.mulf %parallel_loop3A_390, %parallel_loop3A_370 : vector<16xf32>
        %parallel_loop3A_392 = tpu.vector_load_idx %arg21[%parallel_loop3A_359, %parallel_loop3A_368] : memref<40x512xf32, #tpu.memory_space<vmem>>[vector<16xi32>, vector<16xi32>], vector<16xf32>,
        %parallel_loop3A_393 = arith.mulf %parallel_loop3A_392, %parallel_loop3A_372 : vector<16xf32>
        %parallel_loop3A_394 = arith.addf %parallel_loop3A_391, %parallel_loop3A_393 : vector<16xf32>
        %parallel_loop3A_395 = tpu.vector_load_idx %arg21[%parallel_loop3A_365, %parallel_loop3A_362] : memref<40x512xf32, #tpu.memory_space<vmem>>[vector<16xi32>, vector<16xi32>], vector<16xf32>,
        %parallel_loop3A_396 = arith.mulf %parallel_loop3A_395, %parallel_loop3A_374 : vector<16xf32>
        %parallel_loop3A_397 = arith.addf %parallel_loop3A_394, %parallel_loop3A_396 : vector<16xf32>
        %parallel_loop3A_398 = tpu.vector_load_idx %arg21[%parallel_loop3A_365, %parallel_loop3A_368] : memref<40x512xf32, #tpu.memory_space<vmem>>[vector<16xi32>, vector<16xi32>], vector<16xf32>,
        %parallel_loop3A_399 = arith.mulf %parallel_loop3A_398, %parallel_loop3A_376 : vector<16xf32>
        %parallel_loop3A_400 = arith.addf %parallel_loop3A_397, %parallel_loop3A_399 : vector<16xf32>
        %parallel_loop3A_401 = arith.index_cast %parallel_loop3A_354 : i32 to index
        %parallel_loop3A_402 = tpu.vector_load %arg28[%parallel_loop3A_401] {strides = array<i32>} : memref<2816xf32, #tpu.memory_space<vmem>>, vector<16xf32>,
        tpu.vector_store %arg28[%parallel_loop3A_401], %parallel_loop3A_400 {strides = array<i32>} : memref<2816xf32, #tpu.memory_space<vmem>>, vector<16xf32>,
      } {sc.loop_unroll_factor = 4 : i64, sc.parallel_access}
      %add3A_341 = arith.constant 1 : i32
      %add3A_342 = arith.addi %mul3A_89, %add3A_341 : i32
      %mul3A_343 = arith.constant 16 : i32
      %mul3A_344 = arith.muli %add3A, %mul3A_343 : i32
      %add3A_345 = arith.addi %mul3A_344, %add3A_342 : i32
      %mul3A_346 = arith.constant 2816 : i32
      %mul3A_347 = arith.muli %add3A_345, %mul3A_346 : i32
      %dma_start3A_348 = tpu.memref_slice %arg9[%mul3A_347] : memref<1441792xf32, #tpu.memory_space<hbm>> -> memref<2816xf32, #tpu.memory_space<hbm>>
      %dma_start3A_349 = tpu.memref_slice %arg9[%mul3A_347] : memref<1441792xf32, #tpu.memory_space<hbm>> -> memref<2816xf32, #tpu.memory_space<hbm>>
      tpu.enqueue_dma source(%arg27 : memref<2816xf32, #tpu.memory_space<vmem>>) target(%dma_start3A_349 : memref<2816xf32, #tpu.memory_space<hbm>>) target_semaphore(%arg32 : memref<!tpu.dma_semaphore, #tpu.memory_space<semaphore_mem>>)
      %dma_start3A_350 = tpu.memref_slice %arg10[%mul3A_347] : memref<1441792xf32, #tpu.memory_space<hbm>> -> memref<2816xf32, #tpu.memory_space<hbm>>
      %dma_start3A_351 = tpu.memref_slice %arg10[%mul3A_347] : memref<1441792xf32, #tpu.memory_space<hbm>> -> memref<2816xf32, #tpu.memory_space<hbm>>
      tpu.enqueue_dma source(%arg28 : memref<2816xf32, #tpu.memory_space<vmem>>) target(%dma_start3A_351 : memref<2816xf32, #tpu.memory_space<hbm>>) target_semaphore(%arg32 : memref<!tpu.dma_semaphore, #tpu.memory_space<semaphore_mem>>)
    }
    %scan3A_67 = arith.constant 8 : i32
    %mul3A_68 = arith.constant 16 : i32
    %mul3A_69 = arith.muli %add3A, %mul3A_68 : i32
    %add3A_70 = arith.constant 14 : i32
    %add3A_71 = arith.addi %mul3A_69, %add3A_70 : i32
    %mul3A_72 = arith.constant 2816 : i32
    %mul3A_73 = arith.muli %add3A_71, %mul3A_72 : i32
    %dma_wait3A = tpu.memref_slice %arg9[%mul3A_73] : memref<1441792xf32, #tpu.memory_space<hbm>> -> memref<2816xf32, #tpu.memory_space<hbm>>
    %dma_wait3A_74 = tpu.memref_slice %arg9[%mul3A_73] : memref<1441792xf32, #tpu.memory_space<hbm>> -> memref<2816xf32, #tpu.memory_space<hbm>>
    tpu.wait_dma2 semaphore(%arg31 : memref<!tpu.dma_semaphore, #tpu.memory_space<semaphore_mem>>) src(%arg18 : memref<2816xf32, #tpu.memory_space<vmem>>) dst(%dma_wait3A_74 : memref<2816xf32, #tpu.memory_space<hbm>>)
    %dma_wait3A_75 = tpu.memref_slice %arg10[%mul3A_73] : memref<1441792xf32, #tpu.memory_space<hbm>> -> memref<2816xf32, #tpu.memory_space<hbm>>
    %dma_wait3A_76 = tpu.memref_slice %arg10[%mul3A_73] : memref<1441792xf32, #tpu.memory_space<hbm>> -> memref<2816xf32, #tpu.memory_space<hbm>>
    tpu.wait_dma2 semaphore(%arg31 : memref<!tpu.dma_semaphore, #tpu.memory_space<semaphore_mem>>) src(%arg19 : memref<2816xf32, #tpu.memory_space<vmem>>) dst(%dma_wait3A_76 : memref<2816xf32, #tpu.memory_space<hbm>>)
    %mul3A_77 = arith.constant 16 : i32
    %mul3A_78 = arith.muli %add3A, %mul3A_77 : i32
    %add3A_79 = arith.constant 15 : i32
    %add3A_80 = arith.addi %mul3A_78, %add3A_79 : i32
    %mul3A_81 = arith.constant 2816 : i32
    %mul3A_82 = arith.muli %add3A_80, %mul3A_81 : i32
    %dma_wait3A_83 = tpu.memref_slice %arg9[%mul3A_82] : memref<1441792xf32, #tpu.memory_space<hbm>> -> memref<2816xf32, #tpu.memory_space<hbm>>
    %dma_wait3A_84 = tpu.memref_slice %arg9[%mul3A_82] : memref<1441792xf32, #tpu.memory_space<hbm>> -> memref<2816xf32, #tpu.memory_space<hbm>>
    tpu.wait_dma2 semaphore(%arg32 : memref<!tpu.dma_semaphore, #tpu.memory_space<semaphore_mem>>) src(%arg27 : memref<2816xf32, #tpu.memory_space<vmem>>) dst(%dma_wait3A_84 : memref<2816xf32, #tpu.memory_space<hbm>>)
    %dma_wait3A_85 = tpu.memref_slice %arg10[%mul3A_82] : memref<1441792xf32, #tpu.memory_space<hbm>> -> memref<2816xf32, #tpu.memory_space<hbm>>
    %dma_wait3A_86 = tpu.memref_slice %arg10[%mul3A_82] : memref<1441792xf32, #tpu.memory_space<hbm>> -> memref<2816xf32, #tpu.memory_space<hbm>>
    tpu.wait_dma2 semaphore(%arg32 : memref<!tpu.dma_semaphore, #tpu.memory_space<semaphore_mem>>) src(%arg28 : memref<2816xf32, #tpu.memory_space<vmem>>) dst(%dma_wait3A_86 : memref<2816xf32, #tpu.memory_space<hbm>>)
    return
  }
}

#map = affine_map<(d0, d1) -> (0, 0, 0)>
#map1 = affine_map<(d0, d1) -> (0)>
module attributes {stable_mosaic.version = 14 : i64} {
  func.func @_sc_sample_body(%arg0: i32, %arg1: i32, %arg2: memref<64x512x512xf32, #tpu.memory_space<hbm>>, %arg3: memref<64x512x512xf32, #tpu.memory_space<hbm>>, %arg4: memref<2883584xi32, #tpu.memory_space<hbm>>, %arg5: memref<2883584xf32, #tpu.memory_space<hbm>>, %arg6: memref<2883584xf32, #tpu.memory_space<hbm>>, %arg7: memref<2883584xf32, #tpu.memory_space<hbm>>, %arg8: memref<2883584xf32, #tpu.memory_space<hbm>>, %arg9: memref<1441792xf32, #tpu.memory_space<hbm>>, %arg10: memref<1441792xf32, #tpu.memory_space<hbm>>, %arg11: memref<40x512xf32, #tpu.memory_space<vmem>>, %arg12: memref<40x512xf32, #tpu.memory_space<vmem>>, %arg13: memref<2816xi32, #tpu.memory_space<vmem>>, %arg14: memref<2816xf32, #tpu.memory_space<vmem>>, %arg15: memref<2816xf32, #tpu.memory_space<vmem>>, %arg16: memref<2816xf32, #tpu.memory_space<vmem>>, %arg17: memref<2816xf32, #tpu.memory_space<vmem>>, %arg18: memref<2816xf32, #tpu.memory_space<vmem>>, %arg19: memref<2816xf32, #tpu.memory_space<vmem>>, %arg20: memref<40x512xf32, #tpu.memory_space<vmem>>, %arg21: memref<40x512xf32, #tpu.memory_space<vmem>>, %arg22: memref<2816xi32, #tpu.memory_space<vmem>>, %arg23: memref<2816xf32, #tpu.memory_space<vmem>>, %arg24: memref<2816xf32, #tpu.memory_space<vmem>>, %arg25: memref<2816xf32, #tpu.memory_space<vmem>>, %arg26: memref<2816xf32, #tpu.memory_space<vmem>>, %arg27: memref<2816xf32, #tpu.memory_space<vmem>>, %arg28: memref<2816xf32, #tpu.memory_space<vmem>>, %arg29: memref<!tpu.dma_semaphore, #tpu.memory_space<semaphore_mem>>, %arg30: memref<!tpu.dma_semaphore, #tpu.memory_space<semaphore_mem>>, %arg31: memref<!tpu.dma_semaphore, #tpu.memory_space<semaphore_mem>>, %arg32: memref<!tpu.dma_semaphore, #tpu.memory_space<semaphore_mem>>) attributes {dimension_semantics = [#tpu.dimension_semantics<core_parallel>, #tpu.dimension_semantics<subcore_parallel>], iteration_bounds = array<i64: 2, 16>, scalar_prefetch = 0 : i64, scratch_operands = 22 : i64, tpu.core_type = #tpu.core_type<sc_vector_subcore>, window_params = [{transform_indices = #map}, {transform_indices = #map}, {transform_indices = #map1}, {transform_indices = #map1}, {transform_indices = #map1}, {transform_indices = #map1}, {transform_indices = #map1}, {transform_indices = #map1}, {transform_indices = #map1}]} {
    %mul3A = arith.constant 2 : i32
    %mul3A_0 = arith.muli %arg1, %mul3A : i32
    %add3A = arith.addi %mul3A_0, %arg0 : i32
    %mul3A_1 = arith.constant 16 : i32
    %mul3A_2 = arith.muli %add3A, %mul3A_1 : i32
    %add3A_3 = arith.constant 0 : i32
    %add3A_4 = arith.addi %mul3A_2, %add3A_3 : i32
    %add3A_5 = arith.constant 512 : i32
    %add3A_6 = arith.addi %add3A_5, %add3A_4 : i32
    %jit3A = arith.constant 16 : i32
    %div3A = arith.divsi %add3A_6, %jit3A : i32
    %sign3A = arith.constant 0 : i32
    %sign3A_7 = arith.cmpi sgt, %add3A_6, %sign3A : i32
    %sign3A_8 = arith.extui %sign3A_7 : i1 to i32
    %sign3A_9 = arith.constant 0 : i32
    %sign3A_10 = arith.cmpi slt, %add3A_6, %sign3A_9 : i32
    %sign3A_11 = arith.extui %sign3A_10 : i1 to i32
    %sign3A_12 = arith.subi %sign3A_8, %sign3A_11 : i32
    %sign3A_13 = arith.constant 0 : i32
    %sign3A_14 = arith.cmpi sgt, %jit3A, %sign3A_13 : i32
    %sign3A_15 = arith.extui %sign3A_14 : i1 to i32
    %sign3A_16 = arith.constant 0 : i32
    %sign3A_17 = arith.cmpi slt, %jit3A, %sign3A_16 : i32
    %sign3A_18 = arith.extui %sign3A_17 : i1 to i32
    %sign3A_19 = arith.subi %sign3A_15, %sign3A_18 : i32
    %ne3A = arith.cmpi ne, %sign3A_12, %sign3A_19 : i32
    %rem3A = arith.remsi %add3A_6, %jit3A : i32
    %ne3A_20 = arith.constant 0 : i32
    %ne3A_21 = arith.cmpi ne, %rem3A, %ne3A_20 : i32
    %and3A = arith.andi %ne3A, %ne3A_21 : i1
    %sub3A = arith.constant 1 : i32
    %sub3A_22 = arith.subi %div3A, %sub3A : i32
    %select_n3A = arith.select %and3A, %sub3A_22, %div3A : i32
    %jit3A_23 = arith.constant 16 : i32
    %eq3A = arith.constant 0 : i32
    %eq3A_24 = arith.cmpi eq, %jit3A_23, %eq3A : i32
    %jit3A_25 = arith.constant 1 : i32
    %select_n3A_26 = arith.select %eq3A_24, %jit3A_25, %jit3A_23 : i32
    %rem3A_27 = arith.remsi %add3A_6, %select_n3A_26 : i32
    %ne3A_28 = arith.constant 0 : i32
    %ne3A_29 = arith.cmpi ne, %rem3A_27, %ne3A_28 : i32
    %lt3A = arith.constant 0 : i32
    %lt3A_30 = arith.cmpi slt, %rem3A_27, %lt3A : i32
    %lt3A_31 = arith.constant 0 : i32
    %lt3A_32 = arith.cmpi slt, %select_n3A_26, %lt3A_31 : i32
    %ne3A_33 = arith.xori %lt3A_30, %lt3A_32 : i1
    %and3A_34 = arith.andi %ne3A_33, %ne3A_29 : i1
    %add3A_35 = arith.addi %rem3A_27, %select_n3A_26 : i32
    %select_n3A_36 = arith.select %and3A_34, %add3A_35, %rem3A_27 : i32
    %mul3A_37 = arith.constant 32 : i32
    %mul3A_38 = arith.muli %select_n3A_36, %mul3A_37 : i32
    %min3A = arith.constant 472 : i32
    %min3A_39 = arith.minsi %mul3A_38, %min3A : i32
    %mul3A_40 = arith.constant 2816 : i32
    %mul3A_41 = arith.muli %add3A_6, %mul3A_40 : i32
    %dma_start3A = arith.constant 0 : i32
    %dma_start3A_42 = tpu.memref_slice %arg2[%select_n3A, %min3A_39, %dma_start3A] : memref<64x512x512xf32, #tpu.memory_space<hbm>> -> memref<1x40x512xf32, #tpu.memory_space<hbm>>
    %dma_start3A_43 = tpu.memref_squeeze %dma_start3A_42 : memref<1x40x512xf32, #tpu.memory_space<hbm>> -> memref<40x512xf32, #tpu.memory_space<hbm>>
    %dma_start3A_44 = arith.constant 0 : i32
    %dma_start3A_45 = tpu.memref_slice %arg2[%select_n3A, %min3A_39, %dma_start3A_44] : memref<64x512x512xf32, #tpu.memory_space<hbm>> -> memref<1x40x512xf32, #tpu.memory_space<hbm>>
    %dma_start3A_46 = tpu.memref_squeeze %dma_start3A_45 : memref<1x40x512xf32, #tpu.memory_space<hbm>> -> memref<40x512xf32, #tpu.memory_space<hbm>>
    tpu.enqueue_dma source(%dma_start3A_46 : memref<40x512xf32, #tpu.memory_space<hbm>>) target(%arg11 : memref<40x512xf32, #tpu.memory_space<vmem>>) target_semaphore(%arg29 : memref<!tpu.dma_semaphore, #tpu.memory_space<semaphore_mem>>)
    %dma_start3A_47 = arith.constant 0 : i32
    %dma_start3A_48 = tpu.memref_slice %arg3[%select_n3A, %min3A_39, %dma_start3A_47] : memref<64x512x512xf32, #tpu.memory_space<hbm>> -> memref<1x40x512xf32, #tpu.memory_space<hbm>>
    %dma_start3A_49 = tpu.memref_squeeze %dma_start3A_48 : memref<1x40x512xf32, #tpu.memory_space<hbm>> -> memref<40x512xf32, #tpu.memory_space<hbm>>
    %dma_start3A_50 = arith.constant 0 : i32
    %dma_start3A_51 = tpu.memref_slice %arg3[%select_n3A, %min3A_39, %dma_start3A_50] : memref<64x512x512xf32, #tpu.memory_space<hbm>> -> memref<1x40x512xf32, #tpu.memory_space<hbm>>
    %dma_start3A_52 = tpu.memref_squeeze %dma_start3A_51 : memref<1x40x512xf32, #tpu.memory_space<hbm>> -> memref<40x512xf32, #tpu.memory_space<hbm>>
    tpu.enqueue_dma source(%dma_start3A_52 : memref<40x512xf32, #tpu.memory_space<hbm>>) target(%arg12 : memref<40x512xf32, #tpu.memory_space<vmem>>) target_semaphore(%arg29 : memref<!tpu.dma_semaphore, #tpu.memory_space<semaphore_mem>>)
    %dma_start3A_53 = tpu.memref_slice %arg4[%mul3A_41] : memref<2883584xi32, #tpu.memory_space<hbm>> -> memref<2816xi32, #tpu.memory_space<hbm>>
    %dma_start3A_54 = tpu.memref_slice %arg4[%mul3A_41] : memref<2883584xi32, #tpu.memory_space<hbm>> -> memref<2816xi32, #tpu.memory_space<hbm>>
    tpu.enqueue_dma source(%dma_start3A_54 : memref<2816xi32, #tpu.memory_space<hbm>>) target(%arg13 : memref<2816xi32, #tpu.memory_space<vmem>>) target_semaphore(%arg29 : memref<!tpu.dma_semaphore, #tpu.memory_space<semaphore_mem>>)
    %dma_start3A_55 = tpu.memref_slice %arg5[%mul3A_41] : memref<2883584xf32, #tpu.memory_space<hbm>> -> memref<2816xf32, #tpu.memory_space<hbm>>
    %dma_start3A_56 = tpu.memref_slice %arg5[%mul3A_41] : memref<2883584xf32, #tpu.memory_space<hbm>> -> memref<2816xf32, #tpu.memory_space<hbm>>
    tpu.enqueue_dma source(%dma_start3A_56 : memref<2816xf32, #tpu.memory_space<hbm>>) target(%arg14 : memref<2816xf32, #tpu.memory_space<vmem>>) target_semaphore(%arg29 : memref<!tpu.dma_semaphore, #tpu.memory_space<semaphore_mem>>)
    %dma_start3A_57 = tpu.memref_slice %arg6[%mul3A_41] : memref<2883584xf32, #tpu.memory_space<hbm>> -> memref<2816xf32, #tpu.memory_space<hbm>>
    %dma_start3A_58 = tpu.memref_slice %arg6[%mul3A_41] : memref<2883584xf32, #tpu.memory_space<hbm>> -> memref<2816xf32, #tpu.memory_space<hbm>>
    tpu.enqueue_dma source(%dma_start3A_58 : memref<2816xf32, #tpu.memory_space<hbm>>) target(%arg15 : memref<2816xf32, #tpu.memory_space<vmem>>) target_semaphore(%arg29 : memref<!tpu.dma_semaphore, #tpu.memory_space<semaphore_mem>>)
    %dma_start3A_59 = tpu.memref_slice %arg7[%mul3A_41] : memref<2883584xf32, #tpu.memory_space<hbm>> -> memref<2816xf32, #tpu.memory_space<hbm>>
    %dma_start3A_60 = tpu.memref_slice %arg7[%mul3A_41] : memref<2883584xf32, #tpu.memory_space<hbm>> -> memref<2816xf32, #tpu.memory_space<hbm>>
    tpu.enqueue_dma source(%dma_start3A_60 : memref<2816xf32, #tpu.memory_space<hbm>>) target(%arg16 : memref<2816xf32, #tpu.memory_space<vmem>>) target_semaphore(%arg29 : memref<!tpu.dma_semaphore, #tpu.memory_space<semaphore_mem>>)
    %dma_start3A_61 = tpu.memref_slice %arg8[%mul3A_41] : memref<2883584xf32, #tpu.memory_space<hbm>> -> memref<2816xf32, #tpu.memory_space<hbm>>
    %dma_start3A_62 = tpu.memref_slice %arg8[%mul3A_41] : memref<2883584xf32, #tpu.memory_space<hbm>> -> memref<2816xf32, #tpu.memory_space<hbm>>
    tpu.enqueue_dma source(%dma_start3A_62 : memref<2816xf32, #tpu.memory_space<hbm>>) target(%arg17 : memref<2816xf32, #tpu.memory_space<vmem>>) target_semaphore(%arg29 : memref<!tpu.dma_semaphore, #tpu.memory_space<semaphore_mem>>)
    %scan3A = arith.constant 0 : i32
    %scan3A_63 = arith.constant 0 : i32
    %scan3A_64 = arith.constant 8 : i32
    %scan3A_65 = arith.addi %scan3A_63, %scan3A_64 : i32
    %scan3A_66 = arith.constant 1 : i32
    scf.for %scan3A_87 = %scan3A_63 to %scan3A_65 step %scan3A_66  : i32 {
      %mul3A_88 = arith.constant 2 : i32
      %mul3A_89 = arith.muli %scan3A_87, %mul3A_88 : i32
      %mul3A_90 = arith.constant 16 : i32
      %mul3A_91 = arith.muli %add3A, %mul3A_90 : i32
      %add3A_92 = arith.addi %mul3A_91, %mul3A_89 : i32
      %add3A_93 = arith.constant 512 : i32
      %add3A_94 = arith.addi %add3A_93, %add3A_92 : i32
      %jit3A_95 = arith.constant 16 : i32
      %div3A_96 = arith.divsi %add3A_94, %jit3A_95 : i32
      %sign3A_97 = arith.constant 0 : i32
      %sign3A_98 = arith.cmpi sgt, %add3A_94, %sign3A_97 : i32
      %sign3A_99 = arith.extui %sign3A_98 : i1 to i32
      %sign3A_100 = arith.constant 0 : i32
      %sign3A_101 = arith.cmpi slt, %add3A_94, %sign3A_100 : i32
      %sign3A_102 = arith.extui %sign3A_101 : i1 to i32
      %sign3A_103 = arith.subi %sign3A_99, %sign3A_102 : i32
      %sign3A_104 = arith.constant 0 : i32
      %sign3A_105 = arith.cmpi sgt, %jit3A_95, %sign3A_104 : i32
      %sign3A_106 = arith.extui %sign3A_105 : i1 to i32
      %sign3A_107 = arith.constant 0 : i32
      %sign3A_108 = arith.cmpi slt, %jit3A_95, %sign3A_107 : i32
      %sign3A_109 = arith.extui %sign3A_108 : i1 to i32
      %sign3A_110 = arith.subi %sign3A_106, %sign3A_109 : i32
      %ne3A_111 = arith.cmpi ne, %sign3A_103, %sign3A_110 : i32
      %rem3A_112 = arith.remsi %add3A_94, %jit3A_95 : i32
      %ne3A_113 = arith.constant 0 : i32
      %ne3A_114 = arith.cmpi ne, %rem3A_112, %ne3A_113 : i32
      %and3A_115 = arith.andi %ne3A_111, %ne3A_114 : i1
      %sub3A_116 = arith.constant 1 : i32
      %sub3A_117 = arith.subi %div3A_96, %sub3A_116 : i32
      %select_n3A_118 = arith.select %and3A_115, %sub3A_117, %div3A_96 : i32
      %jit3A_119 = arith.constant 16 : i32
      %eq3A_120 = arith.constant 0 : i32
      %eq3A_121 = arith.cmpi eq, %jit3A_119, %eq3A_120 : i32
      %jit3A_122 = arith.constant 1 : i32
      %select_n3A_123 = arith.select %eq3A_121, %jit3A_122, %jit3A_119 : i32
      %rem3A_124 = arith.remsi %add3A_94, %select_n3A_123 : i32
      %ne3A_125 = arith.constant 0 : i32
      %ne3A_126 = arith.cmpi ne, %rem3A_124, %ne3A_125 : i32
      %lt3A_127 = arith.constant 0 : i32
      %lt3A_128 = arith.cmpi slt, %rem3A_124, %lt3A_127 : i32
      %lt3A_129 = arith.constant 0 : i32
      %lt3A_130 = arith.cmpi slt, %select_n3A_123, %lt3A_129 : i32
      %ne3A_131 = arith.xori %lt3A_128, %lt3A_130 : i1
      %and3A_132 = arith.andi %ne3A_131, %ne3A_126 : i1
      %add3A_133 = arith.addi %rem3A_124, %select_n3A_123 : i32
      %select_n3A_134 = arith.select %and3A_132, %add3A_133, %rem3A_124 : i32
      %mul3A_135 = arith.constant 32 : i32
      %mul3A_136 = arith.muli %select_n3A_134, %mul3A_135 : i32
      %min3A_137 = arith.constant 472 : i32
      %min3A_138 = arith.minsi %mul3A_136, %min3A_137 : i32
      %mul3A_139 = arith.constant 2816 : i32
      %mul3A_140 = arith.muli %add3A_94, %mul3A_139 : i32
      %dma_wait3A_141 = arith.constant 0 : i32
      %dma_wait3A_142 = tpu.memref_slice %arg2[%select_n3A_118, %min3A_138, %dma_wait3A_141] : memref<64x512x512xf32, #tpu.memory_space<hbm>> -> memref<1x40x512xf32, #tpu.memory_space<hbm>>
      %dma_wait3A_143 = tpu.memref_squeeze %dma_wait3A_142 : memref<1x40x512xf32, #tpu.memory_space<hbm>> -> memref<40x512xf32, #tpu.memory_space<hbm>>
      %dma_wait3A_144 = arith.constant 0 : i32
      %dma_wait3A_145 = tpu.memref_slice %arg2[%select_n3A_118, %min3A_138, %dma_wait3A_144] : memref<64x512x512xf32, #tpu.memory_space<hbm>> -> memref<1x40x512xf32, #tpu.memory_space<hbm>>
      %dma_wait3A_146 = tpu.memref_squeeze %dma_wait3A_145 : memref<1x40x512xf32, #tpu.memory_space<hbm>> -> memref<40x512xf32, #tpu.memory_space<hbm>>
      tpu.wait_dma2 semaphore(%arg29 : memref<!tpu.dma_semaphore, #tpu.memory_space<semaphore_mem>>) src(%dma_wait3A_146 : memref<40x512xf32, #tpu.memory_space<hbm>>) dst(%arg11 : memref<40x512xf32, #tpu.memory_space<vmem>>)
      %dma_wait3A_147 = arith.constant 0 : i32
      %dma_wait3A_148 = tpu.memref_slice %arg3[%select_n3A_118, %min3A_138, %dma_wait3A_147] : memref<64x512x512xf32, #tpu.memory_space<hbm>> -> memref<1x40x512xf32, #tpu.memory_space<hbm>>
      %dma_wait3A_149 = tpu.memref_squeeze %dma_wait3A_148 : memref<1x40x512xf32, #tpu.memory_space<hbm>> -> memref<40x512xf32, #tpu.memory_space<hbm>>
      %dma_wait3A_150 = arith.constant 0 : i32
      %dma_wait3A_151 = tpu.memref_slice %arg3[%select_n3A_118, %min3A_138, %dma_wait3A_150] : memref<64x512x512xf32, #tpu.memory_space<hbm>> -> memref<1x40x512xf32, #tpu.memory_space<hbm>>
      %dma_wait3A_152 = tpu.memref_squeeze %dma_wait3A_151 : memref<1x40x512xf32, #tpu.memory_space<hbm>> -> memref<40x512xf32, #tpu.memory_space<hbm>>
      tpu.wait_dma2 semaphore(%arg29 : memref<!tpu.dma_semaphore, #tpu.memory_space<semaphore_mem>>) src(%dma_wait3A_152 : memref<40x512xf32, #tpu.memory_space<hbm>>) dst(%arg12 : memref<40x512xf32, #tpu.memory_space<vmem>>)
      %dma_wait3A_153 = tpu.memref_slice %arg4[%mul3A_140] : memref<2883584xi32, #tpu.memory_space<hbm>> -> memref<2816xi32, #tpu.memory_space<hbm>>
      %dma_wait3A_154 = tpu.memref_slice %arg4[%mul3A_140] : memref<2883584xi32, #tpu.memory_space<hbm>> -> memref<2816xi32, #tpu.memory_space<hbm>>
      tpu.wait_dma2 semaphore(%arg29 : memref<!tpu.dma_semaphore, #tpu.memory_space<semaphore_mem>>) src(%dma_wait3A_154 : memref<2816xi32, #tpu.memory_space<hbm>>) dst(%arg13 : memref<2816xi32, #tpu.memory_space<vmem>>)
      %dma_wait3A_155 = tpu.memref_slice %arg5[%mul3A_140] : memref<2883584xf32, #tpu.memory_space<hbm>> -> memref<2816xf32, #tpu.memory_space<hbm>>
      %dma_wait3A_156 = tpu.memref_slice %arg5[%mul3A_140] : memref<2883584xf32, #tpu.memory_space<hbm>> -> memref<2816xf32, #tpu.memory_space<hbm>>
      tpu.wait_dma2 semaphore(%arg29 : memref<!tpu.dma_semaphore, #tpu.memory_space<semaphore_mem>>) src(%dma_wait3A_156 : memref<2816xf32, #tpu.memory_space<hbm>>) dst(%arg14 : memref<2816xf32, #tpu.memory_space<vmem>>)
      %dma_wait3A_157 = tpu.memref_slice %arg6[%mul3A_140] : memref<2883584xf32, #tpu.memory_space<hbm>> -> memref<2816xf32, #tpu.memory_space<hbm>>
      %dma_wait3A_158 = tpu.memref_slice %arg6[%mul3A_140] : memref<2883584xf32, #tpu.memory_space<hbm>> -> memref<2816xf32, #tpu.memory_space<hbm>>
      tpu.wait_dma2 semaphore(%arg29 : memref<!tpu.dma_semaphore, #tpu.memory_space<semaphore_mem>>) src(%dma_wait3A_158 : memref<2816xf32, #tpu.memory_space<hbm>>) dst(%arg15 : memref<2816xf32, #tpu.memory_space<vmem>>)
      %dma_wait3A_159 = tpu.memref_slice %arg7[%mul3A_140] : memref<2883584xf32, #tpu.memory_space<hbm>> -> memref<2816xf32, #tpu.memory_space<hbm>>
      %dma_wait3A_160 = tpu.memref_slice %arg7[%mul3A_140] : memref<2883584xf32, #tpu.memory_space<hbm>> -> memref<2816xf32, #tpu.memory_space<hbm>>
      tpu.wait_dma2 semaphore(%arg29 : memref<!tpu.dma_semaphore, #tpu.memory_space<semaphore_mem>>) src(%dma_wait3A_160 : memref<2816xf32, #tpu.memory_space<hbm>>) dst(%arg16 : memref<2816xf32, #tpu.memory_space<vmem>>)
      %dma_wait3A_161 = tpu.memref_slice %arg8[%mul3A_140] : memref<2883584xf32, #tpu.memory_space<hbm>> -> memref<2816xf32, #tpu.memory_space<hbm>>
      %dma_wait3A_162 = tpu.memref_slice %arg8[%mul3A_140] : memref<2883584xf32, #tpu.memory_space<hbm>> -> memref<2816xf32, #tpu.memory_space<hbm>>
      tpu.wait_dma2 semaphore(%arg29 : memref<!tpu.dma_semaphore, #tpu.memory_space<semaphore_mem>>) src(%dma_wait3A_162 : memref<2816xf32, #tpu.memory_space<hbm>>) dst(%arg17 : memref<2816xf32, #tpu.memory_space<vmem>>)
      %add3A_163 = arith.constant 1 : i32
      %add3A_164 = arith.addi %mul3A_89, %add3A_163 : i32
      %mul3A_165 = arith.constant 16 : i32
      %mul3A_166 = arith.muli %add3A, %mul3A_165 : i32
      %add3A_167 = arith.addi %mul3A_166, %add3A_164 : i32
      %add3A_168 = arith.constant 512 : i32
      %add3A_169 = arith.addi %add3A_168, %add3A_167 : i32
      %jit3A_170 = arith.constant 16 : i32
      %div3A_171 = arith.divsi %add3A_169, %jit3A_170 : i32
      %sign3A_172 = arith.constant 0 : i32
      %sign3A_173 = arith.cmpi sgt, %add3A_169, %sign3A_172 : i32
      %sign3A_174 = arith.extui %sign3A_173 : i1 to i32
      %sign3A_175 = arith.constant 0 : i32
      %sign3A_176 = arith.cmpi slt, %add3A_169, %sign3A_175 : i32
      %sign3A_177 = arith.extui %sign3A_176 : i1 to i32
      %sign3A_178 = arith.subi %sign3A_174, %sign3A_177 : i32
      %sign3A_179 = arith.constant 0 : i32
      %sign3A_180 = arith.cmpi sgt, %jit3A_170, %sign3A_179 : i32
      %sign3A_181 = arith.extui %sign3A_180 : i1 to i32
      %sign3A_182 = arith.constant 0 : i32
      %sign3A_183 = arith.cmpi slt, %jit3A_170, %sign3A_182 : i32
      %sign3A_184 = arith.extui %sign3A_183 : i1 to i32
      %sign3A_185 = arith.subi %sign3A_181, %sign3A_184 : i32
      %ne3A_186 = arith.cmpi ne, %sign3A_178, %sign3A_185 : i32
      %rem3A_187 = arith.remsi %add3A_169, %jit3A_170 : i32
      %ne3A_188 = arith.constant 0 : i32
      %ne3A_189 = arith.cmpi ne, %rem3A_187, %ne3A_188 : i32
      %and3A_190 = arith.andi %ne3A_186, %ne3A_189 : i1
      %sub3A_191 = arith.constant 1 : i32
      %sub3A_192 = arith.subi %div3A_171, %sub3A_191 : i32
      %select_n3A_193 = arith.select %and3A_190, %sub3A_192, %div3A_171 : i32
      %jit3A_194 = arith.constant 16 : i32
      %eq3A_195 = arith.constant 0 : i32
      %eq3A_196 = arith.cmpi eq, %jit3A_194, %eq3A_195 : i32
      %jit3A_197 = arith.constant 1 : i32
      %select_n3A_198 = arith.select %eq3A_196, %jit3A_197, %jit3A_194 : i32
      %rem3A_199 = arith.remsi %add3A_169, %select_n3A_198 : i32
      %ne3A_200 = arith.constant 0 : i32
      %ne3A_201 = arith.cmpi ne, %rem3A_199, %ne3A_200 : i32
      %lt3A_202 = arith.constant 0 : i32
      %lt3A_203 = arith.cmpi slt, %rem3A_199, %lt3A_202 : i32
      %lt3A_204 = arith.constant 0 : i32
      %lt3A_205 = arith.cmpi slt, %select_n3A_198, %lt3A_204 : i32
      %ne3A_206 = arith.xori %lt3A_203, %lt3A_205 : i1
      %and3A_207 = arith.andi %ne3A_206, %ne3A_201 : i1
      %add3A_208 = arith.addi %rem3A_199, %select_n3A_198 : i32
      %select_n3A_209 = arith.select %and3A_207, %add3A_208, %rem3A_199 : i32
      %mul3A_210 = arith.constant 32 : i32
      %mul3A_211 = arith.muli %select_n3A_209, %mul3A_210 : i32
      %min3A_212 = arith.constant 472 : i32
      %min3A_213 = arith.minsi %mul3A_211, %min3A_212 : i32
      %mul3A_214 = arith.constant 2816 : i32
      %mul3A_215 = arith.muli %add3A_169, %mul3A_214 : i32
      %dma_start3A_216 = arith.constant 0 : i32
      %dma_start3A_217 = tpu.memref_slice %arg2[%select_n3A_193, %min3A_213, %dma_start3A_216] : memref<64x512x512xf32, #tpu.memory_space<hbm>> -> memref<1x40x512xf32, #tpu.memory_space<hbm>>
      %dma_start3A_218 = tpu.memref_squeeze %dma_start3A_217 : memref<1x40x512xf32, #tpu.memory_space<hbm>> -> memref<40x512xf32, #tpu.memory_space<hbm>>
      %dma_start3A_219 = arith.constant 0 : i32
      %dma_start3A_220 = tpu.memref_slice %arg2[%select_n3A_193, %min3A_213, %dma_start3A_219] : memref<64x512x512xf32, #tpu.memory_space<hbm>> -> memref<1x40x512xf32, #tpu.memory_space<hbm>>
      %dma_start3A_221 = tpu.memref_squeeze %dma_start3A_220 : memref<1x40x512xf32, #tpu.memory_space<hbm>> -> memref<40x512xf32, #tpu.memory_space<hbm>>
      tpu.enqueue_dma source(%dma_start3A_221 : memref<40x512xf32, #tpu.memory_space<hbm>>) target(%arg20 : memref<40x512xf32, #tpu.memory_space<vmem>>) target_semaphore(%arg30 : memref<!tpu.dma_semaphore, #tpu.memory_space<semaphore_mem>>)
      %dma_start3A_222 = arith.constant 0 : i32
      %dma_start3A_223 = tpu.memref_slice %arg3[%select_n3A_193, %min3A_213, %dma_start3A_222] : memref<64x512x512xf32, #tpu.memory_space<hbm>> -> memref<1x40x512xf32, #tpu.memory_space<hbm>>
      %dma_start3A_224 = tpu.memref_squeeze %dma_start3A_223 : memref<1x40x512xf32, #tpu.memory_space<hbm>> -> memref<40x512xf32, #tpu.memory_space<hbm>>
      %dma_start3A_225 = arith.constant 0 : i32
      %dma_start3A_226 = tpu.memref_slice %arg3[%select_n3A_193, %min3A_213, %dma_start3A_225] : memref<64x512x512xf32, #tpu.memory_space<hbm>> -> memref<1x40x512xf32, #tpu.memory_space<hbm>>
      %dma_start3A_227 = tpu.memref_squeeze %dma_start3A_226 : memref<1x40x512xf32, #tpu.memory_space<hbm>> -> memref<40x512xf32, #tpu.memory_space<hbm>>
      tpu.enqueue_dma source(%dma_start3A_227 : memref<40x512xf32, #tpu.memory_space<hbm>>) target(%arg21 : memref<40x512xf32, #tpu.memory_space<vmem>>) target_semaphore(%arg30 : memref<!tpu.dma_semaphore, #tpu.memory_space<semaphore_mem>>)
      %dma_start3A_228 = tpu.memref_slice %arg4[%mul3A_215] : memref<2883584xi32, #tpu.memory_space<hbm>> -> memref<2816xi32, #tpu.memory_space<hbm>>
      %dma_start3A_229 = tpu.memref_slice %arg4[%mul3A_215] : memref<2883584xi32, #tpu.memory_space<hbm>> -> memref<2816xi32, #tpu.memory_space<hbm>>
      tpu.enqueue_dma source(%dma_start3A_229 : memref<2816xi32, #tpu.memory_space<hbm>>) target(%arg22 : memref<2816xi32, #tpu.memory_space<vmem>>) target_semaphore(%arg30 : memref<!tpu.dma_semaphore, #tpu.memory_space<semaphore_mem>>)
      %dma_start3A_230 = tpu.memref_slice %arg5[%mul3A_215] : memref<2883584xf32, #tpu.memory_space<hbm>> -> memref<2816xf32, #tpu.memory_space<hbm>>
      %dma_start3A_231 = tpu.memref_slice %arg5[%mul3A_215] : memref<2883584xf32, #tpu.memory_space<hbm>> -> memref<2816xf32, #tpu.memory_space<hbm>>
      tpu.enqueue_dma source(%dma_start3A_231 : memref<2816xf32, #tpu.memory_space<hbm>>) target(%arg23 : memref<2816xf32, #tpu.memory_space<vmem>>) target_semaphore(%arg30 : memref<!tpu.dma_semaphore, #tpu.memory_space<semaphore_mem>>)
      %dma_start3A_232 = tpu.memref_slice %arg6[%mul3A_215] : memref<2883584xf32, #tpu.memory_space<hbm>> -> memref<2816xf32, #tpu.memory_space<hbm>>
      %dma_start3A_233 = tpu.memref_slice %arg6[%mul3A_215] : memref<2883584xf32, #tpu.memory_space<hbm>> -> memref<2816xf32, #tpu.memory_space<hbm>>
      tpu.enqueue_dma source(%dma_start3A_233 : memref<2816xf32, #tpu.memory_space<hbm>>) target(%arg24 : memref<2816xf32, #tpu.memory_space<vmem>>) target_semaphore(%arg30 : memref<!tpu.dma_semaphore, #tpu.memory_space<semaphore_mem>>)
      %dma_start3A_234 = tpu.memref_slice %arg7[%mul3A_215] : memref<2883584xf32, #tpu.memory_space<hbm>> -> memref<2816xf32, #tpu.memory_space<hbm>>
      %dma_start3A_235 = tpu.memref_slice %arg7[%mul3A_215] : memref<2883584xf32, #tpu.memory_space<hbm>> -> memref<2816xf32, #tpu.memory_space<hbm>>
      tpu.enqueue_dma source(%dma_start3A_235 : memref<2816xf32, #tpu.memory_space<hbm>>) target(%arg25 : memref<2816xf32, #tpu.memory_space<vmem>>) target_semaphore(%arg30 : memref<!tpu.dma_semaphore, #tpu.memory_space<semaphore_mem>>)
      %dma_start3A_236 = tpu.memref_slice %arg8[%mul3A_215] : memref<2883584xf32, #tpu.memory_space<hbm>> -> memref<2816xf32, #tpu.memory_space<hbm>>
      %dma_start3A_237 = tpu.memref_slice %arg8[%mul3A_215] : memref<2883584xf32, #tpu.memory_space<hbm>> -> memref<2816xf32, #tpu.memory_space<hbm>>
      tpu.enqueue_dma source(%dma_start3A_237 : memref<2816xf32, #tpu.memory_space<hbm>>) target(%arg26 : memref<2816xf32, #tpu.memory_space<vmem>>) target_semaphore(%arg30 : memref<!tpu.dma_semaphore, #tpu.memory_space<semaphore_mem>>)
      %gt3A = arith.constant 0 : i32
      %gt3A_238 = arith.cmpi sgt, %scan3A_87, %gt3A : i32
      %convert_element_type3A = arith.extui %gt3A_238 : i1 to i32
      %cond3A = arith.constant 0 : i32
      %cond3A_239 = arith.cmpi ne, %convert_element_type3A, %cond3A : i32
      scf.if %cond3A_239 {
        %mul3A_352 = arith.constant 16 : i32
        %mul3A_353 = arith.muli %add3A, %mul3A_352 : i32
        %add3A_354 = arith.addi %mul3A_353, %mul3A_89 : i32
        %mul3A_355 = arith.constant 2816 : i32
        %mul3A_356 = arith.muli %add3A_354, %mul3A_355 : i32
        %dma_wait3A_357 = tpu.memref_slice %arg9[%mul3A_356] : memref<1441792xf32, #tpu.memory_space<hbm>> -> memref<2816xf32, #tpu.memory_space<hbm>>
        %dma_wait3A_358 = tpu.memref_slice %arg9[%mul3A_356] : memref<1441792xf32, #tpu.memory_space<hbm>> -> memref<2816xf32, #tpu.memory_space<hbm>>
        tpu.wait_dma2 semaphore(%arg31 : memref<!tpu.dma_semaphore, #tpu.memory_space<semaphore_mem>>) src(%arg18 : memref<2816xf32, #tpu.memory_space<vmem>>) dst(%dma_wait3A_358 : memref<2816xf32, #tpu.memory_space<hbm>>)
        %dma_wait3A_359 = tpu.memref_slice %arg10[%mul3A_356] : memref<1441792xf32, #tpu.memory_space<hbm>> -> memref<2816xf32, #tpu.memory_space<hbm>>
        %dma_wait3A_360 = tpu.memref_slice %arg10[%mul3A_356] : memref<1441792xf32, #tpu.memory_space<hbm>> -> memref<2816xf32, #tpu.memory_space<hbm>>
        tpu.wait_dma2 semaphore(%arg31 : memref<!tpu.dma_semaphore, #tpu.memory_space<semaphore_mem>>) src(%arg19 : memref<2816xf32, #tpu.memory_space<vmem>>) dst(%dma_wait3A_360 : memref<2816xf32, #tpu.memory_space<hbm>>)
      } else {
      }
      %parallel_loop3A = arith.constant 0 : i32
      %parallel_loop3A_240 = arith.constant 176 : i32
      %parallel_loop3A_241 = arith.constant 1 : i32
      scf.for %parallel_loop3A_352 = %parallel_loop3A to %parallel_loop3A_240 step %parallel_loop3A_241  : i32 {
        %parallel_loop3A_353 = arith.constant 16 : i32
        %parallel_loop3A_354 = arith.muli %parallel_loop3A_352, %parallel_loop3A_353 : i32
        %parallel_loop3A_355 = arith.index_cast %parallel_loop3A_354 : i32 to index
        %parallel_loop3A_356 = tpu.vector_load %arg13[%parallel_loop3A_355] {strides = array<i32>} : memref<2816xi32, #tpu.memory_space<vmem>>, vector<16xi32>,
        %parallel_loop3A_357 = arith.constant 9 : i32
        %parallel_loop3A_358 = vector.broadcast %parallel_loop3A_357 : i32 to vector<16xi32>
        %parallel_loop3A_359 = arith.shrui %parallel_loop3A_356, %parallel_loop3A_358 : vector<16xi32>
        %parallel_loop3A_360 = arith.constant 511 : i32
        %parallel_loop3A_361 = vector.broadcast %parallel_loop3A_360 : i32 to vector<16xi32>
        %parallel_loop3A_362 = arith.andi %parallel_loop3A_356, %parallel_loop3A_361 : vector<16xi32>
        %parallel_loop3A_363 = arith.constant 1 : i32
        %parallel_loop3A_364 = vector.broadcast %parallel_loop3A_363 : i32 to vector<16xi32>
        %parallel_loop3A_365 = arith.addi %parallel_loop3A_359, %parallel_loop3A_364 : vector<16xi32>
        %parallel_loop3A_366 = arith.constant 1 : i32
        %parallel_loop3A_367 = vector.broadcast %parallel_loop3A_366 : i32 to vector<16xi32>
        %parallel_loop3A_368 = arith.addi %parallel_loop3A_362, %parallel_loop3A_367 : vector<16xi32>
        %parallel_loop3A_369 = arith.index_cast %parallel_loop3A_354 : i32 to index
        %parallel_loop3A_370 = tpu.vector_load %arg14[%parallel_loop3A_369] {strides = array<i32>} : memref<2816xf32, #tpu.memory_space<vmem>>, vector<16xf32>,
        %parallel_loop3A_371 = arith.index_cast %parallel_loop3A_354 : i32 to index
        %parallel_loop3A_372 = tpu.vector_load %arg15[%parallel_loop3A_371] {strides = array<i32>} : memref<2816xf32, #tpu.memory_space<vmem>>, vector<16xf32>,
        %parallel_loop3A_373 = arith.index_cast %parallel_loop3A_354 : i32 to index
        %parallel_loop3A_374 = tpu.vector_load %arg16[%parallel_loop3A_373] {strides = array<i32>} : memref<2816xf32, #tpu.memory_space<vmem>>, vector<16xf32>,
        %parallel_loop3A_375 = arith.index_cast %parallel_loop3A_354 : i32 to index
        %parallel_loop3A_376 = tpu.vector_load %arg17[%parallel_loop3A_375] {strides = array<i32>} : memref<2816xf32, #tpu.memory_space<vmem>>, vector<16xf32>,
        %parallel_loop3A_377 = tpu.vector_load_idx %arg11[%parallel_loop3A_359, %parallel_loop3A_362] : memref<40x512xf32, #tpu.memory_space<vmem>>[vector<16xi32>, vector<16xi32>], vector<16xf32>,
        %parallel_loop3A_378 = arith.mulf %parallel_loop3A_377, %parallel_loop3A_370 : vector<16xf32>
        %parallel_loop3A_379 = tpu.vector_load_idx %arg11[%parallel_loop3A_359, %parallel_loop3A_368] : memref<40x512xf32, #tpu.memory_space<vmem>>[vector<16xi32>, vector<16xi32>], vector<16xf32>,
        %parallel_loop3A_380 = arith.mulf %parallel_loop3A_379, %parallel_loop3A_372 : vector<16xf32>
        %parallel_loop3A_381 = arith.addf %parallel_loop3A_378, %parallel_loop3A_380 : vector<16xf32>
        %parallel_loop3A_382 = tpu.vector_load_idx %arg11[%parallel_loop3A_365, %parallel_loop3A_362] : memref<40x512xf32, #tpu.memory_space<vmem>>[vector<16xi32>, vector<16xi32>], vector<16xf32>,
        %parallel_loop3A_383 = arith.mulf %parallel_loop3A_382, %parallel_loop3A_374 : vector<16xf32>
        %parallel_loop3A_384 = arith.addf %parallel_loop3A_381, %parallel_loop3A_383 : vector<16xf32>
        %parallel_loop3A_385 = tpu.vector_load_idx %arg11[%parallel_loop3A_365, %parallel_loop3A_368] : memref<40x512xf32, #tpu.memory_space<vmem>>[vector<16xi32>, vector<16xi32>], vector<16xf32>,
        %parallel_loop3A_386 = arith.mulf %parallel_loop3A_385, %parallel_loop3A_376 : vector<16xf32>
        %parallel_loop3A_387 = arith.addf %parallel_loop3A_384, %parallel_loop3A_386 : vector<16xf32>
        %parallel_loop3A_388 = arith.index_cast %parallel_loop3A_354 : i32 to index
        %parallel_loop3A_389 = tpu.vector_load %arg18[%parallel_loop3A_388] {strides = array<i32>} : memref<2816xf32, #tpu.memory_space<vmem>>, vector<16xf32>,
        tpu.vector_store %arg18[%parallel_loop3A_388], %parallel_loop3A_387 {strides = array<i32>} : memref<2816xf32, #tpu.memory_space<vmem>>, vector<16xf32>,
        %parallel_loop3A_390 = tpu.vector_load_idx %arg12[%parallel_loop3A_359, %parallel_loop3A_362] : memref<40x512xf32, #tpu.memory_space<vmem>>[vector<16xi32>, vector<16xi32>], vector<16xf32>,
        %parallel_loop3A_391 = arith.mulf %parallel_loop3A_390, %parallel_loop3A_370 : vector<16xf32>
        %parallel_loop3A_392 = tpu.vector_load_idx %arg12[%parallel_loop3A_359, %parallel_loop3A_368] : memref<40x512xf32, #tpu.memory_space<vmem>>[vector<16xi32>, vector<16xi32>], vector<16xf32>,
        %parallel_loop3A_393 = arith.mulf %parallel_loop3A_392, %parallel_loop3A_372 : vector<16xf32>
        %parallel_loop3A_394 = arith.addf %parallel_loop3A_391, %parallel_loop3A_393 : vector<16xf32>
        %parallel_loop3A_395 = tpu.vector_load_idx %arg12[%parallel_loop3A_365, %parallel_loop3A_362] : memref<40x512xf32, #tpu.memory_space<vmem>>[vector<16xi32>, vector<16xi32>], vector<16xf32>,
        %parallel_loop3A_396 = arith.mulf %parallel_loop3A_395, %parallel_loop3A_374 : vector<16xf32>
        %parallel_loop3A_397 = arith.addf %parallel_loop3A_394, %parallel_loop3A_396 : vector<16xf32>
        %parallel_loop3A_398 = tpu.vector_load_idx %arg12[%parallel_loop3A_365, %parallel_loop3A_368] : memref<40x512xf32, #tpu.memory_space<vmem>>[vector<16xi32>, vector<16xi32>], vector<16xf32>,
        %parallel_loop3A_399 = arith.mulf %parallel_loop3A_398, %parallel_loop3A_376 : vector<16xf32>
        %parallel_loop3A_400 = arith.addf %parallel_loop3A_397, %parallel_loop3A_399 : vector<16xf32>
        %parallel_loop3A_401 = arith.index_cast %parallel_loop3A_354 : i32 to index
        %parallel_loop3A_402 = tpu.vector_load %arg19[%parallel_loop3A_401] {strides = array<i32>} : memref<2816xf32, #tpu.memory_space<vmem>>, vector<16xf32>,
        tpu.vector_store %arg19[%parallel_loop3A_401], %parallel_loop3A_400 {strides = array<i32>} : memref<2816xf32, #tpu.memory_space<vmem>>, vector<16xf32>,
      } {sc.loop_unroll_factor = 4 : i64, sc.parallel_access}
      %mul3A_242 = arith.constant 16 : i32
      %mul3A_243 = arith.muli %add3A, %mul3A_242 : i32
      %add3A_244 = arith.addi %mul3A_243, %mul3A_89 : i32
      %mul3A_245 = arith.constant 2816 : i32
      %mul3A_246 = arith.muli %add3A_244, %mul3A_245 : i32
      %dma_start3A_247 = tpu.memref_slice %arg9[%mul3A_246] : memref<1441792xf32, #tpu.memory_space<hbm>> -> memref<2816xf32, #tpu.memory_space<hbm>>
      %dma_start3A_248 = tpu.memref_slice %arg9[%mul3A_246] : memref<1441792xf32, #tpu.memory_space<hbm>> -> memref<2816xf32, #tpu.memory_space<hbm>>
      tpu.enqueue_dma source(%arg18 : memref<2816xf32, #tpu.memory_space<vmem>>) target(%dma_start3A_248 : memref<2816xf32, #tpu.memory_space<hbm>>) target_semaphore(%arg31 : memref<!tpu.dma_semaphore, #tpu.memory_space<semaphore_mem>>)
      %dma_start3A_249 = tpu.memref_slice %arg10[%mul3A_246] : memref<1441792xf32, #tpu.memory_space<hbm>> -> memref<2816xf32, #tpu.memory_space<hbm>>
      %dma_start3A_250 = tpu.memref_slice %arg10[%mul3A_246] : memref<1441792xf32, #tpu.memory_space<hbm>> -> memref<2816xf32, #tpu.memory_space<hbm>>
      tpu.enqueue_dma source(%arg19 : memref<2816xf32, #tpu.memory_space<vmem>>) target(%dma_start3A_250 : memref<2816xf32, #tpu.memory_space<hbm>>) target_semaphore(%arg31 : memref<!tpu.dma_semaphore, #tpu.memory_space<semaphore_mem>>)
      %add3A_251 = arith.constant 1 : i32
      %add3A_252 = arith.addi %mul3A_89, %add3A_251 : i32
      %mul3A_253 = arith.constant 16 : i32
      %mul3A_254 = arith.muli %add3A, %mul3A_253 : i32
      %add3A_255 = arith.addi %mul3A_254, %add3A_252 : i32
      %add3A_256 = arith.constant 512 : i32
      %add3A_257 = arith.addi %add3A_256, %add3A_255 : i32
      %jit3A_258 = arith.constant 16 : i32
      %div3A_259 = arith.divsi %add3A_257, %jit3A_258 : i32
      %sign3A_260 = arith.constant 0 : i32
      %sign3A_261 = arith.cmpi sgt, %add3A_257, %sign3A_260 : i32
      %sign3A_262 = arith.extui %sign3A_261 : i1 to i32
      %sign3A_263 = arith.constant 0 : i32
      %sign3A_264 = arith.cmpi slt, %add3A_257, %sign3A_263 : i32
      %sign3A_265 = arith.extui %sign3A_264 : i1 to i32
      %sign3A_266 = arith.subi %sign3A_262, %sign3A_265 : i32
      %sign3A_267 = arith.constant 0 : i32
      %sign3A_268 = arith.cmpi sgt, %jit3A_258, %sign3A_267 : i32
      %sign3A_269 = arith.extui %sign3A_268 : i1 to i32
      %sign3A_270 = arith.constant 0 : i32
      %sign3A_271 = arith.cmpi slt, %jit3A_258, %sign3A_270 : i32
      %sign3A_272 = arith.extui %sign3A_271 : i1 to i32
      %sign3A_273 = arith.subi %sign3A_269, %sign3A_272 : i32
      %ne3A_274 = arith.cmpi ne, %sign3A_266, %sign3A_273 : i32
      %rem3A_275 = arith.remsi %add3A_257, %jit3A_258 : i32
      %ne3A_276 = arith.constant 0 : i32
      %ne3A_277 = arith.cmpi ne, %rem3A_275, %ne3A_276 : i32
      %and3A_278 = arith.andi %ne3A_274, %ne3A_277 : i1
      %sub3A_279 = arith.constant 1 : i32
      %sub3A_280 = arith.subi %div3A_259, %sub3A_279 : i32
      %select_n3A_281 = arith.select %and3A_278, %sub3A_280, %div3A_259 : i32
      %jit3A_282 = arith.constant 16 : i32
      %eq3A_283 = arith.constant 0 : i32
      %eq3A_284 = arith.cmpi eq, %jit3A_282, %eq3A_283 : i32
      %jit3A_285 = arith.constant 1 : i32
      %select_n3A_286 = arith.select %eq3A_284, %jit3A_285, %jit3A_282 : i32
      %rem3A_287 = arith.remsi %add3A_257, %select_n3A_286 : i32
      %ne3A_288 = arith.constant 0 : i32
      %ne3A_289 = arith.cmpi ne, %rem3A_287, %ne3A_288 : i32
      %lt3A_290 = arith.constant 0 : i32
      %lt3A_291 = arith.cmpi slt, %rem3A_287, %lt3A_290 : i32
      %lt3A_292 = arith.constant 0 : i32
      %lt3A_293 = arith.cmpi slt, %select_n3A_286, %lt3A_292 : i32
      %ne3A_294 = arith.xori %lt3A_291, %lt3A_293 : i1
      %and3A_295 = arith.andi %ne3A_294, %ne3A_289 : i1
      %add3A_296 = arith.addi %rem3A_287, %select_n3A_286 : i32
      %select_n3A_297 = arith.select %and3A_295, %add3A_296, %rem3A_287 : i32
      %mul3A_298 = arith.constant 32 : i32
      %mul3A_299 = arith.muli %select_n3A_297, %mul3A_298 : i32
      %min3A_300 = arith.constant 472 : i32
      %min3A_301 = arith.minsi %mul3A_299, %min3A_300 : i32
      %mul3A_302 = arith.constant 2816 : i32
      %mul3A_303 = arith.muli %add3A_257, %mul3A_302 : i32
      %dma_wait3A_304 = arith.constant 0 : i32
      %dma_wait3A_305 = tpu.memref_slice %arg2[%select_n3A_281, %min3A_301, %dma_wait3A_304] : memref<64x512x512xf32, #tpu.memory_space<hbm>> -> memref<1x40x512xf32, #tpu.memory_space<hbm>>
      %dma_wait3A_306 = tpu.memref_squeeze %dma_wait3A_305 : memref<1x40x512xf32, #tpu.memory_space<hbm>> -> memref<40x512xf32, #tpu.memory_space<hbm>>
      %dma_wait3A_307 = arith.constant 0 : i32
      %dma_wait3A_308 = tpu.memref_slice %arg2[%select_n3A_281, %min3A_301, %dma_wait3A_307] : memref<64x512x512xf32, #tpu.memory_space<hbm>> -> memref<1x40x512xf32, #tpu.memory_space<hbm>>
      %dma_wait3A_309 = tpu.memref_squeeze %dma_wait3A_308 : memref<1x40x512xf32, #tpu.memory_space<hbm>> -> memref<40x512xf32, #tpu.memory_space<hbm>>
      tpu.wait_dma2 semaphore(%arg30 : memref<!tpu.dma_semaphore, #tpu.memory_space<semaphore_mem>>) src(%dma_wait3A_309 : memref<40x512xf32, #tpu.memory_space<hbm>>) dst(%arg20 : memref<40x512xf32, #tpu.memory_space<vmem>>)
      %dma_wait3A_310 = arith.constant 0 : i32
      %dma_wait3A_311 = tpu.memref_slice %arg3[%select_n3A_281, %min3A_301, %dma_wait3A_310] : memref<64x512x512xf32, #tpu.memory_space<hbm>> -> memref<1x40x512xf32, #tpu.memory_space<hbm>>
      %dma_wait3A_312 = tpu.memref_squeeze %dma_wait3A_311 : memref<1x40x512xf32, #tpu.memory_space<hbm>> -> memref<40x512xf32, #tpu.memory_space<hbm>>
      %dma_wait3A_313 = arith.constant 0 : i32
      %dma_wait3A_314 = tpu.memref_slice %arg3[%select_n3A_281, %min3A_301, %dma_wait3A_313] : memref<64x512x512xf32, #tpu.memory_space<hbm>> -> memref<1x40x512xf32, #tpu.memory_space<hbm>>
      %dma_wait3A_315 = tpu.memref_squeeze %dma_wait3A_314 : memref<1x40x512xf32, #tpu.memory_space<hbm>> -> memref<40x512xf32, #tpu.memory_space<hbm>>
      tpu.wait_dma2 semaphore(%arg30 : memref<!tpu.dma_semaphore, #tpu.memory_space<semaphore_mem>>) src(%dma_wait3A_315 : memref<40x512xf32, #tpu.memory_space<hbm>>) dst(%arg21 : memref<40x512xf32, #tpu.memory_space<vmem>>)
      %dma_wait3A_316 = tpu.memref_slice %arg4[%mul3A_303] : memref<2883584xi32, #tpu.memory_space<hbm>> -> memref<2816xi32, #tpu.memory_space<hbm>>
      %dma_wait3A_317 = tpu.memref_slice %arg4[%mul3A_303] : memref<2883584xi32, #tpu.memory_space<hbm>> -> memref<2816xi32, #tpu.memory_space<hbm>>
      tpu.wait_dma2 semaphore(%arg30 : memref<!tpu.dma_semaphore, #tpu.memory_space<semaphore_mem>>) src(%dma_wait3A_317 : memref<2816xi32, #tpu.memory_space<hbm>>) dst(%arg22 : memref<2816xi32, #tpu.memory_space<vmem>>)
      %dma_wait3A_318 = tpu.memref_slice %arg5[%mul3A_303] : memref<2883584xf32, #tpu.memory_space<hbm>> -> memref<2816xf32, #tpu.memory_space<hbm>>
      %dma_wait3A_319 = tpu.memref_slice %arg5[%mul3A_303] : memref<2883584xf32, #tpu.memory_space<hbm>> -> memref<2816xf32, #tpu.memory_space<hbm>>
      tpu.wait_dma2 semaphore(%arg30 : memref<!tpu.dma_semaphore, #tpu.memory_space<semaphore_mem>>) src(%dma_wait3A_319 : memref<2816xf32, #tpu.memory_space<hbm>>) dst(%arg23 : memref<2816xf32, #tpu.memory_space<vmem>>)
      %dma_wait3A_320 = tpu.memref_slice %arg6[%mul3A_303] : memref<2883584xf32, #tpu.memory_space<hbm>> -> memref<2816xf32, #tpu.memory_space<hbm>>
      %dma_wait3A_321 = tpu.memref_slice %arg6[%mul3A_303] : memref<2883584xf32, #tpu.memory_space<hbm>> -> memref<2816xf32, #tpu.memory_space<hbm>>
      tpu.wait_dma2 semaphore(%arg30 : memref<!tpu.dma_semaphore, #tpu.memory_space<semaphore_mem>>) src(%dma_wait3A_321 : memref<2816xf32, #tpu.memory_space<hbm>>) dst(%arg24 : memref<2816xf32, #tpu.memory_space<vmem>>)
      %dma_wait3A_322 = tpu.memref_slice %arg7[%mul3A_303] : memref<2883584xf32, #tpu.memory_space<hbm>> -> memref<2816xf32, #tpu.memory_space<hbm>>
      %dma_wait3A_323 = tpu.memref_slice %arg7[%mul3A_303] : memref<2883584xf32, #tpu.memory_space<hbm>> -> memref<2816xf32, #tpu.memory_space<hbm>>
      tpu.wait_dma2 semaphore(%arg30 : memref<!tpu.dma_semaphore, #tpu.memory_space<semaphore_mem>>) src(%dma_wait3A_323 : memref<2816xf32, #tpu.memory_space<hbm>>) dst(%arg25 : memref<2816xf32, #tpu.memory_space<vmem>>)
      %dma_wait3A_324 = tpu.memref_slice %arg8[%mul3A_303] : memref<2883584xf32, #tpu.memory_space<hbm>> -> memref<2816xf32, #tpu.memory_space<hbm>>
      %dma_wait3A_325 = tpu.memref_slice %arg8[%mul3A_303] : memref<2883584xf32, #tpu.memory_space<hbm>> -> memref<2816xf32, #tpu.memory_space<hbm>>
      tpu.wait_dma2 semaphore(%arg30 : memref<!tpu.dma_semaphore, #tpu.memory_space<semaphore_mem>>) src(%dma_wait3A_325 : memref<2816xf32, #tpu.memory_space<hbm>>) dst(%arg26 : memref<2816xf32, #tpu.memory_space<vmem>>)
      %add3A_326 = arith.constant 2 : i32
      %add3A_327 = arith.addi %mul3A_89, %add3A_326 : i32
      %lt3A_328 = arith.constant 16 : i32
      %lt3A_329 = arith.cmpi slt, %add3A_327, %lt3A_328 : i32
      %convert_element_type3A_330 = arith.extui %lt3A_329 : i1 to i32
      %cond3A_331 = arith.constant 0 : i32
      %cond3A_332 = arith.cmpi ne, %convert_element_type3A_330, %cond3A_331 : i32
      scf.if %cond3A_332 {
        %add3A_352 = arith.constant 2 : i32
        %add3A_353 = arith.addi %mul3A_89, %add3A_352 : i32
        %mul3A_354 = arith.constant 16 : i32
        %mul3A_355 = arith.muli %add3A, %mul3A_354 : i32
        %add3A_356 = arith.addi %mul3A_355, %add3A_353 : i32
        %add3A_357 = arith.constant 512 : i32
        %add3A_358 = arith.addi %add3A_357, %add3A_356 : i32
        %jit3A_359 = arith.constant 16 : i32
        %div3A_360 = arith.divsi %add3A_358, %jit3A_359 : i32
        %sign3A_361 = arith.constant 0 : i32
        %sign3A_362 = arith.cmpi sgt, %add3A_358, %sign3A_361 : i32
        %sign3A_363 = arith.extui %sign3A_362 : i1 to i32
        %sign3A_364 = arith.constant 0 : i32
        %sign3A_365 = arith.cmpi slt, %add3A_358, %sign3A_364 : i32
        %sign3A_366 = arith.extui %sign3A_365 : i1 to i32
        %sign3A_367 = arith.subi %sign3A_363, %sign3A_366 : i32
        %sign3A_368 = arith.constant 0 : i32
        %sign3A_369 = arith.cmpi sgt, %jit3A_359, %sign3A_368 : i32
        %sign3A_370 = arith.extui %sign3A_369 : i1 to i32
        %sign3A_371 = arith.constant 0 : i32
        %sign3A_372 = arith.cmpi slt, %jit3A_359, %sign3A_371 : i32
        %sign3A_373 = arith.extui %sign3A_372 : i1 to i32
        %sign3A_374 = arith.subi %sign3A_370, %sign3A_373 : i32
        %ne3A_375 = arith.cmpi ne, %sign3A_367, %sign3A_374 : i32
        %rem3A_376 = arith.remsi %add3A_358, %jit3A_359 : i32
        %ne3A_377 = arith.constant 0 : i32
        %ne3A_378 = arith.cmpi ne, %rem3A_376, %ne3A_377 : i32
        %and3A_379 = arith.andi %ne3A_375, %ne3A_378 : i1
        %sub3A_380 = arith.constant 1 : i32
        %sub3A_381 = arith.subi %div3A_360, %sub3A_380 : i32
        %select_n3A_382 = arith.select %and3A_379, %sub3A_381, %div3A_360 : i32
        %jit3A_383 = arith.constant 16 : i32
        %eq3A_384 = arith.constant 0 : i32
        %eq3A_385 = arith.cmpi eq, %jit3A_383, %eq3A_384 : i32
        %jit3A_386 = arith.constant 1 : i32
        %select_n3A_387 = arith.select %eq3A_385, %jit3A_386, %jit3A_383 : i32
        %rem3A_388 = arith.remsi %add3A_358, %select_n3A_387 : i32
        %ne3A_389 = arith.constant 0 : i32
        %ne3A_390 = arith.cmpi ne, %rem3A_388, %ne3A_389 : i32
        %lt3A_391 = arith.constant 0 : i32
        %lt3A_392 = arith.cmpi slt, %rem3A_388, %lt3A_391 : i32
        %lt3A_393 = arith.constant 0 : i32
        %lt3A_394 = arith.cmpi slt, %select_n3A_387, %lt3A_393 : i32
        %ne3A_395 = arith.xori %lt3A_392, %lt3A_394 : i1
        %and3A_396 = arith.andi %ne3A_395, %ne3A_390 : i1
        %add3A_397 = arith.addi %rem3A_388, %select_n3A_387 : i32
        %select_n3A_398 = arith.select %and3A_396, %add3A_397, %rem3A_388 : i32
        %mul3A_399 = arith.constant 32 : i32
        %mul3A_400 = arith.muli %select_n3A_398, %mul3A_399 : i32
        %min3A_401 = arith.constant 472 : i32
        %min3A_402 = arith.minsi %mul3A_400, %min3A_401 : i32
        %mul3A_403 = arith.constant 2816 : i32
        %mul3A_404 = arith.muli %add3A_358, %mul3A_403 : i32
        %dma_start3A_405 = arith.constant 0 : i32
        %dma_start3A_406 = tpu.memref_slice %arg2[%select_n3A_382, %min3A_402, %dma_start3A_405] : memref<64x512x512xf32, #tpu.memory_space<hbm>> -> memref<1x40x512xf32, #tpu.memory_space<hbm>>
        %dma_start3A_407 = tpu.memref_squeeze %dma_start3A_406 : memref<1x40x512xf32, #tpu.memory_space<hbm>> -> memref<40x512xf32, #tpu.memory_space<hbm>>
        %dma_start3A_408 = arith.constant 0 : i32
        %dma_start3A_409 = tpu.memref_slice %arg2[%select_n3A_382, %min3A_402, %dma_start3A_408] : memref<64x512x512xf32, #tpu.memory_space<hbm>> -> memref<1x40x512xf32, #tpu.memory_space<hbm>>
        %dma_start3A_410 = tpu.memref_squeeze %dma_start3A_409 : memref<1x40x512xf32, #tpu.memory_space<hbm>> -> memref<40x512xf32, #tpu.memory_space<hbm>>
        tpu.enqueue_dma source(%dma_start3A_410 : memref<40x512xf32, #tpu.memory_space<hbm>>) target(%arg11 : memref<40x512xf32, #tpu.memory_space<vmem>>) target_semaphore(%arg29 : memref<!tpu.dma_semaphore, #tpu.memory_space<semaphore_mem>>)
        %dma_start3A_411 = arith.constant 0 : i32
        %dma_start3A_412 = tpu.memref_slice %arg3[%select_n3A_382, %min3A_402, %dma_start3A_411] : memref<64x512x512xf32, #tpu.memory_space<hbm>> -> memref<1x40x512xf32, #tpu.memory_space<hbm>>
        %dma_start3A_413 = tpu.memref_squeeze %dma_start3A_412 : memref<1x40x512xf32, #tpu.memory_space<hbm>> -> memref<40x512xf32, #tpu.memory_space<hbm>>
        %dma_start3A_414 = arith.constant 0 : i32
        %dma_start3A_415 = tpu.memref_slice %arg3[%select_n3A_382, %min3A_402, %dma_start3A_414] : memref<64x512x512xf32, #tpu.memory_space<hbm>> -> memref<1x40x512xf32, #tpu.memory_space<hbm>>
        %dma_start3A_416 = tpu.memref_squeeze %dma_start3A_415 : memref<1x40x512xf32, #tpu.memory_space<hbm>> -> memref<40x512xf32, #tpu.memory_space<hbm>>
        tpu.enqueue_dma source(%dma_start3A_416 : memref<40x512xf32, #tpu.memory_space<hbm>>) target(%arg12 : memref<40x512xf32, #tpu.memory_space<vmem>>) target_semaphore(%arg29 : memref<!tpu.dma_semaphore, #tpu.memory_space<semaphore_mem>>)
        %dma_start3A_417 = tpu.memref_slice %arg4[%mul3A_404] : memref<2883584xi32, #tpu.memory_space<hbm>> -> memref<2816xi32, #tpu.memory_space<hbm>>
        %dma_start3A_418 = tpu.memref_slice %arg4[%mul3A_404] : memref<2883584xi32, #tpu.memory_space<hbm>> -> memref<2816xi32, #tpu.memory_space<hbm>>
        tpu.enqueue_dma source(%dma_start3A_418 : memref<2816xi32, #tpu.memory_space<hbm>>) target(%arg13 : memref<2816xi32, #tpu.memory_space<vmem>>) target_semaphore(%arg29 : memref<!tpu.dma_semaphore, #tpu.memory_space<semaphore_mem>>)
        %dma_start3A_419 = tpu.memref_slice %arg5[%mul3A_404] : memref<2883584xf32, #tpu.memory_space<hbm>> -> memref<2816xf32, #tpu.memory_space<hbm>>
        %dma_start3A_420 = tpu.memref_slice %arg5[%mul3A_404] : memref<2883584xf32, #tpu.memory_space<hbm>> -> memref<2816xf32, #tpu.memory_space<hbm>>
        tpu.enqueue_dma source(%dma_start3A_420 : memref<2816xf32, #tpu.memory_space<hbm>>) target(%arg14 : memref<2816xf32, #tpu.memory_space<vmem>>) target_semaphore(%arg29 : memref<!tpu.dma_semaphore, #tpu.memory_space<semaphore_mem>>)
        %dma_start3A_421 = tpu.memref_slice %arg6[%mul3A_404] : memref<2883584xf32, #tpu.memory_space<hbm>> -> memref<2816xf32, #tpu.memory_space<hbm>>
        %dma_start3A_422 = tpu.memref_slice %arg6[%mul3A_404] : memref<2883584xf32, #tpu.memory_space<hbm>> -> memref<2816xf32, #tpu.memory_space<hbm>>
        tpu.enqueue_dma source(%dma_start3A_422 : memref<2816xf32, #tpu.memory_space<hbm>>) target(%arg15 : memref<2816xf32, #tpu.memory_space<vmem>>) target_semaphore(%arg29 : memref<!tpu.dma_semaphore, #tpu.memory_space<semaphore_mem>>)
        %dma_start3A_423 = tpu.memref_slice %arg7[%mul3A_404] : memref<2883584xf32, #tpu.memory_space<hbm>> -> memref<2816xf32, #tpu.memory_space<hbm>>
        %dma_start3A_424 = tpu.memref_slice %arg7[%mul3A_404] : memref<2883584xf32, #tpu.memory_space<hbm>> -> memref<2816xf32, #tpu.memory_space<hbm>>
        tpu.enqueue_dma source(%dma_start3A_424 : memref<2816xf32, #tpu.memory_space<hbm>>) target(%arg16 : memref<2816xf32, #tpu.memory_space<vmem>>) target_semaphore(%arg29 : memref<!tpu.dma_semaphore, #tpu.memory_space<semaphore_mem>>)
        %dma_start3A_425 = tpu.memref_slice %arg8[%mul3A_404] : memref<2883584xf32, #tpu.memory_space<hbm>> -> memref<2816xf32, #tpu.memory_space<hbm>>
        %dma_start3A_426 = tpu.memref_slice %arg8[%mul3A_404] : memref<2883584xf32, #tpu.memory_space<hbm>> -> memref<2816xf32, #tpu.memory_space<hbm>>
        tpu.enqueue_dma source(%dma_start3A_426 : memref<2816xf32, #tpu.memory_space<hbm>>) target(%arg17 : memref<2816xf32, #tpu.memory_space<vmem>>) target_semaphore(%arg29 : memref<!tpu.dma_semaphore, #tpu.memory_space<semaphore_mem>>)
      } else {
      }
      %gt3A_333 = arith.constant 0 : i32
      %gt3A_334 = arith.cmpi sgt, %scan3A_87, %gt3A_333 : i32
      %convert_element_type3A_335 = arith.extui %gt3A_334 : i1 to i32
      %cond3A_336 = arith.constant 0 : i32
      %cond3A_337 = arith.cmpi ne, %convert_element_type3A_335, %cond3A_336 : i32
      scf.if %cond3A_337 {
        %add3A_352 = arith.constant 1 : i32
        %add3A_353 = arith.addi %mul3A_89, %add3A_352 : i32
        %mul3A_354 = arith.constant 16 : i32
        %mul3A_355 = arith.muli %add3A, %mul3A_354 : i32
        %add3A_356 = arith.addi %mul3A_355, %add3A_353 : i32
        %mul3A_357 = arith.constant 2816 : i32
        %mul3A_358 = arith.muli %add3A_356, %mul3A_357 : i32
        %dma_wait3A_359 = tpu.memref_slice %arg9[%mul3A_358] : memref<1441792xf32, #tpu.memory_space<hbm>> -> memref<2816xf32, #tpu.memory_space<hbm>>
        %dma_wait3A_360 = tpu.memref_slice %arg9[%mul3A_358] : memref<1441792xf32, #tpu.memory_space<hbm>> -> memref<2816xf32, #tpu.memory_space<hbm>>
        tpu.wait_dma2 semaphore(%arg32 : memref<!tpu.dma_semaphore, #tpu.memory_space<semaphore_mem>>) src(%arg27 : memref<2816xf32, #tpu.memory_space<vmem>>) dst(%dma_wait3A_360 : memref<2816xf32, #tpu.memory_space<hbm>>)
        %dma_wait3A_361 = tpu.memref_slice %arg10[%mul3A_358] : memref<1441792xf32, #tpu.memory_space<hbm>> -> memref<2816xf32, #tpu.memory_space<hbm>>
        %dma_wait3A_362 = tpu.memref_slice %arg10[%mul3A_358] : memref<1441792xf32, #tpu.memory_space<hbm>> -> memref<2816xf32, #tpu.memory_space<hbm>>
        tpu.wait_dma2 semaphore(%arg32 : memref<!tpu.dma_semaphore, #tpu.memory_space<semaphore_mem>>) src(%arg28 : memref<2816xf32, #tpu.memory_space<vmem>>) dst(%dma_wait3A_362 : memref<2816xf32, #tpu.memory_space<hbm>>)
      } else {
      }
      %parallel_loop3A_338 = arith.constant 0 : i32
      %parallel_loop3A_339 = arith.constant 176 : i32
      %parallel_loop3A_340 = arith.constant 1 : i32
      scf.for %parallel_loop3A_352 = %parallel_loop3A_338 to %parallel_loop3A_339 step %parallel_loop3A_340  : i32 {
        %parallel_loop3A_353 = arith.constant 16 : i32
        %parallel_loop3A_354 = arith.muli %parallel_loop3A_352, %parallel_loop3A_353 : i32
        %parallel_loop3A_355 = arith.index_cast %parallel_loop3A_354 : i32 to index
        %parallel_loop3A_356 = tpu.vector_load %arg22[%parallel_loop3A_355] {strides = array<i32>} : memref<2816xi32, #tpu.memory_space<vmem>>, vector<16xi32>,
        %parallel_loop3A_357 = arith.constant 9 : i32
        %parallel_loop3A_358 = vector.broadcast %parallel_loop3A_357 : i32 to vector<16xi32>
        %parallel_loop3A_359 = arith.shrui %parallel_loop3A_356, %parallel_loop3A_358 : vector<16xi32>
        %parallel_loop3A_360 = arith.constant 511 : i32
        %parallel_loop3A_361 = vector.broadcast %parallel_loop3A_360 : i32 to vector<16xi32>
        %parallel_loop3A_362 = arith.andi %parallel_loop3A_356, %parallel_loop3A_361 : vector<16xi32>
        %parallel_loop3A_363 = arith.constant 1 : i32
        %parallel_loop3A_364 = vector.broadcast %parallel_loop3A_363 : i32 to vector<16xi32>
        %parallel_loop3A_365 = arith.addi %parallel_loop3A_359, %parallel_loop3A_364 : vector<16xi32>
        %parallel_loop3A_366 = arith.constant 1 : i32
        %parallel_loop3A_367 = vector.broadcast %parallel_loop3A_366 : i32 to vector<16xi32>
        %parallel_loop3A_368 = arith.addi %parallel_loop3A_362, %parallel_loop3A_367 : vector<16xi32>
        %parallel_loop3A_369 = arith.index_cast %parallel_loop3A_354 : i32 to index
        %parallel_loop3A_370 = tpu.vector_load %arg23[%parallel_loop3A_369] {strides = array<i32>} : memref<2816xf32, #tpu.memory_space<vmem>>, vector<16xf32>,
        %parallel_loop3A_371 = arith.index_cast %parallel_loop3A_354 : i32 to index
        %parallel_loop3A_372 = tpu.vector_load %arg24[%parallel_loop3A_371] {strides = array<i32>} : memref<2816xf32, #tpu.memory_space<vmem>>, vector<16xf32>,
        %parallel_loop3A_373 = arith.index_cast %parallel_loop3A_354 : i32 to index
        %parallel_loop3A_374 = tpu.vector_load %arg25[%parallel_loop3A_373] {strides = array<i32>} : memref<2816xf32, #tpu.memory_space<vmem>>, vector<16xf32>,
        %parallel_loop3A_375 = arith.index_cast %parallel_loop3A_354 : i32 to index
        %parallel_loop3A_376 = tpu.vector_load %arg26[%parallel_loop3A_375] {strides = array<i32>} : memref<2816xf32, #tpu.memory_space<vmem>>, vector<16xf32>,
        %parallel_loop3A_377 = tpu.vector_load_idx %arg20[%parallel_loop3A_359, %parallel_loop3A_362] : memref<40x512xf32, #tpu.memory_space<vmem>>[vector<16xi32>, vector<16xi32>], vector<16xf32>,
        %parallel_loop3A_378 = arith.mulf %parallel_loop3A_377, %parallel_loop3A_370 : vector<16xf32>
        %parallel_loop3A_379 = tpu.vector_load_idx %arg20[%parallel_loop3A_359, %parallel_loop3A_368] : memref<40x512xf32, #tpu.memory_space<vmem>>[vector<16xi32>, vector<16xi32>], vector<16xf32>,
        %parallel_loop3A_380 = arith.mulf %parallel_loop3A_379, %parallel_loop3A_372 : vector<16xf32>
        %parallel_loop3A_381 = arith.addf %parallel_loop3A_378, %parallel_loop3A_380 : vector<16xf32>
        %parallel_loop3A_382 = tpu.vector_load_idx %arg20[%parallel_loop3A_365, %parallel_loop3A_362] : memref<40x512xf32, #tpu.memory_space<vmem>>[vector<16xi32>, vector<16xi32>], vector<16xf32>,
        %parallel_loop3A_383 = arith.mulf %parallel_loop3A_382, %parallel_loop3A_374 : vector<16xf32>
        %parallel_loop3A_384 = arith.addf %parallel_loop3A_381, %parallel_loop3A_383 : vector<16xf32>
        %parallel_loop3A_385 = tpu.vector_load_idx %arg20[%parallel_loop3A_365, %parallel_loop3A_368] : memref<40x512xf32, #tpu.memory_space<vmem>>[vector<16xi32>, vector<16xi32>], vector<16xf32>,
        %parallel_loop3A_386 = arith.mulf %parallel_loop3A_385, %parallel_loop3A_376 : vector<16xf32>
        %parallel_loop3A_387 = arith.addf %parallel_loop3A_384, %parallel_loop3A_386 : vector<16xf32>
        %parallel_loop3A_388 = arith.index_cast %parallel_loop3A_354 : i32 to index
        %parallel_loop3A_389 = tpu.vector_load %arg27[%parallel_loop3A_388] {strides = array<i32>} : memref<2816xf32, #tpu.memory_space<vmem>>, vector<16xf32>,
        tpu.vector_store %arg27[%parallel_loop3A_388], %parallel_loop3A_387 {strides = array<i32>} : memref<2816xf32, #tpu.memory_space<vmem>>, vector<16xf32>,
        %parallel_loop3A_390 = tpu.vector_load_idx %arg21[%parallel_loop3A_359, %parallel_loop3A_362] : memref<40x512xf32, #tpu.memory_space<vmem>>[vector<16xi32>, vector<16xi32>], vector<16xf32>,
        %parallel_loop3A_391 = arith.mulf %parallel_loop3A_390, %parallel_loop3A_370 : vector<16xf32>
        %parallel_loop3A_392 = tpu.vector_load_idx %arg21[%parallel_loop3A_359, %parallel_loop3A_368] : memref<40x512xf32, #tpu.memory_space<vmem>>[vector<16xi32>, vector<16xi32>], vector<16xf32>,
        %parallel_loop3A_393 = arith.mulf %parallel_loop3A_392, %parallel_loop3A_372 : vector<16xf32>
        %parallel_loop3A_394 = arith.addf %parallel_loop3A_391, %parallel_loop3A_393 : vector<16xf32>
        %parallel_loop3A_395 = tpu.vector_load_idx %arg21[%parallel_loop3A_365, %parallel_loop3A_362] : memref<40x512xf32, #tpu.memory_space<vmem>>[vector<16xi32>, vector<16xi32>], vector<16xf32>,
        %parallel_loop3A_396 = arith.mulf %parallel_loop3A_395, %parallel_loop3A_374 : vector<16xf32>
        %parallel_loop3A_397 = arith.addf %parallel_loop3A_394, %parallel_loop3A_396 : vector<16xf32>
        %parallel_loop3A_398 = tpu.vector_load_idx %arg21[%parallel_loop3A_365, %parallel_loop3A_368] : memref<40x512xf32, #tpu.memory_space<vmem>>[vector<16xi32>, vector<16xi32>], vector<16xf32>,
        %parallel_loop3A_399 = arith.mulf %parallel_loop3A_398, %parallel_loop3A_376 : vector<16xf32>
        %parallel_loop3A_400 = arith.addf %parallel_loop3A_397, %parallel_loop3A_399 : vector<16xf32>
        %parallel_loop3A_401 = arith.index_cast %parallel_loop3A_354 : i32 to index
        %parallel_loop3A_402 = tpu.vector_load %arg28[%parallel_loop3A_401] {strides = array<i32>} : memref<2816xf32, #tpu.memory_space<vmem>>, vector<16xf32>,
        tpu.vector_store %arg28[%parallel_loop3A_401], %parallel_loop3A_400 {strides = array<i32>} : memref<2816xf32, #tpu.memory_space<vmem>>, vector<16xf32>,
      } {sc.loop_unroll_factor = 4 : i64, sc.parallel_access}
      %add3A_341 = arith.constant 1 : i32
      %add3A_342 = arith.addi %mul3A_89, %add3A_341 : i32
      %mul3A_343 = arith.constant 16 : i32
      %mul3A_344 = arith.muli %add3A, %mul3A_343 : i32
      %add3A_345 = arith.addi %mul3A_344, %add3A_342 : i32
      %mul3A_346 = arith.constant 2816 : i32
      %mul3A_347 = arith.muli %add3A_345, %mul3A_346 : i32
      %dma_start3A_348 = tpu.memref_slice %arg9[%mul3A_347] : memref<1441792xf32, #tpu.memory_space<hbm>> -> memref<2816xf32, #tpu.memory_space<hbm>>
      %dma_start3A_349 = tpu.memref_slice %arg9[%mul3A_347] : memref<1441792xf32, #tpu.memory_space<hbm>> -> memref<2816xf32, #tpu.memory_space<hbm>>
      tpu.enqueue_dma source(%arg27 : memref<2816xf32, #tpu.memory_space<vmem>>) target(%dma_start3A_349 : memref<2816xf32, #tpu.memory_space<hbm>>) target_semaphore(%arg32 : memref<!tpu.dma_semaphore, #tpu.memory_space<semaphore_mem>>)
      %dma_start3A_350 = tpu.memref_slice %arg10[%mul3A_347] : memref<1441792xf32, #tpu.memory_space<hbm>> -> memref<2816xf32, #tpu.memory_space<hbm>>
      %dma_start3A_351 = tpu.memref_slice %arg10[%mul3A_347] : memref<1441792xf32, #tpu.memory_space<hbm>> -> memref<2816xf32, #tpu.memory_space<hbm>>
      tpu.enqueue_dma source(%arg28 : memref<2816xf32, #tpu.memory_space<vmem>>) target(%dma_start3A_351 : memref<2816xf32, #tpu.memory_space<hbm>>) target_semaphore(%arg32 : memref<!tpu.dma_semaphore, #tpu.memory_space<semaphore_mem>>)
    }
    %scan3A_67 = arith.constant 8 : i32
    %mul3A_68 = arith.constant 16 : i32
    %mul3A_69 = arith.muli %add3A, %mul3A_68 : i32
    %add3A_70 = arith.constant 14 : i32
    %add3A_71 = arith.addi %mul3A_69, %add3A_70 : i32
    %mul3A_72 = arith.constant 2816 : i32
    %mul3A_73 = arith.muli %add3A_71, %mul3A_72 : i32
    %dma_wait3A = tpu.memref_slice %arg9[%mul3A_73] : memref<1441792xf32, #tpu.memory_space<hbm>> -> memref<2816xf32, #tpu.memory_space<hbm>>
    %dma_wait3A_74 = tpu.memref_slice %arg9[%mul3A_73] : memref<1441792xf32, #tpu.memory_space<hbm>> -> memref<2816xf32, #tpu.memory_space<hbm>>
    tpu.wait_dma2 semaphore(%arg31 : memref<!tpu.dma_semaphore, #tpu.memory_space<semaphore_mem>>) src(%arg18 : memref<2816xf32, #tpu.memory_space<vmem>>) dst(%dma_wait3A_74 : memref<2816xf32, #tpu.memory_space<hbm>>)
    %dma_wait3A_75 = tpu.memref_slice %arg10[%mul3A_73] : memref<1441792xf32, #tpu.memory_space<hbm>> -> memref<2816xf32, #tpu.memory_space<hbm>>
    %dma_wait3A_76 = tpu.memref_slice %arg10[%mul3A_73] : memref<1441792xf32, #tpu.memory_space<hbm>> -> memref<2816xf32, #tpu.memory_space<hbm>>
    tpu.wait_dma2 semaphore(%arg31 : memref<!tpu.dma_semaphore, #tpu.memory_space<semaphore_mem>>) src(%arg19 : memref<2816xf32, #tpu.memory_space<vmem>>) dst(%dma_wait3A_76 : memref<2816xf32, #tpu.memory_space<hbm>>)
    %mul3A_77 = arith.constant 16 : i32
    %mul3A_78 = arith.muli %add3A, %mul3A_77 : i32
    %add3A_79 = arith.constant 15 : i32
    %add3A_80 = arith.addi %mul3A_78, %add3A_79 : i32
    %mul3A_81 = arith.constant 2816 : i32
    %mul3A_82 = arith.muli %add3A_80, %mul3A_81 : i32
    %dma_wait3A_83 = tpu.memref_slice %arg9[%mul3A_82] : memref<1441792xf32, #tpu.memory_space<hbm>> -> memref<2816xf32, #tpu.memory_space<hbm>>
    %dma_wait3A_84 = tpu.memref_slice %arg9[%mul3A_82] : memref<1441792xf32, #tpu.memory_space<hbm>> -> memref<2816xf32, #tpu.memory_space<hbm>>
    tpu.wait_dma2 semaphore(%arg32 : memref<!tpu.dma_semaphore, #tpu.memory_space<semaphore_mem>>) src(%arg27 : memref<2816xf32, #tpu.memory_space<vmem>>) dst(%dma_wait3A_84 : memref<2816xf32, #tpu.memory_space<hbm>>)
    %dma_wait3A_85 = tpu.memref_slice %arg10[%mul3A_82] : memref<1441792xf32, #tpu.memory_space<hbm>> -> memref<2816xf32, #tpu.memory_space<hbm>>
    %dma_wait3A_86 = tpu.memref_slice %arg10[%mul3A_82] : memref<1441792xf32, #tpu.memory_space<hbm>> -> memref<2816xf32, #tpu.memory_space<hbm>>
    tpu.wait_dma2 semaphore(%arg32 : memref<!tpu.dma_semaphore, #tpu.memory_space<semaphore_mem>>) src(%arg28 : memref<2816xf32, #tpu.memory_space<vmem>>) dst(%dma_wait3A_86 : memref<2816xf32, #tpu.memory_space<hbm>>)
    return
  }
}

module attributes {stable_mosaic.version = 14 : i64} {
  func.func @_tc_reduce(%arg0: i32, %arg1: memref<32x352x128xf32, #tpu.memory_space<vmem>>, %arg2: memref<32x352x128xf32, #tpu.memory_space<vmem>>, %arg3: memref<32x352x128xf32, #tpu.memory_space<vmem>>, %arg4: memref<1x1xf32, #tpu.memory_space<vmem>>, %arg5: memref<1x1xf32, #tpu.memory_space<vmem>>) attributes {dimension_semantics = [#tpu.dimension_semantics<arbitrary>], iteration_bounds = array<i64: 1>, scalar_prefetch = 0 : i64, scratch_operands = 0 : i64, tpu.core_type = #tpu.core_type<tc>, window_params = [{transform_indices = @transform_0, window_bounds = array<i64: 32, 352, 128>}, {transform_indices = @transform_1, window_bounds = array<i64: 32, 352, 128>}, {transform_indices = @transform_2, window_bounds = array<i64: 32, 352, 128>}, {pipeline_mode = #tpu.pipeline_mode<synchronous>, transform_indices = @transform_3, window_bounds = array<i64: 1, 1>}, {pipeline_mode = #tpu.pipeline_mode<synchronous>, transform_indices = @transform_4, window_bounds = array<i64: 1, 1>}]} {
    %get3A = arith.constant 0 : index
    %get3A_0 = arith.constant 0 : index
    %get3A_1 = arith.constant 0 : index
    %get3A_2 = vector.load %arg1[%get3A, %get3A_0, %get3A_1] : memref<32x352x128xf32, #tpu.memory_space<vmem>>, vector<32x352x128xf32>
    %get3A_3 = arith.constant 0 : index
    %get3A_4 = arith.constant 0 : index
    %get3A_5 = arith.constant 0 : index
    %get3A_6 = vector.load %arg2[%get3A_3, %get3A_4, %get3A_5] : memref<32x352x128xf32, #tpu.memory_space<vmem>>, vector<32x352x128xf32>
    %get3A_7 = arith.constant 0 : index
    %get3A_8 = arith.constant 0 : index
    %get3A_9 = arith.constant 0 : index
    %get3A_10 = vector.load %arg3[%get3A_7, %get3A_8, %get3A_9] : memref<32x352x128xf32, #tpu.memory_space<vmem>>, vector<32x352x128xf32>
    %eq3A = arith.constant 1.000000e+00 : f32
    %eq3A_11 = vector.broadcast %eq3A : f32 to vector<32x352x128xf32>
    %eq3A_12 = arith.cmpf oeq, %get3A_10, %eq3A_11 : vector<32x352x128xf32>
    %eq3A_13 = arith.constant 2.000000e+00 : f32
    %eq3A_14 = vector.broadcast %eq3A_13 : f32 to vector<32x352x128xf32>
    %eq3A_15 = arith.cmpf oeq, %get3A_10, %eq3A_14 : vector<32x352x128xf32>
    %abs3A = math.absf %get3A_2 : vector<32x352x128xf32>
    %bitcast_convert_type3A = tpu.bitcast %abs3A : vector<32x352x128xf32> -> vector<32x352x128xi32>
    %jit3A = arith.constant 2147483647 : i32
    %broadcast_in_dim3A = vector.broadcast %jit3A : i32 to vector<32x352x128xi32>
    %select_n3A = arith.select %eq3A_12, %bitcast_convert_type3A, %broadcast_in_dim3A : vector<32x352x128xi1>, vector<32x352x128xi32>
    %broadcast_in_dim3A_16 = arith.constant 0 : i32
    %broadcast_in_dim3A_17 = vector.broadcast %broadcast_in_dim3A_16 : i32 to vector<32x1x1xi32>
    %broadcast_in_dim3A_18 = arith.constant 2147483647 : i32
    %broadcast_in_dim3A_19 = vector.broadcast %broadcast_in_dim3A_18 : i32 to vector<32x1x1xi32>
    %scan3A = arith.constant 0 : i32
    %scan3A_20 = arith.constant 31 : i32
    %scan3A_21 = arith.addi %scan3A, %scan3A_20 : i32
    %scan3A_22 = arith.constant 1 : i32
    %scan3A_23:2 = scf.for %scan3A_95 = %scan3A to %scan3A_21 step %scan3A_22 iter_args(%scan3A_96 = %broadcast_in_dim3A_17, %scan3A_97 = %broadcast_in_dim3A_19) -> (vector<32x1x1xi32>, vector<32x1x1xi32>)  : i32 {
      %sub3A_98 = arith.subi %scan3A_97, %scan3A_96 : vector<32x1x1xi32>
      %shift_right_logical3A = arith.constant 1 : i32
      %shift_right_logical3A_99 = vector.broadcast %shift_right_logical3A : i32 to vector<32x1x1xi32>
      %shift_right_logical3A_100 = arith.shrui %sub3A_98, %shift_right_logical3A_99 : vector<32x1x1xi32>
      %add3A_101 = arith.addi %scan3A_96, %shift_right_logical3A_100 : vector<32x1x1xi32>
      %le3A_102 = vector.broadcast %add3A_101 : vector<32x1x1xi32> to vector<32x352x128xi32>
      %le3A_103 = arith.cmpi sle, %select_n3A, %le3A_102 : vector<32x352x128xi32>
      %convert_element_type3A_104 = arith.extui %le3A_103 : vector<32x352x128xi1> to vector<32x352x128xi32>
      %reduce_sum3A_105 = arith.constant dense<0> : vector<32xi32>
      %reduce_sum3A_106 = vector.multi_reduction <add>, %convert_element_type3A_104, %reduce_sum3A_105 [1, 2] : vector<32x352x128xi32> to vector<32xi32>
      %broadcast_in_dim3A_107 = vector.shape_cast %reduce_sum3A_106 : vector<32xi32> to vector<32x1x1xi32>
      %ge3A = arith.constant 9408 : i32
      %ge3A_108 = vector.broadcast %ge3A : i32 to vector<32x1x1xi32>
      %ge3A_109 = arith.cmpi sge, %broadcast_in_dim3A_107, %ge3A_108 : vector<32x1x1xi32>
      %add3A_110 = arith.constant 1 : i32
      %add3A_111 = vector.broadcast %add3A_110 : i32 to vector<32x1x1xi32>
      %add3A_112 = arith.addi %add3A_101, %add3A_111 : vector<32x1x1xi32>
      %select_n3A_113 = arith.select %ge3A_109, %scan3A_96, %add3A_112 : vector<32x1x1xi1>, vector<32x1x1xi32>
      %select_n3A_114 = arith.select %ge3A_109, %add3A_101, %scan3A_97 : vector<32x1x1xi1>, vector<32x1x1xi32>
      scf.yield %select_n3A_113, %select_n3A_114 : vector<32x1x1xi32>, vector<32x1x1xi32>
    }
    %le3A = vector.broadcast %scan3A_23#1 : vector<32x1x1xi32> to vector<32x352x128xi32>
    %le3A_24 = arith.cmpi sle, %select_n3A, %le3A : vector<32x352x128xi32>
    %and3A = arith.andi %eq3A_12, %le3A_24 : vector<32x352x128xi1>
    %or3A = arith.ori %and3A, %eq3A_15 : vector<32x352x128xi1>
    %jit3A_25 = arith.constant 1.000000e+00 : f32
    %jit3A_26 = arith.constant 0.000000e+00 : f32
    %broadcast_in_dim3A_27 = vector.broadcast %jit3A_25 : f32 to vector<32x352x128xf32>
    %broadcast_in_dim3A_28 = vector.broadcast %jit3A_26 : f32 to vector<32x352x128xf32>
    %select_n3A_29 = arith.select %or3A, %broadcast_in_dim3A_27, %broadcast_in_dim3A_28 : vector<32x352x128xi1>, vector<32x352x128xf32>
    %max3A = arith.constant 0.000000e+00 : f32
    %max3A_30 = vector.broadcast %max3A : f32 to vector<32x352x128xf32>
    %max3A_31 = arith.maximumf %get3A_2, %max3A_30 : vector<32x352x128xf32>
    %mul3A = arith.mulf %get3A_2, %get3A_6 : vector<32x352x128xf32>
    %sub3A = arith.subf %max3A_31, %mul3A : vector<32x352x128xf32>
    %neg3A = arith.constant 0.000000e+00 : f32
    %neg3A_32 = vector.broadcast %neg3A : f32 to vector<32x352x128xf32>
    %neg3A_33 = arith.subf %neg3A_32, %abs3A : vector<32x352x128xf32>
    %exp3A = math.exp %neg3A_33 : vector<32x352x128xf32>
    %log1p3A = math.log1p %exp3A : vector<32x352x128xf32>
    %add3A = arith.addf %sub3A, %log1p3A : vector<32x352x128xf32>
    %mul3A_34 = arith.mulf %add3A, %select_n3A_29 : vector<32x352x128xf32>
    %neg3A_35 = arith.constant 0.000000e+00 : f32
    %neg3A_36 = vector.broadcast %neg3A_35 : f32 to vector<32x352x128xf32>
    %neg3A_37 = arith.subf %neg3A_36, %get3A_2 : vector<32x352x128xf32>
    %exp3A_38 = math.exp %neg3A_37 : vector<32x352x128xf32>
    %add3A_39 = arith.constant 1.000000e+00 : f32
    %add3A_40 = vector.broadcast %add3A_39 : f32 to vector<32x352x128xf32>
    %add3A_41 = arith.addf %add3A_40, %exp3A_38 : vector<32x352x128xf32>
    %div3A = arith.constant 1.000000e+00 : f32
    %div3A_42 = vector.broadcast %div3A : f32 to vector<32x352x128xf32>
    %div3A_43 = arith.divf %div3A_42, %add3A_41 : vector<32x352x128xf32>
    %mul3A_44 = arith.mulf %div3A_43, %get3A_6 : vector<32x352x128xf32>
    %mul3A_45 = arith.mulf %mul3A_44, %select_n3A_29 : vector<32x352x128xf32>
    %reduce_sum3A = arith.constant dense<0.000000e+00> : vector<32xf32>
    %reduce_sum3A_46 = vector.multi_reduction <add>, %mul3A_45, %reduce_sum3A [1, 2] : vector<32x352x128xf32> to vector<32xf32>
    %mul3A_47 = arith.mulf %div3A_43, %select_n3A_29 : vector<32x352x128xf32>
    %reduce_sum3A_48 = arith.constant dense<0.000000e+00> : vector<32xf32>
    %reduce_sum3A_49 = vector.multi_reduction <add>, %mul3A_47, %reduce_sum3A_48 [1, 2] : vector<32x352x128xf32> to vector<32xf32>
    %mul3A_50 = arith.mulf %get3A_6, %select_n3A_29 : vector<32x352x128xf32>
    %reduce_sum3A_51 = arith.constant dense<0.000000e+00> : vector<32xf32>
    %reduce_sum3A_52 = vector.multi_reduction <add>, %mul3A_50, %reduce_sum3A_51 [1, 2] : vector<32x352x128xf32> to vector<32xf32>
    %mul3A_53 = arith.constant 2.000000e+00 : f32
    %mul3A_54 = vector.broadcast %mul3A_53 : f32 to vector<32xf32>
    %mul3A_55 = arith.mulf %mul3A_54, %reduce_sum3A_46 : vector<32xf32>
    %add3A_56 = arith.constant 1.000000e+00 : f32
    %add3A_57 = vector.broadcast %add3A_56 : f32 to vector<32xf32>
    %add3A_58 = arith.addf %mul3A_55, %add3A_57 : vector<32xf32>
    %add3A_59 = arith.addf %reduce_sum3A_49, %reduce_sum3A_52 : vector<32xf32>
    %add3A_60 = arith.constant 1.000000e+00 : f32
    %add3A_61 = vector.broadcast %add3A_60 : f32 to vector<32xf32>
    %add3A_62 = arith.addf %add3A_59, %add3A_61 : vector<32xf32>
    %div3A_63 = arith.divf %add3A_58, %add3A_62 : vector<32xf32>
    %sub3A_64 = arith.constant 1.000000e+00 : f32
    %sub3A_65 = vector.broadcast %sub3A_64 : f32 to vector<32xf32>
    %sub3A_66 = arith.subf %sub3A_65, %div3A_63 : vector<32xf32>
    %eq3A_67 = arith.constant 0 : i32
    %eq3A_68 = arith.cmpi eq, %arg0, %eq3A_67 : i32
    %convert_element_type3A = arith.extui %eq3A_68 : i1 to i32
    %cond3A = arith.constant 0 : i32
    %cond3A_69 = arith.cmpi ne, %convert_element_type3A, %cond3A : i32
    scf.if %cond3A_69 {
      %broadcast_in_dim3A_95 = arith.constant 0.000000e+00 : f32
      %broadcast_in_dim3A_96 = vector.broadcast %broadcast_in_dim3A_95 : f32 to vector<1x1xf32>
      %swap3A_97 = arith.constant 0 : index
      %swap3A_98 = arith.constant 0 : index
      %swap3A_99 = vector.load %arg4[%swap3A_97, %swap3A_98] : memref<1x1xf32, #tpu.memory_space<vmem>>, vector<1x1xf32>
      tpu.vector_store %arg4[%swap3A_97, %swap3A_98], %broadcast_in_dim3A_96 {strides = array<i32>} : memref<1x1xf32, #tpu.memory_space<vmem>>, vector<1x1xf32>,
      %broadcast_in_dim3A_100 = arith.constant 0.000000e+00 : f32
      %broadcast_in_dim3A_101 = vector.broadcast %broadcast_in_dim3A_100 : f32 to vector<1x1xf32>
      %swap3A_102 = arith.constant 0 : index
      %swap3A_103 = arith.constant 0 : index
      %swap3A_104 = vector.load %arg5[%swap3A_102, %swap3A_103] : memref<1x1xf32, #tpu.memory_space<vmem>>, vector<1x1xf32>
      tpu.vector_store %arg5[%swap3A_102, %swap3A_103], %broadcast_in_dim3A_101 {strides = array<i32>} : memref<1x1xf32, #tpu.memory_space<vmem>>, vector<1x1xf32>,
    } else {
    }
    %get3A_70 = arith.constant 0 : index
    %get3A_71 = arith.constant 0 : index
    %get3A_72 = vector.load %arg4[%get3A_70, %get3A_71] : memref<1x1xf32, #tpu.memory_space<vmem>>, vector<1x1xf32>
    %reduce_sum3A_73 = vector.shape_cast %mul3A_34 : vector<32x352x128xf32> to vector<1x32x352x128xf32>
    %reduce_sum3A_74 = arith.constant dense<0.000000e+00> : vector<1xf32>
    %reduce_sum3A_75 = vector.multi_reduction <add>, %reduce_sum3A_73, %reduce_sum3A_74 [1, 2, 3] : vector<1x32x352x128xf32> to vector<1xf32>
    %reduce_sum3A_76 = vector.shape_cast %reduce_sum3A_75 : vector<1xf32> to vector<1x1x1x1xf32>
    %reduce_sum3A_77 = vector.extract %reduce_sum3A_76[0, 0, 0, 0] : f32 from vector<1x1x1x1xf32>
    %add3A_78 = vector.broadcast %reduce_sum3A_77 : f32 to vector<1x1xf32>
    %add3A_79 = arith.addf %get3A_72, %add3A_78 : vector<1x1xf32>
    %swap3A = arith.constant 0 : index
    %swap3A_80 = arith.constant 0 : index
    %swap3A_81 = vector.load %arg4[%swap3A, %swap3A_80] : memref<1x1xf32, #tpu.memory_space<vmem>>, vector<1x1xf32>
    tpu.vector_store %arg4[%swap3A, %swap3A_80], %add3A_79 {strides = array<i32>} : memref<1x1xf32, #tpu.memory_space<vmem>>, vector<1x1xf32>,
    %get3A_82 = arith.constant 0 : index
    %get3A_83 = arith.constant 0 : index
    %get3A_84 = vector.load %arg5[%get3A_82, %get3A_83] : memref<1x1xf32, #tpu.memory_space<vmem>>, vector<1x1xf32>
    %reduce_sum3A_85 = vector.shape_cast %sub3A_66 : vector<32xf32> to vector<1x32xf32>
    %reduce_sum3A_86 = arith.constant dense<0.000000e+00> : vector<1xf32>
    %reduce_sum3A_87 = vector.multi_reduction <add>, %reduce_sum3A_85, %reduce_sum3A_86 [1] : vector<1x32xf32> to vector<1xf32>
    %reduce_sum3A_88 = vector.shape_cast %reduce_sum3A_87 : vector<1xf32> to vector<1x1xf32>
    %reduce_sum3A_89 = vector.extract %reduce_sum3A_88[0, 0] : f32 from vector<1x1xf32>
    %add3A_90 = vector.broadcast %reduce_sum3A_89 : f32 to vector<1x1xf32>
    %add3A_91 = arith.addf %get3A_84, %add3A_90 : vector<1x1xf32>
    %swap3A_92 = arith.constant 0 : index
    %swap3A_93 = arith.constant 0 : index
    %swap3A_94 = vector.load %arg5[%swap3A_92, %swap3A_93] : memref<1x1xf32, #tpu.memory_space<vmem>>, vector<1x1xf32>
    tpu.vector_store %arg5[%swap3A_92, %swap3A_93], %add3A_91 {strides = array<i32>} : memref<1x1xf32, #tpu.memory_space<vmem>>, vector<1x1xf32>,
    return
  }
  func.func @transform_0(%arg0: i32) -> (i32, i32, i32) {
    %c0_i32 = arith.constant 0 : i32
    %c0_i32_0 = arith.constant 0 : i32
    %c0_i32_1 = arith.constant 0 : i32
    return %arg0, %c0_i32, %c0_i32_0 : i32, i32, i32
  }
  func.func @transform_1(%arg0: i32) -> (i32, i32, i32) {
    %c0_i32 = arith.constant 0 : i32
    %c0_i32_0 = arith.constant 0 : i32
    %c0_i32_1 = arith.constant 0 : i32
    return %arg0, %c0_i32, %c0_i32_0 : i32, i32, i32
  }
  func.func @transform_2(%arg0: i32) -> (i32, i32, i32) {
    %c0_i32 = arith.constant 0 : i32
    %c0_i32_0 = arith.constant 0 : i32
    %c0_i32_1 = arith.constant 0 : i32
    return %arg0, %c0_i32, %c0_i32_0 : i32, i32, i32
  }
  func.func @transform_3(%arg0: i32) -> (i32, i32) {
    %c0_i32 = arith.constant 0 : i32
    %c0_i32_0 = arith.constant 0 : i32
    %c0_i32_1 = arith.constant 0 : i32
    return %c0_i32, %c0_i32_0 : i32, i32
  }
  func.func @transform_4(%arg0: i32) -> (i32, i32) {
    %c0_i32 = arith.constant 0 : i32
    %c0_i32_0 = arith.constant 0 : i32
    %c0_i32_1 = arith.constant 0 : i32
    return %c0_i32, %c0_i32_0 : i32, i32
  }
}

</mosaic_0001>

<sc_bundles>
// kernel: kernel.6.cloned.1.call-start
scs
__scs_entry_jumppad:
0x0: {  	(pc) =	sbr.rel $0x88, $3  }
0x1: {  	(tag) =	ssettag $0x0;
	lr =	simm.s32 $0x1  }
0x2: {  	[smem:$0x3F9F] =	sst lr;
	_ =	strace $0xD0000000  }
0x3: {  	_ = 	snop  }
0x4: {  	_ = 	snop  }
0x5: {  	_ = 	snop  }
0x6: {  	_ = 	snop  }
0x7: {  	_ = 	snop  }
__scs_overlays_trampoline_lowered:
0x8: {  	[smem:$0x3FAE] =	sst s0  }
0x9: {  	[smem:$0x3FAF] =	sst s1  }
0xa: {  	[smem:$0x3FB0] =	sst s2  }
0xb: {  	[smem:$0x3FB1] =	sst s3  }
0xc: {  	[smem:$0x3FB2] =	sst s4  }
0xd: {  	[smem:$0x3FB3] =	sst s5  }
0xe: {  	[smem:$0x3FB4] =	sst s6  }
0xf: {  	[smem:$0x3FB5] =	sst s7  }
0x10: {  	[smem:$0x3FB6] =	sst s8  }
0x11: {  	[smem:$0x3FB7] =	sst s9;
	s0 =	simm.s32 @!p0 $0x0  }
0x12: {  	s1 =	sld [smem:$0x3F9D];
	s0 =	simm.s32 @p0 $0x1  }
0x13: {  	[smem:$0x3FB8] =	sst s0;
	s0 =	simm.s32 @!p1 $0x0  }
0x14: {  	s2 =	sld [smem:$0x3F9C];
	s0 =	simm.s32 @p1 $0x1  }
0x15: {  	[smem:$0x3FB9] =	sst s0;
	s0 =	simm.s32 @!p2 $0x0  }
0x16: {  	s3 =	sld [smem:$0x3FDB];
	s0 =	simm.s32 @p2 $0x1  }
0x17: {  	s4 =	simm.s32 $0x1BF5;
	[smem:$0x3FBB] =	sst s0  }
0x18: {  	s0 =	sld [smem:$0x3F9E];
	_ =	swait.ge [sflag:s4], $0x0  }
0x19: {  	s7 =	sld [smem:$0x3F9F]  }
0x1a: {  	s8 =	sadd.s32 $0xFFFFE003, lr  }
0x1b: {  	s9 =	sadd.s32 $0xFFFFFEF7, lr;
	s5 =	simm.s32 $0xFFFFFFFF;
	p2 =	slt.u32 s8, $0xFFFFF086  }
0x1c: {  	p1 =	slt.u32 s9, $0xF7A;
	s5 =	simm.s32 @!p2 $0x0  }
0x1d: {  	s5 =	simm.s32 @p1 $0x1;
	p0 =	seq.s32 s7, s2  }
0x1e: {  	s7 =	smul.u32 @!p0 $0xF7A, s2;
	p2 =	seq.s32 @!p0 s5, $0x0  }
0x1f: {  	s9 =	smul.u32 $0xF7A, s1;
	s8 =	simm.s32 @!p0 $0x1BF5;
	p2 =	por !p2, p0  }
0x20: {  	[sflag:s8] =	ssyncset.s32 @!p0 $0xFFFFF086;
	s6 =	sadd.s32 @!p0 s3, s7;
	s7 =	simm.s32 @!p0 $0x108  }
0x21: {  	s3 =	sadd.s32 s3, s9;
	s6 =	sadd.s32 @!p0 $0x88, s6;
	s7 =	simm.s32 @p2 $0x1082  }
0x22: {  	[simem:s7], [sflag:s8] =	dma.local @!p0 [hbm:s6], $0xF7A  }
0x23: {  	s9 =	sor.u32 $0xD0000000, s2;
	s6 =	simm.s32 $0x108;
	_ =	swait.ge @!p0 [sflag:s8], $0x0  }
0x24: {  	s3 =	sadd.s32 $0x88, s3;
	s6 =	simm.s32 @!p1 $0x1082;
	[sflag:s4] =	ssyncset.s32 $0xFFFFF086  }
0x25: {  	[simem:s6], [sflag:s4] =	dma.local [hbm:s3], $0xF7A  }
0x26: {  	[smem:$0x3F9F] =	sst s1;
	(tag) =	ssettag s2;
	_ =	strace s9  }
0x27: {  	s1 =	sld [smem:$0x3FAF]  }
0x28: {  	s2 =	sld [smem:$0x3FB0]  }
0x29: {  	s4 =	sld [smem:$0x3FB2]  }
0x2a: {  	p0 =	seq.s32 s5, $0x0;
	s5 =	sld [smem:$0x3FB3]  }
0x2b: {  	s6 =	sld [smem:$0x3FB4]  }
0x2c: {  	s7 =	sld [smem:$0x3FB5]  }
0x2d: {  	s3 =	simm.s32 $0x108;
	s8 =	sld [smem:$0x3FB6]  }
0x2e: {  	s3 =	simm.s32 @!p0 $0x1082;
	s9 =	sld [smem:$0x3FB7]  }
0x2f: {  	lr =	sadd.s32 s0, s3;
	s0 =	sld [smem:$0x3FAE]  }
0x30: {  	s3 =	sld [smem:$0x3FB1]  }
0x31: {  	[smem:$0x3FBA] =	sst s10  }
0x32: {  	s10 =	sld [smem:$0x3FB8];
	_ =	sdelay $0x3  }
0x33: {  	p0 =	seq.s32 s10, $0x1;
	s10 =	sld [smem:$0x3FBA];
	_ =	sdelay $0x3  }
0x34: {  	[smem:$0x3FBA] =	sst s10  }
0x35: {  	s10 =	sld [smem:$0x3FB9];
	_ =	sdelay $0x3  }
0x36: {  	p1 =	seq.s32 s10, $0x1;
	s10 =	sld [smem:$0x3FBA];
	_ =	sdelay $0x3  }
0x37: {  	[smem:$0x3FBA] =	sst s10  }
0x38: {  	s10 =	sld [smem:$0x3FBB]  }
0x39: {  	_ = 	snop;
	(pc) =	sbr.ind lr, $3  }
0x3a: {  	_ = 	snop  }
0x3b: {  	_ = 	snop  }
0x3c: {  	p2 =	seq.s32 s10, $0x1;
	s10 =	sld [smem:$0x3FBA]  }
0x3d: {  	_ =	shalt  }
0x3e: {  	_ =	shalt  }
0x3f: {  	_ =	shalt  }
0x40: {  	_ =	shalt  }
0x41: {  	_ =	shalt  }
0x42: {  	_ =	shalt  }
0x43: {  	_ =	shalt  }
0x44: {  	_ =	shalt  }
0x45: {  	_ =	shalt  }
0x46: {  	_ =	shalt  }
0x47: {  	_ =	shalt  }
0x48: {  	_ =	shalt  }
0x49: {  	_ =	shalt  }
0x4a: {  	_ =	shalt  }
0x4b: {  	_ =	shalt  }
0x4c: {  	_ =	shalt  }
0x4d: {  	_ =	shalt  }
0x4e: {  	_ =	shalt  }
0x4f: {  	_ =	shalt  }
0x50: {  	_ =	shalt  }
0x51: {  	_ =	shalt  }
0x52: {  	_ =	shalt  }
0x53: {  	_ =	shalt  }
0x54: {  	_ =	shalt  }
0x55: {  	_ =	shalt  }
0x56: {  	_ =	shalt  }
0x57: {  	_ =	shalt  }
0x58: {  	_ =	shalt  }
0x59: {  	_ =	shalt  }
0x5a: {  	_ =	shalt  }
0x5b: {  	_ =	shalt  }
0x5c: {  	_ =	shalt  }
0x5d: {  	_ =	shalt  }
0x5e: {  	_ =	shalt  }
0x5f: {  	_ =	shalt  }
0x60: {  	_ =	shalt  }
0x61: {  	_ =	shalt  }
0x62: {  	_ =	shalt  }
0x63: {  	_ =	shalt  }
0x64: {  	_ =	shalt  }
0x65: {  	_ =	shalt  }
0x66: {  	_ =	shalt  }
0x67: {  	_ =	shalt  }
0x68: {  	_ =	shalt  }
0x69: {  	_ =	shalt  }
0x6a: {  	_ =	shalt  }
0x6b: {  	_ =	shalt  }
0x6c: {  	_ =	shalt  }
0x6d: {  	_ =	shalt  }
0x6e: {  	_ =	shalt  }
0x6f: {  	_ =	shalt  }
0x70: {  	_ =	shalt  }
0x71: {  	_ =	shalt  }
0x72: {  	_ =	shalt  }
0x73: {  	_ =	shalt  }
0x74: {  	_ =	shalt  }
0x75: {  	_ =	shalt  }
0x76: {  	_ =	shalt  }
0x77: {  	_ =	shalt  }
0x78: {  	_ =	shalt  }
0x79: {  	_ =	shalt  }
0x7a: {  	_ =	shalt  }
0x7b: {  	_ =	shalt  }
0x7c: {  	_ =	shalt  }
0x7d: {  	_ =	shalt  }
0x7e: {  	_ =	shalt  }
0x7f: {  	_ =	shalt  }
0x80: {  	_ =	shalt  }
0x81: {  	_ =	shalt  }
0x82: {  	_ =	shalt  }
0x83: {  	_ =	shalt  }
0x84: {  	_ =	shalt  }
0x85: {  	_ =	shalt  }
0x86: {  	_ =	shalt  }
0x87: {  	_ =	shalt  }
.Lfunc_end0:
.L_simem_size_0:
called_computation_lowered:
.L_overlay_start_0:
0x88: {  	s2 =	sld [smem:$0x3FD9]  }
0x89: {  	s3 =	sld [smem:$0x3FFE];
	_ =	sdelay $0x1  }
0x8a: {  	s1 =	srdreg.scid  }
0x8b: {  	s0 =	sand.u32 $0x1, s1  }
0x8c: {  	s17 =	sshll.u32 s0, $0xA;
	s2 =	sadd.s32 s3, s2  }
0x8d: {  	s2 =	sadd.s32 s2, s17  }
0x8e: {  	[smem:$0x3FC6] =	sst s2  }
0x8f: {  	_ = 	snop  }
0x90: {  	s18 =	sld [smem:$0x3FC9]  }
0x91: {  	s4 =	sld [smem:$0x3FC8];
	(tm) =	ssettm $0x1  }
0x92: {  	s19 =	sld [smem:$0x3FFB];
	_ =	sdelay $0x3  }
0x93: {  	_ =	strace s19  }
0x94: {  	s2 =	sld [smem:$0x3FFC];
	_ =	sdelay $0x3  }
0x95: {  	_ =	strace s2  }
0x96: {  	s2 =	sld [smem:$0x3FFD];
	_ =	sdelay $0x3  }
0x97: {  	_ =	strace s2  }
0x98: {  	_ =	strace $0x8FFFFFFF  }
0x99: {  	s20 =	sld [smem:$0x3FDB];
	_ =	sdelay $0x1  }
0x9a: {  	s5 =	simm.s32 $_scs_section_size  }
0x9b: {  	s6 =	simm.s32 $_size__tile_overlayer_lowered;
	s7 =	simm.s32 $_tile_overlayer_lowered  }
0x9c: {  	s8 =	simm.s32 $0x1BFF;
	s21 =	sshll.u32 s7, $0x1;
	s5 =	sadd.s32 s5, s20  }
0x9d: {  	s22 =	simm.s32 $0x0;
	s6 =	sshll.u32 s6, $0x1;
	s7 =	sadd.s32 s21, s5  }
0x9e: {  	[timem:s22], [sflag:s8] =	dma.local [hbm:s7], s6  }
0x9f: {  	_ =	swait.ge [sflag:s8], s6  }
0xa0: {  	s6 =	ssub.s32 $0x0, s6;
	[sflag:s8] =	ssyncset.done $0x0  }
0xa1: {  	[sflag:s8] =	ssyncadd.s32 s6;
	_ =	sdelay $0x1  }
0xa2: {  	s23 =	simm.s32 $0x1B8B  }
0xa3: {  	_ =	swait.ge [sflag:s23], $0x1  }
0xa4: {  	[sflag:s23] =	ssyncset.done $0x0  }
0xa5: {  	[sflag:s23] =	ssyncadd.s32 $0xFFFFFFFF  }
0xa6: {  	s6 =	sld [smem:$0x0]  }
0xa7: {  	s7 =	sand.u32 $0xFFFFFFFE, s1  }
0xa8: {  	p0 =	sne.s32 s1, s7  }
0xa9: {  	s7 =	sshll.u32 @p0 s7, $0xE  }
0xaa: {  	s7 =	sadd.s32 @p0 $0x11B8D, s7;
	s8 =	sshll.u32 @p0 s6, $0x11  }
0xab: {  	s7 =	sor.u32 @p0 s8, s7  }
0xac: {  	[sflag:s7] =	ssyncadd.remote.s32 @p0 $0x1;
	_ =	sdelay $0x1  }
0xad: {  	s7 =	simm.s32 @p0 $0x1B8D  }
0xae: {  	_ =	swait.eq @p0 [sflag:s7], $0x1  }
0xaf: {  	[sflag:s7] =	ssyncadd.s32 @p0 $0xFFFFFFFF  }
0xb0: {  	s8 =	sshll.u32 @!p0 s1, $0xE  }
0xb1: {  	s8 =	sor.u32 @!p0 $0x4000, s8;
	s7 =	simm.s32 @!p0 $0x1B8D  }
0xb2: {  	s6 =	sshll.u32 @!p0 s6, $0x11;
	s8 =	sadd.s32 @!p0 $0x11B8D, s8;
	_ =	swait.eq @!p0 [sflag:s7], $0x1  }
0xb3: {  	s6 =	sor.u32 @!p0 s6, s8;
	[sflag:s7] =	ssyncadd.s32 @!p0 $0xFFFFFFFF  }
0xb4: {  	s25 =	simm.s32 $0x1B8E;
	s24 =	sld [smem:$0x3FFE];
	[sflag:s6] =	ssyncadd.remote.s32 @!p0 $0x1  }
0xb5: {  	s26 =	simm.s32 $execute0_lowered;
	[smem:$0x3FD2] =	sst s25  }
0xb6: {  	s7 =	sshll.u32 s26, $0x1;
	_ =	strace $0x80000049;
	[dreg:$0x1] =	wrdreg $0xFFFFFFFF  }
0xb7: {  	s28 =	simm.s32 $_size_execute0_lowered;
	s5 =	sadd.s32 s5, s7;
	[dreg:$0x0] =	wrdreg $0x0  }
0xb8: {  	s7 =	sshll.u32 s28, $0x1;
	[dreg:$0x2] =	wrdreg s5  }
0xb9: {  	[dreg:$0x3] =	wrdreg s7  }
0xba: {  	[dreg:$0x4] =	wrdreg $0xC0  }
0xbb: {  	_ =	task [dreg:s22], $0x5FFFF  }
0xbc: {  	[dreg:$0x1] =	wrdreg $0xFFFFFFFF  }
0xbd: {  	[dreg:$0x0] =	wrdreg $0x60  }
0xbe: {  	[dreg:$0x2] =	wrdreg s18  }
0xbf: {  	[dreg:$0x3] =	wrdreg s4  }
0xc0: {  	[dreg:$0x4] =	wrdreg s24  }
0xc1: {  	[dreg:$0x5] =	wrdreg $0x9  }
0xc2: {  	_ =	task.clear_ibuf [dreg:s22], $0x6FFFF;
	_ =	strace $0x90000049  }
0xc3: {  	s29 =	simm.s32 $0x9;
	_ =	strace $0x8000004B  }
0xc4: {  	_ =	swait.ge [sflag:s29], $0x1  }
0xc5: {  	[sflag:s29] =	ssyncadd.s32 $0xFFFFFFFF  }
0xc6: {  	_ =	strace $0x9000004B  }
0xc7: {  	_ =	sfence  }
0xc8: {  	s30 =	sld [smem:$0x0];
	_ =	sdelay $0x2  }
0xc9: {  	s31 =	sshll.u32 s1, $0xD;
	s1 =	sshrl.u32 s1, $0x2  }
0xca: {  	s4 =	sand.u32 $0x4000, s31;
	s1 =	sadd.s32 s1, s30  }
0xcb: {  	s0 =	sor.u32 s4, s0;
	s1 =	sshll.u32 s1, $0x11  }
0xcc: {  	s0 =	sor.u32 s1, s0  }
0xcd: {  	s0 =	sadd.s32 $0x8F2B, s0  }
0xce: {  	[sflag:s0] =	ssyncadd.remote.s32 $0x1  }
0xcf: {  	_ =	sfence.sel $0xFFFF  }
0xd0: {  	[dreg:$0x0] =	wrdreg $0xFFFFFFFF;
	(pc) =	sbr.abs _section_cstart, $3  }
0xd1: {  	[dreg:$0x1] =	wrdreg $0xFFFFFFFF  }
0xd2: {  	_ =	task.clear_ibuf [dreg:s22], $0x2FFFF;
	_ =	strace $0x9FFFFFFF  }
0xd3: {  	(tm) =	ssettm $0x7FFFFFFF  }
tec
execute0_lowered:
.L_overlay_start_1:
0x0: {  	(tag) =	ssettag $0x1  }
0x1: {  	s26 =	rddreg [dreg:$0x0]  }
0x2: {  	s28 =	rddreg [dreg:$0x1]  }
0x3: {  	s0 =	rddreg [dreg:$0x2];
	s3 =	simm.s32 $0x0;
	s1 =	srdreg.scid  }
0x4: {  	s2 =	stileid.u32;
	s4 =	sadd.s32 $0x2C5800, s0;
	s6 =	sadd.s32 $0x215800, s0  }
0x5: {  	[smem:$0x7FF] =	sst s3;
	s7 =	sadd.s32 $0x165800, s0;
	s8 =	sadd.s32 $0xB5800, s0  }
0x6: {  	s9 =	sadd.s32 $0x5800, s0;
	s1 =	sand.u32 $0x1, s1;
	s5 =	sshll.u32 s2, $0x1  }
0x7: {  	s10 =	sadd.s32 $0x3CD800, s0;
	s12 =	ssub.s32 $0x2, s1;
	s1 =	sor.u32 s1, s5  }
0x8: {  	s11 =	sadd.s32 $0x3F9800, s0;
	s19 =	sshrl.u32 s12, $0x1;
	s5 =	smul.u32 $0x1600, s1  }
0x9: {  	s0 =	ssub.s32 s12, s19;
	s12 =	sshll.u32 s1, $0x4;
	s1 =	sshll.u32 s1, $0xF  }
0xa: {  	_ =	strace $0x8000004A;
	s20 =	sadd.s32 s26, s1;
	[dreg:$0x4] =	wrdreg s1  }
0xb: {  	s1 =	sadd.s32 s28, s1;
	[dreg:$0x5] =	wrdreg s20  }
0xc: {  	s21 =	sadd.s32 s4, s5;
	[dreg:$0x6] =	wrdreg s1  }
0xd: {  	s29 =	simm.s32 $0x1;
	s22 =	sadd.s32 s6, s5;
	[dreg:$0x7] =	wrdreg s21  }
0xe: {  	s30 =	simm.s32 $0xED00;
	s23 =	sadd.s32 s7, s5;
	[dreg:$0x8] =	wrdreg s22  }
0xf: {  	s31 =	simm.s32 $0x13D00;
	s24 =	sadd.s32 s8, s5;
	[dreg:$0x9] =	wrdreg s23  }
0x10: {  	s14 =	simm.s32 $0x2;
	s25 =	sadd.s32 s9, s5;
	[dreg:$0xa] =	wrdreg s24  }
0x11: {  	s18 =	simm.s32 $0x4;
	s0 =	smax.u32 s0, $0x1;
	[dreg:$0xb] =	wrdreg s25  }
0x12: {  	[dreg:$0xc] =	wrdreg s0;
	s22 =	simm.s32 $0x5000;
	s1 =	simm.s32 $0x0  }
.LBB2_1:
0x13: {  	[dreg:$0xd] =	wrdreg s1  }
0x14: {  	s0 =	rddreg [dreg:$0x5]  }
0x15: {  	[tilespmem:s3], [sflag:$0x1] =	stream.linear.gather [hbm4b:s0+s3], $0x5000, $0x38;
	[tilespmem:$0x1DA00] =	vst v63  }
0x16: {  	s5 =	rddreg [dreg:$0x6]  }
0x17: {  	[tilespmem:s22], [sflag:$0x1] =	stream.linear.gather [hbm4b:s5+s3], $0x5000, $0x38;
	[tilespmem:$0x1DA00] =	vst v63  }
0x18: {  	s13 =	rddreg [dreg:$0x7];
	s15 =	simm.s32 $0xA000  }
0x19: {  	[tilespmem:s15], [sflag:$0x1] =	stream.linear.gather [hbm4b:s13+s3], $0xB00, $0x38;
	[tilespmem:$0x1DA00] =	vst v63  }
0x1a: {  	s16 =	rddreg [dreg:$0x8];
	s17 =	simm.s32 $0xAB00  }
0x1b: {  	[tilespmem:s17], [sflag:$0x1] =	stream.linear.gather [hbm4b:s16+s3], $0xB00, $0x38;
	[tilespmem:$0x1DA00] =	vst v63  }
0x1c: {  	s19 =	rddreg [dreg:$0x9];
	s20 =	simm.s32 $0xB600  }
0x1d: {  	[tilespmem:s20], [sflag:$0x1] =	stream.linear.gather [hbm4b:s19+s3], $0xB00, $0x38;
	[tilespmem:$0x1DA00] =	vst v63  }
0x1e: {  	s21 =	rddreg [dreg:$0xa];
	s23 =	simm.s32 $0xC100  }
0x1f: {  	[tilespmem:s23], [sflag:$0x1] =	stream.linear.gather [hbm4b:s21+s3], $0xB00, $0x38;
	[tilespmem:$0x1DA00] =	vst v63  }
0x20: {  	s24 =	rddreg [dreg:$0xb];
	s25 =	simm.s32 $0xCC00;
	s20 =	simm.s32 $0x0  }
0x21: {  	[tilespmem:s25], [sflag:$0x1] =	stream.linear.gather [hbm4b:s24+s3], $0xB00, $0x38;
	[tilespmem:$0x1DA00] =	vst v63  }
.LBB2_2:
0x22: {  	_ =	swait.ge [sflag:s29], $0x5000  }
0x23: {  	[sflag:s29] =	ssyncset.done $0x0  }
0x24: {  	[sflag:s29] =	ssyncadd.s32 $0xFFFFB000  }
0x25: {  	_ =	swait.ge [sflag:s29], $0x5000  }
0x26: {  	[sflag:s29] =	ssyncset.done $0x0  }
0x27: {  	[sflag:s29] =	ssyncadd.s32 $0xFFFFB000  }
0x28: {  	_ =	swait.ge [sflag:s29], $0xB00  }
0x29: {  	[sflag:s29] =	ssyncset.done $0x0  }
0x2a: {  	[sflag:s29] =	ssyncadd.s32 $0xFFFFF500  }
0x2b: {  	_ =	swait.ge [sflag:s29], $0xB00  }
0x2c: {  	[sflag:s29] =	ssyncset.done $0x0  }
0x2d: {  	[sflag:s29] =	ssyncadd.s32 $0xFFFFF500  }
0x2e: {  	_ =	swait.ge [sflag:s29], $0xB00  }
0x2f: {  	[sflag:s29] =	ssyncset.done $0x0  }
0x30: {  	[sflag:s29] =	ssyncadd.s32 $0xFFFFF500  }
0x31: {  	_ =	swait.ge [sflag:s29], $0xB00  }
0x32: {  	s0 =	sshllo.u32 s20, $0x1;
	[sflag:s29] =	ssyncset.done $0x0  }
0x33: {  	s1 =	sshll.u32 s0, $0x5;
	[sflag:s29] =	ssyncadd.s32 $0xFFFFF500  }
0x34: {  	s1 =	smin.u32 s1, $0x1D8;
	_ =	swait.ge [sflag:s29], $0xB00  }
0x35: {  	s1 =	sshll.u32 s1, $0x6;
	s2 =	rddreg [dreg:$0x4]  }
0x36: {  	[sflag:s29] =	ssyncset.done $0x0;
	s1 =	sor.u32 s2, s1  }
0x37: {  	s0 =	sor.u32 s12, s0;
	[sflag:s29] =	ssyncadd.s32 $0xFFFFF500;
	s5 =	sadd.s32 s26, s1  }
0x38: {  	[tilespmem:s30], [sflag:$0x2] =	stream.linear.gather [hbm4b:s5+s3], $0x5000, $0x38;
	[tilespmem:$0x1DA00] =	vst v63  }
0x39: {  	s21 =	smul.u32 $0x160, s0;
	s1 =	sadd.s32 s28, s1  }
0x3a: {  	[tilespmem:s31], [sflag:$0x2] =	stream.linear.gather [hbm4b:s1+s3], $0x5000, $0x38;
	[tilespmem:$0x1DA00] =	vst v63  }
0x3b: {  	s19 =	simm.s32 $0x18D00;
	s0 =	sadd.s32 s4, s21  }
0x3c: {  	[tilespmem:s19], [sflag:$0x2] =	stream.linear.gather [hbm4b:s0+s3], $0xB00, $0x38;
	[tilespmem:$0x1DA00] =	vst v63  }
0x3d: {  	s24 =	simm.s32 $0x19800;
	s23 =	sadd.s32 s6, s21  }
0x3e: {  	[tilespmem:s24], [sflag:$0x2] =	stream.linear.gather [hbm4b:s23+s3], $0xB00, $0x38;
	[tilespmem:$0x1DA00] =	vst v63  }
0x3f: {  	s25 =	sadd.s32 s7, s21;
	s2 =	smov.u32 s26;
	s26 =	simm.s32 $0x1A300  }
0x40: {  	[tilespmem:s26], [sflag:$0x2] =	stream.linear.gather [hbm4b:s25+s3], $0xB00, $0x38;
	[tilespmem:$0x1DA00] =	vst v63  }
0x41: {  	p0 =	seq.s32 s20, $0x0;
	s5 =	simm.s32 $0x1AE00;
	s1 =	sadd.s32 s8, s21  }
0x42: {  	[tilespmem:s5], [sflag:$0x2] =	stream.linear.gather [hbm4b:s1+s3], $0xB00, $0x38;
	[tilespmem:$0x1DA00] =	vst v63  }
0x43: {  	s16 =	simm.s32 $0x1B900;
	s15 =	sadd.s32 s9, s21;
	s0 =	simm.s32 @!p0 $0x3  }
0x44: {  	[tilespmem:s16], [sflag:$0x2] =	stream.linear.gather [hbm4b:s15+s3], $0xB00, $0x38;
	[tilespmem:$0x1DA00] =	vst v63  }
0x45: {  	_ =	swait.ge @!p0 [sflag:s0], $0xB00  }
0x46: {  	[sflag:s0] =	ssyncset.done @!p0 $0x0  }
0x47: {  	[sflag:s0] =	ssyncadd.s32 @!p0 $0xFFFFF500  }
0x48: {  	_ =	swait.ge @!p0 [sflag:s0], $0xB00  }
0x49: {  	[sflag:s0] =	ssyncset.done @!p0 $0x0  }
0x4a: {  	s17 =	simm.s32 $0xA020;
	[sflag:s0] =	ssyncadd.s32 @!p0 $0xFFFFF500  }
0x4b: {  	v0 =	vld [tilespmem:s17+$0x10];
	_ =	sdelay $0x4  }
0x4c: {  	v5 =	vld [tilespmem:s17+$0xFFFFFFE0];
	v1 =	vshrl.u32 v0, $0x9;
	v2 =	vand.u32 $0x1FF, v0  }
0x4d: {  	v10 =	vld [tilespmem:s17+$0xFFFFFFF0];
	v3 =	vand.u32 $0xFFFFF000, v0;
	v6 =	vshll.u32 v0, $0x3;
	v2 =	vadd.s32 $0x1, v2  }
0x4e: {  	v13 =	vld [tilespmem:s17+$0x0];
	v4 =	vand.u32 $0x7F, v0;
	v6 =	vand.u32 $0xC00, v6;
	v7 =	vshll.u32 v2, $0x3  }
0x4f: {  	v0 =	vshrl.u32 v0, $0x2;
	v4 =	vor.u32 v4, v6;
	v7 =	vand.u32 $0x1C00, v7  }
0x50: {  	v0 =	vand.u32 $0x380, v0;
	v6 =	vadd.s32 v3, v7;
	v3 =	vor.u32 v3, v4  }
0x51: {  	v3 =	vor.u32 v0, v3  }
0x52: {  	v9 =	vand.u32 $0x1FF, v10;
	v15 =	vshll.u32 v5, $0x3  }
0x53: {  	v16 =	vshll.u32 v10, $0x3;
	v18 =	vshll.u32 v13, $0x3;
	v20 =	vshrl.u32 v5, $0x9  }
0x54: {  	s19 =	simm.s32 $0xAB20;
	v26 =	vand.u32 $0xFFFFF000, v5;
	v2 =	vand.u32 $0x7F, v2;
	v6 =	vor.u32 v0, v6  }
0x55: {  	v17 =	vld [tilespmem:s19+$0x10];
	v19 =	vand.u32 $0x7F, v5;
	v1 =	vadd.s32 $0x1, v1;
	v14 =	vor.u32 v2, v6  }
0x56: {  	v27 =	vshrl.u32 v5, $0x2;
	v53 =	vand.u32 $0xC00, v15;
	v47 =	vshll.u32 v1, $0x9;
	v11 =	vld.idx.msk [tilespmem:v3+s3+$0x0], $0xffff  }
0x57: {  	v15 =	vand.u32 $0xC00, v16;
	v1 =	vshll.u32 v1, $0x7;
	v0 =	vand.u32 $0xFFFFF000, v47  }
0x58: {  	s23 =	simm.s32 $0xB620;
	v16 =	vand.u32 $0xC00, v18;
	v1 =	vand.u32 $0x380, v1;
	v4 =	vor.u32 v0, v4  }
0x59: {  	v22 =	vld [tilespmem:s23+$0x10];
	v6 =	vand.u32 $0x1FF, v5;
	v0 =	vadd.s32 v7, v0;
	v8 =	vor.u32 v1, v4  }
0x5a: {  	v48 =	vadd.s32 $0x1, v6;
	v6 =	vand.u32 $0x1FF, v13;
	v0 =	vor.u32 v1, v0;
	v12 =	vld.idx.msk [tilespmem:v14+s3+$0x0], $0xffff  }
0x5b: {  	v7 =	vadd.s32 $0x1, v6;
	v6 =	vor.u32 v2, v0;
	v18 =	vmul.f32 v11, v17;
	v11 =	vld [tilespmem:s19+$0xFFFFFFE0]  }
0x5c: {  	s24 =	simm.s32 $0xCC20;
	v28 =	vshrl.u32 v10, $0x9;
	v29 =	vand.u32 $0xFFFFF000, v10;
	v30 =	vand.u32 $0x7F, v10  }
0x5d: {  	s15 =	simm.s32 $0xC120;
	v10 =	vshrl.u32 v10, $0x2;
	v49 =	vadd.s32 $0x1, v9;
	v5 =	vld [tilespmem:s24+$0x10];
	v9 =	vshll.u32 v7, $0x3  }
0x5e: {  	v31 =	vshrl.u32 v13, $0x9;
	v32 =	vand.u32 $0xFFFFF000, v13;
	v25 =	vand.u32 $0x1C00, v9;
	v9 =	vld [tilespmem:s15+$0x10]  }
0x5f: {  	v33 =	vand.u32 $0x7F, v13;
	v55 =	vadd.s32 $0x1, v20;
	v52 =	vld.idx.msk [tilespmem:v8+s3+$0x0], $0xffff;
	v12 =	vmul.f32 v12, v22  }
0x60: {  	v27 =	vand.u32 $0x380, v27;
	v28 =	vadd.s32 $0x1, v28;
	v51 =	vshll.u32 v49, $0x3;
	v21 =	vld.idx.msk [tilespmem:v6+s3+$0x0], $0xffff;
	[tilespmem:$0x1FFF0] =	vst v11  }
0x61: {  	v10 =	vand.u32 $0x380, v10;
	v24 =	vand.u32 $0x1C00, v51;
	v34 =	vadd.f32 v12, v18;
	v12 =	vld [tilespmem:s23+$0xFFFFFFE0]  }
0x62: {  	v54 =	vor.u32 v19, v53;
	v36 =	vadd.s32 v29, v24;
	v50 =	vshll.u32 v48, $0x3;
	v18 =	vld [tilespmem:s19+$0xFFFFFFF0]  }
0x63: {  	v59 =	vand.u32 $0x7F, v49;
	v36 =	vor.u32 v10, v36;
	v23 =	vand.u32 $0x1C00, v50;
	v19 =	vld [tilespmem:s23+$0xFFFFFFF0]  }
0x64: {  	v30 =	vor.u32 v30, v15;
	v36 =	vor.u32 v59, v36;
	v35 =	vadd.s32 v26, v23;
	v20 =	vld [tilespmem:s19+$0x0]  }
0x65: {  	v13 =	vshrl.u32 v13, $0x2;
	v39 =	vand.u32 $0x7F, v48;
	v35 =	vor.u32 v27, v35;
	v15 =	vld [tilespmem:s15+$0xFFFFFFE0]  }
0x66: {  	v13 =	vand.u32 $0x380, v13;
	v37 =	vadd.s32 v32, v25;
	v35 =	vor.u32 v39, v35;
	v56 =	vld [tilespmem:s15+$0xFFFFFFF0]  }
0x67: {  	v42 =	vand.u32 $0x7F, v7;
	v37 =	vor.u32 v13, v37;
	v0 =	vmul.f32 v52, v9;
	v57 =	vld [tilespmem:s15+$0x0]  }
0x68: {  	v31 =	vadd.s32 $0x1, v31;
	v16 =	vor.u32 v33, v16;
	v7 =	vor.u32 v42, v37;
	v60 =	vld [tilespmem:s24+$0xFFFFFFE0]  }
0x69: {  	v41 =	vshll.u32 v28, $0x9;
	v21 =	vmul.f32 v21, v5;
	v0 =	vadd.f32 v0, v34;
	v61 =	vld [tilespmem:s24+$0xFFFFFFF0]  }
0x6a: {  	v58 =	vshll.u32 v55, $0x9;
	v62 =	vand.u32 $0xFFFFF000, v41;
	v29 =	vor.u32 v29, v30;
	v48 =	vld [tilespmem:s24+$0x0]  }
0x6b: {  	v30 =	vor.u32 v62, v30;
	v26 =	vor.u32 v26, v54;
	v49 =	vld.idx.msk [tilespmem:v35+s3+$0x0], $0xffff;
	v38 =	vadd.f32 v21, v0  }
0x6c: {  	s25 =	simm.s32 $0xD720;
	v32 =	vor.u32 v32, v16;
	v26 =	vor.u32 v27, v26;
	v27 =	vor.u32 v10, v29;
	v50 =	vld.idx.msk [tilespmem:v36+s3+$0x0], $0xffff  }
0x6d: {  	v29 =	vand.u32 $0xFFFFF000, v58;
	v10 =	vshll.u32 v55, $0x7;
	v63 =	vor.u32 v13, v32;
	v44 =	vld.idx.msk [tilespmem:v7+s3+$0x0], $0xffff;
	[tilespmem:s25+$0x10] =	vst v38  }
0x6e: {  	v13 =	vshll.u32 v28, $0x7;
	v33 =	vand.u32 $0x380, v10;
	v43 =	vld.idx.msk [tilespmem:v14+s22+$0x0], $0xffff;
	v14 =	vshll.u32 v31, $0x9  }
0x6f: {  	v21 =	vld [tilespmem:s23+$0x0];
	v28 =	vand.u32 $0xFFFFF000, v14;
	v14 =	vshll.u32 v31, $0x7;
	v31 =	vor.u32 v29, v54  }
0x70: {  	v23 =	vadd.s32 v23, v29;
	v40 =	vld.idx.msk [tilespmem:v3+s22+$0x0], $0xffff;
	v10 =	vor.u32 v33, v31;
	v31 =	vand.u32 $0x380, v13  }
0x71: {  	v8 =	vld.idx.msk [tilespmem:v8+s22+$0x0], $0xffff;
	v16 =	vor.u32 v28, v16;
	v45 =	vand.u32 $0x380, v14;
	v13 =	vor.u32 v31, v30  }
0x72: {  	v24 =	vadd.s32 v24, v62;
	v29 =	vld.idx.msk [tilespmem:v26+s3+$0x0], $0xffff;
	v14 =	vor.u32 v45, v16;
	v16 =	vor.u32 v33, v23  }
0x73: {  	v25 =	vadd.s32 v25, v28;
	v28 =	vld.idx.msk [tilespmem:v63+s3+$0x0], $0xffff;
	v24 =	vor.u32 v31, v24;
	v16 =	vor.u32 v39, v16  }
0x74: {  	v23 =	vld.idx.msk [tilespmem:v27+s3+$0x0], $0xffff;
	v25 =	vor.u32 v45, v25;
	v33 =	vor.u32 v59, v24  }
0x75: {  	v31 =	vor.u32 v42, v25;
	v24 =	vld.idx.msk [tilespmem:v10+s3+$0x0], $0xffff  }
0x76: {  	v25 =	vld.idx.msk [tilespmem:v13+s3+$0x0], $0xffff  }
0x77: {  	v30 =	vld.idx.msk [tilespmem:v14+s3+$0x0], $0xffff  }
0x78: {  	v51 =	vld.idx.msk [tilespmem:v16+s3+$0x0], $0xffff  }
0x79: {  	v32 =	vmul.f32 v49, v12;
	v38 =	vld.idx.msk [tilespmem:v33+s3+$0x0], $0xffff  }
0x7a: {  	s26 =	simm.s32 $0xA060;
	v34 =	vmul.f32 v50, v19;
	v53 =	vmul.f32 v44, v21;
	v52 =	vld.idx.msk [tilespmem:v31+s3+$0x0], $0xffff;
	[tilespmem:$0x1FFB0] =	vst v56  }
0x7b: {  	v17 =	vmul.f32 v40, v17;
	v22 =	vmul.f32 v43, v22;
	v54 =	vld [tilespmem:s26+$0x10];
	[tilespmem:$0x1FFC0] =	vst v60  }
0x7c: {  	v8 =	vmul.f32 v8, v9;
	v29 =	vmul.f32 v29, v11;
	[tilespmem:$0x1FFD0] =	vst v61  }
0x7d: {  	v28 =	vmul.f32 v28, v20;
	v23 =	vmul.f32 v23, v18;
	[tilespmem:$0x1FFE0] =	vst v48  }
0x7e: {  	v17 =	vadd.f32 v22, v17;
	v29 =	vadd.f32 v32, v29;
	v6 =	vld.idx.msk [tilespmem:v6+s22+$0x0], $0xffff;
	v24 =	vmul.f32 v24, v15  }
0x7f: {  	v28 =	vadd.f32 v53, v28;
	v23 =	vadd.f32 v34, v23;
	v39 =	vld [tilespmem:s26+$0x0];
	v25 =	vmul.f32 v25, v56  }
0x80: {  	v8 =	vadd.f32 v8, v17;
	v30 =	vmul.f32 v30, v57;
	v24 =	vadd.f32 v24, v29  }
0x81: {  	v29 =	vmul.f32 v38, v61;
	v23 =	vadd.f32 v25, v23;
	v25 =	vmul.f32 v51, v60  }
0x82: {  	v28 =	vadd.f32 v30, v28;
	v30 =	vmul.f32 v52, v48;
	v55 =	vshll.u32 v54, $0x3  }
0x83: {  	s19 =	simm.s32 $0xB660;
	v32 =	vshrl.u32 v54, $0x2;
	v34 =	vand.u32 $0xC00, v55;
	v5 =	vmul.f32 v6, v5  }
0x84: {  	s0 =	simm.s32 $0xC160;
	v1 =	vld [tilespmem:s19+$0x10];
	v62 =	vshll.u32 v39, $0x3;
	v9 =	vadd.f32 v25, v24;
	v22 =	vadd.f32 v29, v23  }
0x85: {  	s17 =	simm.s32 $0xAB60;
	v46 =	vld [tilespmem:s0+$0x10];
	v23 =	vadd.f32 v30, v28;
	v24 =	vshrl.u32 v54, $0x9;
	v25 =	vand.u32 $0x1FF, v54  }
0x86: {  	v2 =	vld [tilespmem:s17+$0xFFFFFFE0];
	v28 =	vand.u32 $0xFFFFF000, v54;
	v29 =	vand.u32 $0x7F, v54;
	v25 =	vadd.s32 $0x1, v25  }
0x87: {  	v43 =	vld [tilespmem:s19+$0xFFFFFFE0];
	v45 =	vand.u32 $0xC00, v62;
	v24 =	vadd.s32 $0x1, v24;
	v56 =	vshll.u32 v25, $0x3  }
0x88: {  	v44 =	vmovc v57;
	v57 =	vld [tilespmem:s26+$0xFFFFFFE0];
	v29 =	vor.u32 v29, v34;
	[tilespmem:s25+$0xFFFFFFE0] =	vst v9;
	v9 =	vand.u32 $0x380, v32;
	v58 =	vand.u32 $0x1C00, v56  }
0x89: {  	s5 =	simm.s32 $0xCC60;
	v25 =	vand.u32 $0x7F, v25;
	v32 =	vld.idx.msk [tilespmem:v26+s22+$0x0], $0xffff;
	v26 =	vor.u32 v28, v29;
	v28 =	vadd.s32 v28, v58  }
0x8a: {  	v52 =	vld [tilespmem:s5+$0x10];
	[tilespmem:s25+$0xFFFFFFF0] =	vst v22;
	v22 =	vor.u32 v9, v26;
	v26 =	vshll.u32 v24, $0x9;
	v9 =	vor.u32 v9, v28  }
0x8b: {  	v34 =	vld.idx.msk [tilespmem:v27+s22+$0x0], $0xffff;
	v24 =	vshll.u32 v24, $0x7;
	v27 =	vor.u32 v25, v9;
	v9 =	vand.u32 $0xFFFFF000, v26  }
0x8c: {  	v30 =	vld [tilespmem:s26+$0xFFFFFFF0];
	v40 =	vadd.f32 v5, v8;
	[tilespmem:s25+$0x0] =	vst v23;
	v17 =	vand.u32 $0x380, v24;
	v23 =	vor.u32 v9, v29  }
0x8d: {  	v60 =	vshll.u32 v57, $0x3;
	v38 =	vld.idx.msk [tilespmem:v63+s22+$0x0], $0xffff;
	v6 =	vadd.s32 v58, v9;
	v23 =	vor.u32 v17, v23  }
0x8e: {  	v53 =	vshrl.u32 v57, $0x9;
	v54 =	vand.u32 $0x7F, v57;
	v24 =	vld [tilespmem:s17+$0x10];
	v6 =	vor.u32 v17, v6  }
0x8f: {  	v50 =	vand.u32 $0xC00, v60;
	v53 =	vadd.s32 $0x1, v53;
	v59 =	vld.idx.msk [tilespmem:v22+s3+$0x0], $0xffff;
	v25 =	vor.u32 v25, v6  }
0x90: {  	v63 =	vshrl.u32 v57, $0x2;
	v56 =	vand.u32 $0xFFFFF000, v39;
	v50 =	vor.u32 v54, v50;
	v17 =	vld.idx.msk [tilespmem:v27+s3+$0x0], $0xffff  }
0x91: {  	v41 =	vld.idx.msk [tilespmem:v10+s22+$0x0], $0xffff;
	v0 =	vand.u32 $0x380, v63;
	v63 =	vshll.u32 v53, $0x9;
	v6 =	vand.u32 $0x1FF, v57  }
0x92: {  	v8 =	vand.u32 $0x1FF, v30;
	v61 =	vshll.u32 v30, $0x3;
	v26 =	vadd.s32 $0x1, v6;
	v29 =	vld.idx.msk [tilespmem:v23+s3+$0x0], $0xffff  }
0x93: {  	v10 =	vld.idx.msk [tilespmem:v14+s22+$0x0], $0xffff;
	v55 =	vshrl.u32 v30, $0x9;
	v14 =	vshrl.u32 v30, $0x2;
	v6 =	vshll.u32 v26, $0x3  }
0x94: {  	v28 =	vadd.s32 $0x1, v8;
	v9 =	vand.u32 $0x1FF, v39;
	v47 =	vand.u32 $0x1C00, v6;
	v6 =	vld.idx.msk [tilespmem:v25+s3+$0x0], $0xffff  }
0x95: {  	v3 =	vld.idx.msk [tilespmem:v7+s22+$0x0], $0xffff;
	v8 =	vshll.u32 v28, $0x3;
	v5 =	vmul.f32 v59, v24;
	v7 =	vmul.f32 v17, v1  }
0x96: {  	v37 =	vld.idx.msk [tilespmem:v35+s22+$0x0], $0xffff;
	v63 =	vand.u32 $0xFFFFF000, v63;
	v35 =	vadd.s32 $0x1, v9;
	v48 =	vand.u32 $0x1C00, v8  }
0x97: {  	v8 =	vld.idx.msk [tilespmem:v16+s22+$0x0], $0xffff;
	v9 =	vshll.u32 v35, $0x3;
	v5 =	vadd.f32 v7, v5;
	v7 =	vmul.f32 v29, v46  }
0x98: {  	v16 =	vshrl.u32 v39, $0x9;
	v49 =	vand.u32 $0x1C00, v9;
	v9 =	vld.idx.msk [tilespmem:v13+s22+$0x0], $0xffff;
	v13 =	vand.u32 $0x7F, v30  }
0x99: {  	v4 =	vld [tilespmem:s17+$0xFFFFFFF0];
	v29 =	vand.u32 $0xFFFFF000, v30;
	v30 =	vmul.f32 v6, v52;
	v7 =	vadd.f32 v7, v5  }
0x9a: {  	v36 =	vld.idx.msk [tilespmem:v36+s22+$0x0], $0xffff;
	v51 =	vand.u32 $0xC00, v61;
	v60 =	vadd.s32 $0x1, v16;
	v42 =	vadd.s32 v56, v49  }
0x9b: {  	v51 =	vor.u32 v13, v51;
	v13 =	vld [tilespmem:s19+$0xFFFFFFF0];
	v17 =	vand.u32 $0xFFFFF000, v57;
	v30 =	vadd.f32 v30, v7  }
0x9c: {  	s23 =	simm.s32 $0xD760;
	v58 =	vadd.s32 v17, v47;
	v17 =	vor.u32 v17, v50;
	v5 =	vand.u32 $0x380, v14;
	v14 =	vld [tilespmem:s17+$0x0]  }
0x9d: {  	v62 =	vand.u32 $0x7F, v26;
	v57 =	vand.u32 $0x7F, v39;
	[tilespmem:s23+$0x10] =	vst v30;
	v30 =	vor.u32 v0, v17;
	v17 =	vld [tilespmem:s0+$0xFFFFFFE0]  }
0x9e: {  	v39 =	vshrl.u32 v39, $0x2;
	v45 =	vor.u32 v57, v45;
	v59 =	vadd.s32 v29, v48;
	v16 =	vld.idx.msk [tilespmem:v22+s22+$0x0], $0xffff  }
0x9f: {  	v39 =	vand.u32 $0x380, v39;
	v58 =	vor.u32 v0, v58;
	v59 =	vor.u32 v5, v59;
	v61 =	vld.idx.msk [tilespmem:v27+s22+$0x0], $0xffff  }
0xa0: {  	v0 =	vand.u32 $0x7F, v28;
	v27 =	vor.u32 v29, v51;
	v11 =	vld.idx.msk [tilespmem:v23+s22+$0x0], $0xffff;
	v29 =	vor.u32 v62, v58  }
0xa1: {  	v57 =	vand.u32 $0x7F, v35;
	v54 =	vor.u32 v39, v42;
	v22 =	vld [tilespmem:s19+$0x0];
	v26 =	vor.u32 v0, v59  }
0xa2: {  	v55 =	vadd.s32 $0x1, v55;
	v23 =	vor.u32 v56, v45;
	v58 =	vld.idx.msk [tilespmem:v25+s22+$0x0], $0xffff;
	v25 =	vor.u32 v57, v54  }
0xa3: {  	v36 =	vmul.f32 v36, v19;
	v42 =	vshll.u32 v55, $0x9;
	v28 =	vor.u32 v39, v23;
	v23 =	vld [tilespmem:s0+$0x0]  }
0xa4: {  	v50 =	vor.u32 v63, v50;
	v54 =	vand.u32 $0xFFFFF000, v42;
	v24 =	vmul.f32 v16, v24;
	v16 =	vld [tilespmem:s0+$0xFFFFFFF0]  }
0xa5: {  	v27 =	vor.u32 v5, v27;
	v5 =	vshll.u32 v53, $0x7;
	v61 =	vmul.f32 v61, v1;
	v53 =	vld.idx.msk [tilespmem:v29+s3+$0x0], $0xffff  }
0xa6: {  	v42 =	vshll.u32 v55, $0x7;
	v51 =	vor.u32 v54, v51;
	v48 =	vadd.s32 v48, v54;
	v56 =	vld.idx.msk [tilespmem:v26+s3+$0x0], $0xffff  }
0xa7: {  	v11 =	vmul.f32 v11, v46;
	v1 =	vadd.s32 v47, v63;
	v47 =	vld.idx.msk [tilespmem:v25+s3+$0x0], $0xffff;
	v35 =	vadd.f32 v61, v24  }
0xa8: {  	v55 =	vand.u32 $0x380, v5;
	v5 =	vshll.u32 v60, $0x7;
	v24 =	vld [tilespmem:s5+$0xFFFFFFE0];
	v61 =	vshll.u32 v60, $0x9  }
0xa9: {  	v60 =	vld [tilespmem:$0x1FFF0];
	v11 =	vadd.f32 v11, v35;
	v35 =	vor.u32 v55, v50;
	v50 =	vand.u32 $0x380, v42  }
0xaa: {  	v59 =	vmul.f32 v58, v52;
	v63 =	vand.u32 $0xFFFFF000, v61;
	v42 =	vld.idx.msk [tilespmem:v30+s3+$0x0], $0xffff;
	v39 =	vor.u32 v50, v51  }
0xab: {  	v52 =	vand.u32 $0x380, v5;
	v1 =	vor.u32 v55, v1;
	v45 =	vor.u32 v63, v45;
	v55 =	vld.idx.msk [tilespmem:v27+s3+$0x0], $0xffff  }
0xac: {  	v46 =	vor.u32 v62, v1;
	v49 =	vadd.s32 v49, v63;
	v45 =	vor.u32 v52, v45;
	v51 =	vld.idx.msk [tilespmem:v28+s3+$0x0], $0xffff  }
0xad: {  	s25 =	simm.s32 $0xE220;
	v49 =	vor.u32 v52, v49;
	v62 =	vmul.f32 v53, v43;
	v52 =	vmul.f32 v37, v12;
	v37 =	vld [tilespmem:s5+$0x0]  }
0xae: {  	[tilespmem:s25+$0x10] =	vst v40;
	v63 =	vmul.f32 v56, v13;
	v5 =	vmul.f32 v47, v22;
	v61 =	vld.idx.msk [tilespmem:v35+s3+$0x0], $0xffff  }
0xaf: {  	v58 =	vadd.f32 v59, v11;
	v11 =	vor.u32 v50, v48;
	v59 =	vmul.f32 v34, v18;
	v53 =	vld.idx.msk [tilespmem:v39+s3+$0x0], $0xffff  }
0xb0: {  	s15 =	simm.s32 $0xE260;
	v47 =	vld.idx.msk [tilespmem:v33+s22+$0x0], $0xffff;
	v1 =	vmul.f32 v32, v60;
	v12 =	vor.u32 v0, v11;
	v54 =	vmul.f32 v42, v2  }
0xb1: {  	v56 =	vmov v2;
	v11 =	vor.u32 v57, v49;
	[tilespmem:s15+$0x10] =	vst v58;
	v42 =	vmul.f32 v55, v4;
	v60 =	vld.idx.msk [tilespmem:v45+s3+$0x0], $0xffff  }
0xb2: {  	v32 =	vld [tilespmem:s5+$0xFFFFFFF0];
	v55 =	vmovc v4;
	v19 =	vadd.f32 v52, v1;
	v18 =	vmul.f32 v51, v14;
	v57 =	vadd.f32 v62, v54  }
0xb3: {  	v51 =	vld.idx.msk [tilespmem:v31+s22+$0x0], $0xffff;
	v0 =	vadd.f32 v63, v42;
	v62 =	vmul.f32 v38, v20;
	v63 =	vmul.f32 v3, v21  }
0xb4: {  	v21 =	vld.idx.msk [tilespmem:v46+s3+$0x0], $0xffff;
	v20 =	vadd.f32 v36, v59;
	v61 =	vmul.f32 v61, v17;
	v31 =	vmul.f32 v53, v16  }
0xb5: {  	s13 =	smov.u32 s28;
	s28 =	simm.s32 $0xE260;
	s24 =	sshll.u32 s20, $0x1;
	v38 =	vmul.f32 v41, v15;
	v18 =	vadd.f32 v5, v18;
	v33 =	vld.idx.msk [tilespmem:v12+s3+$0x0], $0xffff;
	v15 =	vadd.f32 v63, v62  }
0xb6: {  	s1 =	simm.s32 $0xA0A0;
	s16 =	simm.s32 $0x4;
	s26 =	sor.u32 s12, s24;
	v41 =	vmul.f32 v60, v23;
	v34 =	vadd.f32 v61, v57;
	v36 =	vadd.f32 v31, v0;
	v31 =	vld.idx.msk [tilespmem:v11+s3+$0x0], $0xffff  }
.LBB2_3:
0xb7: {  	v40 =	vld [tilespmem:s1+$0x10]  }
0xb8: {  	v0 =	vld [tilespmem:$0x1FFB0]  }
0xb9: {  	v5 =	vmov v14;
	v14 =	vld [tilespmem:s1+$0x0]  }
0xba: {  	v53 =	vld [tilespmem:$0x1FFC0]  }
0xbb: {  	v57 =	vld [tilespmem:$0x1FFD0]  }
0xbc: {  	v1 =	vmov v22;
	v22 =	vld [tilespmem:s1+$0xFFFFFFE0]  }
0xbd: {  	v50 =	vmov v13;
	v21 =	vmul.f32 v21, v24;
	v4 =	vmul.f32 v10, v44  }
0xbe: {  	v13 =	vld [tilespmem:s1+$0xFFFFFFF0];
	v54 =	vmovc v17;
	v41 =	vadd.f32 v41, v18;
	v52 =	vmul.f32 v31, v37;
	v2 =	vmul.f32 v9, v0  }
0xbf: {  	v42 =	vadd.f32 v38, v19;
	[tilespmem:$0x1FF70] =	vst v5;
	v9 =	vmul.f32 v33, v32;
	v6 =	vmul.f32 v8, v53  }
0xc0: {  	v58 =	vld [tilespmem:$0x1FFE0];
	v60 =	vmovc v16;
	[tilespmem:$0x1FFA0] =	vst v54;
	v62 =	vmovc v32;
	v38 =	vmul.f32 v47, v57;
	v16 =	vand.u32 $0xFFFFF000, v40;
	v17 =	vand.u32 $0x7F, v40  }
0xc1: {  	v3 =	vmovc v23;
	[tilespmem:$0x1FFD0] =	vst v62;
	v61 =	vmovc v24;
	v23 =	vshrl.u32 v40, $0x2;
	v5 =	vshll.u32 v22, $0x3;
	v48 =	vshll.u32 v14, $0x3  }
0xc2: {  	v63 =	vmovc v37;
	[tilespmem:$0x1FFC0] =	vst v61;
	v47 =	vshrl.u32 v22, $0x9;
	v54 =	vand.u32 $0xFFFFF000, v22;
	v57 =	vshrl.u32 v22, $0x2  }
0xc3: {  	s5 =	sadd.s32 $0x40, s5;
	[tilespmem:$0x1FFE0] =	vst v63;
	v61 =	vshrl.u32 v13, $0x2;
	v62 =	vshrl.u32 v14, $0x9;
	v63 =	vand.u32 $0xFFFFF000, v14  }
0xc4: {  	s0 =	sadd.s32 $0x40, s0;
	[tilespmem:$0x1FFB0] =	vst v60;
	v60 =	vld [tilespmem:s5+$0x10];
	v44 =	vand.u32 $0x7F, v14;
	v10 =	vadd.f32 v21, v34;
	v21 =	vadd.f32 v4, v15  }
0xc5: {  	s19 =	sadd.s32 $0x40, s19;
	v53 =	vld [tilespmem:s0+$0x10];
	v8 =	vadd.f32 v52, v41;
	v34 =	vmul.f32 v51, v58;
	v23 =	vand.u32 $0x380, v23  }
0xc6: {  	v52 =	vld [tilespmem:s19+$0x10];
	v2 =	vadd.f32 v2, v20;
	v7 =	vadd.f32 v9, v36;
	[tilespmem:s23+$0xFFFFFFE0] =	vst v10;
	v10 =	vand.u32 $0x1FF, v40  }
0xc7: {  	v9 =	vshrl.u32 v40, $0x9;
	[tilespmem:s23+$0x0] =	vst v8;
	v33 =	vld.idx.msk [tilespmem:v30+s22+$0x0], $0xffff;
	v8 =	vadd.s32 $0x1, v10;
	v10 =	vshll.u32 v40, $0x3  }
0xc8: {  	v59 =	vadd.f32 v6, v42;
	v36 =	vld.idx.msk [tilespmem:v29+s22+$0x0], $0xffff;
	v10 =	vand.u32 $0xC00, v10;
	v24 =	vshll.u32 v8, $0x3  }
0xc9: {  	v9 =	vadd.s32 $0x1, v9;
	[tilespmem:s23+$0xFFFFFFF0] =	vst v7;
	v19 =	vld.idx.msk [tilespmem:v28+s22+$0x0], $0xffff;
	v10 =	vor.u32 v17, v10;
	v17 =	vand.u32 $0x1C00, v24  }
0xca: {  	v31 =	vld.idx.msk [tilespmem:v26+s22+$0x0], $0xffff;
	v26 =	vand.u32 $0x7F, v8;
	v24 =	vor.u32 v16, v10;
	v8 =	vadd.s32 v16, v17  }
0xcb: {  	v20 =	vld.idx.msk [tilespmem:v25+s22+$0x0], $0xffff;
	v16 =	vshll.u32 v9, $0x9;
	v24 =	vor.u32 v23, v24;
	v8 =	vor.u32 v23, v8  }
0xcc: {  	[tilespmem:s25+$0xFFFFFFE0] =	vst v59;
	v41 =	vld.idx.msk [tilespmem:v27+s22+$0x0], $0xffff;
	v25 =	vor.u32 v26, v8;
	v8 =	vand.u32 $0xFFFFF000, v16;
	v16 =	vshll.u32 v9, $0x7  }
0xcd: {  	v58 =	vshrl.u32 v13, $0x9;
	v40 =	vld.idx.msk [tilespmem:v35+s22+$0x0], $0xffff;
	v16 =	vand.u32 $0x380, v16;
	v27 =	vor.u32 v8, v10  }
0xce: {  	s17 =	sadd.s32 $0x40, s17;
	v42 =	vshll.u32 v13, $0x3;
	v18 =	vld.idx.msk [tilespmem:v39+s22+$0x0], $0xffff;
	v17 =	vadd.s32 v17, v8;
	v27 =	vor.u32 v16, v27  }
0xcf: {  	v28 =	vand.u32 $0x1FF, v13;
	v59 =	vand.u32 $0xFFFFF000, v13;
	v35 =	vld [tilespmem:s17+$0x10];
	v16 =	vor.u32 v16, v17  }
0xd0: {  	[tilespmem:$0x1FF50] =	vst v2;
	v2 =	vshrl.u32 v14, $0x2;
	v23 =	vand.u32 $0x1FF, v22;
	v37 =	vor.u32 v26, v16;
	v17 =	vld.idx.msk [tilespmem:v24+s3+$0x0], $0xffff  }
0xd1: {  	v28 =	vadd.s32 $0x1, v28;
	v39 =	vand.u32 $0xC00, v48;
	v29 =	vadd.s32 $0x1, v23;
	v4 =	vld.idx.msk [tilespmem:v25+s3+$0x0], $0xffff  }
0xd2: {  	v15 =	vld.idx.msk [tilespmem:v45+s22+$0x0], $0xffff;
	v2 =	vand.u32 $0x380, v2;
	v0 =	vor.u32 v44, v39;
	v16 =	vshll.u32 v29, $0x3  }
0xd3: {  	v39 =	vadd.s32 $0x1, v47;
	v23 =	vand.u32 $0x1FF, v14;
	v51 =	vand.u32 $0x1C00, v16;
	v16 =	vld.idx.msk [tilespmem:v27+s3+$0x0], $0xffff  }
0xd4: {  	[tilespmem:$0x1FF60] =	vst v50;
	v50 =	vld [tilespmem:s17+$0xFFFFFFE0];
	v47 =	vand.u32 $0x380, v57;
	v30 =	vadd.s32 $0x1, v23;
	v23 =	vshll.u32 v28, $0x3  }
0xd5: {  	v57 =	vand.u32 $0x380, v61;
	v44 =	vand.u32 $0x7F, v28;
	v45 =	vand.u32 $0x1C00, v23;
	v8 =	vmovc v56;
	v56 =	vld.idx.msk [tilespmem:v37+s3+$0x0], $0xffff  }
0xd6: {  	v49 =	vld [tilespmem:s19+$0xFFFFFFE0];
	v23 =	vand.u32 $0xC00, v5;
	v17 =	vmul.f32 v17, v35;
	v32 =	vmul.f32 v4, v52  }
0xd7: {  	v48 =	vld [tilespmem:s17+$0xFFFFFFF0];
	v5 =	vshll.u32 v39, $0x9;
	v6 =	vand.u32 $0x7F, v30;
	v39 =	vshll.u32 v39, $0x7  }
0xd8: {  	v14 =	vld [tilespmem:s17+$0x0];
	v26 =	vshll.u32 v30, $0x3;
	v17 =	vadd.f32 v32, v17;
	v16 =	vmul.f32 v16, v53  }
0xd9: {  	v10 =	vld.idx.msk [tilespmem:v46+s22+$0x0], $0xffff;
	v46 =	vand.u32 $0x1C00, v26;
	v26 =	vand.u32 $0xC00, v42;
	v42 =	vmovc v55;
	v55 =	vand.u32 $0x7F, v22  }
0xda: {  	v22 =	vand.u32 $0x7F, v13;
	v13 =	vld [tilespmem:s19+$0xFFFFFFF0];
	v56 =	vmul.f32 v56, v60;
	v16 =	vadd.f32 v16, v17  }
0xdb: {  	[tilespmem:$0x1FF90] =	vst v1;
	v1 =	vadd.s32 v59, v45;
	v55 =	vor.u32 v55, v23;
	v23 =	vld [tilespmem:s0+$0x0];
	v4 =	vor.u32 v22, v26  }
0xdc: {  	[tilespmem:$0x1FF80] =	vst v3;
	v22 =	vld [tilespmem:s19+$0x0];
	v32 =	vadd.s32 v54, v51;
	v54 =	vor.u32 v54, v55;
	v26 =	vadd.f32 v56, v16  }
0xdd: {  	s23 =	sadd.s32 $0x40, s23;
	v3 =	vadd.s32 v63, v46;
	v32 =	vor.u32 v47, v32;
	v30 =	vor.u32 v47, v54;
	v47 =	vld.idx.msk [tilespmem:v12+s22+$0x0], $0xffff  }
0xde: {  	v1 =	vor.u32 v57, v1;
	v63 =	vor.u32 v63, v0;
	v3 =	vor.u32 v2, v3;
	v17 =	vld [tilespmem:s0+$0xFFFFFFE0];
	[tilespmem:s23+$0x10] =	vst v26  }
0xdf: {  	v56 =	vadd.s32 $0x1, v58;
	v58 =	vadd.s32 $0x1, v62;
	v62 =	vand.u32 $0x7F, v29;
	v61 =	vld.idx.msk [tilespmem:v24+s22+$0x0], $0xffff  }
0xe0: {  	v9 =	vmovc v43;
	v59 =	vor.u32 v59, v4;
	v28 =	vshll.u32 v56, $0x9;
	v29 =	vor.u32 v62, v32;
	v43 =	vld.idx.msk [tilespmem:v25+s22+$0x0], $0xffff  }
0xe1: {  	v26 =	vor.u32 v44, v1;
	v1 =	vshll.u32 v58, $0x9;
	v7 =	vld.idx.msk [tilespmem:v27+s22+$0x0], $0xffff;
	v27 =	vor.u32 v57, v59  }
0xe2: {  	v16 =	vld [tilespmem:s0+$0xFFFFFFF0];
	v25 =	vor.u32 v6, v3;
	v3 =	vand.u32 $0xFFFFF000, v5;
	v5 =	vand.u32 $0xFFFFF000, v28  }
0xe3: {  	v32 =	vld [tilespmem:s5+$0xFFFFFFF0];
	v28 =	vor.u32 v2, v63;
	v1 =	vand.u32 $0xFFFFF000, v1;
	v63 =	vshll.u32 v58, $0x7  }
0xe4: {  	v2 =	vld.idx.msk [tilespmem:v37+s22+$0x0], $0xffff;
	v12 =	vor.u32 v3, v55;
	v55 =	vand.u32 $0x380, v39;
	v3 =	vadd.s32 v51, v3  }
0xe5: {  	v0 =	vor.u32 v1, v0;
	v1 =	vadd.s32 v46, v1;
	v51 =	vld.idx.msk [tilespmem:v11+s22+$0x0], $0xffff;
	v58 =	vor.u32 v55, v3  }
0xe6: {  	v46 =	vor.u32 v62, v58;
	v62 =	vld [tilespmem:$0x1FF50];
	v35 =	vmul.f32 v61, v35;
	v43 =	vmul.f32 v43, v52  }
0xe7: {  	v54 =	vshll.u32 v56, $0x7;
	v57 =	vld.idx.msk [tilespmem:v26+s3+$0x0], $0xffff  }
0xe8: {  	v52 =	vld.idx.msk [tilespmem:v29+s3+$0x0], $0xffff;
	v7 =	vmul.f32 v7, v53;
	v61 =	vand.u32 $0x380, v63;
	v43 =	vadd.f32 v43, v35  }
0xe9: {  	v4 =	vor.u32 v5, v4;
	v5 =	vadd.s32 v45, v5;
	v53 =	vld.idx.msk [tilespmem:v25+s3+$0x0], $0xffff;
	v45 =	vor.u32 v61, v0  }
0xea: {  	v35 =	vor.u32 v55, v12;
	v12 =	vand.u32 $0x380, v54;
	v43 =	vadd.f32 v7, v43;
	v7 =	vld.idx.msk [tilespmem:v27+s3+$0x0], $0xffff  }
0xeb: {  	v63 =	vld.idx.msk [tilespmem:v30+s3+$0x0], $0xffff;
	v39 =	vor.u32 v12, v4  }
0xec: {  	v2 =	vmul.f32 v2, v60;
	v3 =	vld.idx.msk [tilespmem:v28+s3+$0x0], $0xffff  }
0xed: {  	v59 =	vor.u32 v12, v5;
	v5 =	vadd.f32 v38, v62;
	v62 =	vld [tilespmem:$0x1FF90]  }
0xee: {  	v60 =	vmul.f32 v52, v49;
	v2 =	vadd.f32 v2, v43;
	v52 =	vld.idx.msk [tilespmem:v45+s3+$0x0], $0xffff  }
0xef: {  	s15 =	sadd.s32 $0x40, s15;
	v1 =	vor.u32 v61, v1;
	v61 =	vmul.f32 v57, v13;
	v4 =	vld.idx.msk [tilespmem:v35+s3+$0x0], $0xffff;
	v7 =	vmul.f32 v7, v48  }
0xf0: {  	[tilespmem:s15+$0x10] =	vst v2;
	v2 =	vld.idx.msk [tilespmem:v39+s3+$0x0], $0xffff  }
0xf1: {  	v11 =	vor.u32 v6, v1;
	v6 =	vmul.f32 v63, v50;
	v1 =	vadd.f32 v61, v7;
	v7 =	vld [tilespmem:$0x1FF60]  }
0xf2: {  	v34 =	vadd.f32 v34, v21;
	v63 =	vmul.f32 v53, v22;
	v3 =	vmul.f32 v3, v14;
	v61 =	vld [tilespmem:$0x1FF70]  }
0xf3: {  	s16 =	sadd.s32 $0x4, s16;
	v24 =	vld [tilespmem:s5+$0xFFFFFFE0];
	v12 =	vor.u32 v44, v59;
	v53 =	vmul.f32 v33, v8;
	v0 =	vadd.f32 v60, v6  }
0xf4: {  	p0 =	slt.u32 s16, $0xAC;
	v60 =	vmul.f32 v36, v9;
	v9 =	vmovc v18;
	v6 =	vmul.f32 v41, v42;
	v18 =	vadd.f32 v63, v3;
	v63 =	vld [tilespmem:$0x1FFA0]  }
.Ltmp0:
0xf5: {  	v37 =	vld [tilespmem:s5+$0x0];
	v56 =	vmov v50;
	[tilespmem:s25+$0xFFFFFFF0] =	vst v5;
	v5 =	vmul.f32 v20, v62;
	v2 =	vmul.f32 v2, v16;
	(pc) =	sbr.rel @p0 .LBB2_3-.Ltmp0, $4  }
0xf6: {  	v55 =	vmovc v48;
	v21 =	vld.idx.msk [tilespmem:v46+s3+$0x0], $0xffff;
	v8 =	vmov v10;
	v41 =	vmul.f32 v52, v23;
	v4 =	vmul.f32 v4, v17  }
0xf7: {  	v44 =	vld [tilespmem:$0x1FF80];
	v10 =	vmovc v15;
	v36 =	vadd.f32 v2, v1;
	v7 =	vmul.f32 v31, v7;
	v3 =	vmul.f32 v19, v61  }
0xf8: {  	v43 =	vmov v49;
	v31 =	vld.idx.msk [tilespmem:v11+s3+$0x0], $0xffff;
	v19 =	vadd.f32 v60, v53;
	[tilespmem:s25+$0x0] =	vst v34;
	v34 =	vadd.f32 v4, v0  }
0xf9: {  	s1 =	sadd.s32 $0x40, s1;
	v33 =	vld.idx.msk [tilespmem:v12+s3+$0x0], $0xffff;
	v38 =	vmul.f32 v40, v63;
	s25 =	smov.u32 s28;
	s28 =	smov.u32 s15;
	v20 =	vadd.f32 v7, v6;
	v15 =	vadd.f32 v5, v3  }
0xfa: {  	_ = 	snop  }
0xfb: {  	v0 =	vmul.f32 v21, v24;
	_ =	sdelay $0x1  }
0xfc: {  	v2 =	vadd.f32 v41, v18;
	v0 =	vadd.f32 v0, v34;
	v3 =	vmul.f32 v31, v37  }
0xfd: {  	v1 =	vmul.f32 v33, v32  }
0xfe: {  	[tilespmem:s23+$0xFFFFFFE0] =	vst v0;
	v2 =	vadd.f32 v3, v2  }
0xff: {  	v1 =	vadd.f32 v1, v36;
	v0 =	vld.idx.msk [tilespmem:v30+s22+$0x0], $0xffff  }
0x100: {  	v63 =	vld.idx.msk [tilespmem:v29+s22+$0x0], $0xffff;
	[tilespmem:s23+$0x0] =	vst v2  }
0x101: {  	v7 =	vld.idx.msk [tilespmem:v35+s22+$0x0], $0xffff;
	[tilespmem:s23+$0xFFFFFFF0] =	vst v1  }
0x102: {  	v6 =	vld [tilespmem:$0x1FFB0]  }
0x103: {  	v4 =	vld.idx.msk [tilespmem:v28+s22+$0x0], $0xffff  }
0x104: {  	v5 =	vld.idx.msk [tilespmem:v25+s22+$0x0], $0xffff  }
0x105: {  	v25 =	vld.idx.msk [tilespmem:v45+s22+$0x0], $0xffff  }
0x106: {  	v33 =	vld.idx.msk [tilespmem:v27+s22+$0x0], $0xffff  }
0x107: {  	v6 =	vmul.f32 v9, v6;
	v9 =	vmul.f32 v10, v44;
	v10 =	vld [tilespmem:$0x1FFC0]  }
0x108: {  	v34 =	vld.idx.msk [tilespmem:v26+s22+$0x0], $0xffff  }
0x109: {  	v18 =	vadd.f32 v38, v19;
	v19 =	vld [tilespmem:$0x1FFD0]  }
0x10a: {  	v21 =	vld [tilespmem:$0x1FFE0];
	v0 =	vmul.f32 v0, v56;
	v1 =	vmul.f32 v63, v43  }
0x10b: {  	v11 =	vld.idx.msk [tilespmem:v11+s22+$0x0], $0xffff;
	v4 =	vmul.f32 v4, v14  }
0x10c: {  	v5 =	vmul.f32 v5, v22;
	v0 =	vadd.f32 v1, v0;
	v8 =	vmul.f32 v8, v10;
	v10 =	vld.idx.msk [tilespmem:v39+s22+$0x0], $0xffff  }
0x10d: {  	v3 =	vmul.f32 v33, v55;
	v2 =	vmul.f32 v34, v13;
	v6 =	vadd.f32 v6, v20;
	v20 =	vld.idx.msk [tilespmem:v46+s22+$0x0], $0xffff  }
0x10e: {  	v12 =	vld.idx.msk [tilespmem:v12+s22+$0x0], $0xffff;
	v38 =	vmul.f32 v25, v23;
	v19 =	vmul.f32 v47, v19;
	v36 =	vadd.f32 v5, v4  }
0x10f: {  	v21 =	vmul.f32 v51, v21;
	v9 =	vadd.f32 v9, v15;
	v2 =	vadd.f32 v2, v3  }
0x110: {  	v35 =	vmul.f32 v7, v17;
	v1 =	vadd.f32 v38, v36;
	v6 =	vadd.f32 v19, v6  }
0x111: {  	v7 =	vadd.f32 v21, v9;
	v39 =	vmul.f32 v11, v37;
	v4 =	vmul.f32 v10, v16  }
0x112: {  	v0 =	vadd.f32 v35, v0;
	[tilespmem:s25+$0xFFFFFFF0] =	vst v6;
	v8 =	vadd.f32 v8, v18;
	v5 =	vmul.f32 v20, v24  }
0x113: {  	[tilespmem:s25+$0x0] =	vst v7;
	v40 =	vadd.f32 v39, v1;
	v2 =	vadd.f32 v4, v2;
	v4 =	vmul.f32 v12, v32  }
0x114: {  	[tilespmem:s25+$0xFFFFFFE0] =	vst v8;
	v0 =	vadd.f32 v5, v0  }
0x115: {  	s0 =	smul.u32 $0x160, s26;
	[tilespmem:s28+$0x0] =	vst v40;
	v2 =	vadd.f32 v4, v2  }
0x116: {  	[tilespmem:s28+$0xFFFFFFE0] =	vst v0  }
0x117: {  	s5 =	simm.s32 $0xD700;
	s1 =	sadd.s32 s10, s0;
	[tilespmem:s28+$0xFFFFFFF0] =	vst v2  }
0x118: {  	[hbm4b:s1+s3] =	stream.linear.scatter [tilespmem:s5], [sflag:$0x3], $0xB00, $0x38;
	[tilespmem:$0x1DA00] =	vst v63  }
0x119: {  	s0 =	sadd.s32 s11, s0;
	s5 =	simm.s32 $0xE200  }
0x11a: {  	[hbm4b:s0+s3] =	stream.linear.scatter [tilespmem:s5], [sflag:$0x3], $0xB00, $0x38;
	[tilespmem:$0x1DA00] =	vst v63  }
0x11b: {  	_ =	swait.ge [sflag:s14], $0x5000  }
0x11c: {  	[sflag:s14] =	ssyncset.done $0x0  }
0x11d: {  	[sflag:s14] =	ssyncadd.s32 $0xFFFFB000  }
0x11e: {  	_ =	swait.ge [sflag:s14], $0x5000  }
0x11f: {  	[sflag:s14] =	ssyncset.done $0x0  }
0x120: {  	[sflag:s14] =	ssyncadd.s32 $0xFFFFB000  }
0x121: {  	_ =	swait.ge [sflag:s14], $0xB00  }
0x122: {  	[sflag:s14] =	ssyncset.done $0x0  }
0x123: {  	[sflag:s14] =	ssyncadd.s32 $0xFFFFF500  }
0x124: {  	_ =	swait.ge [sflag:s14], $0xB00  }
0x125: {  	[sflag:s14] =	ssyncset.done $0x0  }
0x126: {  	[sflag:s14] =	ssyncadd.s32 $0xFFFFF500  }
0x127: {  	_ =	swait.ge [sflag:s14], $0xB00  }
0x128: {  	[sflag:s14] =	ssyncset.done $0x0  }
0x129: {  	p0 =	seq.s32 s20, $0x7;
	[sflag:s14] =	ssyncadd.s32 $0xFFFFF500  }
0x12a: {  	s0 =	sadd.s32 @!p0 $0x2, s24;
	_ =	swait.ge [sflag:s14], $0xB00  }
0x12b: {  	s1 =	sadd.s32 @!p0 s12, s0;
	[sflag:s14] =	ssyncset.done $0x0  }
0x12c: {  	s0 =	sshll.u32 @!p0 s0, $0xB;
	s5 =	sshll.u32 @!p0 s1, $0xB;
	[sflag:s14] =	ssyncadd.s32 $0xFFFFF500  }
0x12d: {  	s0 =	sand.u32 @!p0 $0x7000, s0;
	s5 =	sand.u32 @!p0 $0xFFF8000, s5;
	_ =	swait.ge [sflag:s14], $0xB00  }
0x12e: {  	s0 =	sor.u32 @!p0 s0, s5;
	[sflag:s14] =	ssyncset.done $0x0  }
0x12f: {  	s15 =	simm.s32 @!p0 $0x0;
	s5 =	sadd.s32 @!p0 s2, s0;
	[sflag:s14] =	ssyncadd.s32 $0xFFFFF500  }
0x130: {  	[tilespmem:s15], [sflag:$0x1] =	stream.linear.gather @!p0 [hbm4b:s5+s15], $0x5000, $0x38;
	[tilespmem:$0x1DA00] =	vst v63  }
0x131: {  	s1 =	smul.u32 @!p0 $0x160, s1;
	s0 =	sadd.s32 @!p0 s13, s0;
	s5 =	simm.s32 @!p0 $0x5000  }
0x132: {  	[tilespmem:s5], [sflag:$0x1] =	stream.linear.gather @!p0 [hbm4b:s0+s15], $0x5000, $0x38;
	[tilespmem:$0x1DA00] =	vst v63  }
0x133: {  	s0 =	sadd.s32 @!p0 s4, s1;
	s5 =	simm.s32 @!p0 $0xA000  }
0x134: {  	[tilespmem:s5], [sflag:$0x1] =	stream.linear.gather @!p0 [hbm4b:s0+s15], $0xB00, $0x38;
	[tilespmem:$0x1DA00] =	vst v63  }
0x135: {  	s0 =	sadd.s32 @!p0 s6, s1;
	s5 =	simm.s32 @!p0 $0xAB00  }
0x136: {  	[tilespmem:s5], [sflag:$0x1] =	stream.linear.gather @!p0 [hbm4b:s0+s15], $0xB00, $0x38;
	[tilespmem:$0x1DA00] =	vst v63  }
0x137: {  	s0 =	sadd.s32 @!p0 s7, s1;
	s5 =	simm.s32 @!p0 $0xB600  }
0x138: {  	[tilespmem:s5], [sflag:$0x1] =	stream.linear.gather @!p0 [hbm4b:s0+s15], $0xB00, $0x38;
	[tilespmem:$0x1DA00] =	vst v63  }
0x139: {  	s0 =	sadd.s32 @!p0 s8, s1;
	s5 =	simm.s32 @!p0 $0xC100  }
0x13a: {  	[tilespmem:s5], [sflag:$0x1] =	stream.linear.gather @!p0 [hbm4b:s0+s15], $0xB00, $0x38;
	[tilespmem:$0x1DA00] =	vst v63  }
0x13b: {  	p1 =	seq.s32 @!p0 s20, $0x0;
	s0 =	sadd.s32 @!p0 s9, s1;
	s1 =	simm.s32 @!p0 $0xCC00  }
0x13c: {  	[tilespmem:s1], [sflag:$0x1] =	stream.linear.gather @!p0 [hbm4b:s0+s15], $0xB00, $0x38;
	[tilespmem:$0x1DA00] =	vst v63  }
0x13d: {  	p0 =	por p0, !p1  }
0x13e: {  	_ =	swait.ge @p0 [sflag:s18], $0xB00  }
0x13f: {  	[sflag:s18] =	ssyncset.done @p0 $0x0  }
0x140: {  	[sflag:s18] =	ssyncadd.s32 @p0 $0xFFFFF500  }
0x141: {  	_ =	swait.ge @p0 [sflag:s18], $0xB00  }
0x142: {  	[sflag:s18] =	ssyncset.done @p0 $0x0  }
0x143: {  	s15 =	simm.s32 $0x18D20;
	[sflag:s18] =	ssyncadd.s32 @p0 $0xFFFFF500  }
0x144: {  	v41 =	vld [tilespmem:s15+$0x10];
	_ =	sdelay $0x3  }
0x145: {  	v10 =	vld [tilespmem:s15+$0xFFFFFFF0]  }
0x146: {  	v5 =	vld [tilespmem:s15+$0xFFFFFFE0];
	v42 =	vshrl.u32 v41, $0x9;
	v6 =	vshll.u32 v41, $0x3  }
0x147: {  	v13 =	vld [tilespmem:s15+$0x0];
	v43 =	vand.u32 $0x1FF, v41;
	v4 =	vand.u32 $0x7F, v41;
	v6 =	vand.u32 $0xC00, v6  }
0x148: {  	v44 =	vand.u32 $0xFFFFF000, v41;
	v0 =	vshrl.u32 v41, $0x2;
	v4 =	vor.u32 v4, v6  }
0x149: {  	v2 =	vadd.s32 $0x1, v43;
	v0 =	vand.u32 $0x380, v0;
	v3 =	vor.u32 v44, v4  }
0x14a: {  	v9 =	vand.u32 $0x1FF, v10;
	v7 =	vshll.u32 v2, $0x3;
	v3 =	vor.u32 v0, v3  }
0x14b: {  	v15 =	vshll.u32 v5, $0x3;
	v16 =	vshll.u32 v10, $0x3;
	v7 =	vand.u32 $0x1C00, v7  }
0x14c: {  	v17 =	vshll.u32 v13, $0x3;
	v19 =	vshrl.u32 v5, $0x9;
	v6 =	vadd.s32 v44, v7  }
0x14d: {  	s16 =	simm.s32 $0x19820;
	v26 =	vand.u32 $0xFFFFF000, v5;
	v2 =	vand.u32 $0x7F, v2;
	v6 =	vor.u32 v0, v6  }
0x14e: {  	v21 =	vld [tilespmem:s16+$0x10];
	v18 =	vand.u32 $0x7F, v5;
	v1 =	vadd.s32 $0x1, v42;
	v14 =	vor.u32 v2, v6  }
0x14f: {  	v27 =	vshrl.u32 v5, $0x2;
	v50 =	vand.u32 $0xC00, v15;
	v45 =	vshll.u32 v1, $0x9;
	v11 =	vld.idx.msk [tilespmem:v3+s30+$0x0], $0xffff  }
0x150: {  	v15 =	vand.u32 $0xC00, v16;
	v1 =	vshll.u32 v1, $0x7;
	v0 =	vand.u32 $0xFFFFF000, v45  }
0x151: {  	s17 =	simm.s32 $0x1A320;
	v16 =	vand.u32 $0xC00, v17;
	v1 =	vand.u32 $0x380, v1;
	v4 =	vor.u32 v0, v4  }
0x152: {  	v22 =	vld [tilespmem:s17+$0x10];
	v6 =	vand.u32 $0x1FF, v5;
	v0 =	vadd.s32 v7, v0;
	v8 =	vor.u32 v1, v4  }
0x153: {  	v4 =	vadd.s32 $0x1, v6;
	v6 =	vand.u32 $0x1FF, v13;
	v0 =	vor.u32 v1, v0;
	v12 =	vld.idx.msk [tilespmem:v14+s30+$0x0], $0xffff  }
0x154: {  	v7 =	vadd.s32 $0x1, v6;
	v6 =	vor.u32 v2, v0;
	v17 =	vmul.f32 v11, v21;
	v11 =	vld [tilespmem:s16+$0xFFFFFFE0]  }
0x155: {  	s23 =	simm.s32 $0x1B920;
	v28 =	vshrl.u32 v10, $0x9;
	v29 =	vand.u32 $0xFFFFF000, v10;
	v30 =	vand.u32 $0x7F, v10  }
0x156: {  	s19 =	simm.s32 $0x1AE20;
	v10 =	vshrl.u32 v10, $0x2;
	v46 =	vadd.s32 $0x1, v9;
	v5 =	vld [tilespmem:s23+$0x10];
	v9 =	vshll.u32 v7, $0x3  }
0x157: {  	v31 =	vshrl.u32 v13, $0x9;
	v51 =	vand.u32 $0xFFFFF000, v13;
	v25 =	vand.u32 $0x1C00, v9;
	v9 =	vld [tilespmem:s19+$0x10]  }
0x158: {  	v52 =	vand.u32 $0x7F, v13;
	v58 =	vadd.s32 $0x1, v19;
	v49 =	vld.idx.msk [tilespmem:v8+s30+$0x0], $0xffff;
	v12 =	vmul.f32 v12, v22  }
0x159: {  	v27 =	vand.u32 $0x380, v27;
	v10 =	vand.u32 $0x380, v10;
	v48 =	vshll.u32 v46, $0x3;
	v20 =	vld.idx.msk [tilespmem:v6+s30+$0x0], $0xffff;
	[tilespmem:$0x1FF40] =	vst v11  }
0x15a: {  	v57 =	vor.u32 v18, v50;
	v24 =	vand.u32 $0x1C00, v48;
	v53 =	vadd.f32 v12, v17;
	v12 =	vld [tilespmem:s17+$0xFFFFFFE0]  }
0x15b: {  	v30 =	vor.u32 v30, v15;
	v55 =	vadd.s32 v29, v24;
	v47 =	vshll.u32 v4, $0x3;
	v17 =	vld [tilespmem:s16+$0xFFFFFFF0]  }
0x15c: {  	v63 =	vand.u32 $0x7F, v46;
	v36 =	vor.u32 v10, v55;
	v23 =	vand.u32 $0x1C00, v47;
	v18 =	vld [tilespmem:s17+$0xFFFFFFF0]  }
0x15d: {  	v16 =	vor.u32 v52, v16;
	v36 =	vor.u32 v63, v36;
	v54 =	vadd.s32 v26, v23;
	v19 =	vld [tilespmem:s16+$0x0]  }
0x15e: {  	v13 =	vshrl.u32 v13, $0x2;
	v61 =	vand.u32 $0x7F, v4;
	v35 =	vor.u32 v27, v54;
	v15 =	vld [tilespmem:s19+$0xFFFFFFE0]  }
0x15f: {  	v13 =	vand.u32 $0x380, v13;
	v56 =	vadd.s32 v51, v25;
	v35 =	vor.u32 v61, v35;
	v60 =	vld [tilespmem:s19+$0xFFFFFFF0]  }
0x160: {  	v42 =	vand.u32 $0x7F, v7;
	v37 =	vor.u32 v13, v56;
	v0 =	vmul.f32 v49, v9;
	v62 =	vld [tilespmem:s19+$0x0]  }
0x161: {  	v29 =	vor.u32 v29, v30;
	v4 =	vshll.u32 v58, $0x9;
	v7 =	vor.u32 v42, v37;
	v49 =	vld [tilespmem:s23+$0xFFFFFFE0]  }
0x162: {  	v26 =	vor.u32 v26, v57;
	v20 =	vmul.f32 v20, v5;
	v0 =	vadd.f32 v0, v53;
	v50 =	vld [tilespmem:s23+$0xFFFFFFF0]  }
0x163: {  	v26 =	vor.u32 v27, v26;
	v27 =	vor.u32 v10, v29;
	v29 =	vand.u32 $0xFFFFF000, v4;
	v4 =	vld [tilespmem:s23+$0x0]  }
0x164: {  	v28 =	vadd.s32 $0x1, v28;
	v32 =	vor.u32 v51, v16;
	v53 =	vld.idx.msk [tilespmem:v35+s30+$0x0], $0xffff;
	v59 =	vadd.f32 v20, v0  }
0x165: {  	s24 =	simm.s32 $0x1C420;
	v31 =	vadd.s32 $0x1, v31;
	v47 =	vshll.u32 v28, $0x9;
	v52 =	vor.u32 v13, v32;
	v54 =	vld.idx.msk [tilespmem:v36+s30+$0x0], $0xffff  }
0x166: {  	v51 =	vand.u32 $0xFFFFF000, v47;
	v10 =	vshll.u32 v58, $0x7;
	v13 =	vshll.u32 v28, $0x7;
	v55 =	vld.idx.msk [tilespmem:v7+s30+$0x0], $0xffff;
	[tilespmem:s24+$0x10] =	vst v59  }
0x167: {  	v30 =	vor.u32 v51, v30;
	v33 =	vand.u32 $0x380, v10;
	v48 =	vld.idx.msk [tilespmem:v14+s31+$0x0], $0xffff;
	v14 =	vshll.u32 v31, $0x9  }
0x168: {  	v20 =	vld [tilespmem:s17+$0x0];
	v28 =	vand.u32 $0xFFFFF000, v14;
	v14 =	vshll.u32 v31, $0x7;
	v31 =	vor.u32 v29, v57  }
0x169: {  	v23 =	vadd.s32 v23, v29;
	v40 =	vld.idx.msk [tilespmem:v3+s31+$0x0], $0xffff;
	v10 =	vor.u32 v33, v31;
	v31 =	vand.u32 $0x380, v13  }
0x16a: {  	v8 =	vld.idx.msk [tilespmem:v8+s31+$0x0], $0xffff;
	v16 =	vor.u32 v28, v16;
	v56 =	vand.u32 $0x380, v14;
	v13 =	vor.u32 v31, v30  }
0x16b: {  	v24 =	vadd.s32 v24, v51;
	v29 =	vld.idx.msk [tilespmem:v26+s30+$0x0], $0xffff;
	v14 =	vor.u32 v56, v16;
	v16 =	vor.u32 v33, v23  }
0x16c: {  	v25 =	vadd.s32 v25, v28;
	v28 =	vld.idx.msk [tilespmem:v52+s30+$0x0], $0xffff;
	v24 =	vor.u32 v31, v24;
	v16 =	vor.u32 v61, v16  }
0x16d: {  	v23 =	vld.idx.msk [tilespmem:v27+s30+$0x0], $0xffff;
	v25 =	vor.u32 v56, v25;
	v33 =	vor.u32 v63, v24  }
0x16e: {  	v31 =	vor.u32 v42, v25;
	v24 =	vld.idx.msk [tilespmem:v10+s30+$0x0], $0xffff  }
0x16f: {  	v25 =	vld.idx.msk [tilespmem:v13+s30+$0x0], $0xffff  }
0x170: {  	v32 =	vmul.f32 v53, v12;
	v30 =	vld.idx.msk [tilespmem:v14+s30+$0x0], $0xffff  }
0x171: {  	v34 =	vmul.f32 v54, v18;
	v59 =	vmul.f32 v55, v20;
	v57 =	vld.idx.msk [tilespmem:v16+s30+$0x0], $0xffff  }
0x172: {  	v21 =	vmul.f32 v40, v21;
	v29 =	vmul.f32 v29, v11;
	v38 =	vld.idx.msk [tilespmem:v33+s30+$0x0], $0xffff  }
0x173: {  	v22 =	vmul.f32 v48, v22;
	v23 =	vmul.f32 v23, v17;
	v58 =	vld.idx.msk [tilespmem:v31+s30+$0x0], $0xffff  }
0x174: {  	s25 =	simm.s32 $0x18D60;
	v8 =	vmul.f32 v8, v9;
	v28 =	vmul.f32 v28, v19;
	v29 =	vadd.f32 v32, v29;
	[tilespmem:$0x1FF00] =	vst v60  }
0x175: {  	v23 =	vadd.f32 v34, v23;
	v24 =	vmul.f32 v24, v15;
	v25 =	vmul.f32 v25, v60;
	v60 =	vld [tilespmem:s25+$0x10];
	[tilespmem:$0x1FF10] =	vst v49  }
0x176: {  	v21 =	vadd.f32 v22, v21;
	v28 =	vadd.f32 v59, v28;
	v30 =	vmul.f32 v30, v62;
	[tilespmem:$0x1FF20] =	vst v50  }
0x177: {  	[tilespmem:$0x1FF30] =	vst v4;
	v24 =	vadd.f32 v24, v29;
	v23 =	vadd.f32 v25, v23;
	v25 =	vmul.f32 v57, v49  }
0x178: {  	v29 =	vmul.f32 v38, v50;
	v6 =	vld.idx.msk [tilespmem:v6+s31+$0x0], $0xffff;
	v28 =	vadd.f32 v30, v28;
	v30 =	vmul.f32 v58, v4  }
0x179: {  	v8 =	vadd.f32 v8, v21;
	v63 =	vld [tilespmem:s25+$0xFFFFFFE0];
	v9 =	vadd.f32 v25, v24  }
0x17a: {  	v1 =	vld [tilespmem:s25+$0x0];
	v22 =	vadd.f32 v29, v23;
	v23 =	vadd.f32 v30, v28;
	v24 =	vshrl.u32 v60, $0x9  }
0x17b: {  	s19 =	simm.s32 $0x1A360;
	v25 =	vand.u32 $0x1FF, v60;
	v28 =	vand.u32 $0xFFFFF000, v60;
	v29 =	vand.u32 $0x7F, v60  }
0x17c: {  	s0 =	simm.s32 $0x1AE60;
	v41 =	vld [tilespmem:s19+$0x10];
	v61 =	vshll.u32 v60, $0x3;
	v32 =	vshrl.u32 v60, $0x2;
	v25 =	vadd.s32 $0x1, v25  }
0x17d: {  	v46 =	vld [tilespmem:s0+$0x10];
	v24 =	vadd.s32 $0x1, v24;
	v34 =	vand.u32 $0xC00, v61;
	[tilespmem:s24+$0xFFFFFFE0] =	vst v9;
	v9 =	vand.u32 $0x380, v32  }
0x17e: {  	v43 =	vmovc v62;
	v30 =	vld [tilespmem:s25+$0xFFFFFFF0];
	v5 =	vmul.f32 v6, v5;
	v58 =	vshll.u32 v63, $0x3;
	v62 =	vshll.u32 v25, $0x3  }
0x17f: {  	v60 =	vshll.u32 v1, $0x3;
	v29 =	vor.u32 v29, v34;
	v32 =	vld.idx.msk [tilespmem:v26+s31+$0x0], $0xffff;
	v57 =	vand.u32 $0x1C00, v62  }
0x180: {  	[tilespmem:s24+$0xFFFFFFF0] =	vst v22;
	v25 =	vand.u32 $0x7F, v25;
	v38 =	vld.idx.msk [tilespmem:v35+s31+$0x0], $0xffff;
	v26 =	vor.u32 v28, v29;
	v28 =	vadd.s32 v28, v57  }
0x181: {  	v34 =	vld.idx.msk [tilespmem:v27+s31+$0x0], $0xffff;
	v22 =	vor.u32 v9, v26;
	v26 =	vshll.u32 v24, $0x9;
	v9 =	vor.u32 v9, v28  }
0x182: {  	[tilespmem:s24+$0x0] =	vst v23;
	v35 =	vld.idx.msk [tilespmem:v36+s31+$0x0], $0xffff;
	v24 =	vshll.u32 v24, $0x7;
	v27 =	vor.u32 v25, v9;
	v9 =	vand.u32 $0xFFFFF000, v26  }
0x183: {  	v53 =	vshrl.u32 v63, $0x9;
	v37 =	vld.idx.msk [tilespmem:v52+s31+$0x0], $0xffff;
	v21 =	vand.u32 $0x380, v24;
	v23 =	vor.u32 v9, v29  }
0x184: {  	s17 =	simm.s32 $0x19860;
	v54 =	vand.u32 $0x7F, v63;
	v40 =	vld.idx.msk [tilespmem:v10+s31+$0x0], $0xffff;
	v6 =	vadd.s32 v57, v9;
	v23 =	vor.u32 v21, v23  }
0x185: {  	v56 =	vand.u32 $0xFFFFF000, v1;
	v50 =	vand.u32 $0xC00, v58;
	v24 =	vld [tilespmem:s17+$0x10];
	v6 =	vor.u32 v21, v6  }
0x186: {  	v45 =	vand.u32 $0xC00, v60;
	v39 =	vadd.f32 v5, v8;
	v5 =	vld.idx.msk [tilespmem:v22+s30+$0x0], $0xffff;
	v25 =	vor.u32 v25, v6  }
0x187: {  	v53 =	vadd.s32 $0x1, v53;
	v62 =	vshrl.u32 v63, $0x2;
	v50 =	vor.u32 v54, v50;
	v21 =	vld.idx.msk [tilespmem:v27+s30+$0x0], $0xffff  }
0x188: {  	v10 =	vld.idx.msk [tilespmem:v14+s31+$0x0], $0xffff;
	v8 =	vand.u32 $0x1FF, v30;
	v59 =	vshll.u32 v30, $0x3;
	v6 =	vand.u32 $0x1FF, v63  }
0x189: {  	s5 =	simm.s32 $0x1B960;
	v14 =	vshrl.u32 v30, $0x2;
	v2 =	vand.u32 $0x380, v62;
	v26 =	vadd.s32 $0x1, v6;
	v29 =	vld.idx.msk [tilespmem:v23+s30+$0x0], $0xffff  }
0x18a: {  	v52 =	vld [tilespmem:s5+$0x10];
	v28 =	vadd.s32 $0x1, v8;
	v61 =	vand.u32 $0xC00, v59;
	v6 =	vshll.u32 v26, $0x3  }
0x18b: {  	v8 =	vshll.u32 v28, $0x3;
	v9 =	vand.u32 $0x1FF, v1;
	v47 =	vand.u32 $0x1C00, v6;
	v6 =	vld.idx.msk [tilespmem:v25+s30+$0x0], $0xffff  }
0x18c: {  	v0 =	vld.idx.msk [tilespmem:v7+s31+$0x0], $0xffff;
	v36 =	vadd.s32 $0x1, v9;
	v5 =	vmul.f32 v5, v24;
	v7 =	vmul.f32 v21, v41  }
0x18d: {  	v44 =	vld [tilespmem:s17+$0xFFFFFFE0];
	v48 =	vand.u32 $0x1C00, v8;
	v57 =	vand.u32 $0x7F, v1;
	v9 =	vshll.u32 v36, $0x3  }
0x18e: {  	v42 =	vld [tilespmem:s19+$0xFFFFFFE0];
	v49 =	vand.u32 $0x1C00, v9;
	v5 =	vadd.f32 v7, v5;
	v7 =	vmul.f32 v29, v46  }
0x18f: {  	v9 =	vld.idx.msk [tilespmem:v13+s31+$0x0], $0xffff;
	v13 =	vand.u32 $0x7F, v30;
	v21 =	vand.u32 $0xFFFFF000, v63;
	v63 =	vshrl.u32 v30, $0x9  }
0x190: {  	v8 =	vld.idx.msk [tilespmem:v16+s31+$0x0], $0xffff;
	v29 =	vand.u32 $0xFFFFF000, v30;
	v30 =	vmul.f32 v6, v52;
	v7 =	vadd.f32 v7, v5  }
0x191: {  	v16 =	vshrl.u32 v1, $0x9;
	v45 =	vor.u32 v57, v45;
	v57 =	vand.u32 $0x380, v14;
	v14 =	vld [tilespmem:s17+$0x0]  }
0x192: {  	v1 =	vshrl.u32 v1, $0x2;
	v51 =	vor.u32 v13, v61;
	v13 =	vld [tilespmem:s19+$0xFFFFFFF0];
	v30 =	vadd.f32 v30, v7  }
0x193: {  	s23 =	simm.s32 $0x1C460;
	v34 =	vmul.f32 v34, v17;
	v58 =	vadd.s32 v21, v47;
	v21 =	vor.u32 v21, v50;
	v7 =	vld [tilespmem:s17+$0xFFFFFFF0]  }
0x194: {  	v35 =	vmul.f32 v35, v18;
	v60 =	vadd.s32 $0x1, v16;
	[tilespmem:s23+$0x10] =	vst v30;
	v30 =	vor.u32 v2, v21;
	v21 =	vld [tilespmem:s0+$0xFFFFFFE0]  }
0x195: {  	v1 =	vand.u32 $0x380, v1;
	v54 =	vadd.s32 v56, v49;
	v62 =	vand.u32 $0x7F, v26;
	v16 =	vld.idx.msk [tilespmem:v22+s31+$0x0], $0xffff  }
0x196: {  	v54 =	vor.u32 v1, v54;
	v55 =	vadd.s32 $0x1, v63;
	v58 =	vor.u32 v2, v58;
	v61 =	vld.idx.msk [tilespmem:v27+s31+$0x0], $0xffff  }
0x197: {  	v59 =	vadd.s32 v29, v48;
	v27 =	vor.u32 v29, v51;
	v11 =	vld.idx.msk [tilespmem:v23+s31+$0x0], $0xffff;
	v29 =	vor.u32 v62, v58  }
0x198: {  	v63 =	vshll.u32 v53, $0x9;
	v59 =	vor.u32 v57, v59;
	v2 =	vand.u32 $0x7F, v28;
	v22 =	vld [tilespmem:s19+$0x0]  }
0x199: {  	v3 =	vshll.u32 v55, $0x9;
	v23 =	vor.u32 v56, v45;
	v26 =	vor.u32 v2, v59;
	v58 =	vld.idx.msk [tilespmem:v25+s31+$0x0], $0xffff  }
0x19a: {  	v27 =	vor.u32 v57, v27;
	v57 =	vand.u32 $0x7F, v36;
	v28 =	vor.u32 v1, v23;
	v23 =	vld [tilespmem:s0+$0x0]  }
0x19b: {  	v59 =	vshll.u32 v53, $0x7;
	v25 =	vor.u32 v57, v54;
	v24 =	vmul.f32 v16, v24;
	v16 =	vld [tilespmem:s0+$0xFFFFFFF0]  }
0x19c: {  	v1 =	vand.u32 $0xFFFFF000, v3;
	v3 =	vshll.u32 v60, $0x9;
	v61 =	vmul.f32 v61, v41;
	v54 =	vld.idx.msk [tilespmem:v29+s30+$0x0], $0xffff  }
0x19d: {  	v11 =	vmul.f32 v11, v46;
	v46 =	vand.u32 $0x380, v59;
	v59 =	vshll.u32 v60, $0x7;
	v60 =	vld.idx.msk [tilespmem:v30+s30+$0x0], $0xffff  }
0x19e: {  	v51 =	vor.u32 v1, v51;
	v41 =	vand.u32 $0xFFFFF000, v63;
	v36 =	vadd.f32 v61, v24;
	v24 =	vld [tilespmem:s5+$0xFFFFFFE0]  }
0x19f: {  	v52 =	vmul.f32 v58, v52;
	v50 =	vor.u32 v41, v50;
	v61 =	vshll.u32 v55, $0x7;
	v55 =	vld.idx.msk [tilespmem:v26+s30+$0x0], $0xffff  }
0x1a0: {  	v56 =	vld.idx.msk [tilespmem:v25+s30+$0x0], $0xffff;
	v63 =	vand.u32 $0x380, v61;
	v11 =	vadd.f32 v11, v36;
	v36 =	vor.u32 v46, v50  }
0x1a1: {  	v58 =	vand.u32 $0xFFFFF000, v3;
	v47 =	vadd.s32 v47, v41;
	v61 =	vld [tilespmem:$0x1FF40];
	v41 =	vor.u32 v63, v51  }
0x1a2: {  	v45 =	vor.u32 v58, v45;
	v53 =	vand.u32 $0x380, v59;
	v46 =	vor.u32 v46, v47;
	v47 =	vld.idx.msk [tilespmem:v27+s30+$0x0], $0xffff  }
0x1a3: {  	v1 =	vadd.s32 v48, v1;
	v45 =	vor.u32 v53, v45;
	v51 =	vld.idx.msk [tilespmem:v28+s30+$0x0], $0xffff;
	v52 =	vadd.f32 v52, v11  }
0x1a4: {  	v11 =	vor.u32 v63, v1;
	v63 =	vmul.f32 v54, v42;
	v54 =	vmul.f32 v38, v12;
	v38 =	vld [tilespmem:s5+$0x0]  }
0x1a5: {  	v0 =	vmul.f32 v0, v20;
	v49 =	vadd.s32 v49, v58;
	v46 =	vor.u32 v62, v46;
	v62 =	vld.idx.msk [tilespmem:v36+s30+$0x0], $0xffff  }
0x1a6: {  	v49 =	vor.u32 v53, v49;
	v48 =	vmul.f32 v60, v44;
	v12 =	vor.u32 v2, v11;
	v58 =	vld.idx.msk [tilespmem:v41+s30+$0x0], $0xffff  }
0x1a7: {  	v59 =	vmul.f32 v55, v13;
	v11 =	vor.u32 v57, v49;
	v1 =	vmul.f32 v32, v61;
	v32 =	vld [tilespmem:s5+$0xFFFFFFF0]  }
0x1a8: {  	s24 =	simm.s32 $0x1CF20;
	v60 =	vmul.f32 v56, v22;
	v48 =	vadd.f32 v63, v48;
	v61 =	vld.idx.msk [tilespmem:v45+s30+$0x0], $0xffff;
	v63 =	vmul.f32 v37, v19  }
0x1a9: {  	s15 =	simm.s32 $0x1CF60;
	[tilespmem:s24+$0x10] =	vst v39;
	v47 =	vmul.f32 v47, v7;
	v17 =	vmul.f32 v51, v14;
	v51 =	vld.idx.msk [tilespmem:v31+s31+$0x0], $0xffff  }
0x1aa: {  	[tilespmem:s15+$0x10] =	vst v52;
	v19 =	vadd.f32 v35, v34;
	v18 =	vadd.f32 v54, v1;
	v20 =	vld.idx.msk [tilespmem:v46+s30+$0x0], $0xffff  }
0x1ab: {  	v2 =	vadd.f32 v59, v47;
	v47 =	vld.idx.msk [tilespmem:v33+s31+$0x0], $0xffff;
	v62 =	vmul.f32 v62, v21;
	v31 =	vmul.f32 v58, v16  }
0x1ac: {  	s26 =	smov.u32 s2;
	s28 =	smov.u32 s13;
	v35 =	vmul.f32 v40, v15;
	v15 =	vadd.f32 v0, v63;
	v17 =	vadd.f32 v60, v17;
	v33 =	vld.idx.msk [tilespmem:v12+s30+$0x0], $0xffff  }
0x1ad: {  	s1 =	simm.s32 $0x18DA0;
	s16 =	simm.s32 $0x4;
	s25 =	simm.s32 $0x1CF60;
	v40 =	vmul.f32 v61, v23;
	v37 =	vadd.f32 v62, v48;
	v34 =	vadd.f32 v31, v2;
	v31 =	vld.idx.msk [tilespmem:v11+s30+$0x0], $0xffff  }
.LBB2_5:
0x1ae: {  	v39 =	vld [tilespmem:s1+$0x10]  }
0x1af: {  	v0 =	vld [tilespmem:$0x1FF00]  }
0x1b0: {  	v54 =	vmov v13;
	v13 =	vld [tilespmem:s1+$0xFFFFFFF0]  }
0x1b1: {  	v56 =	vld [tilespmem:$0x1FF10]  }
0x1b2: {  	v3 =	vmov v14;
	v14 =	vld [tilespmem:s1+$0x0]  }
0x1b3: {  	v1 =	vmovc v22;
	v22 =	vld [tilespmem:s1+$0xFFFFFFE0];
	v57 =	vmov v21;
	v60 =	vmov v23;
	[tilespmem:$0x1FEB0] =	vst v54;
	v20 =	vmul.f32 v20, v24  }
0x1b4: {  	v40 =	vadd.f32 v40, v17;
	[tilespmem:$0x1FEC0] =	vst v3;
	v4 =	vmul.f32 v10, v43;
	v55 =	vmul.f32 v31, v38  }
0x1b5: {  	v35 =	vadd.f32 v35, v18;
	[tilespmem:$0x1FEF0] =	vst v57;
	v2 =	vmul.f32 v9, v0;
	v9 =	vmul.f32 v33, v32  }
0x1b6: {  	v58 =	vld [tilespmem:$0x1FF20];
	v5 =	vmovc v16;
	v62 =	vmovc v32;
	[tilespmem:$0x1FED0] =	vst v60;
	v17 =	vmul.f32 v8, v56;
	v16 =	vand.u32 $0xFFFFF000, v39;
	v21 =	vand.u32 $0x7F, v39  }
0x1b7: {  	v59 =	vld [tilespmem:$0x1FF30];
	s19 =	sadd.s32 $0x40, s19;
	[tilespmem:$0x1FF20] =	vst v62;
	v61 =	vmovc v24;
	v23 =	vshrl.u32 v39, $0x2;
	v3 =	vshll.u32 v13, $0x3;
	v48 =	vshll.u32 v14, $0x3  }
0x1b8: {  	s0 =	sadd.s32 $0x40, s0;
	v52 =	vld [tilespmem:s19+$0x10];
	v63 =	vmovc v38;
	[tilespmem:$0x1FF10] =	vst v61;
	v54 =	vand.u32 $0xFFFFF000, v22;
	v57 =	vshrl.u32 v22, $0x2;
	v10 =	vadd.f32 v20, v37  }
0x1b9: {  	s5 =	sadd.s32 $0x40, s5;
	v53 =	vld [tilespmem:s0+$0x10];
	[tilespmem:$0x1FF30] =	vst v63;
	v61 =	vshrl.u32 v13, $0x2;
	v62 =	vshrl.u32 v14, $0x9;
	v63 =	vand.u32 $0xFFFFF000, v14  }
0x1ba: {  	v60 =	vld [tilespmem:s5+$0x10];
	v15 =	vadd.f32 v4, v15;
	v8 =	vadd.f32 v55, v40;
	v23 =	vand.u32 $0x380, v23;
	[tilespmem:s23+$0xFFFFFFE0] =	vst v10  }
0x1bb: {  	v20 =	vadd.f32 v2, v19;
	v6 =	vadd.f32 v9, v34;
	v10 =	vand.u32 $0x1FF, v39;
	v33 =	vld.idx.msk [tilespmem:v30+s31+$0x0], $0xffff  }
0x1bc: {  	v4 =	vadd.f32 v17, v35;
	[tilespmem:s23+$0x0] =	vst v8;
	v35 =	vld.idx.msk [tilespmem:v29+s31+$0x0], $0xffff;
	v8 =	vadd.s32 $0x1, v10;
	v10 =	vshll.u32 v39, $0x3  }
0x1bd: {  	v9 =	vshrl.u32 v39, $0x9;
	v18 =	vld.idx.msk [tilespmem:v28+s31+$0x0], $0xffff;
	v10 =	vand.u32 $0xC00, v10;
	v24 =	vshll.u32 v8, $0x3  }
0x1be: {  	v9 =	vadd.s32 $0x1, v9;
	[tilespmem:s23+$0xFFFFFFF0] =	vst v6;
	v19 =	vld.idx.msk [tilespmem:v25+s31+$0x0], $0xffff;
	v10 =	vor.u32 v21, v10;
	v21 =	vand.u32 $0x1C00, v24  }
0x1bf: {  	v31 =	vld.idx.msk [tilespmem:v26+s31+$0x0], $0xffff;
	v26 =	vand.u32 $0x7F, v8;
	v24 =	vor.u32 v16, v10;
	v8 =	vadd.s32 v16, v21  }
0x1c0: {  	[tilespmem:s24+$0xFFFFFFE0] =	vst v4;
	v40 =	vld.idx.msk [tilespmem:v27+s31+$0x0], $0xffff;
	v16 =	vshll.u32 v9, $0x9;
	v24 =	vor.u32 v23, v24;
	v8 =	vor.u32 v23, v8  }
0x1c1: {  	v39 =	vld.idx.msk [tilespmem:v36+s31+$0x0], $0xffff;
	v25 =	vor.u32 v26, v8;
	v8 =	vand.u32 $0xFFFFF000, v16;
	v16 =	vshll.u32 v9, $0x7  }
0x1c2: {  	v37 =	vmul.f32 v47, v58;
	v17 =	vld.idx.msk [tilespmem:v41+s31+$0x0], $0xffff;
	v16 =	vand.u32 $0x380, v16;
	v27 =	vor.u32 v8, v10  }
0x1c3: {  	s17 =	sadd.s32 $0x40, s17;
	v43 =	vand.u32 $0x7F, v14;
	[tilespmem:$0x1FEA0] =	vst v15;
	v15 =	vld.idx.msk [tilespmem:v46+s31+$0x0], $0xffff;
	v21 =	vadd.s32 v21, v8;
	v27 =	vor.u32 v16, v27  }
0x1c4: {  	v47 =	vshrl.u32 v22, $0x9;
	v55 =	vand.u32 $0x7F, v22;
	v36 =	vld [tilespmem:s17+$0x10];
	v16 =	vor.u32 v16, v21  }
0x1c5: {  	v58 =	vshrl.u32 v13, $0x9;
	v23 =	vand.u32 $0x1FF, v22;
	v38 =	vor.u32 v26, v16;
	v21 =	vld.idx.msk [tilespmem:v24+s30+$0x0], $0xffff  }
0x1c6: {  	[tilespmem:$0x1FEE0] =	vst v1;
	v34 =	vmul.f32 v51, v59;
	v2 =	vshll.u32 v22, $0x3;
	v29 =	vadd.s32 $0x1, v23;
	v1 =	vld.idx.msk [tilespmem:v25+s30+$0x0], $0xffff  }
0x1c7: {  	v59 =	vand.u32 $0xFFFFF000, v13;
	v28 =	vand.u32 $0x1FF, v13;
	v50 =	vld [tilespmem:s17+$0xFFFFFFE0];
	v16 =	vshll.u32 v29, $0x3  }
0x1c8: {  	v28 =	vadd.s32 $0x1, v28;
	v41 =	vand.u32 $0xC00, v48;
	v51 =	vand.u32 $0x1C00, v16;
	v16 =	vld.idx.msk [tilespmem:v27+s30+$0x0], $0xffff  }
0x1c9: {  	v49 =	vld [tilespmem:s19+$0xFFFFFFE0];
	v0 =	vor.u32 v43, v41;
	v41 =	vadd.s32 $0x1, v47;
	v23 =	vand.u32 $0x1FF, v14  }
0x1ca: {  	v47 =	vand.u32 $0x380, v57;
	v22 =	vand.u32 $0x7F, v13;
	v30 =	vadd.s32 $0x1, v23;
	v56 =	vld.idx.msk [tilespmem:v38+s30+$0x0], $0xffff  }
0x1cb: {  	v48 =	vld [tilespmem:s17+$0xFFFFFFF0];
	v23 =	vshll.u32 v28, $0x3;
	v21 =	vmul.f32 v21, v36;
	v32 =	vmul.f32 v1, v52  }
0x1cc: {  	v10 =	vld.idx.msk [tilespmem:v45+s31+$0x0], $0xffff;
	v45 =	vand.u32 $0x1C00, v23;
	v23 =	vand.u32 $0xC00, v2;
	v2 =	vshrl.u32 v14, $0x2  }
0x1cd: {  	v13 =	vld [tilespmem:s19+$0xFFFFFFF0];
	v26 =	vshll.u32 v30, $0x3;
	v21 =	vadd.f32 v32, v21;
	v16 =	vmul.f32 v16, v53  }
0x1ce: {  	v9 =	vmovc v7;
	v7 =	vmovc v44;
	v14 =	vld [tilespmem:s17+$0x0];
	v44 =	vand.u32 $0x7F, v30;
	v55 =	vor.u32 v55, v23;
	v46 =	vand.u32 $0x1C00, v26  }
0x1cf: {  	v23 =	vld [tilespmem:s0+$0x0];
	v26 =	vand.u32 $0xC00, v3;
	v56 =	vmul.f32 v56, v60;
	v16 =	vadd.f32 v16, v21  }
0x1d0: {  	v4 =	vor.u32 v22, v26;
	v22 =	vld [tilespmem:s19+$0x0];
	v32 =	vadd.s32 v54, v51;
	v54 =	vor.u32 v54, v55  }
0x1d1: {  	v32 =	vor.u32 v47, v32;
	v30 =	vor.u32 v47, v54;
	v47 =	vld.idx.msk [tilespmem:v12+s31+$0x0], $0xffff;
	v26 =	vadd.f32 v56, v16  }
0x1d2: {  	[tilespmem:$0x1FF00] =	vst v5;
	s23 =	sadd.s32 $0x40, s23;
	v57 =	vand.u32 $0x380, v61;
	v43 =	vand.u32 $0x7F, v28;
	v5 =	vshll.u32 v41, $0x9;
	v21 =	vld [tilespmem:s0+$0xFFFFFFE0]  }
0x1d3: {  	v41 =	vshll.u32 v41, $0x7;
	v2 =	vand.u32 $0x380, v2;
	v1 =	vadd.s32 v59, v45;
	v16 =	vld [tilespmem:s0+$0xFFFFFFF0];
	[tilespmem:s23+$0x10] =	vst v26  }
0x1d4: {  	v3 =	vadd.s32 v63, v46;
	v63 =	vor.u32 v63, v0;
	v1 =	vor.u32 v57, v1;
	v61 =	vld.idx.msk [tilespmem:v24+s31+$0x0], $0xffff  }
0x1d5: {  	v8 =	vmovc v42;
	v56 =	vadd.s32 $0x1, v58;
	v58 =	vadd.s32 $0x1, v62;
	v62 =	vand.u32 $0x7F, v29;
	v42 =	vld.idx.msk [tilespmem:v25+s31+$0x0], $0xffff  }
0x1d6: {  	v3 =	vor.u32 v2, v3;
	v29 =	vor.u32 v62, v32;
	v32 =	vld [tilespmem:s5+$0xFFFFFFF0];
	v26 =	vor.u32 v43, v1  }
0x1d7: {  	v59 =	vor.u32 v59, v4;
	v28 =	vshll.u32 v56, $0x9;
	v1 =	vshll.u32 v58, $0x9;
	v6 =	vld.idx.msk [tilespmem:v27+s31+$0x0], $0xffff  }
0x1d8: {  	v24 =	vld [tilespmem:s5+$0xFFFFFFE0];
	v27 =	vor.u32 v57, v59;
	v25 =	vor.u32 v44, v3;
	v3 =	vand.u32 $0xFFFFF000, v5  }
0x1d9: {  	v5 =	vand.u32 $0xFFFFF000, v28;
	v28 =	vor.u32 v2, v63;
	v2 =	vld.idx.msk [tilespmem:v38+s31+$0x0], $0xffff;
	v12 =	vor.u32 v3, v55  }
0x1da: {  	v3 =	vadd.s32 v51, v3;
	v51 =	vld.idx.msk [tilespmem:v11+s31+$0x0], $0xffff;
	v36 =	vmul.f32 v61, v36;
	v42 =	vmul.f32 v42, v52  }
0x1db: {  	v54 =	vshll.u32 v56, $0x7;
	v56 =	vshll.u32 v58, $0x7;
	v1 =	vand.u32 $0xFFFFF000, v1;
	v57 =	vld.idx.msk [tilespmem:v26+s30+$0x0], $0xffff  }
0x1dc: {  	v63 =	vand.u32 $0x380, v41;
	v52 =	vld.idx.msk [tilespmem:v29+s30+$0x0], $0xffff;
	v6 =	vmul.f32 v6, v53;
	v42 =	vadd.f32 v42, v36  }
0x1dd: {  	v4 =	vor.u32 v5, v4;
	v53 =	vld.idx.msk [tilespmem:v25+s30+$0x0], $0xffff;
	v36 =	vor.u32 v63, v12;
	v12 =	vand.u32 $0x380, v54  }
0x1de: {  	v0 =	vor.u32 v1, v0;
	v41 =	vor.u32 v12, v4;
	v4 =	vadd.f32 v6, v42;
	v6 =	vld.idx.msk [tilespmem:v27+s30+$0x0], $0xffff  }
0x1df: {  	v5 =	vadd.s32 v45, v5;
	v1 =	vadd.s32 v46, v1;
	v61 =	vor.u32 v63, v3;
	v63 =	vld.idx.msk [tilespmem:v28+s30+$0x0], $0xffff  }
0x1e0: {  	v2 =	vmul.f32 v2, v60;
	v60 =	vld [tilespmem:$0x1FEA0];
	v46 =	vor.u32 v62, v61;
	v54 =	vand.u32 $0x380, v56  }
0x1e1: {  	v61 =	vmul.f32 v33, v7;
	v62 =	vld [tilespmem:$0x1FEC0];
	v45 =	vor.u32 v54, v0;
	v1 =	vor.u32 v54, v1  }
0x1e2: {  	v7 =	vld [tilespmem:$0x1FEB0];
	v42 =	vor.u32 v12, v5;
	v55 =	vmul.f32 v57, v13;
	v5 =	vadd.f32 v37, v20  }
0x1e3: {  	v56 =	vld.idx.msk [tilespmem:v30+s30+$0x0], $0xffff;
	v11 =	vor.u32 v44, v1;
	v58 =	vmul.f32 v53, v22;
	v6 =	vmul.f32 v6, v48  }
0x1e4: {  	v3 =	vmul.f32 v63, v14;
	v57 =	vld.idx.msk [tilespmem:v41+s30+$0x0], $0xffff;
	[tilespmem:s24+$0xFFFFFFF0] =	vst v5;
	v5 =	vmul.f32 v35, v8  }
0x1e5: {  	v2 =	vadd.f32 v2, v4;
	v4 =	vld.idx.msk [tilespmem:v36+s30+$0x0], $0xffff;
	v1 =	vadd.f32 v55, v6;
	v6 =	vmul.f32 v40, v9  }
0x1e6: {  	v9 =	vmovc v17;
	v17 =	vadd.f32 v58, v3;
	v3 =	vmul.f32 v18, v62;
	v18 =	vadd.f32 v5, v61;
	v5 =	vld [tilespmem:$0x1FEE0]  }
0x1e7: {  	s16 =	sadd.s32 $0x4, s16;
	v12 =	vor.u32 v43, v42;
	v63 =	vld [tilespmem:$0x1FEF0]  }
0x1e8: {  	s15 =	sadd.s32 $0x40, s15;
	p0 =	slt.u32 s16, $0xAC;
	v54 =	vmul.f32 v52, v49;
	v20 =	vmul.f32 v56, v50;
	v59 =	vld.idx.msk [tilespmem:v45+s30+$0x0], $0xffff  }
.Ltmp1:
0x1e9: {  	v38 =	vld [tilespmem:s5+$0x0];
	v34 =	vadd.f32 v34, v60;
	v7 =	vmul.f32 v31, v7;
	[tilespmem:s15+$0x10] =	vst v2;
	(pc) =	sbr.rel @p0 .LBB2_5-.Ltmp1, $4  }
0x1ea: {  	v0 =	vadd.f32 v54, v20;
	v20 =	vld.idx.msk [tilespmem:v46+s30+$0x0], $0xffff;
	v4 =	vmul.f32 v4, v21;
	v2 =	vmul.f32 v57, v16  }
0x1eb: {  	v44 =	vmovc v50;
	v42 =	vmov v49;
	v8 =	vmov v15;
	v31 =	vld.idx.msk [tilespmem:v11+s30+$0x0], $0xffff;
	[tilespmem:s24+$0x0] =	vst v34;
	v5 =	vmul.f32 v19, v5  }
0x1ec: {  	v33 =	vld.idx.msk [tilespmem:v12+s30+$0x0], $0xffff;
	v35 =	vmul.f32 v39, v63;
	v37 =	vadd.f32 v4, v0;
	v34 =	vadd.f32 v2, v1  }
0x1ed: {  	s1 =	sadd.s32 $0x40, s1;
	v43 =	vld [tilespmem:$0x1FED0];
	s24 =	smov.u32 s25;
	s25 =	smov.u32 s15;
	v40 =	vmul.f32 v59, v23;
	v19 =	vadd.f32 v7, v6;
	v7 =	vmovc v48;
	v15 =	vadd.f32 v5, v3  }
0x1ee: {  	_ = 	snop  }
0x1ef: {  	v0 =	vmul.f32 v20, v24;
	_ =	sdelay $0x1  }
0x1f0: {  	v0 =	vadd.f32 v0, v37;
	_ =	sdelay $0x1  }
0x1f1: {  	v2 =	vadd.f32 v40, v17;
	v3 =	vmul.f32 v31, v38;
	v1 =	vmul.f32 v33, v32;
	[tilespmem:s23+$0xFFFFFFE0] =	vst v0  }
0x1f2: {  	v0 =	vld.idx.msk [tilespmem:v30+s31+$0x0], $0xffff  }
0x1f3: {  	v2 =	vadd.f32 v3, v2;
	v1 =	vadd.f32 v1, v34;
	v34 =	vld.idx.msk [tilespmem:v29+s31+$0x0], $0xffff  }
0x1f4: {  	v40 =	vld.idx.msk [tilespmem:v36+s31+$0x0], $0xffff  }
0x1f5: {  	[tilespmem:s23+$0x0] =	vst v2;
	v52 =	vld.idx.msk [tilespmem:v46+s31+$0x0], $0xffff  }
0x1f6: {  	v4 =	vld.idx.msk [tilespmem:v28+s31+$0x0], $0xffff  }
0x1f7: {  	[tilespmem:s23+$0xFFFFFFF0] =	vst v1;
	v5 =	vld.idx.msk [tilespmem:v25+s31+$0x0], $0xffff  }
0x1f8: {  	v37 =	vld.idx.msk [tilespmem:v27+s31+$0x0], $0xffff  }
0x1f9: {  	v6 =	vld [tilespmem:$0x1FF00]  }
0x1fa: {  	v50 =	vld [tilespmem:$0x1FF30]  }
0x1fb: {  	v10 =	vmul.f32 v10, v43;
	v43 =	vld [tilespmem:$0x1FF10]  }
0x1fc: {  	v39 =	vld.idx.msk [tilespmem:v26+s31+$0x0], $0xffff;
	v0 =	vmul.f32 v0, v44  }
0x1fd: {  	v49 =	vld [tilespmem:$0x1FF20];
	v1 =	vmul.f32 v34, v42;
	v55 =	vmul.f32 v40, v21  }
0x1fe: {  	v48 =	vld.idx.msk [tilespmem:v41+s31+$0x0], $0xffff;
	v59 =	vmul.f32 v52, v24;
	v4 =	vmul.f32 v4, v14  }
0x1ff: {  	v18 =	vadd.f32 v35, v18;
	v5 =	vmul.f32 v5, v22;
	v25 =	vmul.f32 v51, v50;
	v51 =	vld.idx.msk [tilespmem:v45+s31+$0x0], $0xffff  }
0x200: {  	v10 =	vadd.f32 v10, v15;
	v12 =	vld.idx.msk [tilespmem:v12+s31+$0x0], $0xffff;
	v6 =	vmul.f32 v9, v6;
	v8 =	vmul.f32 v8, v43  }
0x201: {  	v54 =	vld.idx.msk [tilespmem:v11+s31+$0x0], $0xffff;
	v3 =	vmul.f32 v37, v7;
	v2 =	vmul.f32 v39, v13;
	v0 =	vadd.f32 v1, v0  }
0x202: {  	v20 =	vmul.f32 v47, v49;
	v56 =	vadd.f32 v5, v4;
	v6 =	vadd.f32 v6, v19  }
0x203: {  	v57 =	vmul.f32 v48, v16;
	v53 =	vadd.f32 v8, v18;
	v2 =	vadd.f32 v2, v3  }
0x204: {  	v0 =	vadd.f32 v55, v0;
	v60 =	vadd.f32 v25, v10;
	v58 =	vmul.f32 v51, v23  }
0x205: {  	v61 =	vmul.f32 v12, v32;
	v6 =	vadd.f32 v20, v6;
	[tilespmem:s24+$0xFFFFFFE0] =	vst v53;
	v2 =	vadd.f32 v57, v2  }
0x206: {  	v62 =	vmul.f32 v54, v38;
	v0 =	vadd.f32 v59, v0;
	[tilespmem:s24+$0x0] =	vst v60;
	v1 =	vadd.f32 v58, v56  }
0x207: {  	s20 =	sadd.s32 $0x1, s20;
	[tilespmem:s24+$0xFFFFFFF0] =	vst v6;
	v2 =	vadd.f32 v61, v2  }
0x208: {  	p0 =	sne.s32 s20, $0x8;
	[tilespmem:s25+$0xFFFFFFE0] =	vst v0;
	v63 =	vadd.f32 v62, v1  }
.Ltmp2:
0x209: {  	[tilespmem:s25+$0xFFFFFFF0] =	vst v2;
	(pc) =	sbr.rel @p0 .LBB2_2-.Ltmp2, $4  }
0x20a: {  	s0 =	sadd.s32 s10, s21;
	s1 =	simm.s32 $0x1C400;
	[tilespmem:s25+$0x0] =	vst v63  }
0x20b: {  	[hbm4b:s0+s3] =	stream.linear.scatter [tilespmem:s1], [sflag:$0x4], $0xB00, $0x38;
	[tilespmem:$0x1DA00] =	vst v63  }
0x20c: {  	s24 =	sadd.s32 s11, s21;
	s25 =	simm.s32 $0x1CF00  }
0x20d: {  	[hbm4b:s24+s3] =	stream.linear.scatter [tilespmem:s25], [sflag:$0x4], $0xB00, $0x38;
	[tilespmem:$0x1DA00] =	vst v63  }
0x20e: {  	s0 =	simm.s32 $0x3  }
0x20f: {  	_ =	swait.ge [sflag:s0], $0xB00  }
0x210: {  	[sflag:s0] =	ssyncset.done $0x0  }
0x211: {  	[sflag:s0] =	ssyncadd.s32 $0xFFFFF500  }
0x212: {  	_ =	swait.ge [sflag:s0], $0xB00  }
0x213: {  	[sflag:s0] =	ssyncset.done $0x0  }
0x214: {  	[sflag:s0] =	ssyncadd.s32 $0xFFFFF500  }
0x215: {  	_ =	swait.ge [sflag:s18], $0xB00  }
0x216: {  	[sflag:s18] =	ssyncset.done $0x0  }
0x217: {  	[sflag:s18] =	ssyncadd.s32 $0xFFFFF500  }
0x218: {  	_ =	swait.ge [sflag:s18], $0xB00  }
0x219: {  	s1 =	rddreg [dreg:$0xd]  }
0x21a: {  	s25 =	rddreg [dreg:$0xc];
	s1 =	sadd.s32 $0x1, s1  }
0x21b: {  	p0 =	sne.s32 s1, s25  }
.Ltmp3:
0x21c: {  	_ = 	snop;
	(pc) =	sbr.rel @p0 .LBB2_1-.Ltmp3, $3  }
0x21d: {  	_ =	sdelay $0x1  }
0x21e: {  	[sflag:s18] =	ssyncset.done $0x0  }
0x21f: {  	[sflag:s18] =	ssyncadd.s32 $0xFFFFF500  }
0x220: {  	_ =	sfence.sel $0x180000  }
0x221: {  	[bflag:$0x0] =	sbarrier.arrive $0xFFFF  }
0x222: {  	_ =	strace $0x9000004A  }
0x223: {  	s0 =	stileid.u32;
	[bflag:$0x2] =	sbarrier.arrive $0xFFFF  }
0x224: {  	p0 =	sne.s32 s0, $0x0;
	s0 =	rddreg [dreg:$0x3]  }
0x225: {  	s0 =	sadd.s32 @!p0 $0x100000, s0  }
0x226: {  	[sflag:s0] =	ssyncadd.tile.s32 @!p0 $0x1;
	_ =	shalt  }
.Lfunc_end2:
_tile_overlayer_lowered:
.L_overlay_start_2:
0x227: {  	(tag) =	ssettag $0x2  }
0x228: {  	s0 =	rddreg [dreg:$0x0];
	s2 =	stileid.u32  }
0x229: {  	s1 =	rddreg [dreg:$0x1];
	p0 =	sne.s32 s2, $0x0  }
0x22a: {  	s3 =	rddreg [dreg:$0x2];
	[bflag:$0x3] =	sbarrier.arrive $0xFFFF;
	s2 =	simm.s32 @!p0 $0x1C05  }
0x22b: {  	[timem:s3], [sflag:s2] =	dma.local @!p0 [hbm:s0], s1  }
0x22c: {  	s0 =	simm.s32 @!p0 $0x5  }
0x22d: {  	_ =	swait.ge @!p0 [sflag:s0], s1  }
0x22e: {  	s1 =	ssub.s32 @!p0 $0x0, s1;
	[sflag:s0] =	ssyncset.done @!p0 $0x0  }
0x22f: {  	[sflag:s0] =	ssyncadd.s32 @!p0 s1  }
0x230: {  	[bflag:$0x3] =	sbarrier.arrive $0xFFFF  }
0x231: {  	_ =	shalt  }

// kernel: kernel.9.cloned.1.call-start
scs
__scs_entry_jumppad:
0x0: {  	(pc) =	sbr.rel $0x88, $3  }
0x1: {  	(tag) =	ssettag $0x0;
	lr =	simm.s32 $0x1  }
0x2: {  	[smem:$0x3F9F] =	sst lr;
	_ =	strace $0xD0000000  }
0x3: {  	_ = 	snop  }
0x4: {  	_ = 	snop  }
0x5: {  	_ = 	snop  }
0x6: {  	_ = 	snop  }
0x7: {  	_ = 	snop  }
__scs_overlays_trampoline_lowered:
0x8: {  	[smem:$0x3FAE] =	sst s0  }
0x9: {  	[smem:$0x3FAF] =	sst s1  }
0xa: {  	[smem:$0x3FB0] =	sst s2  }
0xb: {  	[smem:$0x3FB1] =	sst s3  }
0xc: {  	[smem:$0x3FB2] =	sst s4  }
0xd: {  	[smem:$0x3FB3] =	sst s5  }
0xe: {  	[smem:$0x3FB4] =	sst s6  }
0xf: {  	[smem:$0x3FB5] =	sst s7  }
0x10: {  	[smem:$0x3FB6] =	sst s8  }
0x11: {  	[smem:$0x3FB7] =	sst s9;
	s0 =	simm.s32 @!p0 $0x0  }
0x12: {  	s1 =	sld [smem:$0x3F9D];
	s0 =	simm.s32 @p0 $0x1  }
0x13: {  	[smem:$0x3FB8] =	sst s0;
	s0 =	simm.s32 @!p1 $0x0  }
0x14: {  	s2 =	sld [smem:$0x3F9C];
	s0 =	simm.s32 @p1 $0x1  }
0x15: {  	[smem:$0x3FB9] =	sst s0;
	s0 =	simm.s32 @!p2 $0x0  }
0x16: {  	s3 =	sld [smem:$0x3FDB];
	s0 =	simm.s32 @p2 $0x1  }
0x17: {  	s4 =	simm.s32 $0x1BF5;
	[smem:$0x3FBB] =	sst s0  }
0x18: {  	s0 =	sld [smem:$0x3F9E];
	_ =	swait.ge [sflag:s4], $0x0  }
0x19: {  	s7 =	sld [smem:$0x3F9F]  }
0x1a: {  	s8 =	sadd.s32 $0xFFFFE003, lr  }
0x1b: {  	s9 =	sadd.s32 $0xFFFFFEF7, lr;
	s5 =	simm.s32 $0xFFFFFFFF;
	p2 =	slt.u32 s8, $0xFFFFF086  }
0x1c: {  	p1 =	slt.u32 s9, $0xF7A;
	s5 =	simm.s32 @!p2 $0x0  }
0x1d: {  	s5 =	simm.s32 @p1 $0x1;
	p0 =	seq.s32 s7, s2  }
0x1e: {  	s7 =	smul.u32 @!p0 $0xF7A, s2;
	p2 =	seq.s32 @!p0 s5, $0x0  }
0x1f: {  	s9 =	smul.u32 $0xF7A, s1;
	s8 =	simm.s32 @!p0 $0x1BF5;
	p2 =	por !p2, p0  }
0x20: {  	[sflag:s8] =	ssyncset.s32 @!p0 $0xFFFFF086;
	s6 =	sadd.s32 @!p0 s3, s7;
	s7 =	simm.s32 @!p0 $0x108  }
0x21: {  	s3 =	sadd.s32 s3, s9;
	s6 =	sadd.s32 @!p0 $0x88, s6;
	s7 =	simm.s32 @p2 $0x1082  }
0x22: {  	[simem:s7], [sflag:s8] =	dma.local @!p0 [hbm:s6], $0xF7A  }
0x23: {  	s9 =	sor.u32 $0xD0000000, s2;
	s6 =	simm.s32 $0x108;
	_ =	swait.ge @!p0 [sflag:s8], $0x0  }
0x24: {  	s3 =	sadd.s32 $0x88, s3;
	s6 =	simm.s32 @!p1 $0x1082;
	[sflag:s4] =	ssyncset.s32 $0xFFFFF086  }
0x25: {  	[simem:s6], [sflag:s4] =	dma.local [hbm:s3], $0xF7A  }
0x26: {  	[smem:$0x3F9F] =	sst s1;
	(tag) =	ssettag s2;
	_ =	strace s9  }
0x27: {  	s1 =	sld [smem:$0x3FAF]  }
0x28: {  	s2 =	sld [smem:$0x3FB0]  }
0x29: {  	s4 =	sld [smem:$0x3FB2]  }
0x2a: {  	p0 =	seq.s32 s5, $0x0;
	s5 =	sld [smem:$0x3FB3]  }
0x2b: {  	s6 =	sld [smem:$0x3FB4]  }
0x2c: {  	s7 =	sld [smem:$0x3FB5]  }
0x2d: {  	s3 =	simm.s32 $0x108;
	s8 =	sld [smem:$0x3FB6]  }
0x2e: {  	s3 =	simm.s32 @!p0 $0x1082;
	s9 =	sld [smem:$0x3FB7]  }
0x2f: {  	lr =	sadd.s32 s0, s3;
	s0 =	sld [smem:$0x3FAE]  }
0x30: {  	s3 =	sld [smem:$0x3FB1]  }
0x31: {  	[smem:$0x3FBA] =	sst s10  }
0x32: {  	s10 =	sld [smem:$0x3FB8];
	_ =	sdelay $0x3  }
0x33: {  	p0 =	seq.s32 s10, $0x1;
	s10 =	sld [smem:$0x3FBA];
	_ =	sdelay $0x3  }
0x34: {  	[smem:$0x3FBA] =	sst s10  }
0x35: {  	s10 =	sld [smem:$0x3FB9];
	_ =	sdelay $0x3  }
0x36: {  	p1 =	seq.s32 s10, $0x1;
	s10 =	sld [smem:$0x3FBA];
	_ =	sdelay $0x3  }
0x37: {  	[smem:$0x3FBA] =	sst s10  }
0x38: {  	s10 =	sld [smem:$0x3FBB]  }
0x39: {  	_ = 	snop;
	(pc) =	sbr.ind lr, $3  }
0x3a: {  	_ = 	snop  }
0x3b: {  	_ = 	snop  }
0x3c: {  	p2 =	seq.s32 s10, $0x1;
	s10 =	sld [smem:$0x3FBA]  }
0x3d: {  	_ =	shalt  }
0x3e: {  	_ =	shalt  }
0x3f: {  	_ =	shalt  }
0x40: {  	_ =	shalt  }
0x41: {  	_ =	shalt  }
0x42: {  	_ =	shalt  }
0x43: {  	_ =	shalt  }
0x44: {  	_ =	shalt  }
0x45: {  	_ =	shalt  }
0x46: {  	_ =	shalt  }
0x47: {  	_ =	shalt  }
0x48: {  	_ =	shalt  }
0x49: {  	_ =	shalt  }
0x4a: {  	_ =	shalt  }
0x4b: {  	_ =	shalt  }
0x4c: {  	_ =	shalt  }
0x4d: {  	_ =	shalt  }
0x4e: {  	_ =	shalt  }
0x4f: {  	_ =	shalt  }
0x50: {  	_ =	shalt  }
0x51: {  	_ =	shalt  }
0x52: {  	_ =	shalt  }
0x53: {  	_ =	shalt  }
0x54: {  	_ =	shalt  }
0x55: {  	_ =	shalt  }
0x56: {  	_ =	shalt  }
0x57: {  	_ =	shalt  }
0x58: {  	_ =	shalt  }
0x59: {  	_ =	shalt  }
0x5a: {  	_ =	shalt  }
0x5b: {  	_ =	shalt  }
0x5c: {  	_ =	shalt  }
0x5d: {  	_ =	shalt  }
0x5e: {  	_ =	shalt  }
0x5f: {  	_ =	shalt  }
0x60: {  	_ =	shalt  }
0x61: {  	_ =	shalt  }
0x62: {  	_ =	shalt  }
0x63: {  	_ =	shalt  }
0x64: {  	_ =	shalt  }
0x65: {  	_ =	shalt  }
0x66: {  	_ =	shalt  }
0x67: {  	_ =	shalt  }
0x68: {  	_ =	shalt  }
0x69: {  	_ =	shalt  }
0x6a: {  	_ =	shalt  }
0x6b: {  	_ =	shalt  }
0x6c: {  	_ =	shalt  }
0x6d: {  	_ =	shalt  }
0x6e: {  	_ =	shalt  }
0x6f: {  	_ =	shalt  }
0x70: {  	_ =	shalt  }
0x71: {  	_ =	shalt  }
0x72: {  	_ =	shalt  }
0x73: {  	_ =	shalt  }
0x74: {  	_ =	shalt  }
0x75: {  	_ =	shalt  }
0x76: {  	_ =	shalt  }
0x77: {  	_ =	shalt  }
0x78: {  	_ =	shalt  }
0x79: {  	_ =	shalt  }
0x7a: {  	_ =	shalt  }
0x7b: {  	_ =	shalt  }
0x7c: {  	_ =	shalt  }
0x7d: {  	_ =	shalt  }
0x7e: {  	_ =	shalt  }
0x7f: {  	_ =	shalt  }
0x80: {  	_ =	shalt  }
0x81: {  	_ =	shalt  }
0x82: {  	_ =	shalt  }
0x83: {  	_ =	shalt  }
0x84: {  	_ =	shalt  }
0x85: {  	_ =	shalt  }
0x86: {  	_ =	shalt  }
0x87: {  	_ =	shalt  }
.Lfunc_end0:
.L_simem_size_0:
called_computation.1_lowered:
.L_overlay_start_0:
0x88: {  	s2 =	sld [smem:$0x3FD9]  }
0x89: {  	s3 =	sld [smem:$0x3FFE];
	_ =	sdelay $0x1  }
0x8a: {  	s1 =	srdreg.scid  }
0x8b: {  	s0 =	sand.u32 $0x1, s1  }
0x8c: {  	s17 =	sshll.u32 s0, $0xA;
	s2 =	sadd.s32 s3, s2  }
0x8d: {  	s2 =	sadd.s32 s2, s17  }
0x8e: {  	[smem:$0x3FC6] =	sst s2  }
0x8f: {  	_ = 	snop  }
0x90: {  	s2 =	sld [smem:$0x3FC9]  }
0x91: {  	s18 =	sld [smem:$0x3FC8];
	(tm) =	ssettm $0x1  }
0x92: {  	s4 =	sld [smem:$0x3FFB];
	_ =	sdelay $0x3  }
0x93: {  	_ =	strace s4  }
0x94: {  	s4 =	sld [smem:$0x3FFC];
	_ =	sdelay $0x3  }
0x95: {  	_ =	strace s4  }
0x96: {  	s4 =	sld [smem:$0x3FFD];
	_ =	sdelay $0x3  }
0x97: {  	_ =	strace s4  }
0x98: {  	_ =	strace $0x8FFFFFFF  }
0x99: {  	s19 =	sld [smem:$0x3FDB];
	_ =	sdelay $0x1  }
0x9a: {  	s5 =	simm.s32 $_scs_section_size  }
0x9b: {  	s6 =	simm.s32 $_size__tile_overlayer_lowered;
	s7 =	simm.s32 $_tile_overlayer_lowered  }
0x9c: {  	s22 =	simm.s32 $0x1BFF;
	s21 =	sshll.u32 s7, $0x1;
	s4 =	sadd.s32 s5, s19  }
0x9d: {  	s8 =	simm.s32 $0x0;
	s20 =	sshll.u32 s6, $0x1;
	s6 =	sadd.s32 s21, s4  }
0x9e: {  	[timem:s8], [sflag:s22] =	dma.local [hbm:s6], s20  }
0x9f: {  	_ =	swait.ge [sflag:s22], s20  }
0xa0: {  	s5 =	ssub.s32 $0x0, s20;
	[sflag:s22] =	ssyncset.done $0x0  }
0xa1: {  	[sflag:s22] =	ssyncadd.s32 s5;
	_ =	sdelay $0x1  }
0xa2: {  	s23 =	simm.s32 $0x1B8B  }
0xa3: {  	_ =	swait.ge [sflag:s23], $0x1  }
0xa4: {  	[sflag:s23] =	ssyncset.done $0x0  }
0xa5: {  	s25 =	simm.s32 $0x1B8E;
	s24 =	sld [smem:$0x3FFE];
	[sflag:s23] =	ssyncadd.s32 $0xFFFFFFFF  }
0xa6: {  	s26 =	simm.s32 $execute0_lowered;
	[smem:$0x3FD2] =	sst s25  }
0xa7: {  	s6 =	sshll.u32 s26, $0x1;
	_ =	strace $0x80000046;
	[dreg:$0x1] =	wrdreg $0xFFFFFFFF  }
0xa8: {  	s28 =	simm.s32 $_size_execute0_lowered;
	s4 =	sadd.s32 s4, s6;
	[dreg:$0x0] =	wrdreg $0x0  }
0xa9: {  	s6 =	sshll.u32 s28, $0x1;
	[dreg:$0x2] =	wrdreg s4  }
0xaa: {  	[dreg:$0x3] =	wrdreg s6  }
0xab: {  	[dreg:$0x4] =	wrdreg $0xC0  }
0xac: {  	_ =	task [dreg:s8], $0x5FFFF  }
0xad: {  	[dreg:$0x1] =	wrdreg $0xFFFFFFFF  }
0xae: {  	[dreg:$0x0] =	wrdreg $0x60  }
0xaf: {  	[dreg:$0x2] =	wrdreg s2  }
0xb0: {  	[dreg:$0x3] =	wrdreg s18  }
0xb1: {  	[dreg:$0x4] =	wrdreg s24  }
0xb2: {  	[dreg:$0x5] =	wrdreg $0xA  }
0xb3: {  	_ =	task.clear_ibuf [dreg:s8], $0x6FFFF;
	_ =	strace $0x90000046  }
0xb4: {  	s29 =	simm.s32 $0xA;
	_ =	strace $0x80000048  }
0xb5: {  	_ =	swait.ge [sflag:s29], $0x1  }
0xb6: {  	[sflag:s29] =	ssyncadd.s32 $0xFFFFFFFF  }
0xb7: {  	_ =	strace $0x90000048  }
0xb8: {  	_ =	sfence  }
0xb9: {  	s30 =	sld [smem:$0x0];
	_ =	sdelay $0x2  }
0xba: {  	s31 =	sshll.u32 s1, $0xD;
	s1 =	sshrl.u32 s1, $0x2  }
0xbb: {  	s3 =	sand.u32 $0x4000, s31;
	s1 =	sadd.s32 s1, s30  }
0xbc: {  	s0 =	sor.u32 s3, s0;
	s1 =	sshll.u32 s1, $0x11  }
0xbd: {  	s0 =	sor.u32 s1, s0  }
0xbe: {  	s0 =	sadd.s32 $0x8F2B, s0  }
0xbf: {  	[sflag:s0] =	ssyncadd.remote.s32 $0x1  }
0xc0: {  	_ =	sfence.sel $0xFFFF  }
0xc1: {  	[dreg:$0x0] =	wrdreg $0xFFFFFFFF;
	(pc) =	sbr.abs _section_cstart, $3  }
0xc2: {  	[dreg:$0x1] =	wrdreg $0xFFFFFFFF  }
0xc3: {  	_ =	task.clear_ibuf [dreg:s8], $0x2FFFF;
	_ =	strace $0x9FFFFFFF  }
0xc4: {  	(tm) =	ssettm $0x7FFFFFFF  }
0xc5: {  	_ =	shalt  }
tec
execute0_lowered:
.L_overlay_start_1:
0x0: {  	(tag) =	ssettag $0x1  }
0x1: {  	s26 =	rddreg [dreg:$0x0]  }
0x2: {  	s28 =	rddreg [dreg:$0x1]  }
0x3: {  	s0 =	rddreg [dreg:$0x2];
	s3 =	simm.s32 $0x0;
	s1 =	srdreg.scid  }
0x4: {  	s2 =	stileid.u32;
	[smem:$0x7FF] =	sst s3;
	s5 =	sadd.s32 $0x31D800, s0  }
0x5: {  	s1 =	sand.u32 $0x1, s1;
	s6 =	sadd.s32 $0x26D800, s0;
	s7 =	sadd.s32 $0x1BD800, s0  }
0x6: {  	s4 =	sshll.u32 s2, $0x5;
	s8 =	sadd.s32 $0x10D800, s0;
	s10 =	sadd.s32 $0x5D800, s0  }
0x7: {  	s12 =	sadd.s32 $0x375800, s0;
	s9 =	sshll.u32 s1, $0x4;
	s1 =	ssub.s32 $0x2, s1  }
0x8: {  	s13 =	sadd.s32 $0x3A1800, s0;
	s9 =	sor.u32 s9, s4;
	s18 =	sshrl.u32 s1, $0x1  }
0x9: {  	_ =	strace $0x80000047;
	s17 =	sor.u32 $0x200, s9;
	s19 =	ssub.s32 s1, s18  }
0xa: {  	[dreg:$0x4] =	wrdreg s17;
	s20 =	sshll.u32 s17, $0xB;
	s0 =	smax.u32 s19, $0x1  }
0xb: {  	s14 =	smul.u32 $0x160, s17;
	s2 =	sadd.s32 s26, s20;
	[dreg:$0xc] =	wrdreg s0  }
0xc: {  	s1 =	sadd.s32 s28, s20;
	[dreg:$0x5] =	wrdreg s2  }
0xd: {  	s29 =	simm.s32 $0x1;
	[dreg:$0x6] =	wrdreg s1;
	s21 =	sadd.s32 s5, s14  }
0xe: {  	s30 =	simm.s32 $0xED00;
	s22 =	sadd.s32 s6, s14;
	[dreg:$0x7] =	wrdreg s21  }
0xf: {  	s31 =	simm.s32 $0x13D00;
	s23 =	sadd.s32 s7, s14;
	[dreg:$0x8] =	wrdreg s22  }
0x10: {  	s18 =	simm.s32 $0x4;
	s24 =	sadd.s32 s8, s14;
	[dreg:$0x9] =	wrdreg s23  }
0x11: {  	s25 =	sadd.s32 s10, s14;
	s14 =	simm.s32 $0x2;
	[dreg:$0xa] =	wrdreg s24  }
0x12: {  	s1 =	simm.s32 $0x0;
	[dreg:$0xb] =	wrdreg s25;
	s22 =	simm.s32 $0x5000  }
.LBB2_1:
0x13: {  	[dreg:$0xd] =	wrdreg s1  }
0x14: {  	s0 =	rddreg [dreg:$0x5]  }
0x15: {  	[tilespmem:s3], [sflag:$0x1] =	stream.linear.gather [hbm4b:s0+s3], $0x5000, $0x38;
	[tilespmem:$0x1DA00] =	vst v63  }
0x16: {  	s4 =	rddreg [dreg:$0x6]  }
0x17: {  	[tilespmem:s22], [sflag:$0x1] =	stream.linear.gather [hbm4b:s4+s3], $0x5000, $0x38;
	[tilespmem:$0x1DA00] =	vst v63  }
0x18: {  	s11 =	rddreg [dreg:$0x7];
	s15 =	simm.s32 $0xA000  }
0x19: {  	[tilespmem:s15], [sflag:$0x1] =	stream.linear.gather [hbm4b:s11+s3], $0xB00, $0x38;
	[tilespmem:$0x1DA00] =	vst v63  }
0x1a: {  	s16 =	rddreg [dreg:$0x8];
	s17 =	simm.s32 $0xAB00  }
0x1b: {  	[tilespmem:s17], [sflag:$0x1] =	stream.linear.gather [hbm4b:s16+s3], $0xB00, $0x38;
	[tilespmem:$0x1DA00] =	vst v63  }
0x1c: {  	s19 =	rddreg [dreg:$0x9];
	s20 =	simm.s32 $0xB600  }
0x1d: {  	[tilespmem:s20], [sflag:$0x1] =	stream.linear.gather [hbm4b:s19+s3], $0xB00, $0x38;
	[tilespmem:$0x1DA00] =	vst v63  }
0x1e: {  	s21 =	rddreg [dreg:$0xa];
	s23 =	simm.s32 $0xC100  }
0x1f: {  	[tilespmem:s23], [sflag:$0x1] =	stream.linear.gather [hbm4b:s21+s3], $0xB00, $0x38;
	[tilespmem:$0x1DA00] =	vst v63  }
0x20: {  	s24 =	rddreg [dreg:$0xb];
	s25 =	simm.s32 $0xCC00;
	s20 =	simm.s32 $0x0  }
0x21: {  	[tilespmem:s25], [sflag:$0x1] =	stream.linear.gather [hbm4b:s24+s3], $0xB00, $0x38;
	[tilespmem:$0x1DA00] =	vst v63  }
.LBB2_2:
0x22: {  	_ =	swait.ge [sflag:s29], $0x5000  }
0x23: {  	[sflag:s29] =	ssyncset.done $0x0  }
0x24: {  	[sflag:s29] =	ssyncadd.s32 $0xFFFFB000  }
0x25: {  	_ =	swait.ge [sflag:s29], $0x5000  }
0x26: {  	[sflag:s29] =	ssyncset.done $0x0  }
0x27: {  	[sflag:s29] =	ssyncadd.s32 $0xFFFFB000  }
0x28: {  	_ =	swait.ge [sflag:s29], $0xB00  }
0x29: {  	[sflag:s29] =	ssyncset.done $0x0  }
0x2a: {  	[sflag:s29] =	ssyncadd.s32 $0xFFFFF500  }
0x2b: {  	_ =	swait.ge [sflag:s29], $0xB00  }
0x2c: {  	[sflag:s29] =	ssyncset.done $0x0  }
0x2d: {  	[sflag:s29] =	ssyncadd.s32 $0xFFFFF500  }
0x2e: {  	_ =	swait.ge [sflag:s29], $0xB00  }
0x2f: {  	[sflag:s29] =	ssyncset.done $0x0  }
0x30: {  	s0 =	sshllo.u32 s20, $0x1;
	[sflag:s29] =	ssyncadd.s32 $0xFFFFF500  }
0x31: {  	s21 =	sor.u32 s9, s0;
	_ =	swait.ge [sflag:s29], $0xB00  }
0x32: {  	s0 =	sshll.u32 s0, $0x5;
	s1 =	sor.u32 $0x200, s21;
	[sflag:s29] =	ssyncset.done $0x0  }
0x33: {  	s0 =	smin.u32 s0, $0x1D8;
	s4 =	sshll.u32 s1, $0xB;
	[sflag:s29] =	ssyncadd.s32 $0xFFFFF500  }
0x34: {  	s0 =	sshll.u32 s0, $0x6;
	s4 =	sand.u32 $0xFFF8000, s4;
	_ =	swait.ge [sflag:s29], $0xB00  }
0x35: {  	s0 =	sor.u32 s0, s4;
	[sflag:s29] =	ssyncset.done $0x0  }
0x36: {  	s4 =	sadd.s32 s26, s0;
	[sflag:s29] =	ssyncadd.s32 $0xFFFFF500  }
0x37: {  	[tilespmem:s30], [sflag:$0x2] =	stream.linear.gather [hbm4b:s4+s3], $0x5000, $0x38;
	[tilespmem:$0x1DA00] =	vst v63  }
0x38: {  	s1 =	smul.u32 $0x160, s1;
	s0 =	sadd.s32 s28, s0  }
0x39: {  	[tilespmem:s31], [sflag:$0x2] =	stream.linear.gather [hbm4b:s0+s3], $0x5000, $0x38;
	[tilespmem:$0x1DA00] =	vst v63  }
0x3a: {  	s16 =	simm.s32 $0x18D00;
	s15 =	sadd.s32 s5, s1  }
0x3b: {  	[tilespmem:s16], [sflag:$0x2] =	stream.linear.gather [hbm4b:s15+s3], $0xB00, $0x38;
	[tilespmem:$0x1DA00] =	vst v63  }
0x3c: {  	s19 =	simm.s32 $0x19800;
	s17 =	sadd.s32 s6, s1  }
0x3d: {  	[tilespmem:s19], [sflag:$0x2] =	stream.linear.gather [hbm4b:s17+s3], $0xB00, $0x38;
	[tilespmem:$0x1DA00] =	vst v63  }
0x3e: {  	s2 =	smov.u32 s26;
	s24 =	simm.s32 $0x1A300;
	s23 =	sadd.s32 s7, s1  }
0x3f: {  	[tilespmem:s24], [sflag:$0x2] =	stream.linear.gather [hbm4b:s23+s3], $0xB00, $0x38;
	[tilespmem:$0x1DA00] =	vst v63  }
0x40: {  	p0 =	seq.s32 s20, $0x0;
	s25 =	sadd.s32 s8, s1;
	s26 =	simm.s32 $0x1AE00  }
0x41: {  	[tilespmem:s26], [sflag:$0x2] =	stream.linear.gather [hbm4b:s25+s3], $0xB00, $0x38;
	[tilespmem:$0x1DA00] =	vst v63  }
0x42: {  	s0 =	simm.s32 @!p0 $0x3;
	s15 =	sadd.s32 s10, s1;
	s16 =	simm.s32 $0x1B900  }
0x43: {  	[tilespmem:s16], [sflag:$0x2] =	stream.linear.gather [hbm4b:s15+s3], $0xB00, $0x38;
	[tilespmem:$0x1DA00] =	vst v63  }
0x44: {  	_ =	swait.ge @!p0 [sflag:s0], $0xB00  }
0x45: {  	[sflag:s0] =	ssyncset.done @!p0 $0x0  }
0x46: {  	[sflag:s0] =	ssyncadd.s32 @!p0 $0xFFFFF500  }
0x47: {  	_ =	swait.ge @!p0 [sflag:s0], $0xB00  }
0x48: {  	[sflag:s0] =	ssyncset.done @!p0 $0x0  }
0x49: {  	s17 =	simm.s32 $0xA020;
	[sflag:s0] =	ssyncadd.s32 @!p0 $0xFFFFF500  }
0x4a: {  	v0 =	vld [tilespmem:s17+$0x10];
	_ =	sdelay $0x4  }
0x4b: {  	v5 =	vld [tilespmem:s17+$0xFFFFFFE0];
	v1 =	vshrl.u32 v0, $0x9;
	v2 =	vand.u32 $0x1FF, v0  }
0x4c: {  	v10 =	vld [tilespmem:s17+$0xFFFFFFF0];
	v3 =	vand.u32 $0xFFFFF000, v0;
	v6 =	vshll.u32 v0, $0x3;
	v2 =	vadd.s32 $0x1, v2  }
0x4d: {  	v13 =	vld [tilespmem:s17+$0x0];
	v4 =	vand.u32 $0x7F, v0;
	v6 =	vand.u32 $0xC00, v6;
	v7 =	vshll.u32 v2, $0x3  }
0x4e: {  	v0 =	vshrl.u32 v0, $0x2;
	v4 =	vor.u32 v4, v6;
	v7 =	vand.u32 $0x1C00, v7  }
0x4f: {  	v0 =	vand.u32 $0x380, v0;
	v6 =	vadd.s32 v3, v7;
	v3 =	vor.u32 v3, v4  }
0x50: {  	v3 =	vor.u32 v0, v3  }
0x51: {  	v9 =	vand.u32 $0x1FF, v10;
	v15 =	vshll.u32 v5, $0x3  }
0x52: {  	v16 =	vshll.u32 v10, $0x3;
	v18 =	vshll.u32 v13, $0x3;
	v20 =	vshrl.u32 v5, $0x9  }
0x53: {  	s19 =	simm.s32 $0xAB20;
	v26 =	vand.u32 $0xFFFFF000, v5;
	v2 =	vand.u32 $0x7F, v2;
	v6 =	vor.u32 v0, v6  }
0x54: {  	v17 =	vld [tilespmem:s19+$0x10];
	v19 =	vand.u32 $0x7F, v5;
	v1 =	vadd.s32 $0x1, v1;
	v14 =	vor.u32 v2, v6  }
0x55: {  	v27 =	vshrl.u32 v5, $0x2;
	v53 =	vand.u32 $0xC00, v15;
	v47 =	vshll.u32 v1, $0x9;
	v11 =	vld.idx.msk [tilespmem:v3+s3+$0x0], $0xffff  }
0x56: {  	v15 =	vand.u32 $0xC00, v16;
	v1 =	vshll.u32 v1, $0x7;
	v0 =	vand.u32 $0xFFFFF000, v47  }
0x57: {  	s23 =	simm.s32 $0xB620;
	v16 =	vand.u32 $0xC00, v18;
	v1 =	vand.u32 $0x380, v1;
	v4 =	vor.u32 v0, v4  }
0x58: {  	v22 =	vld [tilespmem:s23+$0x10];
	v6 =	vand.u32 $0x1FF, v5;
	v0 =	vadd.s32 v7, v0;
	v8 =	vor.u32 v1, v4  }
0x59: {  	v48 =	vadd.s32 $0x1, v6;
	v6 =	vand.u32 $0x1FF, v13;
	v0 =	vor.u32 v1, v0;
	v12 =	vld.idx.msk [tilespmem:v14+s3+$0x0], $0xffff  }
0x5a: {  	v7 =	vadd.s32 $0x1, v6;
	v6 =	vor.u32 v2, v0;
	v18 =	vmul.f32 v11, v17;
	v11 =	vld [tilespmem:s19+$0xFFFFFFE0]  }
0x5b: {  	s24 =	simm.s32 $0xCC20;
	v28 =	vshrl.u32 v10, $0x9;
	v29 =	vand.u32 $0xFFFFF000, v10;
	v30 =	vand.u32 $0x7F, v10  }
0x5c: {  	s15 =	simm.s32 $0xC120;
	v10 =	vshrl.u32 v10, $0x2;
	v49 =	vadd.s32 $0x1, v9;
	v5 =	vld [tilespmem:s24+$0x10];
	v9 =	vshll.u32 v7, $0x3  }
0x5d: {  	v31 =	vshrl.u32 v13, $0x9;
	v32 =	vand.u32 $0xFFFFF000, v13;
	v25 =	vand.u32 $0x1C00, v9;
	v9 =	vld [tilespmem:s15+$0x10]  }
0x5e: {  	v33 =	vand.u32 $0x7F, v13;
	v55 =	vadd.s32 $0x1, v20;
	v52 =	vld.idx.msk [tilespmem:v8+s3+$0x0], $0xffff;
	v12 =	vmul.f32 v12, v22  }
0x5f: {  	v27 =	vand.u32 $0x380, v27;
	v28 =	vadd.s32 $0x1, v28;
	v51 =	vshll.u32 v49, $0x3;
	v21 =	vld.idx.msk [tilespmem:v6+s3+$0x0], $0xffff;
	[tilespmem:$0x1FFF0] =	vst v11  }
0x60: {  	v10 =	vand.u32 $0x380, v10;
	v24 =	vand.u32 $0x1C00, v51;
	v34 =	vadd.f32 v12, v18;
	v12 =	vld [tilespmem:s23+$0xFFFFFFE0]  }
0x61: {  	v54 =	vor.u32 v19, v53;
	v36 =	vadd.s32 v29, v24;
	v50 =	vshll.u32 v48, $0x3;
	v18 =	vld [tilespmem:s19+$0xFFFFFFF0]  }
0x62: {  	v59 =	vand.u32 $0x7F, v49;
	v36 =	vor.u32 v10, v36;
	v23 =	vand.u32 $0x1C00, v50;
	v19 =	vld [tilespmem:s23+$0xFFFFFFF0]  }
0x63: {  	v30 =	vor.u32 v30, v15;
	v36 =	vor.u32 v59, v36;
	v35 =	vadd.s32 v26, v23;
	v20 =	vld [tilespmem:s19+$0x0]  }
0x64: {  	v13 =	vshrl.u32 v13, $0x2;
	v39 =	vand.u32 $0x7F, v48;
	v35 =	vor.u32 v27, v35;
	v15 =	vld [tilespmem:s15+$0xFFFFFFE0]  }
0x65: {  	v13 =	vand.u32 $0x380, v13;
	v37 =	vadd.s32 v32, v25;
	v35 =	vor.u32 v39, v35;
	v56 =	vld [tilespmem:s15+$0xFFFFFFF0]  }
0x66: {  	v42 =	vand.u32 $0x7F, v7;
	v37 =	vor.u32 v13, v37;
	v0 =	vmul.f32 v52, v9;
	v57 =	vld [tilespmem:s15+$0x0]  }
0x67: {  	v31 =	vadd.s32 $0x1, v31;
	v16 =	vor.u32 v33, v16;
	v7 =	vor.u32 v42, v37;
	v60 =	vld [tilespmem:s24+$0xFFFFFFE0]  }
0x68: {  	v41 =	vshll.u32 v28, $0x9;
	v21 =	vmul.f32 v21, v5;
	v0 =	vadd.f32 v0, v34;
	v61 =	vld [tilespmem:s24+$0xFFFFFFF0]  }
0x69: {  	v58 =	vshll.u32 v55, $0x9;
	v62 =	vand.u32 $0xFFFFF000, v41;
	v29 =	vor.u32 v29, v30;
	v48 =	vld [tilespmem:s24+$0x0]  }
0x6a: {  	v30 =	vor.u32 v62, v30;
	v26 =	vor.u32 v26, v54;
	v49 =	vld.idx.msk [tilespmem:v35+s3+$0x0], $0xffff;
	v38 =	vadd.f32 v21, v0  }
0x6b: {  	s25 =	simm.s32 $0xD720;
	v32 =	vor.u32 v32, v16;
	v26 =	vor.u32 v27, v26;
	v27 =	vor.u32 v10, v29;
	v50 =	vld.idx.msk [tilespmem:v36+s3+$0x0], $0xffff  }
0x6c: {  	v29 =	vand.u32 $0xFFFFF000, v58;
	v10 =	vshll.u32 v55, $0x7;
	v63 =	vor.u32 v13, v32;
	v44 =	vld.idx.msk [tilespmem:v7+s3+$0x0], $0xffff;
	[tilespmem:s25+$0x10] =	vst v38  }
0x6d: {  	v13 =	vshll.u32 v28, $0x7;
	v33 =	vand.u32 $0x380, v10;
	v43 =	vld.idx.msk [tilespmem:v14+s22+$0x0], $0xffff;
	v14 =	vshll.u32 v31, $0x9  }
0x6e: {  	v21 =	vld [tilespmem:s23+$0x0];
	v28 =	vand.u32 $0xFFFFF000, v14;
	v14 =	vshll.u32 v31, $0x7;
	v31 =	vor.u32 v29, v54  }
0x6f: {  	v23 =	vadd.s32 v23, v29;
	v40 =	vld.idx.msk [tilespmem:v3+s22+$0x0], $0xffff;
	v10 =	vor.u32 v33, v31;
	v31 =	vand.u32 $0x380, v13  }
0x70: {  	v8 =	vld.idx.msk [tilespmem:v8+s22+$0x0], $0xffff;
	v16 =	vor.u32 v28, v16;
	v45 =	vand.u32 $0x380, v14;
	v13 =	vor.u32 v31, v30  }
0x71: {  	v24 =	vadd.s32 v24, v62;
	v29 =	vld.idx.msk [tilespmem:v26+s3+$0x0], $0xffff;
	v14 =	vor.u32 v45, v16;
	v16 =	vor.u32 v33, v23  }
0x72: {  	v25 =	vadd.s32 v25, v28;
	v28 =	vld.idx.msk [tilespmem:v63+s3+$0x0], $0xffff;
	v24 =	vor.u32 v31, v24;
	v16 =	vor.u32 v39, v16  }
0x73: {  	v23 =	vld.idx.msk [tilespmem:v27+s3+$0x0], $0xffff;
	v25 =	vor.u32 v45, v25;
	v33 =	vor.u32 v59, v24  }
0x74: {  	v31 =	vor.u32 v42, v25;
	v24 =	vld.idx.msk [tilespmem:v10+s3+$0x0], $0xffff  }
0x75: {  	v25 =	vld.idx.msk [tilespmem:v13+s3+$0x0], $0xffff  }
0x76: {  	v30 =	vld.idx.msk [tilespmem:v14+s3+$0x0], $0xffff  }
0x77: {  	v51 =	vld.idx.msk [tilespmem:v16+s3+$0x0], $0xffff  }
0x78: {  	v32 =	vmul.f32 v49, v12;
	v38 =	vld.idx.msk [tilespmem:v33+s3+$0x0], $0xffff  }
0x79: {  	s26 =	simm.s32 $0xA060;
	v34 =	vmul.f32 v50, v19;
	v53 =	vmul.f32 v44, v21;
	v52 =	vld.idx.msk [tilespmem:v31+s3+$0x0], $0xffff;
	[tilespmem:$0x1FFB0] =	vst v56  }
0x7a: {  	v17 =	vmul.f32 v40, v17;
	v22 =	vmul.f32 v43, v22;
	v54 =	vld [tilespmem:s26+$0x10];
	[tilespmem:$0x1FFC0] =	vst v60  }
0x7b: {  	v8 =	vmul.f32 v8, v9;
	v29 =	vmul.f32 v29, v11;
	[tilespmem:$0x1FFD0] =	vst v61  }
0x7c: {  	v28 =	vmul.f32 v28, v20;
	v23 =	vmul.f32 v23, v18;
	[tilespmem:$0x1FFE0] =	vst v48  }
0x7d: {  	v17 =	vadd.f32 v22, v17;
	v29 =	vadd.f32 v32, v29;
	v6 =	vld.idx.msk [tilespmem:v6+s22+$0x0], $0xffff;
	v24 =	vmul.f32 v24, v15  }
0x7e: {  	v28 =	vadd.f32 v53, v28;
	v23 =	vadd.f32 v34, v23;
	v39 =	vld [tilespmem:s26+$0x0];
	v25 =	vmul.f32 v25, v56  }
0x7f: {  	v8 =	vadd.f32 v8, v17;
	v30 =	vmul.f32 v30, v57;
	v24 =	vadd.f32 v24, v29  }
0x80: {  	v29 =	vmul.f32 v38, v61;
	v23 =	vadd.f32 v25, v23;
	v25 =	vmul.f32 v51, v60  }
0x81: {  	v28 =	vadd.f32 v30, v28;
	v30 =	vmul.f32 v52, v48;
	v55 =	vshll.u32 v54, $0x3  }
0x82: {  	s19 =	simm.s32 $0xB660;
	v32 =	vshrl.u32 v54, $0x2;
	v34 =	vand.u32 $0xC00, v55;
	v5 =	vmul.f32 v6, v5  }
0x83: {  	s0 =	simm.s32 $0xC160;
	v1 =	vld [tilespmem:s19+$0x10];
	v62 =	vshll.u32 v39, $0x3;
	v9 =	vadd.f32 v25, v24;
	v22 =	vadd.f32 v29, v23  }
0x84: {  	s17 =	simm.s32 $0xAB60;
	v46 =	vld [tilespmem:s0+$0x10];
	v23 =	vadd.f32 v30, v28;
	v24 =	vshrl.u32 v54, $0x9;
	v25 =	vand.u32 $0x1FF, v54  }
0x85: {  	v2 =	vld [tilespmem:s17+$0xFFFFFFE0];
	v28 =	vand.u32 $0xFFFFF000, v54;
	v29 =	vand.u32 $0x7F, v54;
	v25 =	vadd.s32 $0x1, v25  }
0x86: {  	v43 =	vld [tilespmem:s19+$0xFFFFFFE0];
	v45 =	vand.u32 $0xC00, v62;
	v24 =	vadd.s32 $0x1, v24;
	v56 =	vshll.u32 v25, $0x3  }
0x87: {  	v44 =	vmovc v57;
	v57 =	vld [tilespmem:s26+$0xFFFFFFE0];
	v29 =	vor.u32 v29, v34;
	[tilespmem:s25+$0xFFFFFFE0] =	vst v9;
	v9 =	vand.u32 $0x380, v32;
	v58 =	vand.u32 $0x1C00, v56  }
0x88: {  	s4 =	simm.s32 $0xCC60;
	v25 =	vand.u32 $0x7F, v25;
	v32 =	vld.idx.msk [tilespmem:v26+s22+$0x0], $0xffff;
	v26 =	vor.u32 v28, v29;
	v28 =	vadd.s32 v28, v58  }
0x89: {  	v52 =	vld [tilespmem:s4+$0x10];
	[tilespmem:s25+$0xFFFFFFF0] =	vst v22;
	v22 =	vor.u32 v9, v26;
	v26 =	vshll.u32 v24, $0x9;
	v9 =	vor.u32 v9, v28  }
0x8a: {  	v34 =	vld.idx.msk [tilespmem:v27+s22+$0x0], $0xffff;
	v24 =	vshll.u32 v24, $0x7;
	v27 =	vor.u32 v25, v9;
	v9 =	vand.u32 $0xFFFFF000, v26  }
0x8b: {  	v30 =	vld [tilespmem:s26+$0xFFFFFFF0];
	v40 =	vadd.f32 v5, v8;
	[tilespmem:s25+$0x0] =	vst v23;
	v17 =	vand.u32 $0x380, v24;
	v23 =	vor.u32 v9, v29  }
0x8c: {  	v60 =	vshll.u32 v57, $0x3;
	v38 =	vld.idx.msk [tilespmem:v63+s22+$0x0], $0xffff;
	v6 =	vadd.s32 v58, v9;
	v23 =	vor.u32 v17, v23  }
0x8d: {  	v53 =	vshrl.u32 v57, $0x9;
	v54 =	vand.u32 $0x7F, v57;
	v24 =	vld [tilespmem:s17+$0x10];
	v6 =	vor.u32 v17, v6  }
0x8e: {  	v50 =	vand.u32 $0xC00, v60;
	v53 =	vadd.s32 $0x1, v53;
	v59 =	vld.idx.msk [tilespmem:v22+s3+$0x0], $0xffff;
	v25 =	vor.u32 v25, v6  }
0x8f: {  	v63 =	vshrl.u32 v57, $0x2;
	v56 =	vand.u32 $0xFFFFF000, v39;
	v50 =	vor.u32 v54, v50;
	v17 =	vld.idx.msk [tilespmem:v27+s3+$0x0], $0xffff  }
0x90: {  	v41 =	vld.idx.msk [tilespmem:v10+s22+$0x0], $0xffff;
	v0 =	vand.u32 $0x380, v63;
	v63 =	vshll.u32 v53, $0x9;
	v6 =	vand.u32 $0x1FF, v57  }
0x91: {  	v8 =	vand.u32 $0x1FF, v30;
	v61 =	vshll.u32 v30, $0x3;
	v26 =	vadd.s32 $0x1, v6;
	v29 =	vld.idx.msk [tilespmem:v23+s3+$0x0], $0xffff  }
0x92: {  	v10 =	vld.idx.msk [tilespmem:v14+s22+$0x0], $0xffff;
	v55 =	vshrl.u32 v30, $0x9;
	v14 =	vshrl.u32 v30, $0x2;
	v6 =	vshll.u32 v26, $0x3  }
0x93: {  	v28 =	vadd.s32 $0x1, v8;
	v9 =	vand.u32 $0x1FF, v39;
	v47 =	vand.u32 $0x1C00, v6;
	v6 =	vld.idx.msk [tilespmem:v25+s3+$0x0], $0xffff  }
0x94: {  	v3 =	vld.idx.msk [tilespmem:v7+s22+$0x0], $0xffff;
	v8 =	vshll.u32 v28, $0x3;
	v5 =	vmul.f32 v59, v24;
	v7 =	vmul.f32 v17, v1  }
0x95: {  	v37 =	vld.idx.msk [tilespmem:v35+s22+$0x0], $0xffff;
	v63 =	vand.u32 $0xFFFFF000, v63;
	v35 =	vadd.s32 $0x1, v9;
	v48 =	vand.u32 $0x1C00, v8  }
0x96: {  	v8 =	vld.idx.msk [tilespmem:v16+s22+$0x0], $0xffff;
	v9 =	vshll.u32 v35, $0x3;
	v5 =	vadd.f32 v7, v5;
	v7 =	vmul.f32 v29, v46  }
0x97: {  	v16 =	vshrl.u32 v39, $0x9;
	v49 =	vand.u32 $0x1C00, v9;
	v9 =	vld.idx.msk [tilespmem:v13+s22+$0x0], $0xffff;
	v13 =	vand.u32 $0x7F, v30  }
0x98: {  	v4 =	vld [tilespmem:s17+$0xFFFFFFF0];
	v29 =	vand.u32 $0xFFFFF000, v30;
	v30 =	vmul.f32 v6, v52;
	v7 =	vadd.f32 v7, v5  }
0x99: {  	v36 =	vld.idx.msk [tilespmem:v36+s22+$0x0], $0xffff;
	v51 =	vand.u32 $0xC00, v61;
	v60 =	vadd.s32 $0x1, v16;
	v42 =	vadd.s32 v56, v49  }
0x9a: {  	v51 =	vor.u32 v13, v51;
	v13 =	vld [tilespmem:s19+$0xFFFFFFF0];
	v17 =	vand.u32 $0xFFFFF000, v57;
	v30 =	vadd.f32 v30, v7  }
0x9b: {  	s23 =	simm.s32 $0xD760;
	v58 =	vadd.s32 v17, v47;
	v17 =	vor.u32 v17, v50;
	v5 =	vand.u32 $0x380, v14;
	v14 =	vld [tilespmem:s17+$0x0]  }
0x9c: {  	v62 =	vand.u32 $0x7F, v26;
	v57 =	vand.u32 $0x7F, v39;
	[tilespmem:s23+$0x10] =	vst v30;
	v30 =	vor.u32 v0, v17;
	v17 =	vld [tilespmem:s0+$0xFFFFFFE0]  }
0x9d: {  	v39 =	vshrl.u32 v39, $0x2;
	v45 =	vor.u32 v57, v45;
	v59 =	vadd.s32 v29, v48;
	v16 =	vld.idx.msk [tilespmem:v22+s22+$0x0], $0xffff  }
0x9e: {  	v39 =	vand.u32 $0x380, v39;
	v58 =	vor.u32 v0, v58;
	v59 =	vor.u32 v5, v59;
	v61 =	vld.idx.msk [tilespmem:v27+s22+$0x0], $0xffff  }
0x9f: {  	v0 =	vand.u32 $0x7F, v28;
	v27 =	vor.u32 v29, v51;
	v11 =	vld.idx.msk [tilespmem:v23+s22+$0x0], $0xffff;
	v29 =	vor.u32 v62, v58  }
0xa0: {  	v57 =	vand.u32 $0x7F, v35;
	v54 =	vor.u32 v39, v42;
	v22 =	vld [tilespmem:s19+$0x0];
	v26 =	vor.u32 v0, v59  }
0xa1: {  	v55 =	vadd.s32 $0x1, v55;
	v23 =	vor.u32 v56, v45;
	v58 =	vld.idx.msk [tilespmem:v25+s22+$0x0], $0xffff;
	v25 =	vor.u32 v57, v54  }
0xa2: {  	v36 =	vmul.f32 v36, v19;
	v42 =	vshll.u32 v55, $0x9;
	v28 =	vor.u32 v39, v23;
	v23 =	vld [tilespmem:s0+$0x0]  }
0xa3: {  	v50 =	vor.u32 v63, v50;
	v54 =	vand.u32 $0xFFFFF000, v42;
	v24 =	vmul.f32 v16, v24;
	v16 =	vld [tilespmem:s0+$0xFFFFFFF0]  }
0xa4: {  	v27 =	vor.u32 v5, v27;
	v5 =	vshll.u32 v53, $0x7;
	v61 =	vmul.f32 v61, v1;
	v53 =	vld.idx.msk [tilespmem:v29+s3+$0x0], $0xffff  }
0xa5: {  	v42 =	vshll.u32 v55, $0x7;
	v51 =	vor.u32 v54, v51;
	v48 =	vadd.s32 v48, v54;
	v56 =	vld.idx.msk [tilespmem:v26+s3+$0x0], $0xffff  }
0xa6: {  	v11 =	vmul.f32 v11, v46;
	v1 =	vadd.s32 v47, v63;
	v47 =	vld.idx.msk [tilespmem:v25+s3+$0x0], $0xffff;
	v35 =	vadd.f32 v61, v24  }
0xa7: {  	v55 =	vand.u32 $0x380, v5;
	v5 =	vshll.u32 v60, $0x7;
	v24 =	vld [tilespmem:s4+$0xFFFFFFE0];
	v61 =	vshll.u32 v60, $0x9  }
0xa8: {  	v60 =	vld [tilespmem:$0x1FFF0];
	v11 =	vadd.f32 v11, v35;
	v35 =	vor.u32 v55, v50;
	v50 =	vand.u32 $0x380, v42  }
0xa9: {  	v59 =	vmul.f32 v58, v52;
	v63 =	vand.u32 $0xFFFFF000, v61;
	v42 =	vld.idx.msk [tilespmem:v30+s3+$0x0], $0xffff;
	v39 =	vor.u32 v50, v51  }
0xaa: {  	v52 =	vand.u32 $0x380, v5;
	v1 =	vor.u32 v55, v1;
	v45 =	vor.u32 v63, v45;
	v55 =	vld.idx.msk [tilespmem:v27+s3+$0x0], $0xffff  }
0xab: {  	v46 =	vor.u32 v62, v1;
	v49 =	vadd.s32 v49, v63;
	v45 =	vor.u32 v52, v45;
	v51 =	vld.idx.msk [tilespmem:v28+s3+$0x0], $0xffff  }
0xac: {  	s25 =	simm.s32 $0xE220;
	v49 =	vor.u32 v52, v49;
	v62 =	vmul.f32 v53, v43;
	v52 =	vmul.f32 v37, v12;
	v37 =	vld [tilespmem:s4+$0x0]  }
0xad: {  	[tilespmem:s25+$0x10] =	vst v40;
	v63 =	vmul.f32 v56, v13;
	v5 =	vmul.f32 v47, v22;
	v61 =	vld.idx.msk [tilespmem:v35+s3+$0x0], $0xffff  }
0xae: {  	v58 =	vadd.f32 v59, v11;
	v11 =	vor.u32 v50, v48;
	v59 =	vmul.f32 v34, v18;
	v53 =	vld.idx.msk [tilespmem:v39+s3+$0x0], $0xffff  }
0xaf: {  	s15 =	simm.s32 $0xE260;
	v47 =	vld.idx.msk [tilespmem:v33+s22+$0x0], $0xffff;
	v1 =	vmul.f32 v32, v60;
	v12 =	vor.u32 v0, v11;
	v54 =	vmul.f32 v42, v2  }
0xb0: {  	v56 =	vmov v2;
	v11 =	vor.u32 v57, v49;
	[tilespmem:s15+$0x10] =	vst v58;
	v42 =	vmul.f32 v55, v4;
	v60 =	vld.idx.msk [tilespmem:v45+s3+$0x0], $0xffff  }
0xb1: {  	v32 =	vld [tilespmem:s4+$0xFFFFFFF0];
	v55 =	vmovc v4;
	v19 =	vadd.f32 v52, v1;
	v18 =	vmul.f32 v51, v14;
	v57 =	vadd.f32 v62, v54  }
0xb2: {  	v51 =	vld.idx.msk [tilespmem:v31+s22+$0x0], $0xffff;
	v0 =	vadd.f32 v63, v42;
	v62 =	vmul.f32 v38, v20;
	v63 =	vmul.f32 v3, v21  }
0xb3: {  	v21 =	vld.idx.msk [tilespmem:v46+s3+$0x0], $0xffff;
	v20 =	vadd.f32 v36, v59;
	v61 =	vmul.f32 v61, v17;
	v31 =	vmul.f32 v53, v16  }
0xb4: {  	s11 =	smov.u32 s28;
	s28 =	simm.s32 $0xE260;
	s24 =	sshll.u32 s20, $0x1;
	v38 =	vmul.f32 v41, v15;
	v18 =	vadd.f32 v5, v18;
	v33 =	vld.idx.msk [tilespmem:v12+s3+$0x0], $0xffff;
	v15 =	vadd.f32 v63, v62  }
0xb5: {  	s1 =	simm.s32 $0xA0A0;
	s16 =	simm.s32 $0x4;
	s26 =	sor.u32 s9, s24;
	v41 =	vmul.f32 v60, v23;
	v34 =	vadd.f32 v61, v57;
	v36 =	vadd.f32 v31, v0;
	v31 =	vld.idx.msk [tilespmem:v11+s3+$0x0], $0xffff  }
.LBB2_3:
0xb6: {  	v40 =	vld [tilespmem:s1+$0x10]  }
0xb7: {  	v0 =	vld [tilespmem:$0x1FFB0]  }
0xb8: {  	v5 =	vmov v14;
	v14 =	vld [tilespmem:s1+$0x0]  }
0xb9: {  	v53 =	vld [tilespmem:$0x1FFC0]  }
0xba: {  	v57 =	vld [tilespmem:$0x1FFD0]  }
0xbb: {  	v1 =	vmov v22;
	v22 =	vld [tilespmem:s1+$0xFFFFFFE0]  }
0xbc: {  	v50 =	vmov v13;
	v21 =	vmul.f32 v21, v24;
	v4 =	vmul.f32 v10, v44  }
0xbd: {  	v13 =	vld [tilespmem:s1+$0xFFFFFFF0];
	v54 =	vmovc v17;
	v41 =	vadd.f32 v41, v18;
	v52 =	vmul.f32 v31, v37;
	v2 =	vmul.f32 v9, v0  }
0xbe: {  	v42 =	vadd.f32 v38, v19;
	[tilespmem:$0x1FF70] =	vst v5;
	v9 =	vmul.f32 v33, v32;
	v6 =	vmul.f32 v8, v53  }
0xbf: {  	v58 =	vld [tilespmem:$0x1FFE0];
	v60 =	vmovc v16;
	[tilespmem:$0x1FFA0] =	vst v54;
	v62 =	vmovc v32;
	v38 =	vmul.f32 v47, v57;
	v16 =	vand.u32 $0xFFFFF000, v40;
	v17 =	vand.u32 $0x7F, v40  }
0xc0: {  	v3 =	vmovc v23;
	[tilespmem:$0x1FFD0] =	vst v62;
	v61 =	vmovc v24;
	v23 =	vshrl.u32 v40, $0x2;
	v5 =	vshll.u32 v22, $0x3;
	v48 =	vshll.u32 v14, $0x3  }
0xc1: {  	v63 =	vmovc v37;
	[tilespmem:$0x1FFC0] =	vst v61;
	v47 =	vshrl.u32 v22, $0x9;
	v54 =	vand.u32 $0xFFFFF000, v22;
	v57 =	vshrl.u32 v22, $0x2  }
0xc2: {  	s4 =	sadd.s32 $0x40, s4;
	[tilespmem:$0x1FFE0] =	vst v63;
	v61 =	vshrl.u32 v13, $0x2;
	v62 =	vshrl.u32 v14, $0x9;
	v63 =	vand.u32 $0xFFFFF000, v14  }
0xc3: {  	s0 =	sadd.s32 $0x40, s0;
	[tilespmem:$0x1FFB0] =	vst v60;
	v60 =	vld [tilespmem:s4+$0x10];
	v44 =	vand.u32 $0x7F, v14;
	v10 =	vadd.f32 v21, v34;
	v21 =	vadd.f32 v4, v15  }
0xc4: {  	s19 =	sadd.s32 $0x40, s19;
	v53 =	vld [tilespmem:s0+$0x10];
	v8 =	vadd.f32 v52, v41;
	v34 =	vmul.f32 v51, v58;
	v23 =	vand.u32 $0x380, v23  }
0xc5: {  	v52 =	vld [tilespmem:s19+$0x10];
	v2 =	vadd.f32 v2, v20;
	v7 =	vadd.f32 v9, v36;
	[tilespmem:s23+$0xFFFFFFE0] =	vst v10;
	v10 =	vand.u32 $0x1FF, v40  }
0xc6: {  	v9 =	vshrl.u32 v40, $0x9;
	[tilespmem:s23+$0x0] =	vst v8;
	v33 =	vld.idx.msk [tilespmem:v30+s22+$0x0], $0xffff;
	v8 =	vadd.s32 $0x1, v10;
	v10 =	vshll.u32 v40, $0x3  }
0xc7: {  	v59 =	vadd.f32 v6, v42;
	v36 =	vld.idx.msk [tilespmem:v29+s22+$0x0], $0xffff;
	v10 =	vand.u32 $0xC00, v10;
	v24 =	vshll.u32 v8, $0x3  }
0xc8: {  	v9 =	vadd.s32 $0x1, v9;
	[tilespmem:s23+$0xFFFFFFF0] =	vst v7;
	v19 =	vld.idx.msk [tilespmem:v28+s22+$0x0], $0xffff;
	v10 =	vor.u32 v17, v10;
	v17 =	vand.u32 $0x1C00, v24  }
0xc9: {  	v31 =	vld.idx.msk [tilespmem:v26+s22+$0x0], $0xffff;
	v26 =	vand.u32 $0x7F, v8;
	v24 =	vor.u32 v16, v10;
	v8 =	vadd.s32 v16, v17  }
0xca: {  	v20 =	vld.idx.msk [tilespmem:v25+s22+$0x0], $0xffff;
	v16 =	vshll.u32 v9, $0x9;
	v24 =	vor.u32 v23, v24;
	v8 =	vor.u32 v23, v8  }
0xcb: {  	[tilespmem:s25+$0xFFFFFFE0] =	vst v59;
	v41 =	vld.idx.msk [tilespmem:v27+s22+$0x0], $0xffff;
	v25 =	vor.u32 v26, v8;
	v8 =	vand.u32 $0xFFFFF000, v16;
	v16 =	vshll.u32 v9, $0x7  }
0xcc: {  	v58 =	vshrl.u32 v13, $0x9;
	v40 =	vld.idx.msk [tilespmem:v35+s22+$0x0], $0xffff;
	v16 =	vand.u32 $0x380, v16;
	v27 =	vor.u32 v8, v10  }
0xcd: {  	s17 =	sadd.s32 $0x40, s17;
	v42 =	vshll.u32 v13, $0x3;
	v18 =	vld.idx.msk [tilespmem:v39+s22+$0x0], $0xffff;
	v17 =	vadd.s32 v17, v8;
	v27 =	vor.u32 v16, v27  }
0xce: {  	v28 =	vand.u32 $0x1FF, v13;
	v59 =	vand.u32 $0xFFFFF000, v13;
	v35 =	vld [tilespmem:s17+$0x10];
	v16 =	vor.u32 v16, v17  }
0xcf: {  	[tilespmem:$0x1FF50] =	vst v2;
	v2 =	vshrl.u32 v14, $0x2;
	v23 =	vand.u32 $0x1FF, v22;
	v37 =	vor.u32 v26, v16;
	v17 =	vld.idx.msk [tilespmem:v24+s3+$0x0], $0xffff  }
0xd0: {  	v28 =	vadd.s32 $0x1, v28;
	v39 =	vand.u32 $0xC00, v48;
	v29 =	vadd.s32 $0x1, v23;
	v4 =	vld.idx.msk [tilespmem:v25+s3+$0x0], $0xffff  }
0xd1: {  	v15 =	vld.idx.msk [tilespmem:v45+s22+$0x0], $0xffff;
	v2 =	vand.u32 $0x380, v2;
	v0 =	vor.u32 v44, v39;
	v16 =	vshll.u32 v29, $0x3  }
0xd2: {  	v39 =	vadd.s32 $0x1, v47;
	v23 =	vand.u32 $0x1FF, v14;
	v51 =	vand.u32 $0x1C00, v16;
	v16 =	vld.idx.msk [tilespmem:v27+s3+$0x0], $0xffff  }
0xd3: {  	[tilespmem:$0x1FF60] =	vst v50;
	v50 =	vld [tilespmem:s17+$0xFFFFFFE0];
	v47 =	vand.u32 $0x380, v57;
	v30 =	vadd.s32 $0x1, v23;
	v23 =	vshll.u32 v28, $0x3  }
0xd4: {  	v57 =	vand.u32 $0x380, v61;
	v44 =	vand.u32 $0x7F, v28;
	v45 =	vand.u32 $0x1C00, v23;
	v8 =	vmovc v56;
	v56 =	vld.idx.msk [tilespmem:v37+s3+$0x0], $0xffff  }
0xd5: {  	v49 =	vld [tilespmem:s19+$0xFFFFFFE0];
	v23 =	vand.u32 $0xC00, v5;
	v17 =	vmul.f32 v17, v35;
	v32 =	vmul.f32 v4, v52  }
0xd6: {  	v48 =	vld [tilespmem:s17+$0xFFFFFFF0];
	v5 =	vshll.u32 v39, $0x9;
	v6 =	vand.u32 $0x7F, v30;
	v39 =	vshll.u32 v39, $0x7  }
0xd7: {  	v14 =	vld [tilespmem:s17+$0x0];
	v26 =	vshll.u32 v30, $0x3;
	v17 =	vadd.f32 v32, v17;
	v16 =	vmul.f32 v16, v53  }
0xd8: {  	v10 =	vld.idx.msk [tilespmem:v46+s22+$0x0], $0xffff;
	v46 =	vand.u32 $0x1C00, v26;
	v26 =	vand.u32 $0xC00, v42;
	v42 =	vmovc v55;
	v55 =	vand.u32 $0x7F, v22  }
0xd9: {  	v22 =	vand.u32 $0x7F, v13;
	v13 =	vld [tilespmem:s19+$0xFFFFFFF0];
	v56 =	vmul.f32 v56, v60;
	v16 =	vadd.f32 v16, v17  }
0xda: {  	[tilespmem:$0x1FF90] =	vst v1;
	v1 =	vadd.s32 v59, v45;
	v55 =	vor.u32 v55, v23;
	v23 =	vld [tilespmem:s0+$0x0];
	v4 =	vor.u32 v22, v26  }
0xdb: {  	[tilespmem:$0x1FF80] =	vst v3;
	v22 =	vld [tilespmem:s19+$0x0];
	v32 =	vadd.s32 v54, v51;
	v54 =	vor.u32 v54, v55;
	v26 =	vadd.f32 v56, v16  }
0xdc: {  	s23 =	sadd.s32 $0x40, s23;
	v3 =	vadd.s32 v63, v46;
	v32 =	vor.u32 v47, v32;
	v30 =	vor.u32 v47, v54;
	v47 =	vld.idx.msk [tilespmem:v12+s22+$0x0], $0xffff  }
0xdd: {  	v1 =	vor.u32 v57, v1;
	v63 =	vor.u32 v63, v0;
	v3 =	vor.u32 v2, v3;
	v17 =	vld [tilespmem:s0+$0xFFFFFFE0];
	[tilespmem:s23+$0x10] =	vst v26  }
0xde: {  	v56 =	vadd.s32 $0x1, v58;
	v58 =	vadd.s32 $0x1, v62;
	v62 =	vand.u32 $0x7F, v29;
	v61 =	vld.idx.msk [tilespmem:v24+s22+$0x0], $0xffff  }
0xdf: {  	v9 =	vmovc v43;
	v59 =	vor.u32 v59, v4;
	v28 =	vshll.u32 v56, $0x9;
	v29 =	vor.u32 v62, v32;
	v43 =	vld.idx.msk [tilespmem:v25+s22+$0x0], $0xffff  }
0xe0: {  	v26 =	vor.u32 v44, v1;
	v1 =	vshll.u32 v58, $0x9;
	v7 =	vld.idx.msk [tilespmem:v27+s22+$0x0], $0xffff;
	v27 =	vor.u32 v57, v59  }
0xe1: {  	v16 =	vld [tilespmem:s0+$0xFFFFFFF0];
	v25 =	vor.u32 v6, v3;
	v3 =	vand.u32 $0xFFFFF000, v5;
	v5 =	vand.u32 $0xFFFFF000, v28  }
0xe2: {  	v32 =	vld [tilespmem:s4+$0xFFFFFFF0];
	v28 =	vor.u32 v2, v63;
	v1 =	vand.u32 $0xFFFFF000, v1;
	v63 =	vshll.u32 v58, $0x7  }
0xe3: {  	v2 =	vld.idx.msk [tilespmem:v37+s22+$0x0], $0xffff;
	v12 =	vor.u32 v3, v55;
	v55 =	vand.u32 $0x380, v39;
	v3 =	vadd.s32 v51, v3  }
0xe4: {  	v0 =	vor.u32 v1, v0;
	v1 =	vadd.s32 v46, v1;
	v51 =	vld.idx.msk [tilespmem:v11+s22+$0x0], $0xffff;
	v58 =	vor.u32 v55, v3  }
0xe5: {  	v46 =	vor.u32 v62, v58;
	v62 =	vld [tilespmem:$0x1FF50];
	v35 =	vmul.f32 v61, v35;
	v43 =	vmul.f32 v43, v52  }
0xe6: {  	v54 =	vshll.u32 v56, $0x7;
	v57 =	vld.idx.msk [tilespmem:v26+s3+$0x0], $0xffff  }
0xe7: {  	v52 =	vld.idx.msk [tilespmem:v29+s3+$0x0], $0xffff;
	v7 =	vmul.f32 v7, v53;
	v61 =	vand.u32 $0x380, v63;
	v43 =	vadd.f32 v43, v35  }
0xe8: {  	v4 =	vor.u32 v5, v4;
	v5 =	vadd.s32 v45, v5;
	v53 =	vld.idx.msk [tilespmem:v25+s3+$0x0], $0xffff;
	v45 =	vor.u32 v61, v0  }
0xe9: {  	v35 =	vor.u32 v55, v12;
	v12 =	vand.u32 $0x380, v54;
	v43 =	vadd.f32 v7, v43;
	v7 =	vld.idx.msk [tilespmem:v27+s3+$0x0], $0xffff  }
0xea: {  	v63 =	vld.idx.msk [tilespmem:v30+s3+$0x0], $0xffff;
	v39 =	vor.u32 v12, v4  }
0xeb: {  	v2 =	vmul.f32 v2, v60;
	v3 =	vld.idx.msk [tilespmem:v28+s3+$0x0], $0xffff  }
0xec: {  	v59 =	vor.u32 v12, v5;
	v5 =	vadd.f32 v38, v62;
	v62 =	vld [tilespmem:$0x1FF90]  }
0xed: {  	v60 =	vmul.f32 v52, v49;
	v2 =	vadd.f32 v2, v43;
	v52 =	vld.idx.msk [tilespmem:v45+s3+$0x0], $0xffff  }
0xee: {  	s15 =	sadd.s32 $0x40, s15;
	v1 =	vor.u32 v61, v1;
	v61 =	vmul.f32 v57, v13;
	v4 =	vld.idx.msk [tilespmem:v35+s3+$0x0], $0xffff;
	v7 =	vmul.f32 v7, v48  }
0xef: {  	[tilespmem:s15+$0x10] =	vst v2;
	v2 =	vld.idx.msk [tilespmem:v39+s3+$0x0], $0xffff  }
0xf0: {  	v11 =	vor.u32 v6, v1;
	v6 =	vmul.f32 v63, v50;
	v1 =	vadd.f32 v61, v7;
	v7 =	vld [tilespmem:$0x1FF60]  }
0xf1: {  	v34 =	vadd.f32 v34, v21;
	v63 =	vmul.f32 v53, v22;
	v3 =	vmul.f32 v3, v14;
	v61 =	vld [tilespmem:$0x1FF70]  }
0xf2: {  	s16 =	sadd.s32 $0x4, s16;
	v24 =	vld [tilespmem:s4+$0xFFFFFFE0];
	v12 =	vor.u32 v44, v59;
	v53 =	vmul.f32 v33, v8;
	v0 =	vadd.f32 v60, v6  }
0xf3: {  	p0 =	slt.u32 s16, $0xAC;
	v60 =	vmul.f32 v36, v9;
	v9 =	vmovc v18;
	v6 =	vmul.f32 v41, v42;
	v18 =	vadd.f32 v63, v3;
	v63 =	vld [tilespmem:$0x1FFA0]  }
.Ltmp0:
0xf4: {  	v37 =	vld [tilespmem:s4+$0x0];
	v56 =	vmov v50;
	[tilespmem:s25+$0xFFFFFFF0] =	vst v5;
	v5 =	vmul.f32 v20, v62;
	v2 =	vmul.f32 v2, v16;
	(pc) =	sbr.rel @p0 .LBB2_3-.Ltmp0, $4  }
0xf5: {  	v55 =	vmovc v48;
	v21 =	vld.idx.msk [tilespmem:v46+s3+$0x0], $0xffff;
	v8 =	vmov v10;
	v41 =	vmul.f32 v52, v23;
	v4 =	vmul.f32 v4, v17  }
0xf6: {  	v44 =	vld [tilespmem:$0x1FF80];
	v10 =	vmovc v15;
	v36 =	vadd.f32 v2, v1;
	v7 =	vmul.f32 v31, v7;
	v3 =	vmul.f32 v19, v61  }
0xf7: {  	v43 =	vmov v49;
	v31 =	vld.idx.msk [tilespmem:v11+s3+$0x0], $0xffff;
	v19 =	vadd.f32 v60, v53;
	[tilespmem:s25+$0x0] =	vst v34;
	v34 =	vadd.f32 v4, v0  }
0xf8: {  	s1 =	sadd.s32 $0x40, s1;
	v33 =	vld.idx.msk [tilespmem:v12+s3+$0x0], $0xffff;
	v38 =	vmul.f32 v40, v63;
	s25 =	smov.u32 s28;
	s28 =	smov.u32 s15;
	v20 =	vadd.f32 v7, v6;
	v15 =	vadd.f32 v5, v3  }
0xf9: {  	_ = 	snop  }
0xfa: {  	v0 =	vmul.f32 v21, v24;
	_ =	sdelay $0x1  }
0xfb: {  	v2 =	vadd.f32 v41, v18;
	v0 =	vadd.f32 v0, v34;
	v3 =	vmul.f32 v31, v37  }
0xfc: {  	v1 =	vmul.f32 v33, v32  }
0xfd: {  	[tilespmem:s23+$0xFFFFFFE0] =	vst v0;
	v2 =	vadd.f32 v3, v2  }
0xfe: {  	v1 =	vadd.f32 v1, v36;
	v0 =	vld.idx.msk [tilespmem:v30+s22+$0x0], $0xffff  }
0xff: {  	v63 =	vld.idx.msk [tilespmem:v29+s22+$0x0], $0xffff;
	[tilespmem:s23+$0x0] =	vst v2  }
0x100: {  	v7 =	vld.idx.msk [tilespmem:v35+s22+$0x0], $0xffff;
	[tilespmem:s23+$0xFFFFFFF0] =	vst v1  }
0x101: {  	v6 =	vld [tilespmem:$0x1FFB0]  }
0x102: {  	v4 =	vld.idx.msk [tilespmem:v28+s22+$0x0], $0xffff  }
0x103: {  	v5 =	vld.idx.msk [tilespmem:v25+s22+$0x0], $0xffff  }
0x104: {  	v25 =	vld.idx.msk [tilespmem:v45+s22+$0x0], $0xffff  }
0x105: {  	v33 =	vld.idx.msk [tilespmem:v27+s22+$0x0], $0xffff  }
0x106: {  	v6 =	vmul.f32 v9, v6;
	v9 =	vmul.f32 v10, v44;
	v10 =	vld [tilespmem:$0x1FFC0]  }
0x107: {  	v34 =	vld.idx.msk [tilespmem:v26+s22+$0x0], $0xffff  }
0x108: {  	v18 =	vadd.f32 v38, v19;
	v19 =	vld [tilespmem:$0x1FFD0]  }
0x109: {  	v21 =	vld [tilespmem:$0x1FFE0];
	v0 =	vmul.f32 v0, v56;
	v1 =	vmul.f32 v63, v43  }
0x10a: {  	v11 =	vld.idx.msk [tilespmem:v11+s22+$0x0], $0xffff;
	v4 =	vmul.f32 v4, v14  }
0x10b: {  	v5 =	vmul.f32 v5, v22;
	v0 =	vadd.f32 v1, v0;
	v8 =	vmul.f32 v8, v10;
	v10 =	vld.idx.msk [tilespmem:v39+s22+$0x0], $0xffff  }
0x10c: {  	v3 =	vmul.f32 v33, v55;
	v2 =	vmul.f32 v34, v13;
	v6 =	vadd.f32 v6, v20;
	v20 =	vld.idx.msk [tilespmem:v46+s22+$0x0], $0xffff  }
0x10d: {  	v12 =	vld.idx.msk [tilespmem:v12+s22+$0x0], $0xffff;
	v38 =	vmul.f32 v25, v23;
	v19 =	vmul.f32 v47, v19;
	v36 =	vadd.f32 v5, v4  }
0x10e: {  	v21 =	vmul.f32 v51, v21;
	v9 =	vadd.f32 v9, v15;
	v2 =	vadd.f32 v2, v3  }
0x10f: {  	v35 =	vmul.f32 v7, v17;
	v1 =	vadd.f32 v38, v36;
	v6 =	vadd.f32 v19, v6  }
0x110: {  	v7 =	vadd.f32 v21, v9;
	v39 =	vmul.f32 v11, v37;
	v4 =	vmul.f32 v10, v16  }
0x111: {  	v0 =	vadd.f32 v35, v0;
	[tilespmem:s25+$0xFFFFFFF0] =	vst v6;
	v8 =	vadd.f32 v8, v18;
	v5 =	vmul.f32 v20, v24  }
0x112: {  	[tilespmem:s25+$0x0] =	vst v7;
	v40 =	vadd.f32 v39, v1;
	v2 =	vadd.f32 v4, v2;
	v4 =	vmul.f32 v12, v32  }
0x113: {  	[tilespmem:s25+$0xFFFFFFE0] =	vst v8;
	v0 =	vadd.f32 v5, v0  }
0x114: {  	s0 =	smul.u32 $0x160, s26;
	[tilespmem:s28+$0x0] =	vst v40;
	v2 =	vadd.f32 v4, v2  }
0x115: {  	[tilespmem:s28+$0xFFFFFFE0] =	vst v0  }
0x116: {  	s4 =	simm.s32 $0xD700;
	s1 =	sadd.s32 s12, s0;
	[tilespmem:s28+$0xFFFFFFF0] =	vst v2  }
0x117: {  	[hbm4b:s1+s3] =	stream.linear.scatter [tilespmem:s4], [sflag:$0x3], $0xB00, $0x38;
	[tilespmem:$0x1DA00] =	vst v63  }
0x118: {  	s0 =	sadd.s32 s13, s0;
	s4 =	simm.s32 $0xE200  }
0x119: {  	[hbm4b:s0+s3] =	stream.linear.scatter [tilespmem:s4], [sflag:$0x3], $0xB00, $0x38;
	[tilespmem:$0x1DA00] =	vst v63  }
0x11a: {  	_ =	swait.ge [sflag:s14], $0x5000  }
0x11b: {  	[sflag:s14] =	ssyncset.done $0x0  }
0x11c: {  	[sflag:s14] =	ssyncadd.s32 $0xFFFFB000  }
0x11d: {  	_ =	swait.ge [sflag:s14], $0x5000  }
0x11e: {  	[sflag:s14] =	ssyncset.done $0x0  }
0x11f: {  	[sflag:s14] =	ssyncadd.s32 $0xFFFFB000  }
0x120: {  	_ =	swait.ge [sflag:s14], $0xB00  }
0x121: {  	[sflag:s14] =	ssyncset.done $0x0  }
0x122: {  	[sflag:s14] =	ssyncadd.s32 $0xFFFFF500  }
0x123: {  	_ =	swait.ge [sflag:s14], $0xB00  }
0x124: {  	[sflag:s14] =	ssyncset.done $0x0  }
0x125: {  	[sflag:s14] =	ssyncadd.s32 $0xFFFFF500  }
0x126: {  	_ =	swait.ge [sflag:s14], $0xB00  }
0x127: {  	[sflag:s14] =	ssyncset.done $0x0  }
0x128: {  	[sflag:s14] =	ssyncadd.s32 $0xFFFFF500  }
0x129: {  	p0 =	seq.s32 s20, $0x7;
	_ =	swait.ge [sflag:s14], $0xB00  }
0x12a: {  	s0 =	sadd.s32 @!p0 $0x2, s24;
	s1 =	rddreg [dreg:$0x4]  }
0x12b: {  	[sflag:s14] =	ssyncset.done $0x0;
	s1 =	sadd.s32 @!p0 s0, s1  }
0x12c: {  	[sflag:s14] =	ssyncadd.s32 $0xFFFFF500;
	s0 =	sshll.u32 @!p0 s0, $0xB;
	s4 =	sshll.u32 @!p0 s1, $0xB  }
0x12d: {  	_ =	swait.ge [sflag:s14], $0xB00;
	s0 =	sand.u32 @!p0 $0x7000, s0;
	s4 =	sand.u32 @!p0 $0xFFF8000, s4  }
0x12e: {  	[sflag:s14] =	ssyncset.done $0x0;
	s0 =	sor.u32 @!p0 s0, s4  }
0x12f: {  	s15 =	simm.s32 @!p0 $0x0;
	[sflag:s14] =	ssyncadd.s32 $0xFFFFF500;
	s4 =	sadd.s32 @!p0 s2, s0  }
0x130: {  	[tilespmem:s15], [sflag:$0x1] =	stream.linear.gather @!p0 [hbm4b:s4+s15], $0x5000, $0x38;
	[tilespmem:$0x1DA00] =	vst v63  }
0x131: {  	s1 =	smul.u32 @!p0 $0x160, s1;
	s0 =	sadd.s32 @!p0 s11, s0;
	s4 =	simm.s32 @!p0 $0x5000  }
0x132: {  	[tilespmem:s4], [sflag:$0x1] =	stream.linear.gather @!p0 [hbm4b:s0+s15], $0x5000, $0x38;
	[tilespmem:$0x1DA00] =	vst v63  }
0x133: {  	s0 =	sadd.s32 @!p0 s5, s1;
	s4 =	simm.s32 @!p0 $0xA000  }
0x134: {  	[tilespmem:s4], [sflag:$0x1] =	stream.linear.gather @!p0 [hbm4b:s0+s15], $0xB00, $0x38;
	[tilespmem:$0x1DA00] =	vst v63  }
0x135: {  	s0 =	sadd.s32 @!p0 s6, s1;
	s4 =	simm.s32 @!p0 $0xAB00  }
0x136: {  	[tilespmem:s4], [sflag:$0x1] =	stream.linear.gather @!p0 [hbm4b:s0+s15], $0xB00, $0x38;
	[tilespmem:$0x1DA00] =	vst v63  }
0x137: {  	s0 =	sadd.s32 @!p0 s7, s1;
	s4 =	simm.s32 @!p0 $0xB600  }
0x138: {  	[tilespmem:s4], [sflag:$0x1] =	stream.linear.gather @!p0 [hbm4b:s0+s15], $0xB00, $0x38;
	[tilespmem:$0x1DA00] =	vst v63  }
0x139: {  	s0 =	sadd.s32 @!p0 s8, s1;
	s4 =	simm.s32 @!p0 $0xC100  }
0x13a: {  	[tilespmem:s4], [sflag:$0x1] =	stream.linear.gather @!p0 [hbm4b:s0+s15], $0xB00, $0x38;
	[tilespmem:$0x1DA00] =	vst v63  }
0x13b: {  	p1 =	seq.s32 @!p0 s20, $0x0;
	s0 =	sadd.s32 @!p0 s10, s1;
	s1 =	simm.s32 @!p0 $0xCC00  }
0x13c: {  	[tilespmem:s1], [sflag:$0x1] =	stream.linear.gather @!p0 [hbm4b:s0+s15], $0xB00, $0x38;
	[tilespmem:$0x1DA00] =	vst v63  }
0x13d: {  	p0 =	por p0, !p1  }
0x13e: {  	_ =	swait.ge @p0 [sflag:s18], $0xB00  }
0x13f: {  	[sflag:s18] =	ssyncset.done @p0 $0x0  }
0x140: {  	[sflag:s18] =	ssyncadd.s32 @p0 $0xFFFFF500  }
0x141: {  	_ =	swait.ge @p0 [sflag:s18], $0xB00  }
0x142: {  	[sflag:s18] =	ssyncset.done @p0 $0x0  }
0x143: {  	s15 =	simm.s32 $0x18D20;
	[sflag:s18] =	ssyncadd.s32 @p0 $0xFFFFF500  }
0x144: {  	v41 =	vld [tilespmem:s15+$0x10];
	_ =	sdelay $0x3  }
0x145: {  	v10 =	vld [tilespmem:s15+$0xFFFFFFF0]  }
0x146: {  	v5 =	vld [tilespmem:s15+$0xFFFFFFE0];
	v42 =	vshrl.u32 v41, $0x9;
	v6 =	vshll.u32 v41, $0x3  }
0x147: {  	v13 =	vld [tilespmem:s15+$0x0];
	v43 =	vand.u32 $0x1FF, v41;
	v4 =	vand.u32 $0x7F, v41;
	v6 =	vand.u32 $0xC00, v6  }
0x148: {  	v44 =	vand.u32 $0xFFFFF000, v41;
	v0 =	vshrl.u32 v41, $0x2;
	v4 =	vor.u32 v4, v6  }
0x149: {  	v2 =	vadd.s32 $0x1, v43;
	v0 =	vand.u32 $0x380, v0;
	v3 =	vor.u32 v44, v4  }
0x14a: {  	v9 =	vand.u32 $0x1FF, v10;
	v7 =	vshll.u32 v2, $0x3;
	v3 =	vor.u32 v0, v3  }
0x14b: {  	v15 =	vshll.u32 v5, $0x3;
	v16 =	vshll.u32 v10, $0x3;
	v7 =	vand.u32 $0x1C00, v7  }
0x14c: {  	v17 =	vshll.u32 v13, $0x3;
	v19 =	vshrl.u32 v5, $0x9;
	v6 =	vadd.s32 v44, v7  }
0x14d: {  	s16 =	simm.s32 $0x19820;
	v26 =	vand.u32 $0xFFFFF000, v5;
	v2 =	vand.u32 $0x7F, v2;
	v6 =	vor.u32 v0, v6  }
0x14e: {  	v21 =	vld [tilespmem:s16+$0x10];
	v18 =	vand.u32 $0x7F, v5;
	v1 =	vadd.s32 $0x1, v42;
	v14 =	vor.u32 v2, v6  }
0x14f: {  	v27 =	vshrl.u32 v5, $0x2;
	v50 =	vand.u32 $0xC00, v15;
	v45 =	vshll.u32 v1, $0x9;
	v11 =	vld.idx.msk [tilespmem:v3+s30+$0x0], $0xffff  }
0x150: {  	v15 =	vand.u32 $0xC00, v16;
	v1 =	vshll.u32 v1, $0x7;
	v0 =	vand.u32 $0xFFFFF000, v45  }
0x151: {  	s17 =	simm.s32 $0x1A320;
	v16 =	vand.u32 $0xC00, v17;
	v1 =	vand.u32 $0x380, v1;
	v4 =	vor.u32 v0, v4  }
0x152: {  	v22 =	vld [tilespmem:s17+$0x10];
	v6 =	vand.u32 $0x1FF, v5;
	v0 =	vadd.s32 v7, v0;
	v8 =	vor.u32 v1, v4  }
0x153: {  	v4 =	vadd.s32 $0x1, v6;
	v6 =	vand.u32 $0x1FF, v13;
	v0 =	vor.u32 v1, v0;
	v12 =	vld.idx.msk [tilespmem:v14+s30+$0x0], $0xffff  }
0x154: {  	v7 =	vadd.s32 $0x1, v6;
	v6 =	vor.u32 v2, v0;
	v17 =	vmul.f32 v11, v21;
	v11 =	vld [tilespmem:s16+$0xFFFFFFE0]  }
0x155: {  	s23 =	simm.s32 $0x1B920;
	v28 =	vshrl.u32 v10, $0x9;
	v29 =	vand.u32 $0xFFFFF000, v10;
	v30 =	vand.u32 $0x7F, v10  }
0x156: {  	s19 =	simm.s32 $0x1AE20;
	v10 =	vshrl.u32 v10, $0x2;
	v46 =	vadd.s32 $0x1, v9;
	v5 =	vld [tilespmem:s23+$0x10];
	v9 =	vshll.u32 v7, $0x3  }
0x157: {  	v31 =	vshrl.u32 v13, $0x9;
	v51 =	vand.u32 $0xFFFFF000, v13;
	v25 =	vand.u32 $0x1C00, v9;
	v9 =	vld [tilespmem:s19+$0x10]  }
0x158: {  	v52 =	vand.u32 $0x7F, v13;
	v58 =	vadd.s32 $0x1, v19;
	v49 =	vld.idx.msk [tilespmem:v8+s30+$0x0], $0xffff;
	v12 =	vmul.f32 v12, v22  }
0x159: {  	v27 =	vand.u32 $0x380, v27;
	v10 =	vand.u32 $0x380, v10;
	v48 =	vshll.u32 v46, $0x3;
	v20 =	vld.idx.msk [tilespmem:v6+s30+$0x0], $0xffff;
	[tilespmem:$0x1FF40] =	vst v11  }
0x15a: {  	v57 =	vor.u32 v18, v50;
	v24 =	vand.u32 $0x1C00, v48;
	v53 =	vadd.f32 v12, v17;
	v12 =	vld [tilespmem:s17+$0xFFFFFFE0]  }
0x15b: {  	v30 =	vor.u32 v30, v15;
	v55 =	vadd.s32 v29, v24;
	v47 =	vshll.u32 v4, $0x3;
	v17 =	vld [tilespmem:s16+$0xFFFFFFF0]  }
0x15c: {  	v63 =	vand.u32 $0x7F, v46;
	v36 =	vor.u32 v10, v55;
	v23 =	vand.u32 $0x1C00, v47;
	v18 =	vld [tilespmem:s17+$0xFFFFFFF0]  }
0x15d: {  	v16 =	vor.u32 v52, v16;
	v36 =	vor.u32 v63, v36;
	v54 =	vadd.s32 v26, v23;
	v19 =	vld [tilespmem:s16+$0x0]  }
0x15e: {  	v13 =	vshrl.u32 v13, $0x2;
	v61 =	vand.u32 $0x7F, v4;
	v35 =	vor.u32 v27, v54;
	v15 =	vld [tilespmem:s19+$0xFFFFFFE0]  }
0x15f: {  	v13 =	vand.u32 $0x380, v13;
	v56 =	vadd.s32 v51, v25;
	v35 =	vor.u32 v61, v35;
	v60 =	vld [tilespmem:s19+$0xFFFFFFF0]  }
0x160: {  	v42 =	vand.u32 $0x7F, v7;
	v37 =	vor.u32 v13, v56;
	v0 =	vmul.f32 v49, v9;
	v62 =	vld [tilespmem:s19+$0x0]  }
0x161: {  	v29 =	vor.u32 v29, v30;
	v4 =	vshll.u32 v58, $0x9;
	v7 =	vor.u32 v42, v37;
	v49 =	vld [tilespmem:s23+$0xFFFFFFE0]  }
0x162: {  	v26 =	vor.u32 v26, v57;
	v20 =	vmul.f32 v20, v5;
	v0 =	vadd.f32 v0, v53;
	v50 =	vld [tilespmem:s23+$0xFFFFFFF0]  }
0x163: {  	v26 =	vor.u32 v27, v26;
	v27 =	vor.u32 v10, v29;
	v29 =	vand.u32 $0xFFFFF000, v4;
	v4 =	vld [tilespmem:s23+$0x0]  }
0x164: {  	v28 =	vadd.s32 $0x1, v28;
	v32 =	vor.u32 v51, v16;
	v53 =	vld.idx.msk [tilespmem:v35+s30+$0x0], $0xffff;
	v59 =	vadd.f32 v20, v0  }
0x165: {  	s24 =	simm.s32 $0x1C420;
	v31 =	vadd.s32 $0x1, v31;
	v47 =	vshll.u32 v28, $0x9;
	v52 =	vor.u32 v13, v32;
	v54 =	vld.idx.msk [tilespmem:v36+s30+$0x0], $0xffff  }
0x166: {  	v51 =	vand.u32 $0xFFFFF000, v47;
	v10 =	vshll.u32 v58, $0x7;
	v13 =	vshll.u32 v28, $0x7;
	v55 =	vld.idx.msk [tilespmem:v7+s30+$0x0], $0xffff;
	[tilespmem:s24+$0x10] =	vst v59  }
0x167: {  	v30 =	vor.u32 v51, v30;
	v33 =	vand.u32 $0x380, v10;
	v48 =	vld.idx.msk [tilespmem:v14+s31+$0x0], $0xffff;
	v14 =	vshll.u32 v31, $0x9  }
0x168: {  	v20 =	vld [tilespmem:s17+$0x0];
	v28 =	vand.u32 $0xFFFFF000, v14;
	v14 =	vshll.u32 v31, $0x7;
	v31 =	vor.u32 v29, v57  }
0x169: {  	v23 =	vadd.s32 v23, v29;
	v40 =	vld.idx.msk [tilespmem:v3+s31+$0x0], $0xffff;
	v10 =	vor.u32 v33, v31;
	v31 =	vand.u32 $0x380, v13  }
0x16a: {  	v8 =	vld.idx.msk [tilespmem:v8+s31+$0x0], $0xffff;
	v16 =	vor.u32 v28, v16;
	v56 =	vand.u32 $0x380, v14;
	v13 =	vor.u32 v31, v30  }
0x16b: {  	v24 =	vadd.s32 v24, v51;
	v29 =	vld.idx.msk [tilespmem:v26+s30+$0x0], $0xffff;
	v14 =	vor.u32 v56, v16;
	v16 =	vor.u32 v33, v23  }
0x16c: {  	v25 =	vadd.s32 v25, v28;
	v28 =	vld.idx.msk [tilespmem:v52+s30+$0x0], $0xffff;
	v24 =	vor.u32 v31, v24;
	v16 =	vor.u32 v61, v16  }
0x16d: {  	v23 =	vld.idx.msk [tilespmem:v27+s30+$0x0], $0xffff;
	v25 =	vor.u32 v56, v25;
	v33 =	vor.u32 v63, v24  }
0x16e: {  	v31 =	vor.u32 v42, v25;
	v24 =	vld.idx.msk [tilespmem:v10+s30+$0x0], $0xffff  }
0x16f: {  	v25 =	vld.idx.msk [tilespmem:v13+s30+$0x0], $0xffff  }
0x170: {  	v32 =	vmul.f32 v53, v12;
	v30 =	vld.idx.msk [tilespmem:v14+s30+$0x0], $0xffff  }
0x171: {  	v34 =	vmul.f32 v54, v18;
	v59 =	vmul.f32 v55, v20;
	v57 =	vld.idx.msk [tilespmem:v16+s30+$0x0], $0xffff  }
0x172: {  	v21 =	vmul.f32 v40, v21;
	v29 =	vmul.f32 v29, v11;
	v38 =	vld.idx.msk [tilespmem:v33+s30+$0x0], $0xffff  }
0x173: {  	v22 =	vmul.f32 v48, v22;
	v23 =	vmul.f32 v23, v17;
	v58 =	vld.idx.msk [tilespmem:v31+s30+$0x0], $0xffff  }
0x174: {  	s25 =	simm.s32 $0x18D60;
	v8 =	vmul.f32 v8, v9;
	v28 =	vmul.f32 v28, v19;
	v29 =	vadd.f32 v32, v29;
	[tilespmem:$0x1FF00] =	vst v60  }
0x175: {  	v23 =	vadd.f32 v34, v23;
	v24 =	vmul.f32 v24, v15;
	v25 =	vmul.f32 v25, v60;
	v60 =	vld [tilespmem:s25+$0x10];
	[tilespmem:$0x1FF10] =	vst v49  }
0x176: {  	v21 =	vadd.f32 v22, v21;
	v28 =	vadd.f32 v59, v28;
	v30 =	vmul.f32 v30, v62;
	[tilespmem:$0x1FF20] =	vst v50  }
0x177: {  	[tilespmem:$0x1FF30] =	vst v4;
	v24 =	vadd.f32 v24, v29;
	v23 =	vadd.f32 v25, v23;
	v25 =	vmul.f32 v57, v49  }
0x178: {  	v29 =	vmul.f32 v38, v50;
	v6 =	vld.idx.msk [tilespmem:v6+s31+$0x0], $0xffff;
	v28 =	vadd.f32 v30, v28;
	v30 =	vmul.f32 v58, v4  }
0x179: {  	v8 =	vadd.f32 v8, v21;
	v63 =	vld [tilespmem:s25+$0xFFFFFFE0];
	v9 =	vadd.f32 v25, v24  }
0x17a: {  	v1 =	vld [tilespmem:s25+$0x0];
	v22 =	vadd.f32 v29, v23;
	v23 =	vadd.f32 v30, v28;
	v24 =	vshrl.u32 v60, $0x9  }
0x17b: {  	s19 =	simm.s32 $0x1A360;
	v25 =	vand.u32 $0x1FF, v60;
	v28 =	vand.u32 $0xFFFFF000, v60;
	v29 =	vand.u32 $0x7F, v60  }
0x17c: {  	s0 =	simm.s32 $0x1AE60;
	v41 =	vld [tilespmem:s19+$0x10];
	v61 =	vshll.u32 v60, $0x3;
	v32 =	vshrl.u32 v60, $0x2;
	v25 =	vadd.s32 $0x1, v25  }
0x17d: {  	v46 =	vld [tilespmem:s0+$0x10];
	v24 =	vadd.s32 $0x1, v24;
	v34 =	vand.u32 $0xC00, v61;
	[tilespmem:s24+$0xFFFFFFE0] =	vst v9;
	v9 =	vand.u32 $0x380, v32  }
0x17e: {  	v43 =	vmovc v62;
	v30 =	vld [tilespmem:s25+$0xFFFFFFF0];
	v5 =	vmul.f32 v6, v5;
	v58 =	vshll.u32 v63, $0x3;
	v62 =	vshll.u32 v25, $0x3  }
0x17f: {  	v60 =	vshll.u32 v1, $0x3;
	v29 =	vor.u32 v29, v34;
	v32 =	vld.idx.msk [tilespmem:v26+s31+$0x0], $0xffff;
	v57 =	vand.u32 $0x1C00, v62  }
0x180: {  	[tilespmem:s24+$0xFFFFFFF0] =	vst v22;
	v25 =	vand.u32 $0x7F, v25;
	v38 =	vld.idx.msk [tilespmem:v35+s31+$0x0], $0xffff;
	v26 =	vor.u32 v28, v29;
	v28 =	vadd.s32 v28, v57  }
0x181: {  	v34 =	vld.idx.msk [tilespmem:v27+s31+$0x0], $0xffff;
	v22 =	vor.u32 v9, v26;
	v26 =	vshll.u32 v24, $0x9;
	v9 =	vor.u32 v9, v28  }
0x182: {  	[tilespmem:s24+$0x0] =	vst v23;
	v35 =	vld.idx.msk [tilespmem:v36+s31+$0x0], $0xffff;
	v24 =	vshll.u32 v24, $0x7;
	v27 =	vor.u32 v25, v9;
	v9 =	vand.u32 $0xFFFFF000, v26  }
0x183: {  	v53 =	vshrl.u32 v63, $0x9;
	v37 =	vld.idx.msk [tilespmem:v52+s31+$0x0], $0xffff;
	v21 =	vand.u32 $0x380, v24;
	v23 =	vor.u32 v9, v29  }
0x184: {  	s17 =	simm.s32 $0x19860;
	v54 =	vand.u32 $0x7F, v63;
	v40 =	vld.idx.msk [tilespmem:v10+s31+$0x0], $0xffff;
	v6 =	vadd.s32 v57, v9;
	v23 =	vor.u32 v21, v23  }
0x185: {  	v56 =	vand.u32 $0xFFFFF000, v1;
	v50 =	vand.u32 $0xC00, v58;
	v24 =	vld [tilespmem:s17+$0x10];
	v6 =	vor.u32 v21, v6  }
0x186: {  	v45 =	vand.u32 $0xC00, v60;
	v39 =	vadd.f32 v5, v8;
	v5 =	vld.idx.msk [tilespmem:v22+s30+$0x0], $0xffff;
	v25 =	vor.u32 v25, v6  }
0x187: {  	v53 =	vadd.s32 $0x1, v53;
	v62 =	vshrl.u32 v63, $0x2;
	v50 =	vor.u32 v54, v50;
	v21 =	vld.idx.msk [tilespmem:v27+s30+$0x0], $0xffff  }
0x188: {  	v10 =	vld.idx.msk [tilespmem:v14+s31+$0x0], $0xffff;
	v8 =	vand.u32 $0x1FF, v30;
	v59 =	vshll.u32 v30, $0x3;
	v6 =	vand.u32 $0x1FF, v63  }
0x189: {  	s4 =	simm.s32 $0x1B960;
	v14 =	vshrl.u32 v30, $0x2;
	v2 =	vand.u32 $0x380, v62;
	v26 =	vadd.s32 $0x1, v6;
	v29 =	vld.idx.msk [tilespmem:v23+s30+$0x0], $0xffff  }
0x18a: {  	v52 =	vld [tilespmem:s4+$0x10];
	v28 =	vadd.s32 $0x1, v8;
	v61 =	vand.u32 $0xC00, v59;
	v6 =	vshll.u32 v26, $0x3  }
0x18b: {  	v8 =	vshll.u32 v28, $0x3;
	v9 =	vand.u32 $0x1FF, v1;
	v47 =	vand.u32 $0x1C00, v6;
	v6 =	vld.idx.msk [tilespmem:v25+s30+$0x0], $0xffff  }
0x18c: {  	v0 =	vld.idx.msk [tilespmem:v7+s31+$0x0], $0xffff;
	v36 =	vadd.s32 $0x1, v9;
	v5 =	vmul.f32 v5, v24;
	v7 =	vmul.f32 v21, v41  }
0x18d: {  	v44 =	vld [tilespmem:s17+$0xFFFFFFE0];
	v48 =	vand.u32 $0x1C00, v8;
	v57 =	vand.u32 $0x7F, v1;
	v9 =	vshll.u32 v36, $0x3  }
0x18e: {  	v42 =	vld [tilespmem:s19+$0xFFFFFFE0];
	v49 =	vand.u32 $0x1C00, v9;
	v5 =	vadd.f32 v7, v5;
	v7 =	vmul.f32 v29, v46  }
0x18f: {  	v9 =	vld.idx.msk [tilespmem:v13+s31+$0x0], $0xffff;
	v13 =	vand.u32 $0x7F, v30;
	v21 =	vand.u32 $0xFFFFF000, v63;
	v63 =	vshrl.u32 v30, $0x9  }
0x190: {  	v8 =	vld.idx.msk [tilespmem:v16+s31+$0x0], $0xffff;
	v29 =	vand.u32 $0xFFFFF000, v30;
	v30 =	vmul.f32 v6, v52;
	v7 =	vadd.f32 v7, v5  }
0x191: {  	v16 =	vshrl.u32 v1, $0x9;
	v45 =	vor.u32 v57, v45;
	v57 =	vand.u32 $0x380, v14;
	v14 =	vld [tilespmem:s17+$0x0]  }
0x192: {  	v1 =	vshrl.u32 v1, $0x2;
	v51 =	vor.u32 v13, v61;
	v13 =	vld [tilespmem:s19+$0xFFFFFFF0];
	v30 =	vadd.f32 v30, v7  }
0x193: {  	s23 =	simm.s32 $0x1C460;
	v34 =	vmul.f32 v34, v17;
	v58 =	vadd.s32 v21, v47;
	v21 =	vor.u32 v21, v50;
	v7 =	vld [tilespmem:s17+$0xFFFFFFF0]  }
0x194: {  	v35 =	vmul.f32 v35, v18;
	v60 =	vadd.s32 $0x1, v16;
	[tilespmem:s23+$0x10] =	vst v30;
	v30 =	vor.u32 v2, v21;
	v21 =	vld [tilespmem:s0+$0xFFFFFFE0]  }
0x195: {  	v1 =	vand.u32 $0x380, v1;
	v54 =	vadd.s32 v56, v49;
	v62 =	vand.u32 $0x7F, v26;
	v16 =	vld.idx.msk [tilespmem:v22+s31+$0x0], $0xffff  }
0x196: {  	v54 =	vor.u32 v1, v54;
	v55 =	vadd.s32 $0x1, v63;
	v58 =	vor.u32 v2, v58;
	v61 =	vld.idx.msk [tilespmem:v27+s31+$0x0], $0xffff  }
0x197: {  	v59 =	vadd.s32 v29, v48;
	v27 =	vor.u32 v29, v51;
	v11 =	vld.idx.msk [tilespmem:v23+s31+$0x0], $0xffff;
	v29 =	vor.u32 v62, v58  }
0x198: {  	v63 =	vshll.u32 v53, $0x9;
	v59 =	vor.u32 v57, v59;
	v2 =	vand.u32 $0x7F, v28;
	v22 =	vld [tilespmem:s19+$0x0]  }
0x199: {  	v3 =	vshll.u32 v55, $0x9;
	v23 =	vor.u32 v56, v45;
	v26 =	vor.u32 v2, v59;
	v58 =	vld.idx.msk [tilespmem:v25+s31+$0x0], $0xffff  }
0x19a: {  	v27 =	vor.u32 v57, v27;
	v57 =	vand.u32 $0x7F, v36;
	v28 =	vor.u32 v1, v23;
	v23 =	vld [tilespmem:s0+$0x0]  }
0x19b: {  	v59 =	vshll.u32 v53, $0x7;
	v25 =	vor.u32 v57, v54;
	v24 =	vmul.f32 v16, v24;
	v16 =	vld [tilespmem:s0+$0xFFFFFFF0]  }
0x19c: {  	v1 =	vand.u32 $0xFFFFF000, v3;
	v3 =	vshll.u32 v60, $0x9;
	v61 =	vmul.f32 v61, v41;
	v54 =	vld.idx.msk [tilespmem:v29+s30+$0x0], $0xffff  }
0x19d: {  	v11 =	vmul.f32 v11, v46;
	v46 =	vand.u32 $0x380, v59;
	v59 =	vshll.u32 v60, $0x7;
	v60 =	vld.idx.msk [tilespmem:v30+s30+$0x0], $0xffff  }
0x19e: {  	v51 =	vor.u32 v1, v51;
	v41 =	vand.u32 $0xFFFFF000, v63;
	v36 =	vadd.f32 v61, v24;
	v24 =	vld [tilespmem:s4+$0xFFFFFFE0]  }
0x19f: {  	v52 =	vmul.f32 v58, v52;
	v50 =	vor.u32 v41, v50;
	v61 =	vshll.u32 v55, $0x7;
	v55 =	vld.idx.msk [tilespmem:v26+s30+$0x0], $0xffff  }
0x1a0: {  	v56 =	vld.idx.msk [tilespmem:v25+s30+$0x0], $0xffff;
	v63 =	vand.u32 $0x380, v61;
	v11 =	vadd.f32 v11, v36;
	v36 =	vor.u32 v46, v50  }
0x1a1: {  	v58 =	vand.u32 $0xFFFFF000, v3;
	v47 =	vadd.s32 v47, v41;
	v61 =	vld [tilespmem:$0x1FF40];
	v41 =	vor.u32 v63, v51  }
0x1a2: {  	v45 =	vor.u32 v58, v45;
	v53 =	vand.u32 $0x380, v59;
	v46 =	vor.u32 v46, v47;
	v47 =	vld.idx.msk [tilespmem:v27+s30+$0x0], $0xffff  }
0x1a3: {  	v1 =	vadd.s32 v48, v1;
	v45 =	vor.u32 v53, v45;
	v51 =	vld.idx.msk [tilespmem:v28+s30+$0x0], $0xffff;
	v52 =	vadd.f32 v52, v11  }
0x1a4: {  	v11 =	vor.u32 v63, v1;
	v63 =	vmul.f32 v54, v42;
	v54 =	vmul.f32 v38, v12;
	v38 =	vld [tilespmem:s4+$0x0]  }
0x1a5: {  	v0 =	vmul.f32 v0, v20;
	v49 =	vadd.s32 v49, v58;
	v46 =	vor.u32 v62, v46;
	v62 =	vld.idx.msk [tilespmem:v36+s30+$0x0], $0xffff  }
0x1a6: {  	v49 =	vor.u32 v53, v49;
	v48 =	vmul.f32 v60, v44;
	v12 =	vor.u32 v2, v11;
	v58 =	vld.idx.msk [tilespmem:v41+s30+$0x0], $0xffff  }
0x1a7: {  	v59 =	vmul.f32 v55, v13;
	v11 =	vor.u32 v57, v49;
	v1 =	vmul.f32 v32, v61;
	v32 =	vld [tilespmem:s4+$0xFFFFFFF0]  }
0x1a8: {  	s24 =	simm.s32 $0x1CF20;
	v60 =	vmul.f32 v56, v22;
	v48 =	vadd.f32 v63, v48;
	v61 =	vld.idx.msk [tilespmem:v45+s30+$0x0], $0xffff;
	v63 =	vmul.f32 v37, v19  }
0x1a9: {  	s15 =	simm.s32 $0x1CF60;
	[tilespmem:s24+$0x10] =	vst v39;
	v47 =	vmul.f32 v47, v7;
	v17 =	vmul.f32 v51, v14;
	v51 =	vld.idx.msk [tilespmem:v31+s31+$0x0], $0xffff  }
0x1aa: {  	[tilespmem:s15+$0x10] =	vst v52;
	v19 =	vadd.f32 v35, v34;
	v18 =	vadd.f32 v54, v1;
	v20 =	vld.idx.msk [tilespmem:v46+s30+$0x0], $0xffff  }
0x1ab: {  	v2 =	vadd.f32 v59, v47;
	v47 =	vld.idx.msk [tilespmem:v33+s31+$0x0], $0xffff;
	v62 =	vmul.f32 v62, v21;
	v31 =	vmul.f32 v58, v16  }
0x1ac: {  	s26 =	smov.u32 s2;
	s28 =	smov.u32 s11;
	v35 =	vmul.f32 v40, v15;
	v15 =	vadd.f32 v0, v63;
	v17 =	vadd.f32 v60, v17;
	v33 =	vld.idx.msk [tilespmem:v12+s30+$0x0], $0xffff  }
0x1ad: {  	s1 =	simm.s32 $0x18DA0;
	s16 =	simm.s32 $0x4;
	s25 =	simm.s32 $0x1CF60;
	v40 =	vmul.f32 v61, v23;
	v37 =	vadd.f32 v62, v48;
	v34 =	vadd.f32 v31, v2;
	v31 =	vld.idx.msk [tilespmem:v11+s30+$0x0], $0xffff  }
.LBB2_5:
0x1ae: {  	v39 =	vld [tilespmem:s1+$0x10]  }
0x1af: {  	v0 =	vld [tilespmem:$0x1FF00]  }
0x1b0: {  	v54 =	vmov v13;
	v13 =	vld [tilespmem:s1+$0xFFFFFFF0]  }
0x1b1: {  	v56 =	vld [tilespmem:$0x1FF10]  }
0x1b2: {  	v3 =	vmov v14;
	v14 =	vld [tilespmem:s1+$0x0]  }
0x1b3: {  	v1 =	vmovc v22;
	v22 =	vld [tilespmem:s1+$0xFFFFFFE0];
	v57 =	vmov v21;
	v60 =	vmov v23;
	[tilespmem:$0x1FEB0] =	vst v54;
	v20 =	vmul.f32 v20, v24  }
0x1b4: {  	v40 =	vadd.f32 v40, v17;
	[tilespmem:$0x1FEC0] =	vst v3;
	v4 =	vmul.f32 v10, v43;
	v55 =	vmul.f32 v31, v38  }
0x1b5: {  	v35 =	vadd.f32 v35, v18;
	[tilespmem:$0x1FEF0] =	vst v57;
	v2 =	vmul.f32 v9, v0;
	v9 =	vmul.f32 v33, v32  }
0x1b6: {  	v58 =	vld [tilespmem:$0x1FF20];
	v5 =	vmovc v16;
	v62 =	vmovc v32;
	[tilespmem:$0x1FED0] =	vst v60;
	v17 =	vmul.f32 v8, v56;
	v16 =	vand.u32 $0xFFFFF000, v39;
	v21 =	vand.u32 $0x7F, v39  }
0x1b7: {  	v59 =	vld [tilespmem:$0x1FF30];
	s19 =	sadd.s32 $0x40, s19;
	[tilespmem:$0x1FF20] =	vst v62;
	v61 =	vmovc v24;
	v23 =	vshrl.u32 v39, $0x2;
	v3 =	vshll.u32 v13, $0x3;
	v48 =	vshll.u32 v14, $0x3  }
0x1b8: {  	s0 =	sadd.s32 $0x40, s0;
	v52 =	vld [tilespmem:s19+$0x10];
	v63 =	vmovc v38;
	[tilespmem:$0x1FF10] =	vst v61;
	v54 =	vand.u32 $0xFFFFF000, v22;
	v57 =	vshrl.u32 v22, $0x2;
	v10 =	vadd.f32 v20, v37  }
0x1b9: {  	s4 =	sadd.s32 $0x40, s4;
	v53 =	vld [tilespmem:s0+$0x10];
	[tilespmem:$0x1FF30] =	vst v63;
	v61 =	vshrl.u32 v13, $0x2;
	v62 =	vshrl.u32 v14, $0x9;
	v63 =	vand.u32 $0xFFFFF000, v14  }
0x1ba: {  	v60 =	vld [tilespmem:s4+$0x10];
	v15 =	vadd.f32 v4, v15;
	v8 =	vadd.f32 v55, v40;
	v23 =	vand.u32 $0x380, v23;
	[tilespmem:s23+$0xFFFFFFE0] =	vst v10  }
0x1bb: {  	v20 =	vadd.f32 v2, v19;
	v6 =	vadd.f32 v9, v34;
	v10 =	vand.u32 $0x1FF, v39;
	v33 =	vld.idx.msk [tilespmem:v30+s31+$0x0], $0xffff  }
0x1bc: {  	v4 =	vadd.f32 v17, v35;
	[tilespmem:s23+$0x0] =	vst v8;
	v35 =	vld.idx.msk [tilespmem:v29+s31+$0x0], $0xffff;
	v8 =	vadd.s32 $0x1, v10;
	v10 =	vshll.u32 v39, $0x3  }
0x1bd: {  	v9 =	vshrl.u32 v39, $0x9;
	v18 =	vld.idx.msk [tilespmem:v28+s31+$0x0], $0xffff;
	v10 =	vand.u32 $0xC00, v10;
	v24 =	vshll.u32 v8, $0x3  }
0x1be: {  	v9 =	vadd.s32 $0x1, v9;
	[tilespmem:s23+$0xFFFFFFF0] =	vst v6;
	v19 =	vld.idx.msk [tilespmem:v25+s31+$0x0], $0xffff;
	v10 =	vor.u32 v21, v10;
	v21 =	vand.u32 $0x1C00, v24  }
0x1bf: {  	v31 =	vld.idx.msk [tilespmem:v26+s31+$0x0], $0xffff;
	v26 =	vand.u32 $0x7F, v8;
	v24 =	vor.u32 v16, v10;
	v8 =	vadd.s32 v16, v21  }
0x1c0: {  	[tilespmem:s24+$0xFFFFFFE0] =	vst v4;
	v40 =	vld.idx.msk [tilespmem:v27+s31+$0x0], $0xffff;
	v16 =	vshll.u32 v9, $0x9;
	v24 =	vor.u32 v23, v24;
	v8 =	vor.u32 v23, v8  }
0x1c1: {  	v39 =	vld.idx.msk [tilespmem:v36+s31+$0x0], $0xffff;
	v25 =	vor.u32 v26, v8;
	v8 =	vand.u32 $0xFFFFF000, v16;
	v16 =	vshll.u32 v9, $0x7  }
0x1c2: {  	v37 =	vmul.f32 v47, v58;
	v17 =	vld.idx.msk [tilespmem:v41+s31+$0x0], $0xffff;
	v16 =	vand.u32 $0x380, v16;
	v27 =	vor.u32 v8, v10  }
0x1c3: {  	s17 =	sadd.s32 $0x40, s17;
	v43 =	vand.u32 $0x7F, v14;
	[tilespmem:$0x1FEA0] =	vst v15;
	v15 =	vld.idx.msk [tilespmem:v46+s31+$0x0], $0xffff;
	v21 =	vadd.s32 v21, v8;
	v27 =	vor.u32 v16, v27  }
0x1c4: {  	v47 =	vshrl.u32 v22, $0x9;
	v55 =	vand.u32 $0x7F, v22;
	v36 =	vld [tilespmem:s17+$0x10];
	v16 =	vor.u32 v16, v21  }
0x1c5: {  	v58 =	vshrl.u32 v13, $0x9;
	v23 =	vand.u32 $0x1FF, v22;
	v38 =	vor.u32 v26, v16;
	v21 =	vld.idx.msk [tilespmem:v24+s30+$0x0], $0xffff  }
0x1c6: {  	[tilespmem:$0x1FEE0] =	vst v1;
	v34 =	vmul.f32 v51, v59;
	v2 =	vshll.u32 v22, $0x3;
	v29 =	vadd.s32 $0x1, v23;
	v1 =	vld.idx.msk [tilespmem:v25+s30+$0x0], $0xffff  }
0x1c7: {  	v59 =	vand.u32 $0xFFFFF000, v13;
	v28 =	vand.u32 $0x1FF, v13;
	v50 =	vld [tilespmem:s17+$0xFFFFFFE0];
	v16 =	vshll.u32 v29, $0x3  }
0x1c8: {  	v28 =	vadd.s32 $0x1, v28;
	v41 =	vand.u32 $0xC00, v48;
	v51 =	vand.u32 $0x1C00, v16;
	v16 =	vld.idx.msk [tilespmem:v27+s30+$0x0], $0xffff  }
0x1c9: {  	v49 =	vld [tilespmem:s19+$0xFFFFFFE0];
	v0 =	vor.u32 v43, v41;
	v41 =	vadd.s32 $0x1, v47;
	v23 =	vand.u32 $0x1FF, v14  }
0x1ca: {  	v47 =	vand.u32 $0x380, v57;
	v22 =	vand.u32 $0x7F, v13;
	v30 =	vadd.s32 $0x1, v23;
	v56 =	vld.idx.msk [tilespmem:v38+s30+$0x0], $0xffff  }
0x1cb: {  	v48 =	vld [tilespmem:s17+$0xFFFFFFF0];
	v23 =	vshll.u32 v28, $0x3;
	v21 =	vmul.f32 v21, v36;
	v32 =	vmul.f32 v1, v52  }
0x1cc: {  	v10 =	vld.idx.msk [tilespmem:v45+s31+$0x0], $0xffff;
	v45 =	vand.u32 $0x1C00, v23;
	v23 =	vand.u32 $0xC00, v2;
	v2 =	vshrl.u32 v14, $0x2  }
0x1cd: {  	v13 =	vld [tilespmem:s19+$0xFFFFFFF0];
	v26 =	vshll.u32 v30, $0x3;
	v21 =	vadd.f32 v32, v21;
	v16 =	vmul.f32 v16, v53  }
0x1ce: {  	v9 =	vmovc v7;
	v7 =	vmovc v44;
	v14 =	vld [tilespmem:s17+$0x0];
	v44 =	vand.u32 $0x7F, v30;
	v55 =	vor.u32 v55, v23;
	v46 =	vand.u32 $0x1C00, v26  }
0x1cf: {  	v23 =	vld [tilespmem:s0+$0x0];
	v26 =	vand.u32 $0xC00, v3;
	v56 =	vmul.f32 v56, v60;
	v16 =	vadd.f32 v16, v21  }
0x1d0: {  	v4 =	vor.u32 v22, v26;
	v22 =	vld [tilespmem:s19+$0x0];
	v32 =	vadd.s32 v54, v51;
	v54 =	vor.u32 v54, v55  }
0x1d1: {  	v32 =	vor.u32 v47, v32;
	v30 =	vor.u32 v47, v54;
	v47 =	vld.idx.msk [tilespmem:v12+s31+$0x0], $0xffff;
	v26 =	vadd.f32 v56, v16  }
0x1d2: {  	[tilespmem:$0x1FF00] =	vst v5;
	s23 =	sadd.s32 $0x40, s23;
	v57 =	vand.u32 $0x380, v61;
	v43 =	vand.u32 $0x7F, v28;
	v5 =	vshll.u32 v41, $0x9;
	v21 =	vld [tilespmem:s0+$0xFFFFFFE0]  }
0x1d3: {  	v41 =	vshll.u32 v41, $0x7;
	v2 =	vand.u32 $0x380, v2;
	v1 =	vadd.s32 v59, v45;
	v16 =	vld [tilespmem:s0+$0xFFFFFFF0];
	[tilespmem:s23+$0x10] =	vst v26  }
0x1d4: {  	v3 =	vadd.s32 v63, v46;
	v63 =	vor.u32 v63, v0;
	v1 =	vor.u32 v57, v1;
	v61 =	vld.idx.msk [tilespmem:v24+s31+$0x0], $0xffff  }
0x1d5: {  	v8 =	vmovc v42;
	v56 =	vadd.s32 $0x1, v58;
	v58 =	vadd.s32 $0x1, v62;
	v62 =	vand.u32 $0x7F, v29;
	v42 =	vld.idx.msk [tilespmem:v25+s31+$0x0], $0xffff  }
0x1d6: {  	v3 =	vor.u32 v2, v3;
	v29 =	vor.u32 v62, v32;
	v32 =	vld [tilespmem:s4+$0xFFFFFFF0];
	v26 =	vor.u32 v43, v1  }
0x1d7: {  	v59 =	vor.u32 v59, v4;
	v28 =	vshll.u32 v56, $0x9;
	v1 =	vshll.u32 v58, $0x9;
	v6 =	vld.idx.msk [tilespmem:v27+s31+$0x0], $0xffff  }
0x1d8: {  	v24 =	vld [tilespmem:s4+$0xFFFFFFE0];
	v27 =	vor.u32 v57, v59;
	v25 =	vor.u32 v44, v3;
	v3 =	vand.u32 $0xFFFFF000, v5  }
0x1d9: {  	v5 =	vand.u32 $0xFFFFF000, v28;
	v28 =	vor.u32 v2, v63;
	v2 =	vld.idx.msk [tilespmem:v38+s31+$0x0], $0xffff;
	v12 =	vor.u32 v3, v55  }
0x1da: {  	v3 =	vadd.s32 v51, v3;
	v51 =	vld.idx.msk [tilespmem:v11+s31+$0x0], $0xffff;
	v36 =	vmul.f32 v61, v36;
	v42 =	vmul.f32 v42, v52  }
0x1db: {  	v54 =	vshll.u32 v56, $0x7;
	v56 =	vshll.u32 v58, $0x7;
	v1 =	vand.u32 $0xFFFFF000, v1;
	v57 =	vld.idx.msk [tilespmem:v26+s30+$0x0], $0xffff  }
0x1dc: {  	v63 =	vand.u32 $0x380, v41;
	v52 =	vld.idx.msk [tilespmem:v29+s30+$0x0], $0xffff;
	v6 =	vmul.f32 v6, v53;
	v42 =	vadd.f32 v42, v36  }
0x1dd: {  	v4 =	vor.u32 v5, v4;
	v53 =	vld.idx.msk [tilespmem:v25+s30+$0x0], $0xffff;
	v36 =	vor.u32 v63, v12;
	v12 =	vand.u32 $0x380, v54  }
0x1de: {  	v0 =	vor.u32 v1, v0;
	v41 =	vor.u32 v12, v4;
	v4 =	vadd.f32 v6, v42;
	v6 =	vld.idx.msk [tilespmem:v27+s30+$0x0], $0xffff  }
0x1df: {  	v5 =	vadd.s32 v45, v5;
	v1 =	vadd.s32 v46, v1;
	v61 =	vor.u32 v63, v3;
	v63 =	vld.idx.msk [tilespmem:v28+s30+$0x0], $0xffff  }
0x1e0: {  	v2 =	vmul.f32 v2, v60;
	v60 =	vld [tilespmem:$0x1FEA0];
	v46 =	vor.u32 v62, v61;
	v54 =	vand.u32 $0x380, v56  }
0x1e1: {  	v61 =	vmul.f32 v33, v7;
	v62 =	vld [tilespmem:$0x1FEC0];
	v45 =	vor.u32 v54, v0;
	v1 =	vor.u32 v54, v1  }
0x1e2: {  	v7 =	vld [tilespmem:$0x1FEB0];
	v42 =	vor.u32 v12, v5;
	v55 =	vmul.f32 v57, v13;
	v5 =	vadd.f32 v37, v20  }
0x1e3: {  	v56 =	vld.idx.msk [tilespmem:v30+s30+$0x0], $0xffff;
	v11 =	vor.u32 v44, v1;
	v58 =	vmul.f32 v53, v22;
	v6 =	vmul.f32 v6, v48  }
0x1e4: {  	v3 =	vmul.f32 v63, v14;
	v57 =	vld.idx.msk [tilespmem:v41+s30+$0x0], $0xffff;
	[tilespmem:s24+$0xFFFFFFF0] =	vst v5;
	v5 =	vmul.f32 v35, v8  }
0x1e5: {  	v2 =	vadd.f32 v2, v4;
	v4 =	vld.idx.msk [tilespmem:v36+s30+$0x0], $0xffff;
	v1 =	vadd.f32 v55, v6;
	v6 =	vmul.f32 v40, v9  }
0x1e6: {  	v9 =	vmovc v17;
	v17 =	vadd.f32 v58, v3;
	v3 =	vmul.f32 v18, v62;
	v18 =	vadd.f32 v5, v61;
	v5 =	vld [tilespmem:$0x1FEE0]  }
0x1e7: {  	s16 =	sadd.s32 $0x4, s16;
	v12 =	vor.u32 v43, v42;
	v63 =	vld [tilespmem:$0x1FEF0]  }
0x1e8: {  	s15 =	sadd.s32 $0x40, s15;
	p0 =	slt.u32 s16, $0xAC;
	v54 =	vmul.f32 v52, v49;
	v20 =	vmul.f32 v56, v50;
	v59 =	vld.idx.msk [tilespmem:v45+s30+$0x0], $0xffff  }
.Ltmp1:
0x1e9: {  	v38 =	vld [tilespmem:s4+$0x0];
	v34 =	vadd.f32 v34, v60;
	v7 =	vmul.f32 v31, v7;
	[tilespmem:s15+$0x10] =	vst v2;
	(pc) =	sbr.rel @p0 .LBB2_5-.Ltmp1, $4  }
0x1ea: {  	v0 =	vadd.f32 v54, v20;
	v20 =	vld.idx.msk [tilespmem:v46+s30+$0x0], $0xffff;
	v4 =	vmul.f32 v4, v21;
	v2 =	vmul.f32 v57, v16  }
0x1eb: {  	v44 =	vmovc v50;
	v42 =	vmov v49;
	v8 =	vmov v15;
	v31 =	vld.idx.msk [tilespmem:v11+s30+$0x0], $0xffff;
	[tilespmem:s24+$0x0] =	vst v34;
	v5 =	vmul.f32 v19, v5  }
0x1ec: {  	v33 =	vld.idx.msk [tilespmem:v12+s30+$0x0], $0xffff;
	v35 =	vmul.f32 v39, v63;
	v37 =	vadd.f32 v4, v0;
	v34 =	vadd.f32 v2, v1  }
0x1ed: {  	s1 =	sadd.s32 $0x40, s1;
	v43 =	vld [tilespmem:$0x1FED0];
	s24 =	smov.u32 s25;
	s25 =	smov.u32 s15;
	v40 =	vmul.f32 v59, v23;
	v19 =	vadd.f32 v7, v6;
	v7 =	vmovc v48;
	v15 =	vadd.f32 v5, v3  }
0x1ee: {  	_ = 	snop  }
0x1ef: {  	v0 =	vmul.f32 v20, v24;
	_ =	sdelay $0x1  }
0x1f0: {  	v0 =	vadd.f32 v0, v37;
	_ =	sdelay $0x1  }
0x1f1: {  	v2 =	vadd.f32 v40, v17;
	v3 =	vmul.f32 v31, v38;
	v1 =	vmul.f32 v33, v32;
	[tilespmem:s23+$0xFFFFFFE0] =	vst v0  }
0x1f2: {  	v0 =	vld.idx.msk [tilespmem:v30+s31+$0x0], $0xffff  }
0x1f3: {  	v2 =	vadd.f32 v3, v2;
	v1 =	vadd.f32 v1, v34;
	v34 =	vld.idx.msk [tilespmem:v29+s31+$0x0], $0xffff  }
0x1f4: {  	v40 =	vld.idx.msk [tilespmem:v36+s31+$0x0], $0xffff  }
0x1f5: {  	[tilespmem:s23+$0x0] =	vst v2;
	v52 =	vld.idx.msk [tilespmem:v46+s31+$0x0], $0xffff  }
0x1f6: {  	v4 =	vld.idx.msk [tilespmem:v28+s31+$0x0], $0xffff  }
0x1f7: {  	[tilespmem:s23+$0xFFFFFFF0] =	vst v1;
	v5 =	vld.idx.msk [tilespmem:v25+s31+$0x0], $0xffff  }
0x1f8: {  	v37 =	vld.idx.msk [tilespmem:v27+s31+$0x0], $0xffff  }
0x1f9: {  	v6 =	vld [tilespmem:$0x1FF00]  }
0x1fa: {  	v50 =	vld [tilespmem:$0x1FF30]  }
0x1fb: {  	v10 =	vmul.f32 v10, v43;
	v43 =	vld [tilespmem:$0x1FF10]  }
0x1fc: {  	v39 =	vld.idx.msk [tilespmem:v26+s31+$0x0], $0xffff;
	v0 =	vmul.f32 v0, v44  }
0x1fd: {  	v49 =	vld [tilespmem:$0x1FF20];
	v1 =	vmul.f32 v34, v42;
	v55 =	vmul.f32 v40, v21  }
0x1fe: {  	v48 =	vld.idx.msk [tilespmem:v41+s31+$0x0], $0xffff;
	v59 =	vmul.f32 v52, v24;
	v4 =	vmul.f32 v4, v14  }
0x1ff: {  	v18 =	vadd.f32 v35, v18;
	v5 =	vmul.f32 v5, v22;
	v25 =	vmul.f32 v51, v50;
	v51 =	vld.idx.msk [tilespmem:v45+s31+$0x0], $0xffff  }
0x200: {  	v10 =	vadd.f32 v10, v15;
	v12 =	vld.idx.msk [tilespmem:v12+s31+$0x0], $0xffff;
	v6 =	vmul.f32 v9, v6;
	v8 =	vmul.f32 v8, v43  }
0x201: {  	v54 =	vld.idx.msk [tilespmem:v11+s31+$0x0], $0xffff;
	v3 =	vmul.f32 v37, v7;
	v2 =	vmul.f32 v39, v13;
	v0 =	vadd.f32 v1, v0  }
0x202: {  	v20 =	vmul.f32 v47, v49;
	v56 =	vadd.f32 v5, v4;
	v6 =	vadd.f32 v6, v19  }
0x203: {  	v57 =	vmul.f32 v48, v16;
	v53 =	vadd.f32 v8, v18;
	v2 =	vadd.f32 v2, v3  }
0x204: {  	v0 =	vadd.f32 v55, v0;
	v60 =	vadd.f32 v25, v10;
	v58 =	vmul.f32 v51, v23  }
0x205: {  	v61 =	vmul.f32 v12, v32;
	v6 =	vadd.f32 v20, v6;
	[tilespmem:s24+$0xFFFFFFE0] =	vst v53;
	v2 =	vadd.f32 v57, v2  }
0x206: {  	v62 =	vmul.f32 v54, v38;
	v0 =	vadd.f32 v59, v0;
	[tilespmem:s24+$0x0] =	vst v60;
	v1 =	vadd.f32 v58, v56  }
0x207: {  	s20 =	sadd.s32 $0x1, s20;
	[tilespmem:s24+$0xFFFFFFF0] =	vst v6;
	v2 =	vadd.f32 v61, v2  }
0x208: {  	s0 =	smul.u32 $0x160, s21;
	p0 =	sne.s32 s20, $0x8;
	[tilespmem:s25+$0xFFFFFFE0] =	vst v0;
	v63 =	vadd.f32 v62, v1  }
.Ltmp2:
0x209: {  	[tilespmem:s25+$0xFFFFFFF0] =	vst v2;
	(pc) =	sbr.rel @p0 .LBB2_2-.Ltmp2, $4  }
0x20a: {  	s2 =	simm.s32 $0x1C400;
	s1 =	sadd.s32 s12, s0;
	[tilespmem:s25+$0x0] =	vst v63  }
0x20b: {  	[hbm4b:s1+s3] =	stream.linear.scatter [tilespmem:s2], [sflag:$0x4], $0xB00, $0x38;
	[tilespmem:$0x1DA00] =	vst v63  }
0x20c: {  	s0 =	sadd.s32 s13, s0;
	s25 =	simm.s32 $0x1CF00  }
0x20d: {  	[hbm4b:s0+s3] =	stream.linear.scatter [tilespmem:s25], [sflag:$0x4], $0xB00, $0x38;
	[tilespmem:$0x1DA00] =	vst v63  }
0x20e: {  	s0 =	simm.s32 $0x3  }
0x20f: {  	_ =	swait.ge [sflag:s0], $0xB00  }
0x210: {  	[sflag:s0] =	ssyncset.done $0x0  }
0x211: {  	[sflag:s0] =	ssyncadd.s32 $0xFFFFF500  }
0x212: {  	_ =	swait.ge [sflag:s0], $0xB00  }
0x213: {  	[sflag:s0] =	ssyncset.done $0x0  }
0x214: {  	[sflag:s0] =	ssyncadd.s32 $0xFFFFF500  }
0x215: {  	_ =	swait.ge [sflag:s18], $0xB00  }
0x216: {  	[sflag:s18] =	ssyncset.done $0x0  }
0x217: {  	[sflag:s18] =	ssyncadd.s32 $0xFFFFF500  }
0x218: {  	_ =	swait.ge [sflag:s18], $0xB00  }
0x219: {  	s1 =	rddreg [dreg:$0xd]  }
0x21a: {  	s25 =	rddreg [dreg:$0xc];
	s1 =	sadd.s32 $0x1, s1  }
0x21b: {  	p0 =	sne.s32 s1, s25  }
.Ltmp3:
0x21c: {  	_ = 	snop;
	(pc) =	sbr.rel @p0 .LBB2_1-.Ltmp3, $3  }
0x21d: {  	_ =	sdelay $0x1  }
0x21e: {  	[sflag:s18] =	ssyncset.done $0x0  }
0x21f: {  	[sflag:s18] =	ssyncadd.s32 $0xFFFFF500  }
0x220: {  	_ =	sfence.sel $0x180000  }
0x221: {  	[bflag:$0x0] =	sbarrier.arrive $0xFFFF  }
0x222: {  	_ =	strace $0x90000047  }
0x223: {  	s0 =	stileid.u32;
	[bflag:$0x2] =	sbarrier.arrive $0xFFFF  }
0x224: {  	p0 =	sne.s32 s0, $0x0;
	s0 =	rddreg [dreg:$0x3]  }
0x225: {  	s0 =	sadd.s32 @!p0 $0x100000, s0  }
0x226: {  	[sflag:s0] =	ssyncadd.tile.s32 @!p0 $0x1;
	_ =	shalt  }
.Lfunc_end2:
_tile_overlayer_lowered:
.L_overlay_start_2:
0x227: {  	(tag) =	ssettag $0x2  }
0x228: {  	s0 =	rddreg [dreg:$0x0];
	s2 =	stileid.u32  }
0x229: {  	s1 =	rddreg [dreg:$0x1];
	p0 =	sne.s32 s2, $0x0  }
0x22a: {  	s3 =	rddreg [dreg:$0x2];
	[bflag:$0x3] =	sbarrier.arrive $0xFFFF;
	s2 =	simm.s32 @!p0 $0x1C05  }
0x22b: {  	[timem:s3], [sflag:s2] =	dma.local @!p0 [hbm:s0], s1  }
0x22c: {  	s0 =	simm.s32 @!p0 $0x5  }
0x22d: {  	_ =	swait.ge @!p0 [sflag:s0], s1  }
0x22e: {  	s1 =	ssub.s32 @!p0 $0x0, s1;
	[sflag:s0] =	ssyncset.done @!p0 $0x0  }
0x22f: {  	[sflag:s0] =	ssyncadd.s32 @!p0 s1  }
0x230: {  	[bflag:$0x3] =	sbarrier.arrive $0xFFFF  }
0x231: {  	_ =	shalt  }

</sc_bundles>
